<compile_context>
chip_gen: v7x
topology: tpu7x:2x2x1
jax: 0.10.2.dev20260603
libtpu: 0.0.44.dev20260713+nightly
codegen_flags: <defaults>
</compile_context>

<pallas_src>
import dataclasses
import functools

import jax
import jax.numpy as jnp
from jax.experimental import pallas as pl
from jax.experimental.pallas import tpu as pltpu
from jax.experimental.pallas import tpu_sc as plsc

EPS = 1e-5
TB = 512


def _sc_compiler_params():
    cp = pltpu.CompilerParams(use_tc_tiling_on_sc=True)
    if "needs_layout_passes" in pltpu.CompilerParams.__dataclass_fields__:
        cp = dataclasses.replace(cp, needs_layout_passes=False)
    return cp


def _sc_repack(embT, tail_slabs):
    F, D, V = embT.shape
    C = 1920
    mesh = plsc.VectorSubcoreMesh(core_axis_name="core", subcore_axis_name="subcore")
    info = plsc.get_sparse_core_info()
    NW = info.num_cores * info.num_subcores
    L = info.num_lanes

    NBIG = V // C
    VT = NBIG * C
    C2 = ((V - VT) // 128) * 128
    VT2 = VT + C2
    TROWS = (V - VT2) * D // 128

    CR = C * D // 128
    NU = F * NBIG
    KMAX = ((NU + NW - 1) // NW + 1) // 2 * 2

    @functools.partial(
        pl.kernel,
        out_type=jax.ShapeDtypeStruct((F, V // 8, 8 * D), jnp.float32),
        mesh=mesh,
        scratch_types=[
            pltpu.VMEM((D, C), jnp.float32),
            pltpu.VMEM((D, C), jnp.float32),
            pltpu.VMEM((CR, 128), jnp.float32),
            pltpu.VMEM((CR, 128), jnp.float32),
            pltpu.SemaphoreType.DMA,
            pltpu.SemaphoreType.DMA,
            pltpu.SemaphoreType.DMA,
            pltpu.SemaphoreType.DMA,
        ],
        compiler_params=_sc_compiler_params(),
    )
    def k(embT_hbm, tail_hbm, out_hbm, buf0_v, buf1_v, tbuf0_v, tbuf1_v,
          rs0, rs1, ws0, ws1):
        wid = (jax.lax.axis_index("subcore") * info.num_cores
               + jax.lax.axis_index("core"))
        bufs, tbufs = (buf0_v, buf1_v), (tbuf0_v, tbuf1_v)
        rsems, wsems = (rs0, rs1), (ws0, ws1)

        def unit_src(u):
            f = u // NBIG
            v0 = pl.multiple_of((u % NBIG) * C, C)
            return embT_hbm.at[f, :, pl.ds(v0, C)]

        def unit_dst(u):
            f = u // NBIG
            r0 = pl.multiple_of((u % NBIG) * CR, CR)
            return out_hbm.at[f, pl.ds(r0, CR)]

        def transpose_rows(nv, src, dst):
            @pl.loop(0, nv, step=L)
            def _(v):
                vv = jax.lax.iota(jnp.int32, L) + v
                rowv = jax.lax.shift_right_logical(vv, 3)
                colb = (vv & 7) * D
                for d in range(D):
                    vals = src[d, pl.ds(v, L)]
                    plsc.store_scatter(dst, [rowv, colb + d], vals)

        for b in (0, 1):
            u = wid + b * NW

            @pl.when(u < NU)
            def _(u=u, b=b):
                pltpu.async_copy(unit_src(u), bufs[b], rsems[b])

        @pl.loop(0, KMAX, step=2)
        def _(kk):
            for b in (0, 1):
                j = kk + b
                u = wid + j * NW

                @pl.when(u < NU)
                def _(j=j, u=u, b=b):
                    pltpu.make_async_copy(unit_src(u), bufs[b], rsems[b]).wait()

                    @pl.when(j >= 2)
                    def _():
                        pltpu.make_async_copy(tbufs[b], unit_dst(u - 2 * NW),
                                              wsems[b]).wait()

                    transpose_rows(C, bufs[b], tbufs[b])
                    pltpu.async_copy(tbufs[b], unit_dst(u), wsems[b])

                    @pl.when(u + 2 * NW < NU)
                    def _():
                        pltpu.async_copy(unit_src(u + 2 * NW), bufs[b], rsems[b])

        jmax = (NU - 1 - wid) // NW
        for b in (0, 1):
            jb = jmax - ((jmax - b) % 2)

            @pl.when(jb >= 0)
            def _(jb=jb, b=b):
                pltpu.make_async_copy(tbufs[b], unit_dst(wid + jb * NW),
                                      wsems[b]).wait()

        if C2 > 0:
            @pl.loop(wid, F, step=NW)
            def _(f):
                pltpu.sync_copy(embT_hbm.at[f, :, pl.ds(VT, C2)],
                                buf0_v.at[:, pl.ds(0, C2)])
                transpose_rows(C2, buf0_v, tbuf0_v)
                pltpu.sync_copy(tbuf0_v.at[pl.ds(0, C2 * D // 128)],
                                out_hbm.at[f, pl.ds(VT * D // 128, C2 * D // 128)])

        if V > VT2:
            @pl.loop(wid, F, step=NW)
            def _(f):
                pltpu.sync_copy(tail_hbm.at[f],
                                out_hbm.at[f, pl.ds(VT2 * D // 128, TROWS)])

    return k(embT, tail_slabs)


def _sc_gather(emb8, fm_flat, xcT, D):
    F, nslab, slab_w = emb8.shape
    per_slab = slab_w // D
    V = nslab * per_slab
    B = xcT.shape[1]
    mesh = plsc.VectorSubcoreMesh(core_axis_name="core", subcore_axis_name="subcore")
    info = plsc.get_sparse_core_info()
    NW = info.num_cores * info.num_subcores
    S = B // NW
    L = info.num_lanes

    NH = 2
    SH = S // NH
    NUG = F * NH

    @functools.partial(
        pl.kernel,
        out_type=[
            jax.ShapeDtypeStruct((F, D, B), jnp.float32),
            jax.ShapeDtypeStruct((B,), jnp.float32),
        ],
        mesh=mesh,
        scratch_types=[
            pltpu.VMEM((SH,), jnp.int32),
            pltpu.VMEM((SH,), jnp.int32),
            pltpu.VMEM((SH,), jnp.int32),
            pltpu.VMEM((SH,), jnp.int32),
            pltpu.VMEM((SH, slab_w), jnp.float32),
            pltpu.VMEM((SH, slab_w), jnp.float32),
            pltpu.VMEM((D, SH), jnp.float32),
            pltpu.VMEM((D, SH), jnp.float32),
            pltpu.VMEM((SH,), jnp.float32),
            pltpu.VMEM((SH,), jnp.float32),
            pltpu.VMEM((S,), jnp.float32),
            pltpu.SemaphoreType.DMA,
            pltpu.SemaphoreType.DMA,
            pltpu.SemaphoreType.DMA,
            pltpu.SemaphoreType.DMA,
            pltpu.SemaphoreType.DMA,
            pltpu.SemaphoreType.DMA,
        ],
        compiler_params=_sc_compiler_params(),
    )
    def k(emb_hbm, fm_hbm, xc_hbm, oemb_hbm, ofm_hbm,
          idx0, idx1, sidx0, sidx1, slab0, slab1, rt0, rt1, fmv0, fmv1,
          fmacc_v, rs0, rs1, ws0, ws1, fs0, fs1):
        wid = (jax.lax.axis_index("subcore") * info.num_cores
               + jax.lax.axis_index("core"))
        base = wid * S
        idxs, sidxs = (idx0, idx1), (sidx0, sidx1)
        slabs, rts, fmvs = (slab0, slab1), (rt0, rt1), (fmv0, fmv1)
        rsems, wsems, fsems = (rs0, rs1), (ws0, ws1), (fs0, fs1)

        @pl.loop(0, S, step=L)
        def _(j):
            fmacc_v[pl.ds(j, L)] = jnp.zeros((L,), jnp.float32)

        def stage_a(u, b):
            f = u // NH
            ub = base + (u % NH) * SH
            pltpu.sync_copy(xc_hbm.at[f, pl.ds(ub, SH)], idxs[b])

            @pl.loop(0, SH, step=L)
            def _(j):
                sidxs[b][pl.ds(j, L)] = jax.lax.shift_right_logical(
                    idxs[b][pl.ds(j, L)], 3)

            pltpu.async_copy(emb_hbm.at[f].at[sidxs[b]], slabs[b], rsems[b])

        def out_dst(u):
            f = u // NH
            ub = base + (u % NH) * SH
            return oemb_hbm.at[f, :, pl.ds(ub, SH)]

        for b in (0, 1):
            stage_a(b, b)

        @pl.loop(0, NUG, step=2)
        def _(kk):
            for b in (0, 1):
                u = kk + b
                f = u // NH
                pltpu.make_async_copy(emb_hbm.at[f].at[sidxs[b]], slabs[b],
                                      rsems[b]).wait()

                @pl.when(u >= 2)
                def _(u=u, b=b):
                    pltpu.make_async_copy(rts[b], out_dst(u - 2), wsems[b]).wait()

                off = f * V

                @pl.loop(0, SH, step=L)
                def _(j):
                    sidxs[b][pl.ds(j, L)] = idxs[b][pl.ds(j, L)] + off

                pltpu.async_copy(fm_hbm.at[sidxs[b]], fmvs[b], fsems[b])

                @pl.loop(0, SH, step=L)
                def _(i):
                    lanes = jax.lax.iota(jnp.int32, L)
                    rows = lanes + i
                    colb = (idxs[b][pl.ds(i, L)] & (per_slab - 1)) * D
                    for d in range(D):
                        vals = plsc.load_gather(slabs[b], [rows, colb + d])
                        rts[b][d, pl.ds(i, L)] = vals

                pltpu.async_copy(rts[b], out_dst(u), wsems[b])

                pltpu.make_async_copy(fm_hbm.at[sidxs[b]], fmvs[b],
                                      fsems[b]).wait()
                ab = (u % NH) * SH

                @pl.loop(0, SH, step=L)
                def _(j):
                    fmacc_v[pl.ds(ab + j, L)] = (fmacc_v[pl.ds(ab + j, L)]
                                                 + fmvs[b][pl.ds(j, L)])

                @pl.when(u + 2 < NUG)
                def _(u=u, b=b):
                    stage_a(u + 2, b)

        for b in (0, 1):
            pltpu.make_async_copy(rts[b], out_dst(NUG - 2 + b), wsems[b]).wait()

        pltpu.sync_copy(fmacc_v, ofm_hbm.at[pl.ds(base, S)])

    return k(emb8, fm_flat, xcT)


def _tc1_body(emb_ref, xn_ref, fm1_ref, w1a_ref, w1b_ref, b1_ref, b3_ref,
              h1_ref, fmsum_ref, s_ref, ss_ref, *, nf):
    h = jax.lax.dot(w1b_ref[...], xn_ref[...],
                    precision=jax.lax.Precision.HIGHEST)
    h = h + b1_ref[...]
    s16 = None
    sq = None
    for f in range(nf):
        e = emb_ref[f]
        s16 = e if s16 is None else s16 + e
        esq = jnp.sum(e * e, axis=0)
        sq = esq if sq is None else sq + esq
        d = e.shape[0]
        h = h + jnp.dot(w1a_ref[:, pl.ds(f * d, d)], e.astype(jnp.bfloat16),
                        preferred_element_type=jnp.float32)
    fm2 = 0.5 * (jnp.sum(s16 * s16, axis=0) - sq)
    fmsum_ref[...] = (fm1_ref[0, :] + fm2 + b3_ref[0, 0])[None, :]
    h1_ref[...] = h

    @pl.when(pl.program_id(0) == 0)
    def _():
        s_ref[...] = jnp.zeros_like(s_ref)
        ss_ref[...] = jnp.zeros_like(ss_ref)

    s_ref[...] += jnp.sum(h, axis=1, keepdims=True)
    ss_ref[...] += jnp.sum(h * h, axis=1, keepdims=True)


def _tc2_body(h1_ref, s_ref, ss_ref, g1_ref, be1_ref, w2_ref, b2_ref,
              h2_ref, s2_ref, ss2_ref, *, batch):
    mean = s_ref[...] * (1.0 / batch)
    var = ss_ref[...] * (1.0 / batch) - mean * mean
    inv = g1_ref[...] / jnp.sqrt(var + EPS)
    a = jnp.maximum(h1_ref[...] * inv + (be1_ref[...] - mean * inv), 0.0)
    h = jnp.dot(w2_ref[...], a.astype(jnp.bfloat16),
                preferred_element_type=jnp.float32)
    h = h + b2_ref[...]
    h2_ref[...] = h

    @pl.when(pl.program_id(0) == 0)
    def _():
        s2_ref[...] = jnp.zeros_like(s2_ref)
        ss2_ref[...] = jnp.zeros_like(ss2_ref)

    s2_ref[...] += jnp.sum(h, axis=1, keepdims=True)
    ss2_ref[...] += jnp.sum(h * h, axis=1, keepdims=True)


def _tc3_body(h2_ref, s2_ref, ss2_ref, g2_ref, be2_ref, w3_ref, fmsum_ref,
              out_ref, *, batch):
    mean = s2_ref[...] * (1.0 / batch)
    var = ss2_ref[...] * (1.0 / batch) - mean * mean
    inv = g2_ref[...] / jnp.sqrt(var + EPS)
    a = jnp.maximum(h2_ref[...] * inv + (be2_ref[...] - mean * inv), 0.0)
    dnn = jnp.sum(a * w3_ref[...], axis=0)
    logit = dnn + fmsum_ref[0, :]
    out_ref[...] = jax.nn.sigmoid(logit)[None, :]


def kernel(x_cat, x_num, emb_tables, fm_table, offsets,
           W1, b1, g1, be1, W2, b2, g2, be2, W3, b3):
    B, F = x_cat.shape
    _, V, D = emb_tables.shape
    NUM = x_num.shape[1]
    H = W1.shape[1]
    NB = B // TB

    xcT = jnp.transpose(x_cat).astype(jnp.int32)
    embT = jnp.transpose(emb_tables, (0, 2, 1))

    cutoff = (V // 128) * 128
    tail_slabs = jnp.transpose(embT[:, :, cutoff:], (0, 2, 1)).reshape(
        F, (V - cutoff) * D // (8 * D), 8 * D)
    emb8 = _sc_repack(embT, tail_slabs)
    emb3, fm_first = _sc_gather(emb8, fm_table.reshape(F * V), xcT, D)
    fm1r = fm_first.reshape(1, B)

    xnT = jnp.transpose(x_num)
    w1aT = jnp.transpose(W1[:F * D]).astype(jnp.bfloat16)
    w1bT = jnp.transpose(W1[F * D:])
    w2T = jnp.transpose(W2).astype(jnp.bfloat16)
    b1c = b1.reshape(H, 1)
    b2c = b2.reshape(H, 1)
    g1c = g1.reshape(H, 1)
    be1c = be1.reshape(H, 1)
    g2c = g2.reshape(H, 1)
    be2c = be2.reshape(H, 1)
    w3c = W3.reshape(H, 1)
    b3r = b3.reshape(1, 1)

    const = lambda shape: pl.BlockSpec(shape, lambda i: (0, 0))
    col = lambda shape: pl.BlockSpec(shape, lambda i: (0, i))

    f32 = jnp.float32
    h1, fmsum, s1, ss1 = pl.pallas_call(
        functools.partial(_tc1_body, nf=F),
        grid=(NB,),
        in_specs=[
            pl.BlockSpec((F, D, TB), lambda i: (0, 0, i)),
            col((NUM, TB)), col((1, TB)),
            const((H, F * D)), const((H, NUM)),
            const((H, 1)), const((1, 1)),
        ],
        out_specs=[col((H, TB)), col((1, TB)), const((H, 1)), const((H, 1))],
        out_shape=[
            jax.ShapeDtypeStruct((H, B), f32),
            jax.ShapeDtypeStruct((1, B), f32),
            jax.ShapeDtypeStruct((H, 1), f32),
            jax.ShapeDtypeStruct((H, 1), f32),
        ],
    )(emb3, xnT, fm1r, w1aT, w1bT, b1c, b3r)

    h2, s2, ss2 = pl.pallas_call(
        functools.partial(_tc2_body, batch=B),
        grid=(NB,),
        in_specs=[
            col((H, TB)), const((H, 1)), const((H, 1)),
            const((H, 1)), const((H, 1)), const((H, H)), const((H, 1)),
        ],
        out_specs=[col((H, TB)), const((H, 1)), const((H, 1))],
        out_shape=[
            jax.ShapeDtypeStruct((H, B), f32),
            jax.ShapeDtypeStruct((H, 1), f32),
            jax.ShapeDtypeStruct((H, 1), f32),
        ],
    )(h1, s1, ss1, g1c, be1c, w2T, b2c)

    out2d = pl.pallas_call(
        functools.partial(_tc3_body, batch=B),
        grid=(NB,),
        in_specs=[
            col((H, TB)), const((H, 1)), const((H, 1)),
            const((H, 1)), const((H, 1)), const((H, 1)), col((1, TB)),
        ],
        out_specs=col((1, TB)),
        out_shape=jax.ShapeDtypeStruct((1, B), f32),
    )(h2, s2, ss2, g2c, be2c, w3c, fmsum)

    return out2d.reshape(B)

# --- scband reference (transcript-rebuilt; emitter-appended) ---
"""Pipeline reference for scband-deep-fm-17076789969230 (READ-ONLY COPY).

The authoritative reference and input builder live on the scoring server;
editing this copy changes nothing except your own understanding.
"""

import jax, jax.numpy as jnp
import numpy as np

F = 26
V = 100000
D = 16
B = 16384
NUM = 13
H = 400
EPS = 1e-5


def _batchnorm(x, g, b):
    mean = jnp.mean(x, axis=0)
    var = jnp.var(x, axis=0)
    return g * (x - mean) / jnp.sqrt(var + EPS) + b


def setup_inputs(seed: int = 0) -> dict:
    key = jax.random.key(seed)
    ks = jax.random.split(key, 16)
    x_cat = jax.random.randint(ks[0], (B, F), 0, V)
    x_num = jax.random.normal(ks[1], (B, NUM), dtype=jnp.float32)
    emb_tables = jax.random.normal(ks[2], (F, V, D), dtype=jnp.float32)
    fm_table = jax.random.normal(ks[3], (F * V, 1), dtype=jnp.float32)
    offsets = jnp.arange(F, dtype=jnp.int32) * V
    dnn_in_dim = F * D + NUM
    W1 = jax.random.normal(ks[4], (dnn_in_dim, H), dtype=jnp.float32) * 0.05
    b1 = jnp.zeros((H,), dtype=jnp.float32)
    g1 = jnp.ones((H,), dtype=jnp.float32)
    be1 = jnp.zeros((H,), dtype=jnp.float32)
    W2 = jax.random.normal(ks[5], (H, H), dtype=jnp.float32) * 0.05
    b2 = jnp.zeros((H,), dtype=jnp.float32)
    g2 = jnp.ones((H,), dtype=jnp.float32)
    be2 = jnp.zeros((H,), dtype=jnp.float32)
    W3 = jax.random.normal(ks[6], (H, 1), dtype=jnp.float32) * 0.05
    b3 = jnp.zeros((1,), dtype=jnp.float32)
    return {"x_cat": x_cat, "x_num": x_num, "emb_tables": emb_tables,
            "fm_table": fm_table, "offsets": offsets,
            "W1": W1, "b1": b1, "g1": g1, "be1": be1,
            "W2": W2, "b2": b2, "g2": g2, "be2": be2,
            "W3": W3, "b3": b3}


def reference(x_cat, x_num, emb_tables, fm_table, offsets,
              W1, b1, g1, be1, W2, b2, g2, be2, W3, b3):
    field_idx = jnp.arange(F)[None, :]
    # per-field embedding gather: [B, F, D]
    embedded = emb_tables[field_idx, x_cat]
    # FM first order: gather from flat table with offsets, sum over fields -> [B, 1]
    fm_first = jnp.take(fm_table, x_cat + offsets[None, :], axis=0).sum(axis=1)
    # FM second order
    s = jnp.sum(embedded, axis=1)
    sum_of_square = s * s
    square_of_sum = jnp.sum(embedded * embedded, axis=1)
    fm_second = 0.5 * jnp.sum(sum_of_square - square_of_sum, axis=1, keepdims=True)
    # DNN (BatchNorm uses batch stats; dropout p=0.0 is identity)
    dnn_in = jnp.concatenate([embedded.reshape(x_cat.shape[0], -1), x_num], axis=1)
    h = dnn_in @ W1 + b1
    h = jax.nn.relu(_batchnorm(h, g1, be1))
    h = h @ W2 + b2
    h = jax.nn.relu(_batchnorm(h, g2, be2))
    dnn_out = h @ W3 + b3
    logit = jnp.squeeze(fm_first + fm_second + dnn_out, axis=1)
    return jax.nn.sigmoid(logit)

if __name__ == "__main__":
    import jax
    _d = setup_inputs()
    print(jax.jit(kernel)(*tuple(_d.values())))

</pallas_src>

<mosaic_0001>
#map = affine_map<(d0, d1) -> (0, 0, 0)>
module attributes {stable_mosaic.version = 14 : i64} {
  func.func @k(%arg0: i32, %arg1: i32, %arg2: memref<26x16x100000xf32, #tpu.memory_space<hbm>>, %arg3: memref<26x4x128xf32, #tpu.memory_space<hbm>>, %arg4: memref<26x12500x128xf32, #tpu.memory_space<hbm>>, %arg5: memref<16x1920xf32, #tpu.memory_space<vmem>>, %arg6: memref<16x1920xf32, #tpu.memory_space<vmem>>, %arg7: memref<240x128xf32, #tpu.memory_space<vmem>>, %arg8: memref<240x128xf32, #tpu.memory_space<vmem>>, %arg9: memref<!tpu.dma_semaphore, #tpu.memory_space<semaphore_mem>>, %arg10: memref<!tpu.dma_semaphore, #tpu.memory_space<semaphore_mem>>, %arg11: memref<!tpu.dma_semaphore, #tpu.memory_space<semaphore_mem>>, %arg12: memref<!tpu.dma_semaphore, #tpu.memory_space<semaphore_mem>>) attributes {dimension_semantics = [#tpu.dimension_semantics<core_parallel>, #tpu.dimension_semantics<subcore_parallel>], iteration_bounds = array<i64: 2, 16>, scalar_prefetch = 0 : i64, scratch_operands = 8 : i64, tpu.core_type = #tpu.core_type<sc_vector_subcore>, window_params = [{transform_indices = #map}, {transform_indices = #map}, {transform_indices = #map}]} {
    %mul3A = arith.constant 2 : i32
    %mul3A_0 = arith.muli %arg1, %mul3A : i32
    %add3A = arith.addi %mul3A_0, %arg0 : i32
    %add3A_1 = arith.constant 0 : i32
    %add3A_2 = arith.addi %add3A, %add3A_1 : i32
    %lt3A = arith.constant 1352 : i32
    %lt3A_3 = arith.cmpi slt, %add3A_2, %lt3A : i32
    %convert_element_type3A = arith.extui %lt3A_3 : i1 to i32
    %cond3A = arith.constant 0 : i32
    %cond3A_4 = arith.cmpi ne, %convert_element_type3A, %cond3A : i32
    scf.if %cond3A_4 {
      %jit3A_115 = arith.constant 52 : i32
      %div3A_116 = arith.divsi %add3A_2, %jit3A_115 : i32
      %sign3A_117 = arith.constant 0 : i32
      %sign3A_118 = arith.cmpi sgt, %add3A_2, %sign3A_117 : i32
      %sign3A_119 = arith.extui %sign3A_118 : i1 to i32
      %sign3A_120 = arith.constant 0 : i32
      %sign3A_121 = arith.cmpi slt, %add3A_2, %sign3A_120 : i32
      %sign3A_122 = arith.extui %sign3A_121 : i1 to i32
      %sign3A_123 = arith.subi %sign3A_119, %sign3A_122 : i32
      %sign3A_124 = arith.constant 0 : i32
      %sign3A_125 = arith.cmpi sgt, %jit3A_115, %sign3A_124 : i32
      %sign3A_126 = arith.extui %sign3A_125 : i1 to i32
      %sign3A_127 = arith.constant 0 : i32
      %sign3A_128 = arith.cmpi slt, %jit3A_115, %sign3A_127 : i32
      %sign3A_129 = arith.extui %sign3A_128 : i1 to i32
      %sign3A_130 = arith.subi %sign3A_126, %sign3A_129 : i32
      %ne3A_131 = arith.cmpi ne, %sign3A_123, %sign3A_130 : i32
      %rem3A_132 = arith.remsi %add3A_2, %jit3A_115 : i32
      %ne3A_133 = arith.constant 0 : i32
      %ne3A_134 = arith.cmpi ne, %rem3A_132, %ne3A_133 : i32
      %and3A_135 = arith.andi %ne3A_131, %ne3A_134 : i1
      %sub3A_136 = arith.constant 1 : i32
      %sub3A_137 = arith.subi %div3A_116, %sub3A_136 : i32
      %select_n3A_138 = arith.select %and3A_135, %sub3A_137, %div3A_116 : i32
      %jit3A_139 = arith.constant 52 : i32
      %eq3A_140 = arith.constant 0 : i32
      %eq3A_141 = arith.cmpi eq, %jit3A_139, %eq3A_140 : i32
      %jit3A_142 = arith.constant 1 : i32
      %select_n3A_143 = arith.select %eq3A_141, %jit3A_142, %jit3A_139 : i32
      %rem3A_144 = arith.remsi %add3A_2, %select_n3A_143 : i32
      %ne3A_145 = arith.constant 0 : i32
      %ne3A_146 = arith.cmpi ne, %rem3A_144, %ne3A_145 : i32
      %lt3A_147 = arith.constant 0 : i32
      %lt3A_148 = arith.cmpi slt, %rem3A_144, %lt3A_147 : i32
      %lt3A_149 = arith.constant 0 : i32
      %lt3A_150 = arith.cmpi slt, %select_n3A_143, %lt3A_149 : i32
      %ne3A_151 = arith.xori %lt3A_148, %lt3A_150 : i1
      %and3A_152 = arith.andi %ne3A_151, %ne3A_146 : i1
      %add3A_153 = arith.addi %rem3A_144, %select_n3A_143 : i32
      %select_n3A_154 = arith.select %and3A_152, %add3A_153, %rem3A_144 : i32
      %mul3A_155 = arith.constant 1920 : i32
      %mul3A_156 = arith.muli %select_n3A_154, %mul3A_155 : i32
      %multiple_of3A = tpu.assume_multiple %mul3A_156, 1920 : i32
      %dma_start3A = arith.constant 0 : i32
      %dma_start3A_157 = tpu.memref_slice %arg2[%select_n3A_138, %dma_start3A, %multiple_of3A] : memref<26x16x100000xf32, #tpu.memory_space<hbm>> -> memref<1x16x1920xf32, #tpu.memory_space<hbm>>
      %dma_start3A_158 = tpu.memref_squeeze %dma_start3A_157 : memref<1x16x1920xf32, #tpu.memory_space<hbm>> -> memref<16x1920xf32, #tpu.memory_space<hbm>>
      %dma_start3A_159 = arith.constant 0 : i32
      %dma_start3A_160 = tpu.memref_slice %arg2[%select_n3A_138, %dma_start3A_159, %multiple_of3A] : memref<26x16x100000xf32, #tpu.memory_space<hbm>> -> memref<1x16x1920xf32, #tpu.memory_space<hbm>>
      %dma_start3A_161 = tpu.memref_squeeze %dma_start3A_160 : memref<1x16x1920xf32, #tpu.memory_space<hbm>> -> memref<16x1920xf32, #tpu.memory_space<hbm>>
      tpu.enqueue_dma source(%dma_start3A_161 : memref<16x1920xf32, #tpu.memory_space<hbm>>) target(%arg5 : memref<16x1920xf32, #tpu.memory_space<vmem>>) target_semaphore(%arg9 : memref<!tpu.dma_semaphore, #tpu.memory_space<semaphore_mem>>)
    } else {
    }
    %add3A_5 = arith.constant 32 : i32
    %add3A_6 = arith.addi %add3A, %add3A_5 : i32
    %lt3A_7 = arith.constant 1352 : i32
    %lt3A_8 = arith.cmpi slt, %add3A_6, %lt3A_7 : i32
    %convert_element_type3A_9 = arith.extui %lt3A_8 : i1 to i32
    %cond3A_10 = arith.constant 0 : i32
    %cond3A_11 = arith.cmpi ne, %convert_element_type3A_9, %cond3A_10 : i32
    scf.if %cond3A_11 {
      %jit3A_115 = arith.constant 52 : i32
      %div3A_116 = arith.divsi %add3A_6, %jit3A_115 : i32
      %sign3A_117 = arith.constant 0 : i32
      %sign3A_118 = arith.cmpi sgt, %add3A_6, %sign3A_117 : i32
      %sign3A_119 = arith.extui %sign3A_118 : i1 to i32
      %sign3A_120 = arith.constant 0 : i32
      %sign3A_121 = arith.cmpi slt, %add3A_6, %sign3A_120 : i32
      %sign3A_122 = arith.extui %sign3A_121 : i1 to i32
      %sign3A_123 = arith.subi %sign3A_119, %sign3A_122 : i32
      %sign3A_124 = arith.constant 0 : i32
      %sign3A_125 = arith.cmpi sgt, %jit3A_115, %sign3A_124 : i32
      %sign3A_126 = arith.extui %sign3A_125 : i1 to i32
      %sign3A_127 = arith.constant 0 : i32
      %sign3A_128 = arith.cmpi slt, %jit3A_115, %sign3A_127 : i32
      %sign3A_129 = arith.extui %sign3A_128 : i1 to i32
      %sign3A_130 = arith.subi %sign3A_126, %sign3A_129 : i32
      %ne3A_131 = arith.cmpi ne, %sign3A_123, %sign3A_130 : i32
      %rem3A_132 = arith.remsi %add3A_6, %jit3A_115 : i32
      %ne3A_133 = arith.constant 0 : i32
      %ne3A_134 = arith.cmpi ne, %rem3A_132, %ne3A_133 : i32
      %and3A_135 = arith.andi %ne3A_131, %ne3A_134 : i1
      %sub3A_136 = arith.constant 1 : i32
      %sub3A_137 = arith.subi %div3A_116, %sub3A_136 : i32
      %select_n3A_138 = arith.select %and3A_135, %sub3A_137, %div3A_116 : i32
      %jit3A_139 = arith.constant 52 : i32
      %eq3A_140 = arith.constant 0 : i32
      %eq3A_141 = arith.cmpi eq, %jit3A_139, %eq3A_140 : i32
      %jit3A_142 = arith.constant 1 : i32
      %select_n3A_143 = arith.select %eq3A_141, %jit3A_142, %jit3A_139 : i32
      %rem3A_144 = arith.remsi %add3A_6, %select_n3A_143 : i32
      %ne3A_145 = arith.constant 0 : i32
      %ne3A_146 = arith.cmpi ne, %rem3A_144, %ne3A_145 : i32
      %lt3A_147 = arith.constant 0 : i32
      %lt3A_148 = arith.cmpi slt, %rem3A_144, %lt3A_147 : i32
      %lt3A_149 = arith.constant 0 : i32
      %lt3A_150 = arith.cmpi slt, %select_n3A_143, %lt3A_149 : i32
      %ne3A_151 = arith.xori %lt3A_148, %lt3A_150 : i1
      %and3A_152 = arith.andi %ne3A_151, %ne3A_146 : i1
      %add3A_153 = arith.addi %rem3A_144, %select_n3A_143 : i32
      %select_n3A_154 = arith.select %and3A_152, %add3A_153, %rem3A_144 : i32
      %mul3A_155 = arith.constant 1920 : i32
      %mul3A_156 = arith.muli %select_n3A_154, %mul3A_155 : i32
      %multiple_of3A = tpu.assume_multiple %mul3A_156, 1920 : i32
      %dma_start3A = arith.constant 0 : i32
      %dma_start3A_157 = tpu.memref_slice %arg2[%select_n3A_138, %dma_start3A, %multiple_of3A] : memref<26x16x100000xf32, #tpu.memory_space<hbm>> -> memref<1x16x1920xf32, #tpu.memory_space<hbm>>
      %dma_start3A_158 = tpu.memref_squeeze %dma_start3A_157 : memref<1x16x1920xf32, #tpu.memory_space<hbm>> -> memref<16x1920xf32, #tpu.memory_space<hbm>>
      %dma_start3A_159 = arith.constant 0 : i32
      %dma_start3A_160 = tpu.memref_slice %arg2[%select_n3A_138, %dma_start3A_159, %multiple_of3A] : memref<26x16x100000xf32, #tpu.memory_space<hbm>> -> memref<1x16x1920xf32, #tpu.memory_space<hbm>>
      %dma_start3A_161 = tpu.memref_squeeze %dma_start3A_160 : memref<1x16x1920xf32, #tpu.memory_space<hbm>> -> memref<16x1920xf32, #tpu.memory_space<hbm>>
      tpu.enqueue_dma source(%dma_start3A_161 : memref<16x1920xf32, #tpu.memory_space<hbm>>) target(%arg6 : memref<16x1920xf32, #tpu.memory_space<vmem>>) target_semaphore(%arg10 : memref<!tpu.dma_semaphore, #tpu.memory_space<semaphore_mem>>)
    } else {
    }
    %scan3A = arith.constant 0 : i32
    %scan3A_12 = arith.constant 22 : i32
    %scan3A_13 = arith.addi %scan3A, %scan3A_12 : i32
    %scan3A_14 = arith.constant 1 : i32
    scf.for %scan3A_115 = %scan3A to %scan3A_13 step %scan3A_14  : i32 {
      %mul3A_116 = arith.constant 2 : i32
      %mul3A_117 = arith.muli %scan3A_115, %mul3A_116 : i32
      %add3A_118 = arith.constant 0 : i32
      %add3A_119 = arith.addi %add3A_118, %mul3A_117 : i32
      %add3A_120 = arith.constant 0 : i32
      %add3A_121 = arith.addi %add3A_119, %add3A_120 : i32
      %mul3A_122 = arith.constant 32 : i32
      %mul3A_123 = arith.muli %add3A_121, %mul3A_122 : i32
      %add3A_124 = arith.addi %add3A, %mul3A_123 : i32
      %lt3A_125 = arith.constant 1352 : i32
      %lt3A_126 = arith.cmpi slt, %add3A_124, %lt3A_125 : i32
      %convert_element_type3A_127 = arith.extui %lt3A_126 : i1 to i32
      %cond3A_128 = arith.constant 0 : i32
      %cond3A_129 = arith.cmpi ne, %convert_element_type3A_127, %cond3A_128 : i32
      scf.if %cond3A_129 {
        %jit3A_140 = arith.constant 52 : i32
        %div3A_141 = arith.divsi %add3A_124, %jit3A_140 : i32
        %sign3A_142 = arith.constant 0 : i32
        %sign3A_143 = arith.cmpi sgt, %add3A_124, %sign3A_142 : i32
        %sign3A_144 = arith.extui %sign3A_143 : i1 to i32
        %sign3A_145 = arith.constant 0 : i32
        %sign3A_146 = arith.cmpi slt, %add3A_124, %sign3A_145 : i32
        %sign3A_147 = arith.extui %sign3A_146 : i1 to i32
        %sign3A_148 = arith.subi %sign3A_144, %sign3A_147 : i32
        %sign3A_149 = arith.constant 0 : i32
        %sign3A_150 = arith.cmpi sgt, %jit3A_140, %sign3A_149 : i32
        %sign3A_151 = arith.extui %sign3A_150 : i1 to i32
        %sign3A_152 = arith.constant 0 : i32
        %sign3A_153 = arith.cmpi slt, %jit3A_140, %sign3A_152 : i32
        %sign3A_154 = arith.extui %sign3A_153 : i1 to i32
        %sign3A_155 = arith.subi %sign3A_151, %sign3A_154 : i32
        %ne3A_156 = arith.cmpi ne, %sign3A_148, %sign3A_155 : i32
        %rem3A_157 = arith.remsi %add3A_124, %jit3A_140 : i32
        %ne3A_158 = arith.constant 0 : i32
        %ne3A_159 = arith.cmpi ne, %rem3A_157, %ne3A_158 : i32
        %and3A_160 = arith.andi %ne3A_156, %ne3A_159 : i1
        %sub3A_161 = arith.constant 1 : i32
        %sub3A_162 = arith.subi %div3A_141, %sub3A_161 : i32
        %select_n3A_163 = arith.select %and3A_160, %sub3A_162, %div3A_141 : i32
        %jit3A_164 = arith.constant 52 : i32
        %eq3A_165 = arith.constant 0 : i32
        %eq3A_166 = arith.cmpi eq, %jit3A_164, %eq3A_165 : i32
        %jit3A_167 = arith.constant 1 : i32
        %select_n3A_168 = arith.select %eq3A_166, %jit3A_167, %jit3A_164 : i32
        %rem3A_169 = arith.remsi %add3A_124, %select_n3A_168 : i32
        %ne3A_170 = arith.constant 0 : i32
        %ne3A_171 = arith.cmpi ne, %rem3A_169, %ne3A_170 : i32
        %lt3A_172 = arith.constant 0 : i32
        %lt3A_173 = arith.cmpi slt, %rem3A_169, %lt3A_172 : i32
        %lt3A_174 = arith.constant 0 : i32
        %lt3A_175 = arith.cmpi slt, %select_n3A_168, %lt3A_174 : i32
        %ne3A_176 = arith.xori %lt3A_173, %lt3A_175 : i1
        %and3A_177 = arith.andi %ne3A_176, %ne3A_171 : i1
        %add3A_178 = arith.addi %rem3A_169, %select_n3A_168 : i32
        %select_n3A_179 = arith.select %and3A_177, %add3A_178, %rem3A_169 : i32
        %mul3A_180 = arith.constant 1920 : i32
        %mul3A_181 = arith.muli %select_n3A_179, %mul3A_180 : i32
        %multiple_of3A = tpu.assume_multiple %mul3A_181, 1920 : i32
        %dma_wait3A = arith.constant 0 : i32
        %dma_wait3A_182 = tpu.memref_slice %arg2[%select_n3A_163, %dma_wait3A, %multiple_of3A] : memref<26x16x100000xf32, #tpu.memory_space<hbm>> -> memref<1x16x1920xf32, #tpu.memory_space<hbm>>
        %dma_wait3A_183 = tpu.memref_squeeze %dma_wait3A_182 : memref<1x16x1920xf32, #tpu.memory_space<hbm>> -> memref<16x1920xf32, #tpu.memory_space<hbm>>
        %dma_wait3A_184 = arith.constant 0 : i32
        %dma_wait3A_185 = tpu.memref_slice %arg2[%select_n3A_163, %dma_wait3A_184, %multiple_of3A] : memref<26x16x100000xf32, #tpu.memory_space<hbm>> -> memref<1x16x1920xf32, #tpu.memory_space<hbm>>
        %dma_wait3A_186 = tpu.memref_squeeze %dma_wait3A_185 : memref<1x16x1920xf32, #tpu.memory_space<hbm>> -> memref<16x1920xf32, #tpu.memory_space<hbm>>
        tpu.wait_dma2 semaphore(%arg9 : memref<!tpu.dma_semaphore, #tpu.memory_space<semaphore_mem>>) src(%dma_wait3A_186 : memref<16x1920xf32, #tpu.memory_space<hbm>>) dst(%arg5 : memref<16x1920xf32, #tpu.memory_space<vmem>>)
        %ge3A_187 = arith.constant 2 : i32
        %ge3A_188 = arith.cmpi sge, %add3A_121, %ge3A_187 : i32
        %convert_element_type3A_189 = arith.extui %ge3A_188 : i1 to i32
        %cond3A_190 = arith.constant 0 : i32
        %cond3A_191 = arith.cmpi ne, %convert_element_type3A_189, %cond3A_190 : i32
        scf.if %cond3A_191 {
          %sub3A_252 = arith.constant 64 : i32
          %sub3A_253 = arith.subi %add3A_124, %sub3A_252 : i32
          %jit3A_254 = arith.constant 52 : i32
          %div3A_255 = arith.divsi %sub3A_253, %jit3A_254 : i32
          %sign3A_256 = arith.constant 0 : i32
          %sign3A_257 = arith.cmpi sgt, %sub3A_253, %sign3A_256 : i32
          %sign3A_258 = arith.extui %sign3A_257 : i1 to i32
          %sign3A_259 = arith.constant 0 : i32
          %sign3A_260 = arith.cmpi slt, %sub3A_253, %sign3A_259 : i32
          %sign3A_261 = arith.extui %sign3A_260 : i1 to i32
          %sign3A_262 = arith.subi %sign3A_258, %sign3A_261 : i32
          %sign3A_263 = arith.constant 0 : i32
          %sign3A_264 = arith.cmpi sgt, %jit3A_254, %sign3A_263 : i32
          %sign3A_265 = arith.extui %sign3A_264 : i1 to i32
          %sign3A_266 = arith.constant 0 : i32
          %sign3A_267 = arith.cmpi slt, %jit3A_254, %sign3A_266 : i32
          %sign3A_268 = arith.extui %sign3A_267 : i1 to i32
          %sign3A_269 = arith.subi %sign3A_265, %sign3A_268 : i32
          %ne3A_270 = arith.cmpi ne, %sign3A_262, %sign3A_269 : i32
          %rem3A_271 = arith.remsi %sub3A_253, %jit3A_254 : i32
          %ne3A_272 = arith.constant 0 : i32
          %ne3A_273 = arith.cmpi ne, %rem3A_271, %ne3A_272 : i32
          %and3A_274 = arith.andi %ne3A_270, %ne3A_273 : i1
          %sub3A_275 = arith.constant 1 : i32
          %sub3A_276 = arith.subi %div3A_255, %sub3A_275 : i32
          %select_n3A_277 = arith.select %and3A_274, %sub3A_276, %div3A_255 : i32
          %jit3A_278 = arith.constant 52 : i32
          %eq3A_279 = arith.constant 0 : i32
          %eq3A_280 = arith.cmpi eq, %jit3A_278, %eq3A_279 : i32
          %jit3A_281 = arith.constant 1 : i32
          %select_n3A_282 = arith.select %eq3A_280, %jit3A_281, %jit3A_278 : i32
          %rem3A_283 = arith.remsi %sub3A_253, %select_n3A_282 : i32
          %ne3A_284 = arith.constant 0 : i32
          %ne3A_285 = arith.cmpi ne, %rem3A_283, %ne3A_284 : i32
          %lt3A_286 = arith.constant 0 : i32
          %lt3A_287 = arith.cmpi slt, %rem3A_283, %lt3A_286 : i32
          %lt3A_288 = arith.constant 0 : i32
          %lt3A_289 = arith.cmpi slt, %select_n3A_282, %lt3A_288 : i32
          %ne3A_290 = arith.xori %lt3A_287, %lt3A_289 : i1
          %and3A_291 = arith.andi %ne3A_290, %ne3A_285 : i1
          %add3A_292 = arith.addi %rem3A_283, %select_n3A_282 : i32
          %select_n3A_293 = arith.select %and3A_291, %add3A_292, %rem3A_283 : i32
          %mul3A_294 = arith.constant 240 : i32
          %mul3A_295 = arith.muli %select_n3A_293, %mul3A_294 : i32
          %multiple_of3A_296 = tpu.assume_multiple %mul3A_295, 240 : i32
          %dma_wait3A_297 = arith.constant 0 : i32
          %dma_wait3A_298 = tpu.memref_slice %arg4[%select_n3A_277, %multiple_of3A_296, %dma_wait3A_297] : memref<26x12500x128xf32, #tpu.memory_space<hbm>> -> memref<1x240x128xf32, #tpu.memory_space<hbm>>
          %dma_wait3A_299 = tpu.memref_squeeze %dma_wait3A_298 : memref<1x240x128xf32, #tpu.memory_space<hbm>> -> memref<240x128xf32, #tpu.memory_space<hbm>>
          %dma_wait3A_300 = arith.constant 0 : i32
          %dma_wait3A_301 = tpu.memref_slice %arg4[%select_n3A_277, %multiple_of3A_296, %dma_wait3A_300] : memref<26x12500x128xf32, #tpu.memory_space<hbm>> -> memref<1x240x128xf32, #tpu.memory_space<hbm>>
          %dma_wait3A_302 = tpu.memref_squeeze %dma_wait3A_301 : memref<1x240x128xf32, #tpu.memory_space<hbm>> -> memref<240x128xf32, #tpu.memory_space<hbm>>
          tpu.wait_dma2 semaphore(%arg11 : memref<!tpu.dma_semaphore, #tpu.memory_space<semaphore_mem>>) src(%arg7 : memref<240x128xf32, #tpu.memory_space<vmem>>) dst(%dma_wait3A_302 : memref<240x128xf32, #tpu.memory_space<hbm>>)
        } else {
        }
        %scan3A_192 = arith.constant 0 : i32
        %scan3A_193 = arith.constant 120 : i32
        %scan3A_194 = arith.addi %scan3A_192, %scan3A_193 : i32
        %scan3A_195 = arith.constant 1 : i32
        scf.for %scan3A_252 = %scan3A_192 to %scan3A_194 step %scan3A_195  : i32 {
          %mul3A_253 = arith.constant 16 : i32
          %mul3A_254 = arith.muli %scan3A_252, %mul3A_253 : i32
          %add3A_255 = arith.constant 0 : i32
          %add3A_256 = arith.addi %add3A_255, %mul3A_254 : i32
          %iota3A = tpu.iota {dimensions = array<i32: 0>} : vector<16xi32>
          %add3A_257 = vector.broadcast %add3A_256 : i32 to vector<16xi32>
          %add3A_258 = arith.addi %iota3A, %add3A_257 : vector<16xi32>
          %shift_right_logical3A = arith.constant 3 : i32
          %shift_right_logical3A_259 = vector.broadcast %shift_right_logical3A : i32 to vector<16xi32>
          %shift_right_logical3A_260 = arith.shrui %add3A_258, %shift_right_logical3A_259 : vector<16xi32>
          %and3A_261 = arith.constant 7 : i32
          %and3A_262 = vector.broadcast %and3A_261 : i32 to vector<16xi32>
          %and3A_263 = arith.andi %add3A_258, %and3A_262 : vector<16xi32>
          %mul3A_264 = arith.constant 16 : i32
          %mul3A_265 = vector.broadcast %mul3A_264 : i32 to vector<16xi32>
          %mul3A_266 = arith.muli %and3A_263, %mul3A_265 : vector<16xi32>
          %get3A = arith.constant 0 : i32
          %get3A_267 = arith.index_cast %get3A : i32 to index
          %get3A_268 = arith.index_cast %add3A_256 : i32 to index
          %get3A_269 = tpu.vector_load %arg5[%get3A_267, %get3A_268] {strides = array<i32>} : memref<16x1920xf32, #tpu.memory_space<vmem>>, vector<16xf32>,
          %add3A_270 = arith.constant 0 : i32
          %add3A_271 = vector.broadcast %add3A_270 : i32 to vector<16xi32>
          %add3A_272 = arith.addi %mul3A_266, %add3A_271 : vector<16xi32>
          tpu.vector_store_idx %arg7[%shift_right_logical3A_260, %add3A_272], %get3A_269 : memref<240x128xf32, #tpu.memory_space<vmem>>[vector<16xi32>, vector<16xi32>], vector<16xf32>,
          %get3A_273 = arith.constant 1 : i32
          %get3A_274 = arith.index_cast %get3A_273 : i32 to index
          %get3A_275 = arith.index_cast %add3A_256 : i32 to index
          %get3A_276 = tpu.vector_load %arg5[%get3A_274, %get3A_275] {strides = array<i32>} : memref<16x1920xf32, #tpu.memory_space<vmem>>, vector<16xf32>,
          %add3A_277 = arith.constant 1 : i32
          %add3A_278 = vector.broadcast %add3A_277 : i32 to vector<16xi32>
          %add3A_279 = arith.addi %mul3A_266, %add3A_278 : vector<16xi32>
          tpu.vector_store_idx %arg7[%shift_right_logical3A_260, %add3A_279], %get3A_276 : memref<240x128xf32, #tpu.memory_space<vmem>>[vector<16xi32>, vector<16xi32>], vector<16xf32>,
          %get3A_280 = arith.constant 2 : i32
          %get3A_281 = arith.index_cast %get3A_280 : i32 to index
          %get3A_282 = arith.index_cast %add3A_256 : i32 to index
          %get3A_283 = tpu.vector_load %arg5[%get3A_281, %get3A_282] {strides = array<i32>} : memref<16x1920xf32, #tpu.memory_space<vmem>>, vector<16xf32>,
          %add3A_284 = arith.constant 2 : i32
          %add3A_285 = vector.broadcast %add3A_284 : i32 to vector<16xi32>
          %add3A_286 = arith.addi %mul3A_266, %add3A_285 : vector<16xi32>
          tpu.vector_store_idx %arg7[%shift_right_logical3A_260, %add3A_286], %get3A_283 : memref<240x128xf32, #tpu.memory_space<vmem>>[vector<16xi32>, vector<16xi32>], vector<16xf32>,
          %get3A_287 = arith.constant 3 : i32
          %get3A_288 = arith.index_cast %get3A_287 : i32 to index
          %get3A_289 = arith.index_cast %add3A_256 : i32 to index
          %get3A_290 = tpu.vector_load %arg5[%get3A_288, %get3A_289] {strides = array<i32>} : memref<16x1920xf32, #tpu.memory_space<vmem>>, vector<16xf32>,
          %add3A_291 = arith.constant 3 : i32
          %add3A_292 = vector.broadcast %add3A_291 : i32 to vector<16xi32>
          %add3A_293 = arith.addi %mul3A_266, %add3A_292 : vector<16xi32>
          tpu.vector_store_idx %arg7[%shift_right_logical3A_260, %add3A_293], %get3A_290 : memref<240x128xf32, #tpu.memory_space<vmem>>[vector<16xi32>, vector<16xi32>], vector<16xf32>,
          %get3A_294 = arith.constant 4 : i32
          %get3A_295 = arith.index_cast %get3A_294 : i32 to index
          %get3A_296 = arith.index_cast %add3A_256 : i32 to index
          %get3A_297 = tpu.vector_load %arg5[%get3A_295, %get3A_296] {strides = array<i32>} : memref<16x1920xf32, #tpu.memory_space<vmem>>, vector<16xf32>,
          %add3A_298 = arith.constant 4 : i32
          %add3A_299 = vector.broadcast %add3A_298 : i32 to vector<16xi32>
          %add3A_300 = arith.addi %mul3A_266, %add3A_299 : vector<16xi32>
          tpu.vector_store_idx %arg7[%shift_right_logical3A_260, %add3A_300], %get3A_297 : memref<240x128xf32, #tpu.memory_space<vmem>>[vector<16xi32>, vector<16xi32>], vector<16xf32>,
          %get3A_301 = arith.constant 5 : i32
          %get3A_302 = arith.index_cast %get3A_301 : i32 to index
          %get3A_303 = arith.index_cast %add3A_256 : i32 to index
          %get3A_304 = tpu.vector_load %arg5[%get3A_302, %get3A_303] {strides = array<i32>} : memref<16x1920xf32, #tpu.memory_space<vmem>>, vector<16xf32>,
          %add3A_305 = arith.constant 5 : i32
          %add3A_306 = vector.broadcast %add3A_305 : i32 to vector<16xi32>
          %add3A_307 = arith.addi %mul3A_266, %add3A_306 : vector<16xi32>
          tpu.vector_store_idx %arg7[%shift_right_logical3A_260, %add3A_307], %get3A_304 : memref<240x128xf32, #tpu.memory_space<vmem>>[vector<16xi32>, vector<16xi32>], vector<16xf32>,
          %get3A_308 = arith.constant 6 : i32
          %get3A_309 = arith.index_cast %get3A_308 : i32 to index
          %get3A_310 = arith.index_cast %add3A_256 : i32 to index
          %get3A_311 = tpu.vector_load %arg5[%get3A_309, %get3A_310] {strides = array<i32>} : memref<16x1920xf32, #tpu.memory_space<vmem>>, vector<16xf32>,
          %add3A_312 = arith.constant 6 : i32
          %add3A_313 = vector.broadcast %add3A_312 : i32 to vector<16xi32>
          %add3A_314 = arith.addi %mul3A_266, %add3A_313 : vector<16xi32>
          tpu.vector_store_idx %arg7[%shift_right_logical3A_260, %add3A_314], %get3A_311 : memref<240x128xf32, #tpu.memory_space<vmem>>[vector<16xi32>, vector<16xi32>], vector<16xf32>,
          %get3A_315 = arith.constant 7 : i32
          %get3A_316 = arith.index_cast %get3A_315 : i32 to index
          %get3A_317 = arith.index_cast %add3A_256 : i32 to index
          %get3A_318 = tpu.vector_load %arg5[%get3A_316, %get3A_317] {strides = array<i32>} : memref<16x1920xf32, #tpu.memory_space<vmem>>, vector<16xf32>,
          %add3A_319 = arith.constant 7 : i32
          %add3A_320 = vector.broadcast %add3A_319 : i32 to vector<16xi32>
          %add3A_321 = arith.addi %mul3A_266, %add3A_320 : vector<16xi32>
          tpu.vector_store_idx %arg7[%shift_right_logical3A_260, %add3A_321], %get3A_318 : memref<240x128xf32, #tpu.memory_space<vmem>>[vector<16xi32>, vector<16xi32>], vector<16xf32>,
          %get3A_322 = arith.constant 8 : i32
          %get3A_323 = arith.index_cast %get3A_322 : i32 to index
          %get3A_324 = arith.index_cast %add3A_256 : i32 to index
          %get3A_325 = tpu.vector_load %arg5[%get3A_323, %get3A_324] {strides = array<i32>} : memref<16x1920xf32, #tpu.memory_space<vmem>>, vector<16xf32>,
          %add3A_326 = arith.constant 8 : i32
          %add3A_327 = vector.broadcast %add3A_326 : i32 to vector<16xi32>
          %add3A_328 = arith.addi %mul3A_266, %add3A_327 : vector<16xi32>
          tpu.vector_store_idx %arg7[%shift_right_logical3A_260, %add3A_328], %get3A_325 : memref<240x128xf32, #tpu.memory_space<vmem>>[vector<16xi32>, vector<16xi32>], vector<16xf32>,
          %get3A_329 = arith.constant 9 : i32
          %get3A_330 = arith.index_cast %get3A_329 : i32 to index
          %get3A_331 = arith.index_cast %add3A_256 : i32 to index
          %get3A_332 = tpu.vector_load %arg5[%get3A_330, %get3A_331] {strides = array<i32>} : memref<16x1920xf32, #tpu.memory_space<vmem>>, vector<16xf32>,
          %add3A_333 = arith.constant 9 : i32
          %add3A_334 = vector.broadcast %add3A_333 : i32 to vector<16xi32>
          %add3A_335 = arith.addi %mul3A_266, %add3A_334 : vector<16xi32>
          tpu.vector_store_idx %arg7[%shift_right_logical3A_260, %add3A_335], %get3A_332 : memref<240x128xf32, #tpu.memory_space<vmem>>[vector<16xi32>, vector<16xi32>], vector<16xf32>,
          %get3A_336 = arith.constant 10 : i32
          %get3A_337 = arith.index_cast %get3A_336 : i32 to index
          %get3A_338 = arith.index_cast %add3A_256 : i32 to index
          %get3A_339 = tpu.vector_load %arg5[%get3A_337, %get3A_338] {strides = array<i32>} : memref<16x1920xf32, #tpu.memory_space<vmem>>, vector<16xf32>,
          %add3A_340 = arith.constant 10 : i32
          %add3A_341 = vector.broadcast %add3A_340 : i32 to vector<16xi32>
          %add3A_342 = arith.addi %mul3A_266, %add3A_341 : vector<16xi32>
          tpu.vector_store_idx %arg7[%shift_right_logical3A_260, %add3A_342], %get3A_339 : memref<240x128xf32, #tpu.memory_space<vmem>>[vector<16xi32>, vector<16xi32>], vector<16xf32>,
          %get3A_343 = arith.constant 11 : i32
          %get3A_344 = arith.index_cast %get3A_343 : i32 to index
          %get3A_345 = arith.index_cast %add3A_256 : i32 to index
          %get3A_346 = tpu.vector_load %arg5[%get3A_344, %get3A_345] {strides = array<i32>} : memref<16x1920xf32, #tpu.memory_space<vmem>>, vector<16xf32>,
          %add3A_347 = arith.constant 11 : i32
          %add3A_348 = vector.broadcast %add3A_347 : i32 to vector<16xi32>
          %add3A_349 = arith.addi %mul3A_266, %add3A_348 : vector<16xi32>
          tpu.vector_store_idx %arg7[%shift_right_logical3A_260, %add3A_349], %get3A_346 : memref<240x128xf32, #tpu.memory_space<vmem>>[vector<16xi32>, vector<16xi32>], vector<16xf32>,
          %get3A_350 = arith.constant 12 : i32
          %get3A_351 = arith.index_cast %get3A_350 : i32 to index
          %get3A_352 = arith.index_cast %add3A_256 : i32 to index
          %get3A_353 = tpu.vector_load %arg5[%get3A_351, %get3A_352] {strides = array<i32>} : memref<16x1920xf32, #tpu.memory_space<vmem>>, vector<16xf32>,
          %add3A_354 = arith.constant 12 : i32
          %add3A_355 = vector.broadcast %add3A_354 : i32 to vector<16xi32>
          %add3A_356 = arith.addi %mul3A_266, %add3A_355 : vector<16xi32>
          tpu.vector_store_idx %arg7[%shift_right_logical3A_260, %add3A_356], %get3A_353 : memref<240x128xf32, #tpu.memory_space<vmem>>[vector<16xi32>, vector<16xi32>], vector<16xf32>,
          %get3A_357 = arith.constant 13 : i32
          %get3A_358 = arith.index_cast %get3A_357 : i32 to index
          %get3A_359 = arith.index_cast %add3A_256 : i32 to index
          %get3A_360 = tpu.vector_load %arg5[%get3A_358, %get3A_359] {strides = array<i32>} : memref<16x1920xf32, #tpu.memory_space<vmem>>, vector<16xf32>,
          %add3A_361 = arith.constant 13 : i32
          %add3A_362 = vector.broadcast %add3A_361 : i32 to vector<16xi32>
          %add3A_363 = arith.addi %mul3A_266, %add3A_362 : vector<16xi32>
          tpu.vector_store_idx %arg7[%shift_right_logical3A_260, %add3A_363], %get3A_360 : memref<240x128xf32, #tpu.memory_space<vmem>>[vector<16xi32>, vector<16xi32>], vector<16xf32>,
          %get3A_364 = arith.constant 14 : i32
          %get3A_365 = arith.index_cast %get3A_364 : i32 to index
          %get3A_366 = arith.index_cast %add3A_256 : i32 to index
          %get3A_367 = tpu.vector_load %arg5[%get3A_365, %get3A_366] {strides = array<i32>} : memref<16x1920xf32, #tpu.memory_space<vmem>>, vector<16xf32>,
          %add3A_368 = arith.constant 14 : i32
          %add3A_369 = vector.broadcast %add3A_368 : i32 to vector<16xi32>
          %add3A_370 = arith.addi %mul3A_266, %add3A_369 : vector<16xi32>
          tpu.vector_store_idx %arg7[%shift_right_logical3A_260, %add3A_370], %get3A_367 : memref<240x128xf32, #tpu.memory_space<vmem>>[vector<16xi32>, vector<16xi32>], vector<16xf32>,
          %get3A_371 = arith.constant 15 : i32
          %get3A_372 = arith.index_cast %get3A_371 : i32 to index
          %get3A_373 = arith.index_cast %add3A_256 : i32 to index
          %get3A_374 = tpu.vector_load %arg5[%get3A_372, %get3A_373] {strides = array<i32>} : memref<16x1920xf32, #tpu.memory_space<vmem>>, vector<16xf32>,
          %add3A_375 = arith.constant 15 : i32
          %add3A_376 = vector.broadcast %add3A_375 : i32 to vector<16xi32>
          %add3A_377 = arith.addi %mul3A_266, %add3A_376 : vector<16xi32>
          tpu.vector_store_idx %arg7[%shift_right_logical3A_260, %add3A_377], %get3A_374 : memref<240x128xf32, #tpu.memory_space<vmem>>[vector<16xi32>, vector<16xi32>], vector<16xf32>,
        }
        %scan3A_196 = arith.constant 120 : i32
        %jit3A_197 = arith.constant 52 : i32
        %div3A_198 = arith.divsi %add3A_124, %jit3A_197 : i32
        %sign3A_199 = arith.constant 0 : i32
        %sign3A_200 = arith.cmpi sgt, %add3A_124, %sign3A_199 : i32
        %sign3A_201 = arith.extui %sign3A_200 : i1 to i32
        %sign3A_202 = arith.constant 0 : i32
        %sign3A_203 = arith.cmpi slt, %add3A_124, %sign3A_202 : i32
        %sign3A_204 = arith.extui %sign3A_203 : i1 to i32
        %sign3A_205 = arith.subi %sign3A_201, %sign3A_204 : i32
        %sign3A_206 = arith.constant 0 : i32
        %sign3A_207 = arith.cmpi sgt, %jit3A_197, %sign3A_206 : i32
        %sign3A_208 = arith.extui %sign3A_207 : i1 to i32
        %sign3A_209 = arith.constant 0 : i32
        %sign3A_210 = arith.cmpi slt, %jit3A_197, %sign3A_209 : i32
        %sign3A_211 = arith.extui %sign3A_210 : i1 to i32
        %sign3A_212 = arith.subi %sign3A_208, %sign3A_211 : i32
        %ne3A_213 = arith.cmpi ne, %sign3A_205, %sign3A_212 : i32
        %rem3A_214 = arith.remsi %add3A_124, %jit3A_197 : i32
        %ne3A_215 = arith.constant 0 : i32
        %ne3A_216 = arith.cmpi ne, %rem3A_214, %ne3A_215 : i32
        %and3A_217 = arith.andi %ne3A_213, %ne3A_216 : i1
        %sub3A_218 = arith.constant 1 : i32
        %sub3A_219 = arith.subi %div3A_198, %sub3A_218 : i32
        %select_n3A_220 = arith.select %and3A_217, %sub3A_219, %div3A_198 : i32
        %jit3A_221 = arith.constant 52 : i32
        %eq3A_222 = arith.constant 0 : i32
        %eq3A_223 = arith.cmpi eq, %jit3A_221, %eq3A_222 : i32
        %jit3A_224 = arith.constant 1 : i32
        %select_n3A_225 = arith.select %eq3A_223, %jit3A_224, %jit3A_221 : i32
        %rem3A_226 = arith.remsi %add3A_124, %select_n3A_225 : i32
        %ne3A_227 = arith.constant 0 : i32
        %ne3A_228 = arith.cmpi ne, %rem3A_226, %ne3A_227 : i32
        %lt3A_229 = arith.constant 0 : i32
        %lt3A_230 = arith.cmpi slt, %rem3A_226, %lt3A_229 : i32
        %lt3A_231 = arith.constant 0 : i32
        %lt3A_232 = arith.cmpi slt, %select_n3A_225, %lt3A_231 : i32
        %ne3A_233 = arith.xori %lt3A_230, %lt3A_232 : i1
        %and3A_234 = arith.andi %ne3A_233, %ne3A_228 : i1
        %add3A_235 = arith.addi %rem3A_226, %select_n3A_225 : i32
        %select_n3A_236 = arith.select %and3A_234, %add3A_235, %rem3A_226 : i32
        %mul3A_237 = arith.constant 240 : i32
        %mul3A_238 = arith.muli %select_n3A_236, %mul3A_237 : i32
        %multiple_of3A_239 = tpu.assume_multiple %mul3A_238, 240 : i32
        %dma_start3A = arith.constant 0 : i32
        %dma_start3A_240 = tpu.memref_slice %arg4[%select_n3A_220, %multiple_of3A_239, %dma_start3A] : memref<26x12500x128xf32, #tpu.memory_space<hbm>> -> memref<1x240x128xf32, #tpu.memory_space<hbm>>
        %dma_start3A_241 = tpu.memref_squeeze %dma_start3A_240 : memref<1x240x128xf32, #tpu.memory_space<hbm>> -> memref<240x128xf32, #tpu.memory_space<hbm>>
        %dma_start3A_242 = arith.constant 0 : i32
        %dma_start3A_243 = tpu.memref_slice %arg4[%select_n3A_220, %multiple_of3A_239, %dma_start3A_242] : memref<26x12500x128xf32, #tpu.memory_space<hbm>> -> memref<1x240x128xf32, #tpu.memory_space<hbm>>
        %dma_start3A_244 = tpu.memref_squeeze %dma_start3A_243 : memref<1x240x128xf32, #tpu.memory_space<hbm>> -> memref<240x128xf32, #tpu.memory_space<hbm>>
        tpu.enqueue_dma source(%arg7 : memref<240x128xf32, #tpu.memory_space<vmem>>) target(%dma_start3A_244 : memref<240x128xf32, #tpu.memory_space<hbm>>) target_semaphore(%arg11 : memref<!tpu.dma_semaphore, #tpu.memory_space<semaphore_mem>>)
        %add3A_245 = arith.constant 64 : i32
        %add3A_246 = arith.addi %add3A_124, %add3A_245 : i32
        %lt3A_247 = arith.constant 1352 : i32
        %lt3A_248 = arith.cmpi slt, %add3A_246, %lt3A_247 : i32
        %convert_element_type3A_249 = arith.extui %lt3A_248 : i1 to i32
        %cond3A_250 = arith.constant 0 : i32
        %cond3A_251 = arith.cmpi ne, %convert_element_type3A_249, %cond3A_250 : i32
        scf.if %cond3A_251 {
          %add3A_252 = arith.constant 64 : i32
          %add3A_253 = arith.addi %add3A_124, %add3A_252 : i32
          %jit3A_254 = arith.constant 52 : i32
          %div3A_255 = arith.divsi %add3A_253, %jit3A_254 : i32
          %sign3A_256 = arith.constant 0 : i32
          %sign3A_257 = arith.cmpi sgt, %add3A_253, %sign3A_256 : i32
          %sign3A_258 = arith.extui %sign3A_257 : i1 to i32
          %sign3A_259 = arith.constant 0 : i32
          %sign3A_260 = arith.cmpi slt, %add3A_253, %sign3A_259 : i32
          %sign3A_261 = arith.extui %sign3A_260 : i1 to i32
          %sign3A_262 = arith.subi %sign3A_258, %sign3A_261 : i32
          %sign3A_263 = arith.constant 0 : i32
          %sign3A_264 = arith.cmpi sgt, %jit3A_254, %sign3A_263 : i32
          %sign3A_265 = arith.extui %sign3A_264 : i1 to i32
          %sign3A_266 = arith.constant 0 : i32
          %sign3A_267 = arith.cmpi slt, %jit3A_254, %sign3A_266 : i32
          %sign3A_268 = arith.extui %sign3A_267 : i1 to i32
          %sign3A_269 = arith.subi %sign3A_265, %sign3A_268 : i32
          %ne3A_270 = arith.cmpi ne, %sign3A_262, %sign3A_269 : i32
          %rem3A_271 = arith.remsi %add3A_253, %jit3A_254 : i32
          %ne3A_272 = arith.constant 0 : i32
          %ne3A_273 = arith.cmpi ne, %rem3A_271, %ne3A_272 : i32
          %and3A_274 = arith.andi %ne3A_270, %ne3A_273 : i1
          %sub3A_275 = arith.constant 1 : i32
          %sub3A_276 = arith.subi %div3A_255, %sub3A_275 : i32
          %select_n3A_277 = arith.select %and3A_274, %sub3A_276, %div3A_255 : i32
          %jit3A_278 = arith.constant 52 : i32
          %eq3A_279 = arith.constant 0 : i32
          %eq3A_280 = arith.cmpi eq, %jit3A_278, %eq3A_279 : i32
          %jit3A_281 = arith.constant 1 : i32
          %select_n3A_282 = arith.select %eq3A_280, %jit3A_281, %jit3A_278 : i32
          %rem3A_283 = arith.remsi %add3A_253, %select_n3A_282 : i32
          %ne3A_284 = arith.constant 0 : i32
          %ne3A_285 = arith.cmpi ne, %rem3A_283, %ne3A_284 : i32
          %lt3A_286 = arith.constant 0 : i32
          %lt3A_287 = arith.cmpi slt, %rem3A_283, %lt3A_286 : i32
          %lt3A_288 = arith.constant 0 : i32
          %lt3A_289 = arith.cmpi slt, %select_n3A_282, %lt3A_288 : i32
          %ne3A_290 = arith.xori %lt3A_287, %lt3A_289 : i1
          %and3A_291 = arith.andi %ne3A_290, %ne3A_285 : i1
          %add3A_292 = arith.addi %rem3A_283, %select_n3A_282 : i32
          %select_n3A_293 = arith.select %and3A_291, %add3A_292, %rem3A_283 : i32
          %mul3A_294 = arith.constant 1920 : i32
          %mul3A_295 = arith.muli %select_n3A_293, %mul3A_294 : i32
          %multiple_of3A_296 = tpu.assume_multiple %mul3A_295, 1920 : i32
          %dma_start3A_297 = arith.constant 0 : i32
          %dma_start3A_298 = tpu.memref_slice %arg2[%select_n3A_277, %dma_start3A_297, %multiple_of3A_296] : memref<26x16x100000xf32, #tpu.memory_space<hbm>> -> memref<1x16x1920xf32, #tpu.memory_space<hbm>>
          %dma_start3A_299 = tpu.memref_squeeze %dma_start3A_298 : memref<1x16x1920xf32, #tpu.memory_space<hbm>> -> memref<16x1920xf32, #tpu.memory_space<hbm>>
          %dma_start3A_300 = arith.constant 0 : i32
          %dma_start3A_301 = tpu.memref_slice %arg2[%select_n3A_277, %dma_start3A_300, %multiple_of3A_296] : memref<26x16x100000xf32, #tpu.memory_space<hbm>> -> memref<1x16x1920xf32, #tpu.memory_space<hbm>>
          %dma_start3A_302 = tpu.memref_squeeze %dma_start3A_301 : memref<1x16x1920xf32, #tpu.memory_space<hbm>> -> memref<16x1920xf32, #tpu.memory_space<hbm>>
          tpu.enqueue_dma source(%dma_start3A_302 : memref<16x1920xf32, #tpu.memory_space<hbm>>) target(%arg5 : memref<16x1920xf32, #tpu.memory_space<vmem>>) target_semaphore(%arg9 : memref<!tpu.dma_semaphore, #tpu.memory_space<semaphore_mem>>)
        } else {
        }
      } else {
      }
      %add3A_130 = arith.constant 1 : i32
      %add3A_131 = arith.addi %add3A_119, %add3A_130 : i32
      %mul3A_132 = arith.constant 32 : i32
      %mul3A_133 = arith.muli %add3A_131, %mul3A_132 : i32
      %add3A_134 = arith.addi %add3A, %mul3A_133 : i32
      %lt3A_135 = arith.constant 1352 : i32
      %lt3A_136 = arith.cmpi slt, %add3A_134, %lt3A_135 : i32
      %convert_element_type3A_137 = arith.extui %lt3A_136 : i1 to i32
      %cond3A_138 = arith.constant 0 : i32
      %cond3A_139 = arith.cmpi ne, %convert_element_type3A_137, %cond3A_138 : i32
      scf.if %cond3A_139 {
        %jit3A_140 = arith.constant 52 : i32
        %div3A_141 = arith.divsi %add3A_134, %jit3A_140 : i32
        %sign3A_142 = arith.constant 0 : i32
        %sign3A_143 = arith.cmpi sgt, %add3A_134, %sign3A_142 : i32
        %sign3A_144 = arith.extui %sign3A_143 : i1 to i32
        %sign3A_145 = arith.constant 0 : i32
        %sign3A_146 = arith.cmpi slt, %add3A_134, %sign3A_145 : i32
        %sign3A_147 = arith.extui %sign3A_146 : i1 to i32
        %sign3A_148 = arith.subi %sign3A_144, %sign3A_147 : i32
        %sign3A_149 = arith.constant 0 : i32
        %sign3A_150 = arith.cmpi sgt, %jit3A_140, %sign3A_149 : i32
        %sign3A_151 = arith.extui %sign3A_150 : i1 to i32
        %sign3A_152 = arith.constant 0 : i32
        %sign3A_153 = arith.cmpi slt, %jit3A_140, %sign3A_152 : i32
        %sign3A_154 = arith.extui %sign3A_153 : i1 to i32
        %sign3A_155 = arith.subi %sign3A_151, %sign3A_154 : i32
        %ne3A_156 = arith.cmpi ne, %sign3A_148, %sign3A_155 : i32
        %rem3A_157 = arith.remsi %add3A_134, %jit3A_140 : i32
        %ne3A_158 = arith.constant 0 : i32
        %ne3A_159 = arith.cmpi ne, %rem3A_157, %ne3A_158 : i32
        %and3A_160 = arith.andi %ne3A_156, %ne3A_159 : i1
        %sub3A_161 = arith.constant 1 : i32
        %sub3A_162 = arith.subi %div3A_141, %sub3A_161 : i32
        %select_n3A_163 = arith.select %and3A_160, %sub3A_162, %div3A_141 : i32
        %jit3A_164 = arith.constant 52 : i32
        %eq3A_165 = arith.constant 0 : i32
        %eq3A_166 = arith.cmpi eq, %jit3A_164, %eq3A_165 : i32
        %jit3A_167 = arith.constant 1 : i32
        %select_n3A_168 = arith.select %eq3A_166, %jit3A_167, %jit3A_164 : i32
        %rem3A_169 = arith.remsi %add3A_134, %select_n3A_168 : i32
        %ne3A_170 = arith.constant 0 : i32
        %ne3A_171 = arith.cmpi ne, %rem3A_169, %ne3A_170 : i32
        %lt3A_172 = arith.constant 0 : i32
        %lt3A_173 = arith.cmpi slt, %rem3A_169, %lt3A_172 : i32
        %lt3A_174 = arith.constant 0 : i32
        %lt3A_175 = arith.cmpi slt, %select_n3A_168, %lt3A_174 : i32
        %ne3A_176 = arith.xori %lt3A_173, %lt3A_175 : i1
        %and3A_177 = arith.andi %ne3A_176, %ne3A_171 : i1
        %add3A_178 = arith.addi %rem3A_169, %select_n3A_168 : i32
        %select_n3A_179 = arith.select %and3A_177, %add3A_178, %rem3A_169 : i32
        %mul3A_180 = arith.constant 1920 : i32
        %mul3A_181 = arith.muli %select_n3A_179, %mul3A_180 : i32
        %multiple_of3A = tpu.assume_multiple %mul3A_181, 1920 : i32
        %dma_wait3A = arith.constant 0 : i32
        %dma_wait3A_182 = tpu.memref_slice %arg2[%select_n3A_163, %dma_wait3A, %multiple_of3A] : memref<26x16x100000xf32, #tpu.memory_space<hbm>> -> memref<1x16x1920xf32, #tpu.memory_space<hbm>>
        %dma_wait3A_183 = tpu.memref_squeeze %dma_wait3A_182 : memref<1x16x1920xf32, #tpu.memory_space<hbm>> -> memref<16x1920xf32, #tpu.memory_space<hbm>>
        %dma_wait3A_184 = arith.constant 0 : i32
        %dma_wait3A_185 = tpu.memref_slice %arg2[%select_n3A_163, %dma_wait3A_184, %multiple_of3A] : memref<26x16x100000xf32, #tpu.memory_space<hbm>> -> memref<1x16x1920xf32, #tpu.memory_space<hbm>>
        %dma_wait3A_186 = tpu.memref_squeeze %dma_wait3A_185 : memref<1x16x1920xf32, #tpu.memory_space<hbm>> -> memref<16x1920xf32, #tpu.memory_space<hbm>>
        tpu.wait_dma2 semaphore(%arg10 : memref<!tpu.dma_semaphore, #tpu.memory_space<semaphore_mem>>) src(%dma_wait3A_186 : memref<16x1920xf32, #tpu.memory_space<hbm>>) dst(%arg6 : memref<16x1920xf32, #tpu.memory_space<vmem>>)
        %ge3A_187 = arith.constant 2 : i32
        %ge3A_188 = arith.cmpi sge, %add3A_131, %ge3A_187 : i32
        %convert_element_type3A_189 = arith.extui %ge3A_188 : i1 to i32
        %cond3A_190 = arith.constant 0 : i32
        %cond3A_191 = arith.cmpi ne, %convert_element_type3A_189, %cond3A_190 : i32
        scf.if %cond3A_191 {
          %sub3A_252 = arith.constant 64 : i32
          %sub3A_253 = arith.subi %add3A_134, %sub3A_252 : i32
          %jit3A_254 = arith.constant 52 : i32
          %div3A_255 = arith.divsi %sub3A_253, %jit3A_254 : i32
          %sign3A_256 = arith.constant 0 : i32
          %sign3A_257 = arith.cmpi sgt, %sub3A_253, %sign3A_256 : i32
          %sign3A_258 = arith.extui %sign3A_257 : i1 to i32
          %sign3A_259 = arith.constant 0 : i32
          %sign3A_260 = arith.cmpi slt, %sub3A_253, %sign3A_259 : i32
          %sign3A_261 = arith.extui %sign3A_260 : i1 to i32
          %sign3A_262 = arith.subi %sign3A_258, %sign3A_261 : i32
          %sign3A_263 = arith.constant 0 : i32
          %sign3A_264 = arith.cmpi sgt, %jit3A_254, %sign3A_263 : i32
          %sign3A_265 = arith.extui %sign3A_264 : i1 to i32
          %sign3A_266 = arith.constant 0 : i32
          %sign3A_267 = arith.cmpi slt, %jit3A_254, %sign3A_266 : i32
          %sign3A_268 = arith.extui %sign3A_267 : i1 to i32
          %sign3A_269 = arith.subi %sign3A_265, %sign3A_268 : i32
          %ne3A_270 = arith.cmpi ne, %sign3A_262, %sign3A_269 : i32
          %rem3A_271 = arith.remsi %sub3A_253, %jit3A_254 : i32
          %ne3A_272 = arith.constant 0 : i32
          %ne3A_273 = arith.cmpi ne, %rem3A_271, %ne3A_272 : i32
          %and3A_274 = arith.andi %ne3A_270, %ne3A_273 : i1
          %sub3A_275 = arith.constant 1 : i32
          %sub3A_276 = arith.subi %div3A_255, %sub3A_275 : i32
          %select_n3A_277 = arith.select %and3A_274, %sub3A_276, %div3A_255 : i32
          %jit3A_278 = arith.constant 52 : i32
          %eq3A_279 = arith.constant 0 : i32
          %eq3A_280 = arith.cmpi eq, %jit3A_278, %eq3A_279 : i32
          %jit3A_281 = arith.constant 1 : i32
          %select_n3A_282 = arith.select %eq3A_280, %jit3A_281, %jit3A_278 : i32
          %rem3A_283 = arith.remsi %sub3A_253, %select_n3A_282 : i32
          %ne3A_284 = arith.constant 0 : i32
          %ne3A_285 = arith.cmpi ne, %rem3A_283, %ne3A_284 : i32
          %lt3A_286 = arith.constant 0 : i32
          %lt3A_287 = arith.cmpi slt, %rem3A_283, %lt3A_286 : i32
          %lt3A_288 = arith.constant 0 : i32
          %lt3A_289 = arith.cmpi slt, %select_n3A_282, %lt3A_288 : i32
          %ne3A_290 = arith.xori %lt3A_287, %lt3A_289 : i1
          %and3A_291 = arith.andi %ne3A_290, %ne3A_285 : i1
          %add3A_292 = arith.addi %rem3A_283, %select_n3A_282 : i32
          %select_n3A_293 = arith.select %and3A_291, %add3A_292, %rem3A_283 : i32
          %mul3A_294 = arith.constant 240 : i32
          %mul3A_295 = arith.muli %select_n3A_293, %mul3A_294 : i32
          %multiple_of3A_296 = tpu.assume_multiple %mul3A_295, 240 : i32
          %dma_wait3A_297 = arith.constant 0 : i32
          %dma_wait3A_298 = tpu.memref_slice %arg4[%select_n3A_277, %multiple_of3A_296, %dma_wait3A_297] : memref<26x12500x128xf32, #tpu.memory_space<hbm>> -> memref<1x240x128xf32, #tpu.memory_space<hbm>>
          %dma_wait3A_299 = tpu.memref_squeeze %dma_wait3A_298 : memref<1x240x128xf32, #tpu.memory_space<hbm>> -> memref<240x128xf32, #tpu.memory_space<hbm>>
          %dma_wait3A_300 = arith.constant 0 : i32
          %dma_wait3A_301 = tpu.memref_slice %arg4[%select_n3A_277, %multiple_of3A_296, %dma_wait3A_300] : memref<26x12500x128xf32, #tpu.memory_space<hbm>> -> memref<1x240x128xf32, #tpu.memory_space<hbm>>
          %dma_wait3A_302 = tpu.memref_squeeze %dma_wait3A_301 : memref<1x240x128xf32, #tpu.memory_space<hbm>> -> memref<240x128xf32, #tpu.memory_space<hbm>>
          tpu.wait_dma2 semaphore(%arg12 : memref<!tpu.dma_semaphore, #tpu.memory_space<semaphore_mem>>) src(%arg8 : memref<240x128xf32, #tpu.memory_space<vmem>>) dst(%dma_wait3A_302 : memref<240x128xf32, #tpu.memory_space<hbm>>)
        } else {
        }
        %scan3A_192 = arith.constant 0 : i32
        %scan3A_193 = arith.constant 120 : i32
        %scan3A_194 = arith.addi %scan3A_192, %scan3A_193 : i32
        %scan3A_195 = arith.constant 1 : i32
        scf.for %scan3A_252 = %scan3A_192 to %scan3A_194 step %scan3A_195  : i32 {
          %mul3A_253 = arith.constant 16 : i32
          %mul3A_254 = arith.muli %scan3A_252, %mul3A_253 : i32
          %add3A_255 = arith.constant 0 : i32
          %add3A_256 = arith.addi %add3A_255, %mul3A_254 : i32
          %iota3A = tpu.iota {dimensions = array<i32: 0>} : vector<16xi32>
          %add3A_257 = vector.broadcast %add3A_256 : i32 to vector<16xi32>
          %add3A_258 = arith.addi %iota3A, %add3A_257 : vector<16xi32>
          %shift_right_logical3A = arith.constant 3 : i32
          %shift_right_logical3A_259 = vector.broadcast %shift_right_logical3A : i32 to vector<16xi32>
          %shift_right_logical3A_260 = arith.shrui %add3A_258, %shift_right_logical3A_259 : vector<16xi32>
          %and3A_261 = arith.constant 7 : i32
          %and3A_262 = vector.broadcast %and3A_261 : i32 to vector<16xi32>
          %and3A_263 = arith.andi %add3A_258, %and3A_262 : vector<16xi32>
          %mul3A_264 = arith.constant 16 : i32
          %mul3A_265 = vector.broadcast %mul3A_264 : i32 to vector<16xi32>
          %mul3A_266 = arith.muli %and3A_263, %mul3A_265 : vector<16xi32>
          %get3A = arith.constant 0 : i32
          %get3A_267 = arith.index_cast %get3A : i32 to index
          %get3A_268 = arith.index_cast %add3A_256 : i32 to index
          %get3A_269 = tpu.vector_load %arg6[%get3A_267, %get3A_268] {strides = array<i32>} : memref<16x1920xf32, #tpu.memory_space<vmem>>, vector<16xf32>,
          %add3A_270 = arith.constant 0 : i32
          %add3A_271 = vector.broadcast %add3A_270 : i32 to vector<16xi32>
          %add3A_272 = arith.addi %mul3A_266, %add3A_271 : vector<16xi32>
          tpu.vector_store_idx %arg8[%shift_right_logical3A_260, %add3A_272], %get3A_269 : memref<240x128xf32, #tpu.memory_space<vmem>>[vector<16xi32>, vector<16xi32>], vector<16xf32>,
          %get3A_273 = arith.constant 1 : i32
          %get3A_274 = arith.index_cast %get3A_273 : i32 to index
          %get3A_275 = arith.index_cast %add3A_256 : i32 to index
          %get3A_276 = tpu.vector_load %arg6[%get3A_274, %get3A_275] {strides = array<i32>} : memref<16x1920xf32, #tpu.memory_space<vmem>>, vector<16xf32>,
          %add3A_277 = arith.constant 1 : i32
          %add3A_278 = vector.broadcast %add3A_277 : i32 to vector<16xi32>
          %add3A_279 = arith.addi %mul3A_266, %add3A_278 : vector<16xi32>
          tpu.vector_store_idx %arg8[%shift_right_logical3A_260, %add3A_279], %get3A_276 : memref<240x128xf32, #tpu.memory_space<vmem>>[vector<16xi32>, vector<16xi32>], vector<16xf32>,
          %get3A_280 = arith.constant 2 : i32
          %get3A_281 = arith.index_cast %get3A_280 : i32 to index
          %get3A_282 = arith.index_cast %add3A_256 : i32 to index
          %get3A_283 = tpu.vector_load %arg6[%get3A_281, %get3A_282] {strides = array<i32>} : memref<16x1920xf32, #tpu.memory_space<vmem>>, vector<16xf32>,
          %add3A_284 = arith.constant 2 : i32
          %add3A_285 = vector.broadcast %add3A_284 : i32 to vector<16xi32>
          %add3A_286 = arith.addi %mul3A_266, %add3A_285 : vector<16xi32>
          tpu.vector_store_idx %arg8[%shift_right_logical3A_260, %add3A_286], %get3A_283 : memref<240x128xf32, #tpu.memory_space<vmem>>[vector<16xi32>, vector<16xi32>], vector<16xf32>,
          %get3A_287 = arith.constant 3 : i32
          %get3A_288 = arith.index_cast %get3A_287 : i32 to index
          %get3A_289 = arith.index_cast %add3A_256 : i32 to index
          %get3A_290 = tpu.vector_load %arg6[%get3A_288, %get3A_289] {strides = array<i32>} : memref<16x1920xf32, #tpu.memory_space<vmem>>, vector<16xf32>,
          %add3A_291 = arith.constant 3 : i32
          %add3A_292 = vector.broadcast %add3A_291 : i32 to vector<16xi32>
          %add3A_293 = arith.addi %mul3A_266, %add3A_292 : vector<16xi32>
          tpu.vector_store_idx %arg8[%shift_right_logical3A_260, %add3A_293], %get3A_290 : memref<240x128xf32, #tpu.memory_space<vmem>>[vector<16xi32>, vector<16xi32>], vector<16xf32>,
          %get3A_294 = arith.constant 4 : i32
          %get3A_295 = arith.index_cast %get3A_294 : i32 to index
          %get3A_296 = arith.index_cast %add3A_256 : i32 to index
          %get3A_297 = tpu.vector_load %arg6[%get3A_295, %get3A_296] {strides = array<i32>} : memref<16x1920xf32, #tpu.memory_space<vmem>>, vector<16xf32>,
          %add3A_298 = arith.constant 4 : i32
          %add3A_299 = vector.broadcast %add3A_298 : i32 to vector<16xi32>
          %add3A_300 = arith.addi %mul3A_266, %add3A_299 : vector<16xi32>
          tpu.vector_store_idx %arg8[%shift_right_logical3A_260, %add3A_300], %get3A_297 : memref<240x128xf32, #tpu.memory_space<vmem>>[vector<16xi32>, vector<16xi32>], vector<16xf32>,
          %get3A_301 = arith.constant 5 : i32
          %get3A_302 = arith.index_cast %get3A_301 : i32 to index
          %get3A_303 = arith.index_cast %add3A_256 : i32 to index
          %get3A_304 = tpu.vector_load %arg6[%get3A_302, %get3A_303] {strides = array<i32>} : memref<16x1920xf32, #tpu.memory_space<vmem>>, vector<16xf32>,
          %add3A_305 = arith.constant 5 : i32
          %add3A_306 = vector.broadcast %add3A_305 : i32 to vector<16xi32>
          %add3A_307 = arith.addi %mul3A_266, %add3A_306 : vector<16xi32>
          tpu.vector_store_idx %arg8[%shift_right_logical3A_260, %add3A_307], %get3A_304 : memref<240x128xf32, #tpu.memory_space<vmem>>[vector<16xi32>, vector<16xi32>], vector<16xf32>,
          %get3A_308 = arith.constant 6 : i32
          %get3A_309 = arith.index_cast %get3A_308 : i32 to index
          %get3A_310 = arith.index_cast %add3A_256 : i32 to index
          %get3A_311 = tpu.vector_load %arg6[%get3A_309, %get3A_310] {strides = array<i32>} : memref<16x1920xf32, #tpu.memory_space<vmem>>, vector<16xf32>,
          %add3A_312 = arith.constant 6 : i32
          %add3A_313 = vector.broadcast %add3A_312 : i32 to vector<16xi32>
          %add3A_314 = arith.addi %mul3A_266, %add3A_313 : vector<16xi32>
          tpu.vector_store_idx %arg8[%shift_right_logical3A_260, %add3A_314], %get3A_311 : memref<240x128xf32, #tpu.memory_space<vmem>>[vector<16xi32>, vector<16xi32>], vector<16xf32>,
          %get3A_315 = arith.constant 7 : i32
          %get3A_316 = arith.index_cast %get3A_315 : i32 to index
          %get3A_317 = arith.index_cast %add3A_256 : i32 to index
          %get3A_318 = tpu.vector_load %arg6[%get3A_316, %get3A_317] {strides = array<i32>} : memref<16x1920xf32, #tpu.memory_space<vmem>>, vector<16xf32>,
          %add3A_319 = arith.constant 7 : i32
          %add3A_320 = vector.broadcast %add3A_319 : i32 to vector<16xi32>
          %add3A_321 = arith.addi %mul3A_266, %add3A_320 : vector<16xi32>
          tpu.vector_store_idx %arg8[%shift_right_logical3A_260, %add3A_321], %get3A_318 : memref<240x128xf32, #tpu.memory_space<vmem>>[vector<16xi32>, vector<16xi32>], vector<16xf32>,
          %get3A_322 = arith.constant 8 : i32
          %get3A_323 = arith.index_cast %get3A_322 : i32 to index
          %get3A_324 = arith.index_cast %add3A_256 : i32 to index
          %get3A_325 = tpu.vector_load %arg6[%get3A_323, %get3A_324] {strides = array<i32>} : memref<16x1920xf32, #tpu.memory_space<vmem>>, vector<16xf32>,
          %add3A_326 = arith.constant 8 : i32
          %add3A_327 = vector.broadcast %add3A_326 : i32 to vector<16xi32>
          %add3A_328 = arith.addi %mul3A_266, %add3A_327 : vector<16xi32>
          tpu.vector_store_idx %arg8[%shift_right_logical3A_260, %add3A_328], %get3A_325 : memref<240x128xf32, #tpu.memory_space<vmem>>[vector<16xi32>, vector<16xi32>], vector<16xf32>,
          %get3A_329 = arith.constant 9 : i32
          %get3A_330 = arith.index_cast %get3A_329 : i32 to index
          %get3A_331 = arith.index_cast %add3A_256 : i32 to index
          %get3A_332 = tpu.vector_load %arg6[%get3A_330, %get3A_331] {strides = array<i32>} : memref<16x1920xf32, #tpu.memory_space<vmem>>, vector<16xf32>,
          %add3A_333 = arith.constant 9 : i32
          %add3A_334 = vector.broadcast %add3A_333 : i32 to vector<16xi32>
          %add3A_335 = arith.addi %mul3A_266, %add3A_334 : vector<16xi32>
          tpu.vector_store_idx %arg8[%shift_right_logical3A_260, %add3A_335], %get3A_332 : memref<240x128xf32, #tpu.memory_space<vmem>>[vector<16xi32>, vector<16xi32>], vector<16xf32>,
          %get3A_336 = arith.constant 10 : i32
          %get3A_337 = arith.index_cast %get3A_336 : i32 to index
          %get3A_338 = arith.index_cast %add3A_256 : i32 to index
          %get3A_339 = tpu.vector_load %arg6[%get3A_337, %get3A_338] {strides = array<i32>} : memref<16x1920xf32, #tpu.memory_space<vmem>>, vector<16xf32>,
          %add3A_340 = arith.constant 10 : i32
          %add3A_341 = vector.broadcast %add3A_340 : i32 to vector<16xi32>
          %add3A_342 = arith.addi %mul3A_266, %add3A_341 : vector<16xi32>
          tpu.vector_store_idx %arg8[%shift_right_logical3A_260, %add3A_342], %get3A_339 : memref<240x128xf32, #tpu.memory_space<vmem>>[vector<16xi32>, vector<16xi32>], vector<16xf32>,
          %get3A_343 = arith.constant 11 : i32
          %get3A_344 = arith.index_cast %get3A_343 : i32 to index
          %get3A_345 = arith.index_cast %add3A_256 : i32 to index
          %get3A_346 = tpu.vector_load %arg6[%get3A_344, %get3A_345] {strides = array<i32>} : memref<16x1920xf32, #tpu.memory_space<vmem>>, vector<16xf32>,
          %add3A_347 = arith.constant 11 : i32
          %add3A_348 = vector.broadcast %add3A_347 : i32 to vector<16xi32>
          %add3A_349 = arith.addi %mul3A_266, %add3A_348 : vector<16xi32>
          tpu.vector_store_idx %arg8[%shift_right_logical3A_260, %add3A_349], %get3A_346 : memref<240x128xf32, #tpu.memory_space<vmem>>[vector<16xi32>, vector<16xi32>], vector<16xf32>,
          %get3A_350 = arith.constant 12 : i32
          %get3A_351 = arith.index_cast %get3A_350 : i32 to index
          %get3A_352 = arith.index_cast %add3A_256 : i32 to index
          %get3A_353 = tpu.vector_load %arg6[%get3A_351, %get3A_352] {strides = array<i32>} : memref<16x1920xf32, #tpu.memory_space<vmem>>, vector<16xf32>,
          %add3A_354 = arith.constant 12 : i32
          %add3A_355 = vector.broadcast %add3A_354 : i32 to vector<16xi32>
          %add3A_356 = arith.addi %mul3A_266, %add3A_355 : vector<16xi32>
          tpu.vector_store_idx %arg8[%shift_right_logical3A_260, %add3A_356], %get3A_353 : memref<240x128xf32, #tpu.memory_space<vmem>>[vector<16xi32>, vector<16xi32>], vector<16xf32>,
          %get3A_357 = arith.constant 13 : i32
          %get3A_358 = arith.index_cast %get3A_357 : i32 to index
          %get3A_359 = arith.index_cast %add3A_256 : i32 to index
          %get3A_360 = tpu.vector_load %arg6[%get3A_358, %get3A_359] {strides = array<i32>} : memref<16x1920xf32, #tpu.memory_space<vmem>>, vector<16xf32>,
          %add3A_361 = arith.constant 13 : i32
          %add3A_362 = vector.broadcast %add3A_361 : i32 to vector<16xi32>
          %add3A_363 = arith.addi %mul3A_266, %add3A_362 : vector<16xi32>
          tpu.vector_store_idx %arg8[%shift_right_logical3A_260, %add3A_363], %get3A_360 : memref<240x128xf32, #tpu.memory_space<vmem>>[vector<16xi32>, vector<16xi32>], vector<16xf32>,
          %get3A_364 = arith.constant 14 : i32
          %get3A_365 = arith.index_cast %get3A_364 : i32 to index
          %get3A_366 = arith.index_cast %add3A_256 : i32 to index
          %get3A_367 = tpu.vector_load %arg6[%get3A_365, %get3A_366] {strides = array<i32>} : memref<16x1920xf32, #tpu.memory_space<vmem>>, vector<16xf32>,
          %add3A_368 = arith.constant 14 : i32
          %add3A_369 = vector.broadcast %add3A_368 : i32 to vector<16xi32>
          %add3A_370 = arith.addi %mul3A_266, %add3A_369 : vector<16xi32>
          tpu.vector_store_idx %arg8[%shift_right_logical3A_260, %add3A_370], %get3A_367 : memref<240x128xf32, #tpu.memory_space<vmem>>[vector<16xi32>, vector<16xi32>], vector<16xf32>,
          %get3A_371 = arith.constant 15 : i32
          %get3A_372 = arith.index_cast %get3A_371 : i32 to index
          %get3A_373 = arith.index_cast %add3A_256 : i32 to index
          %get3A_374 = tpu.vector_load %arg6[%get3A_372, %get3A_373] {strides = array<i32>} : memref<16x1920xf32, #tpu.memory_space<vmem>>, vector<16xf32>,
          %add3A_375 = arith.constant 15 : i32
          %add3A_376 = vector.broadcast %add3A_375 : i32 to vector<16xi32>
          %add3A_377 = arith.addi %mul3A_266, %add3A_376 : vector<16xi32>
          tpu.vector_store_idx %arg8[%shift_right_logical3A_260, %add3A_377], %get3A_374 : memref<240x128xf32, #tpu.memory_space<vmem>>[vector<16xi32>, vector<16xi32>], vector<16xf32>,
        }
        %scan3A_196 = arith.constant 120 : i32
        %jit3A_197 = arith.constant 52 : i32
        %div3A_198 = arith.divsi %add3A_134, %jit3A_197 : i32
        %sign3A_199 = arith.constant 0 : i32
        %sign3A_200 = arith.cmpi sgt, %add3A_134, %sign3A_199 : i32
        %sign3A_201 = arith.extui %sign3A_200 : i1 to i32
        %sign3A_202 = arith.constant 0 : i32
        %sign3A_203 = arith.cmpi slt, %add3A_134, %sign3A_202 : i32
        %sign3A_204 = arith.extui %sign3A_203 : i1 to i32
        %sign3A_205 = arith.subi %sign3A_201, %sign3A_204 : i32
        %sign3A_206 = arith.constant 0 : i32
        %sign3A_207 = arith.cmpi sgt, %jit3A_197, %sign3A_206 : i32
        %sign3A_208 = arith.extui %sign3A_207 : i1 to i32
        %sign3A_209 = arith.constant 0 : i32
        %sign3A_210 = arith.cmpi slt, %jit3A_197, %sign3A_209 : i32
        %sign3A_211 = arith.extui %sign3A_210 : i1 to i32
        %sign3A_212 = arith.subi %sign3A_208, %sign3A_211 : i32
        %ne3A_213 = arith.cmpi ne, %sign3A_205, %sign3A_212 : i32
        %rem3A_214 = arith.remsi %add3A_134, %jit3A_197 : i32
        %ne3A_215 = arith.constant 0 : i32
        %ne3A_216 = arith.cmpi ne, %rem3A_214, %ne3A_215 : i32
        %and3A_217 = arith.andi %ne3A_213, %ne3A_216 : i1
        %sub3A_218 = arith.constant 1 : i32
        %sub3A_219 = arith.subi %div3A_198, %sub3A_218 : i32
        %select_n3A_220 = arith.select %and3A_217, %sub3A_219, %div3A_198 : i32
        %jit3A_221 = arith.constant 52 : i32
        %eq3A_222 = arith.constant 0 : i32
        %eq3A_223 = arith.cmpi eq, %jit3A_221, %eq3A_222 : i32
        %jit3A_224 = arith.constant 1 : i32
        %select_n3A_225 = arith.select %eq3A_223, %jit3A_224, %jit3A_221 : i32
        %rem3A_226 = arith.remsi %add3A_134, %select_n3A_225 : i32
        %ne3A_227 = arith.constant 0 : i32
        %ne3A_228 = arith.cmpi ne, %rem3A_226, %ne3A_227 : i32
        %lt3A_229 = arith.constant 0 : i32
        %lt3A_230 = arith.cmpi slt, %rem3A_226, %lt3A_229 : i32
        %lt3A_231 = arith.constant 0 : i32
        %lt3A_232 = arith.cmpi slt, %select_n3A_225, %lt3A_231 : i32
        %ne3A_233 = arith.xori %lt3A_230, %lt3A_232 : i1
        %and3A_234 = arith.andi %ne3A_233, %ne3A_228 : i1
        %add3A_235 = arith.addi %rem3A_226, %select_n3A_225 : i32
        %select_n3A_236 = arith.select %and3A_234, %add3A_235, %rem3A_226 : i32
        %mul3A_237 = arith.constant 240 : i32
        %mul3A_238 = arith.muli %select_n3A_236, %mul3A_237 : i32
        %multiple_of3A_239 = tpu.assume_multiple %mul3A_238, 240 : i32
        %dma_start3A = arith.constant 0 : i32
        %dma_start3A_240 = tpu.memref_slice %arg4[%select_n3A_220, %multiple_of3A_239, %dma_start3A] : memref<26x12500x128xf32, #tpu.memory_space<hbm>> -> memref<1x240x128xf32, #tpu.memory_space<hbm>>
        %dma_start3A_241 = tpu.memref_squeeze %dma_start3A_240 : memref<1x240x128xf32, #tpu.memory_space<hbm>> -> memref<240x128xf32, #tpu.memory_space<hbm>>
        %dma_start3A_242 = arith.constant 0 : i32
        %dma_start3A_243 = tpu.memref_slice %arg4[%select_n3A_220, %multiple_of3A_239, %dma_start3A_242] : memref<26x12500x128xf32, #tpu.memory_space<hbm>> -> memref<1x240x128xf32, #tpu.memory_space<hbm>>
        %dma_start3A_244 = tpu.memref_squeeze %dma_start3A_243 : memref<1x240x128xf32, #tpu.memory_space<hbm>> -> memref<240x128xf32, #tpu.memory_space<hbm>>
        tpu.enqueue_dma source(%arg8 : memref<240x128xf32, #tpu.memory_space<vmem>>) target(%dma_start3A_244 : memref<240x128xf32, #tpu.memory_space<hbm>>) target_semaphore(%arg12 : memref<!tpu.dma_semaphore, #tpu.memory_space<semaphore_mem>>)
        %add3A_245 = arith.constant 64 : i32
        %add3A_246 = arith.addi %add3A_134, %add3A_245 : i32
        %lt3A_247 = arith.constant 1352 : i32
        %lt3A_248 = arith.cmpi slt, %add3A_246, %lt3A_247 : i32
        %convert_element_type3A_249 = arith.extui %lt3A_248 : i1 to i32
        %cond3A_250 = arith.constant 0 : i32
        %cond3A_251 = arith.cmpi ne, %convert_element_type3A_249, %cond3A_250 : i32
        scf.if %cond3A_251 {
          %add3A_252 = arith.constant 64 : i32
          %add3A_253 = arith.addi %add3A_134, %add3A_252 : i32
          %jit3A_254 = arith.constant 52 : i32
          %div3A_255 = arith.divsi %add3A_253, %jit3A_254 : i32
          %sign3A_256 = arith.constant 0 : i32
          %sign3A_257 = arith.cmpi sgt, %add3A_253, %sign3A_256 : i32
          %sign3A_258 = arith.extui %sign3A_257 : i1 to i32
          %sign3A_259 = arith.constant 0 : i32
          %sign3A_260 = arith.cmpi slt, %add3A_253, %sign3A_259 : i32
          %sign3A_261 = arith.extui %sign3A_260 : i1 to i32
          %sign3A_262 = arith.subi %sign3A_258, %sign3A_261 : i32
          %sign3A_263 = arith.constant 0 : i32
          %sign3A_264 = arith.cmpi sgt, %jit3A_254, %sign3A_263 : i32
          %sign3A_265 = arith.extui %sign3A_264 : i1 to i32
          %sign3A_266 = arith.constant 0 : i32
          %sign3A_267 = arith.cmpi slt, %jit3A_254, %sign3A_266 : i32
          %sign3A_268 = arith.extui %sign3A_267 : i1 to i32
          %sign3A_269 = arith.subi %sign3A_265, %sign3A_268 : i32
          %ne3A_270 = arith.cmpi ne, %sign3A_262, %sign3A_269 : i32
          %rem3A_271 = arith.remsi %add3A_253, %jit3A_254 : i32
          %ne3A_272 = arith.constant 0 : i32
          %ne3A_273 = arith.cmpi ne, %rem3A_271, %ne3A_272 : i32
          %and3A_274 = arith.andi %ne3A_270, %ne3A_273 : i1
          %sub3A_275 = arith.constant 1 : i32
          %sub3A_276 = arith.subi %div3A_255, %sub3A_275 : i32
          %select_n3A_277 = arith.select %and3A_274, %sub3A_276, %div3A_255 : i32
          %jit3A_278 = arith.constant 52 : i32
          %eq3A_279 = arith.constant 0 : i32
          %eq3A_280 = arith.cmpi eq, %jit3A_278, %eq3A_279 : i32
          %jit3A_281 = arith.constant 1 : i32
          %select_n3A_282 = arith.select %eq3A_280, %jit3A_281, %jit3A_278 : i32
          %rem3A_283 = arith.remsi %add3A_253, %select_n3A_282 : i32
          %ne3A_284 = arith.constant 0 : i32
          %ne3A_285 = arith.cmpi ne, %rem3A_283, %ne3A_284 : i32
          %lt3A_286 = arith.constant 0 : i32
          %lt3A_287 = arith.cmpi slt, %rem3A_283, %lt3A_286 : i32
          %lt3A_288 = arith.constant 0 : i32
          %lt3A_289 = arith.cmpi slt, %select_n3A_282, %lt3A_288 : i32
          %ne3A_290 = arith.xori %lt3A_287, %lt3A_289 : i1
          %and3A_291 = arith.andi %ne3A_290, %ne3A_285 : i1
          %add3A_292 = arith.addi %rem3A_283, %select_n3A_282 : i32
          %select_n3A_293 = arith.select %and3A_291, %add3A_292, %rem3A_283 : i32
          %mul3A_294 = arith.constant 1920 : i32
          %mul3A_295 = arith.muli %select_n3A_293, %mul3A_294 : i32
          %multiple_of3A_296 = tpu.assume_multiple %mul3A_295, 1920 : i32
          %dma_start3A_297 = arith.constant 0 : i32
          %dma_start3A_298 = tpu.memref_slice %arg2[%select_n3A_277, %dma_start3A_297, %multiple_of3A_296] : memref<26x16x100000xf32, #tpu.memory_space<hbm>> -> memref<1x16x1920xf32, #tpu.memory_space<hbm>>
          %dma_start3A_299 = tpu.memref_squeeze %dma_start3A_298 : memref<1x16x1920xf32, #tpu.memory_space<hbm>> -> memref<16x1920xf32, #tpu.memory_space<hbm>>
          %dma_start3A_300 = arith.constant 0 : i32
          %dma_start3A_301 = tpu.memref_slice %arg2[%select_n3A_277, %dma_start3A_300, %multiple_of3A_296] : memref<26x16x100000xf32, #tpu.memory_space<hbm>> -> memref<1x16x1920xf32, #tpu.memory_space<hbm>>
          %dma_start3A_302 = tpu.memref_squeeze %dma_start3A_301 : memref<1x16x1920xf32, #tpu.memory_space<hbm>> -> memref<16x1920xf32, #tpu.memory_space<hbm>>
          tpu.enqueue_dma source(%dma_start3A_302 : memref<16x1920xf32, #tpu.memory_space<hbm>>) target(%arg6 : memref<16x1920xf32, #tpu.memory_space<vmem>>) target_semaphore(%arg10 : memref<!tpu.dma_semaphore, #tpu.memory_space<semaphore_mem>>)
        } else {
        }
      } else {
      }
    }
    %scan3A_15 = arith.constant 22 : i32
    %sub3A = arith.constant 1351 : i32
    %sub3A_16 = arith.subi %sub3A, %add3A : i32
    %jit3A = arith.constant 32 : i32
    %div3A = arith.divsi %sub3A_16, %jit3A : i32
    %sign3A = arith.constant 0 : i32
    %sign3A_17 = arith.cmpi sgt, %sub3A_16, %sign3A : i32
    %sign3A_18 = arith.extui %sign3A_17 : i1 to i32
    %sign3A_19 = arith.constant 0 : i32
    %sign3A_20 = arith.cmpi slt, %sub3A_16, %sign3A_19 : i32
    %sign3A_21 = arith.extui %sign3A_20 : i1 to i32
    %sign3A_22 = arith.subi %sign3A_18, %sign3A_21 : i32
    %sign3A_23 = arith.constant 0 : i32
    %sign3A_24 = arith.cmpi sgt, %jit3A, %sign3A_23 : i32
    %sign3A_25 = arith.extui %sign3A_24 : i1 to i32
    %sign3A_26 = arith.constant 0 : i32
    %sign3A_27 = arith.cmpi slt, %jit3A, %sign3A_26 : i32
    %sign3A_28 = arith.extui %sign3A_27 : i1 to i32
    %sign3A_29 = arith.subi %sign3A_25, %sign3A_28 : i32
    %ne3A = arith.cmpi ne, %sign3A_22, %sign3A_29 : i32
    %rem3A = arith.remsi %sub3A_16, %jit3A : i32
    %ne3A_30 = arith.constant 0 : i32
    %ne3A_31 = arith.cmpi ne, %rem3A, %ne3A_30 : i32
    %and3A = arith.andi %ne3A, %ne3A_31 : i1
    %sub3A_32 = arith.constant 1 : i32
    %sub3A_33 = arith.subi %div3A, %sub3A_32 : i32
    %select_n3A = arith.select %and3A, %sub3A_33, %div3A : i32
    %sub3A_34 = arith.constant 0 : i32
    %sub3A_35 = arith.subi %select_n3A, %sub3A_34 : i32
    %jit3A_36 = arith.constant 2 : i32
    %eq3A = arith.constant 0 : i32
    %eq3A_37 = arith.cmpi eq, %jit3A_36, %eq3A : i32
    %jit3A_38 = arith.constant 1 : i32
    %select_n3A_39 = arith.select %eq3A_37, %jit3A_38, %jit3A_36 : i32
    %rem3A_40 = arith.remsi %sub3A_35, %select_n3A_39 : i32
    %ne3A_41 = arith.constant 0 : i32
    %ne3A_42 = arith.cmpi ne, %rem3A_40, %ne3A_41 : i32
    %lt3A_43 = arith.constant 0 : i32
    %lt3A_44 = arith.cmpi slt, %rem3A_40, %lt3A_43 : i32
    %lt3A_45 = arith.constant 0 : i32
    %lt3A_46 = arith.cmpi slt, %select_n3A_39, %lt3A_45 : i32
    %ne3A_47 = arith.xori %lt3A_44, %lt3A_46 : i1
    %and3A_48 = arith.andi %ne3A_47, %ne3A_42 : i1
    %add3A_49 = arith.addi %rem3A_40, %select_n3A_39 : i32
    %select_n3A_50 = arith.select %and3A_48, %add3A_49, %rem3A_40 : i32
    %sub3A_51 = arith.subi %select_n3A, %select_n3A_50 : i32
    %ge3A = arith.constant 0 : i32
    %ge3A_52 = arith.cmpi sge, %sub3A_51, %ge3A : i32
    %convert_element_type3A_53 = arith.extui %ge3A_52 : i1 to i32
    %cond3A_54 = arith.constant 0 : i32
    %cond3A_55 = arith.cmpi ne, %convert_element_type3A_53, %cond3A_54 : i32
    scf.if %cond3A_55 {
      %mul3A_115 = arith.constant 32 : i32
      %mul3A_116 = arith.muli %sub3A_51, %mul3A_115 : i32
      %add3A_117 = arith.addi %add3A, %mul3A_116 : i32
      %jit3A_118 = arith.constant 52 : i32
      %div3A_119 = arith.divsi %add3A_117, %jit3A_118 : i32
      %sign3A_120 = arith.constant 0 : i32
      %sign3A_121 = arith.cmpi sgt, %add3A_117, %sign3A_120 : i32
      %sign3A_122 = arith.extui %sign3A_121 : i1 to i32
      %sign3A_123 = arith.constant 0 : i32
      %sign3A_124 = arith.cmpi slt, %add3A_117, %sign3A_123 : i32
      %sign3A_125 = arith.extui %sign3A_124 : i1 to i32
      %sign3A_126 = arith.subi %sign3A_122, %sign3A_125 : i32
      %sign3A_127 = arith.constant 0 : i32
      %sign3A_128 = arith.cmpi sgt, %jit3A_118, %sign3A_127 : i32
      %sign3A_129 = arith.extui %sign3A_128 : i1 to i32
      %sign3A_130 = arith.constant 0 : i32
      %sign3A_131 = arith.cmpi slt, %jit3A_118, %sign3A_130 : i32
      %sign3A_132 = arith.extui %sign3A_131 : i1 to i32
      %sign3A_133 = arith.subi %sign3A_129, %sign3A_132 : i32
      %ne3A_134 = arith.cmpi ne, %sign3A_126, %sign3A_133 : i32
      %rem3A_135 = arith.remsi %add3A_117, %jit3A_118 : i32
      %ne3A_136 = arith.constant 0 : i32
      %ne3A_137 = arith.cmpi ne, %rem3A_135, %ne3A_136 : i32
      %and3A_138 = arith.andi %ne3A_134, %ne3A_137 : i1
      %sub3A_139 = arith.constant 1 : i32
      %sub3A_140 = arith.subi %div3A_119, %sub3A_139 : i32
      %select_n3A_141 = arith.select %and3A_138, %sub3A_140, %div3A_119 : i32
      %jit3A_142 = arith.constant 52 : i32
      %eq3A_143 = arith.constant 0 : i32
      %eq3A_144 = arith.cmpi eq, %jit3A_142, %eq3A_143 : i32
      %jit3A_145 = arith.constant 1 : i32
      %select_n3A_146 = arith.select %eq3A_144, %jit3A_145, %jit3A_142 : i32
      %rem3A_147 = arith.remsi %add3A_117, %select_n3A_146 : i32
      %ne3A_148 = arith.constant 0 : i32
      %ne3A_149 = arith.cmpi ne, %rem3A_147, %ne3A_148 : i32
      %lt3A_150 = arith.constant 0 : i32
      %lt3A_151 = arith.cmpi slt, %rem3A_147, %lt3A_150 : i32
      %lt3A_152 = arith.constant 0 : i32
      %lt3A_153 = arith.cmpi slt, %select_n3A_146, %lt3A_152 : i32
      %ne3A_154 = arith.xori %lt3A_151, %lt3A_153 : i1
      %and3A_155 = arith.andi %ne3A_154, %ne3A_149 : i1
      %add3A_156 = arith.addi %rem3A_147, %select_n3A_146 : i32
      %select_n3A_157 = arith.select %and3A_155, %add3A_156, %rem3A_147 : i32
      %mul3A_158 = arith.constant 240 : i32
      %mul3A_159 = arith.muli %select_n3A_157, %mul3A_158 : i32
      %multiple_of3A = tpu.assume_multiple %mul3A_159, 240 : i32
      %dma_wait3A = arith.constant 0 : i32
      %dma_wait3A_160 = tpu.memref_slice %arg4[%select_n3A_141, %multiple_of3A, %dma_wait3A] : memref<26x12500x128xf32, #tpu.memory_space<hbm>> -> memref<1x240x128xf32, #tpu.memory_space<hbm>>
      %dma_wait3A_161 = tpu.memref_squeeze %dma_wait3A_160 : memref<1x240x128xf32, #tpu.memory_space<hbm>> -> memref<240x128xf32, #tpu.memory_space<hbm>>
      %dma_wait3A_162 = arith.constant 0 : i32
      %dma_wait3A_163 = tpu.memref_slice %arg4[%select_n3A_141, %multiple_of3A, %dma_wait3A_162] : memref<26x12500x128xf32, #tpu.memory_space<hbm>> -> memref<1x240x128xf32, #tpu.memory_space<hbm>>
      %dma_wait3A_164 = tpu.memref_squeeze %dma_wait3A_163 : memref<1x240x128xf32, #tpu.memory_space<hbm>> -> memref<240x128xf32, #tpu.memory_space<hbm>>
      tpu.wait_dma2 semaphore(%arg11 : memref<!tpu.dma_semaphore, #tpu.memory_space<semaphore_mem>>) src(%arg7 : memref<240x128xf32, #tpu.memory_space<vmem>>) dst(%dma_wait3A_164 : memref<240x128xf32, #tpu.memory_space<hbm>>)
    } else {
    }
    %sub3A_56 = arith.constant 1 : i32
    %sub3A_57 = arith.subi %select_n3A, %sub3A_56 : i32
    %jit3A_58 = arith.constant 2 : i32
    %eq3A_59 = arith.constant 0 : i32
    %eq3A_60 = arith.cmpi eq, %jit3A_58, %eq3A_59 : i32
    %jit3A_61 = arith.constant 1 : i32
    %select_n3A_62 = arith.select %eq3A_60, %jit3A_61, %jit3A_58 : i32
    %rem3A_63 = arith.remsi %sub3A_57, %select_n3A_62 : i32
    %ne3A_64 = arith.constant 0 : i32
    %ne3A_65 = arith.cmpi ne, %rem3A_63, %ne3A_64 : i32
    %lt3A_66 = arith.constant 0 : i32
    %lt3A_67 = arith.cmpi slt, %rem3A_63, %lt3A_66 : i32
    %lt3A_68 = arith.constant 0 : i32
    %lt3A_69 = arith.cmpi slt, %select_n3A_62, %lt3A_68 : i32
    %ne3A_70 = arith.xori %lt3A_67, %lt3A_69 : i1
    %and3A_71 = arith.andi %ne3A_70, %ne3A_65 : i1
    %add3A_72 = arith.addi %rem3A_63, %select_n3A_62 : i32
    %select_n3A_73 = arith.select %and3A_71, %add3A_72, %rem3A_63 : i32
    %sub3A_74 = arith.subi %select_n3A, %select_n3A_73 : i32
    %ge3A_75 = arith.constant 0 : i32
    %ge3A_76 = arith.cmpi sge, %sub3A_74, %ge3A_75 : i32
    %convert_element_type3A_77 = arith.extui %ge3A_76 : i1 to i32
    %cond3A_78 = arith.constant 0 : i32
    %cond3A_79 = arith.cmpi ne, %convert_element_type3A_77, %cond3A_78 : i32
    scf.if %cond3A_79 {
      %mul3A_115 = arith.constant 32 : i32
      %mul3A_116 = arith.muli %sub3A_74, %mul3A_115 : i32
      %add3A_117 = arith.addi %add3A, %mul3A_116 : i32
      %jit3A_118 = arith.constant 52 : i32
      %div3A_119 = arith.divsi %add3A_117, %jit3A_118 : i32
      %sign3A_120 = arith.constant 0 : i32
      %sign3A_121 = arith.cmpi sgt, %add3A_117, %sign3A_120 : i32
      %sign3A_122 = arith.extui %sign3A_121 : i1 to i32
      %sign3A_123 = arith.constant 0 : i32
      %sign3A_124 = arith.cmpi slt, %add3A_117, %sign3A_123 : i32
      %sign3A_125 = arith.extui %sign3A_124 : i1 to i32
      %sign3A_126 = arith.subi %sign3A_122, %sign3A_125 : i32
      %sign3A_127 = arith.constant 0 : i32
      %sign3A_128 = arith.cmpi sgt, %jit3A_118, %sign3A_127 : i32
      %sign3A_129 = arith.extui %sign3A_128 : i1 to i32
      %sign3A_130 = arith.constant 0 : i32
      %sign3A_131 = arith.cmpi slt, %jit3A_118, %sign3A_130 : i32
      %sign3A_132 = arith.extui %sign3A_131 : i1 to i32
      %sign3A_133 = arith.subi %sign3A_129, %sign3A_132 : i32
      %ne3A_134 = arith.cmpi ne, %sign3A_126, %sign3A_133 : i32
      %rem3A_135 = arith.remsi %add3A_117, %jit3A_118 : i32
      %ne3A_136 = arith.constant 0 : i32
      %ne3A_137 = arith.cmpi ne, %rem3A_135, %ne3A_136 : i32
      %and3A_138 = arith.andi %ne3A_134, %ne3A_137 : i1
      %sub3A_139 = arith.constant 1 : i32
      %sub3A_140 = arith.subi %div3A_119, %sub3A_139 : i32
      %select_n3A_141 = arith.select %and3A_138, %sub3A_140, %div3A_119 : i32
      %jit3A_142 = arith.constant 52 : i32
      %eq3A_143 = arith.constant 0 : i32
      %eq3A_144 = arith.cmpi eq, %jit3A_142, %eq3A_143 : i32
      %jit3A_145 = arith.constant 1 : i32
      %select_n3A_146 = arith.select %eq3A_144, %jit3A_145, %jit3A_142 : i32
      %rem3A_147 = arith.remsi %add3A_117, %select_n3A_146 : i32
      %ne3A_148 = arith.constant 0 : i32
      %ne3A_149 = arith.cmpi ne, %rem3A_147, %ne3A_148 : i32
      %lt3A_150 = arith.constant 0 : i32
      %lt3A_151 = arith.cmpi slt, %rem3A_147, %lt3A_150 : i32
      %lt3A_152 = arith.constant 0 : i32
      %lt3A_153 = arith.cmpi slt, %select_n3A_146, %lt3A_152 : i32
      %ne3A_154 = arith.xori %lt3A_151, %lt3A_153 : i1
      %and3A_155 = arith.andi %ne3A_154, %ne3A_149 : i1
      %add3A_156 = arith.addi %rem3A_147, %select_n3A_146 : i32
      %select_n3A_157 = arith.select %and3A_155, %add3A_156, %rem3A_147 : i32
      %mul3A_158 = arith.constant 240 : i32
      %mul3A_159 = arith.muli %select_n3A_157, %mul3A_158 : i32
      %multiple_of3A = tpu.assume_multiple %mul3A_159, 240 : i32
      %dma_wait3A = arith.constant 0 : i32
      %dma_wait3A_160 = tpu.memref_slice %arg4[%select_n3A_141, %multiple_of3A, %dma_wait3A] : memref<26x12500x128xf32, #tpu.memory_space<hbm>> -> memref<1x240x128xf32, #tpu.memory_space<hbm>>
      %dma_wait3A_161 = tpu.memref_squeeze %dma_wait3A_160 : memref<1x240x128xf32, #tpu.memory_space<hbm>> -> memref<240x128xf32, #tpu.memory_space<hbm>>
      %dma_wait3A_162 = arith.constant 0 : i32
      %dma_wait3A_163 = tpu.memref_slice %arg4[%select_n3A_141, %multiple_of3A, %dma_wait3A_162] : memref<26x12500x128xf32, #tpu.memory_space<hbm>> -> memref<1x240x128xf32, #tpu.memory_space<hbm>>
      %dma_wait3A_164 = tpu.memref_squeeze %dma_wait3A_163 : memref<1x240x128xf32, #tpu.memory_space<hbm>> -> memref<240x128xf32, #tpu.memory_space<hbm>>
      tpu.wait_dma2 semaphore(%arg12 : memref<!tpu.dma_semaphore, #tpu.memory_space<semaphore_mem>>) src(%arg8 : memref<240x128xf32, #tpu.memory_space<vmem>>) dst(%dma_wait3A_164 : memref<240x128xf32, #tpu.memory_space<hbm>>)
    } else {
    }
    %sub3A_80 = arith.constant 26 : i32
    %sub3A_81 = arith.subi %sub3A_80, %add3A : i32
    %sub3A_82 = arith.constant 32 : i32
    %sub3A_83 = arith.constant 1 : i32
    %sub3A_84 = arith.subi %sub3A_82, %sub3A_83 : i32
    %add3A_85 = arith.addi %sub3A_81, %sub3A_84 : i32
    %div3A_86 = arith.constant 32 : i32
    %div3A_87 = arith.divsi %add3A_85, %div3A_86 : i32
    %while3A = arith.constant 32 : i32
    %while3A_88 = arith.constant 0 : i32
    %while3A_89 = arith.subi %div3A_87, %while3A_88 : i32
    %while3A_90 = arith.addi %while3A_88, %while3A_89 : i32
    %while3A_91 = arith.constant 1 : i32
    %while3A_92 = arith.divsi %while3A_89, %while3A_91 : i32
    %while3A_93 = arith.muli %while3A_92, %while3A_91 : i32
    %while3A_94 = arith.addi %while3A_88, %while3A_93 : i32
    %while3A_95 = arith.constant 1 : i32
    scf.for %while3A_115 = %while3A_88 to %while3A_94 step %while3A_95  : i32 {
      %mul3A_116 = arith.muli %while3A_115, %while3A : i32
      %add3A_117 = arith.addi %add3A, %mul3A_116 : i32
      "tpu.region"() ({
        %run_scoped3A = tpu.sem_alloc : memref<!tpu.dma_semaphore, #tpu.memory_space<semaphore_mem>>
        %dma_start3A = arith.constant 0 : i32
        %dma_start3A_123 = arith.constant 0 : i32
        %dma_start3A_124 = tpu.memref_slice %arg5[%dma_start3A, %dma_start3A_123] : memref<16x1920xf32, #tpu.memory_space<vmem>> -> memref<16x128xf32, #tpu.memory_space<vmem>>
        %dma_start3A_125 = arith.constant 0 : i32
        %dma_start3A_126 = arith.constant 99840 : i32
        %dma_start3A_127 = tpu.memref_slice %arg2[%add3A_117, %dma_start3A_125, %dma_start3A_126] : memref<26x16x100000xf32, #tpu.memory_space<hbm>> -> memref<1x16x128xf32, #tpu.memory_space<hbm>>
        %dma_start3A_128 = tpu.memref_squeeze %dma_start3A_127 : memref<1x16x128xf32, #tpu.memory_space<hbm>> -> memref<16x128xf32, #tpu.memory_space<hbm>>
        %dma_start3A_129 = arith.constant 0 : i32
        %dma_start3A_130 = arith.constant 0 : i32
        %dma_start3A_131 = tpu.memref_slice %arg5[%dma_start3A_129, %dma_start3A_130] : memref<16x1920xf32, #tpu.memory_space<vmem>> -> memref<16x128xf32, #tpu.memory_space<vmem>>
        %dma_start3A_132 = arith.constant 0 : i32
        %dma_start3A_133 = arith.constant 99840 : i32
        %dma_start3A_134 = tpu.memref_slice %arg2[%add3A_117, %dma_start3A_132, %dma_start3A_133] : memref<26x16x100000xf32, #tpu.memory_space<hbm>> -> memref<1x16x128xf32, #tpu.memory_space<hbm>>
        %dma_start3A_135 = tpu.memref_squeeze %dma_start3A_134 : memref<1x16x128xf32, #tpu.memory_space<hbm>> -> memref<16x128xf32, #tpu.memory_space<hbm>>
        tpu.enqueue_dma source(%dma_start3A_135 : memref<16x128xf32, #tpu.memory_space<hbm>>) target(%dma_start3A_131 : memref<16x128xf32, #tpu.memory_space<vmem>>) target_semaphore(%run_scoped3A : memref<!tpu.dma_semaphore, #tpu.memory_space<semaphore_mem>>)
        %dma_wait3A = arith.constant 0 : i32
        %dma_wait3A_136 = arith.constant 0 : i32
        %dma_wait3A_137 = tpu.memref_slice %arg5[%dma_wait3A, %dma_wait3A_136] : memref<16x1920xf32, #tpu.memory_space<vmem>> -> memref<16x128xf32, #tpu.memory_space<vmem>>
        %dma_wait3A_138 = arith.constant 0 : i32
        %dma_wait3A_139 = arith.constant 99840 : i32
        %dma_wait3A_140 = tpu.memref_slice %arg2[%add3A_117, %dma_wait3A_138, %dma_wait3A_139] : memref<26x16x100000xf32, #tpu.memory_space<hbm>> -> memref<1x16x128xf32, #tpu.memory_space<hbm>>
        %dma_wait3A_141 = tpu.memref_squeeze %dma_wait3A_140 : memref<1x16x128xf32, #tpu.memory_space<hbm>> -> memref<16x128xf32, #tpu.memory_space<hbm>>
        %dma_wait3A_142 = arith.constant 0 : i32
        %dma_wait3A_143 = arith.constant 0 : i32
        %dma_wait3A_144 = tpu.memref_slice %arg5[%dma_wait3A_142, %dma_wait3A_143] : memref<16x1920xf32, #tpu.memory_space<vmem>> -> memref<16x128xf32, #tpu.memory_space<vmem>>
        %dma_wait3A_145 = arith.constant 0 : i32
        %dma_wait3A_146 = arith.constant 99840 : i32
        %dma_wait3A_147 = tpu.memref_slice %arg2[%add3A_117, %dma_wait3A_145, %dma_wait3A_146] : memref<26x16x100000xf32, #tpu.memory_space<hbm>> -> memref<1x16x128xf32, #tpu.memory_space<hbm>>
        %dma_wait3A_148 = tpu.memref_squeeze %dma_wait3A_147 : memref<1x16x128xf32, #tpu.memory_space<hbm>> -> memref<16x128xf32, #tpu.memory_space<hbm>>
        tpu.wait_dma2 semaphore(%run_scoped3A : memref<!tpu.dma_semaphore, #tpu.memory_space<semaphore_mem>>) src(%dma_wait3A_148 : memref<16x128xf32, #tpu.memory_space<hbm>>) dst(%dma_wait3A_144 : memref<16x128xf32, #tpu.memory_space<vmem>>)
        tpu.yield
      }) : () -> ()
      %scan3A_118 = arith.constant 0 : i32
      %scan3A_119 = arith.constant 8 : i32
      %scan3A_120 = arith.addi %scan3A_118, %scan3A_119 : i32
      %scan3A_121 = arith.constant 1 : i32
      scf.for %scan3A_123 = %scan3A_118 to %scan3A_120 step %scan3A_121  : i32 {
        %mul3A_124 = arith.constant 16 : i32
        %mul3A_125 = arith.muli %scan3A_123, %mul3A_124 : i32
        %add3A_126 = arith.constant 0 : i32
        %add3A_127 = arith.addi %add3A_126, %mul3A_125 : i32
        %iota3A = tpu.iota {dimensions = array<i32: 0>} : vector<16xi32>
        %add3A_128 = vector.broadcast %add3A_127 : i32 to vector<16xi32>
        %add3A_129 = arith.addi %iota3A, %add3A_128 : vector<16xi32>
        %shift_right_logical3A = arith.constant 3 : i32
        %shift_right_logical3A_130 = vector.broadcast %shift_right_logical3A : i32 to vector<16xi32>
        %shift_right_logical3A_131 = arith.shrui %add3A_129, %shift_right_logical3A_130 : vector<16xi32>
        %and3A_132 = arith.constant 7 : i32
        %and3A_133 = vector.broadcast %and3A_132 : i32 to vector<16xi32>
        %and3A_134 = arith.andi %add3A_129, %and3A_133 : vector<16xi32>
        %mul3A_135 = arith.constant 16 : i32
        %mul3A_136 = vector.broadcast %mul3A_135 : i32 to vector<16xi32>
        %mul3A_137 = arith.muli %and3A_134, %mul3A_136 : vector<16xi32>
        %get3A = arith.constant 0 : i32
        %get3A_138 = arith.index_cast %get3A : i32 to index
        %get3A_139 = arith.index_cast %add3A_127 : i32 to index
        %get3A_140 = tpu.vector_load %arg5[%get3A_138, %get3A_139] {strides = array<i32>} : memref<16x1920xf32, #tpu.memory_space<vmem>>, vector<16xf32>,
        %add3A_141 = arith.constant 0 : i32
        %add3A_142 = vector.broadcast %add3A_141 : i32 to vector<16xi32>
        %add3A_143 = arith.addi %mul3A_137, %add3A_142 : vector<16xi32>
        tpu.vector_store_idx %arg7[%shift_right_logical3A_131, %add3A_143], %get3A_140 : memref<240x128xf32, #tpu.memory_space<vmem>>[vector<16xi32>, vector<16xi32>], vector<16xf32>,
        %get3A_144 = arith.constant 1 : i32
        %get3A_145 = arith.index_cast %get3A_144 : i32 to index
        %get3A_146 = arith.index_cast %add3A_127 : i32 to index
        %get3A_147 = tpu.vector_load %arg5[%get3A_145, %get3A_146] {strides = array<i32>} : memref<16x1920xf32, #tpu.memory_space<vmem>>, vector<16xf32>,
        %add3A_148 = arith.constant 1 : i32
        %add3A_149 = vector.broadcast %add3A_148 : i32 to vector<16xi32>
        %add3A_150 = arith.addi %mul3A_137, %add3A_149 : vector<16xi32>
        tpu.vector_store_idx %arg7[%shift_right_logical3A_131, %add3A_150], %get3A_147 : memref<240x128xf32, #tpu.memory_space<vmem>>[vector<16xi32>, vector<16xi32>], vector<16xf32>,
        %get3A_151 = arith.constant 2 : i32
        %get3A_152 = arith.index_cast %get3A_151 : i32 to index
        %get3A_153 = arith.index_cast %add3A_127 : i32 to index
        %get3A_154 = tpu.vector_load %arg5[%get3A_152, %get3A_153] {strides = array<i32>} : memref<16x1920xf32, #tpu.memory_space<vmem>>, vector<16xf32>,
        %add3A_155 = arith.constant 2 : i32
        %add3A_156 = vector.broadcast %add3A_155 : i32 to vector<16xi32>
        %add3A_157 = arith.addi %mul3A_137, %add3A_156 : vector<16xi32>
        tpu.vector_store_idx %arg7[%shift_right_logical3A_131, %add3A_157], %get3A_154 : memref<240x128xf32, #tpu.memory_space<vmem>>[vector<16xi32>, vector<16xi32>], vector<16xf32>,
        %get3A_158 = arith.constant 3 : i32
        %get3A_159 = arith.index_cast %get3A_158 : i32 to index
        %get3A_160 = arith.index_cast %add3A_127 : i32 to index
        %get3A_161 = tpu.vector_load %arg5[%get3A_159, %get3A_160] {strides = array<i32>} : memref<16x1920xf32, #tpu.memory_space<vmem>>, vector<16xf32>,
        %add3A_162 = arith.constant 3 : i32
        %add3A_163 = vector.broadcast %add3A_162 : i32 to vector<16xi32>
        %add3A_164 = arith.addi %mul3A_137, %add3A_163 : vector<16xi32>
        tpu.vector_store_idx %arg7[%shift_right_logical3A_131, %add3A_164], %get3A_161 : memref<240x128xf32, #tpu.memory_space<vmem>>[vector<16xi32>, vector<16xi32>], vector<16xf32>,
        %get3A_165 = arith.constant 4 : i32
        %get3A_166 = arith.index_cast %get3A_165 : i32 to index
        %get3A_167 = arith.index_cast %add3A_127 : i32 to index
        %get3A_168 = tpu.vector_load %arg5[%get3A_166, %get3A_167] {strides = array<i32>} : memref<16x1920xf32, #tpu.memory_space<vmem>>, vector<16xf32>,
        %add3A_169 = arith.constant 4 : i32
        %add3A_170 = vector.broadcast %add3A_169 : i32 to vector<16xi32>
        %add3A_171 = arith.addi %mul3A_137, %add3A_170 : vector<16xi32>
        tpu.vector_store_idx %arg7[%shift_right_logical3A_131, %add3A_171], %get3A_168 : memref<240x128xf32, #tpu.memory_space<vmem>>[vector<16xi32>, vector<16xi32>], vector<16xf32>,
        %get3A_172 = arith.constant 5 : i32
        %get3A_173 = arith.index_cast %get3A_172 : i32 to index
        %get3A_174 = arith.index_cast %add3A_127 : i32 to index
        %get3A_175 = tpu.vector_load %arg5[%get3A_173, %get3A_174] {strides = array<i32>} : memref<16x1920xf32, #tpu.memory_space<vmem>>, vector<16xf32>,
        %add3A_176 = arith.constant 5 : i32
        %add3A_177 = vector.broadcast %add3A_176 : i32 to vector<16xi32>
        %add3A_178 = arith.addi %mul3A_137, %add3A_177 : vector<16xi32>
        tpu.vector_store_idx %arg7[%shift_right_logical3A_131, %add3A_178], %get3A_175 : memref<240x128xf32, #tpu.memory_space<vmem>>[vector<16xi32>, vector<16xi32>], vector<16xf32>,
        %get3A_179 = arith.constant 6 : i32
        %get3A_180 = arith.index_cast %get3A_179 : i32 to index
        %get3A_181 = arith.index_cast %add3A_127 : i32 to index
        %get3A_182 = tpu.vector_load %arg5[%get3A_180, %get3A_181] {strides = array<i32>} : memref<16x1920xf32, #tpu.memory_space<vmem>>, vector<16xf32>,
        %add3A_183 = arith.constant 6 : i32
        %add3A_184 = vector.broadcast %add3A_183 : i32 to vector<16xi32>
        %add3A_185 = arith.addi %mul3A_137, %add3A_184 : vector<16xi32>
        tpu.vector_store_idx %arg7[%shift_right_logical3A_131, %add3A_185], %get3A_182 : memref<240x128xf32, #tpu.memory_space<vmem>>[vector<16xi32>, vector<16xi32>], vector<16xf32>,
        %get3A_186 = arith.constant 7 : i32
        %get3A_187 = arith.index_cast %get3A_186 : i32 to index
        %get3A_188 = arith.index_cast %add3A_127 : i32 to index
        %get3A_189 = tpu.vector_load %arg5[%get3A_187, %get3A_188] {strides = array<i32>} : memref<16x1920xf32, #tpu.memory_space<vmem>>, vector<16xf32>,
        %add3A_190 = arith.constant 7 : i32
        %add3A_191 = vector.broadcast %add3A_190 : i32 to vector<16xi32>
        %add3A_192 = arith.addi %mul3A_137, %add3A_191 : vector<16xi32>
        tpu.vector_store_idx %arg7[%shift_right_logical3A_131, %add3A_192], %get3A_189 : memref<240x128xf32, #tpu.memory_space<vmem>>[vector<16xi32>, vector<16xi32>], vector<16xf32>,
        %get3A_193 = arith.constant 8 : i32
        %get3A_194 = arith.index_cast %get3A_193 : i32 to index
        %get3A_195 = arith.index_cast %add3A_127 : i32 to index
        %get3A_196 = tpu.vector_load %arg5[%get3A_194, %get3A_195] {strides = array<i32>} : memref<16x1920xf32, #tpu.memory_space<vmem>>, vector<16xf32>,
        %add3A_197 = arith.constant 8 : i32
        %add3A_198 = vector.broadcast %add3A_197 : i32 to vector<16xi32>
        %add3A_199 = arith.addi %mul3A_137, %add3A_198 : vector<16xi32>
        tpu.vector_store_idx %arg7[%shift_right_logical3A_131, %add3A_199], %get3A_196 : memref<240x128xf32, #tpu.memory_space<vmem>>[vector<16xi32>, vector<16xi32>], vector<16xf32>,
        %get3A_200 = arith.constant 9 : i32
        %get3A_201 = arith.index_cast %get3A_200 : i32 to index
        %get3A_202 = arith.index_cast %add3A_127 : i32 to index
        %get3A_203 = tpu.vector_load %arg5[%get3A_201, %get3A_202] {strides = array<i32>} : memref<16x1920xf32, #tpu.memory_space<vmem>>, vector<16xf32>,
        %add3A_204 = arith.constant 9 : i32
        %add3A_205 = vector.broadcast %add3A_204 : i32 to vector<16xi32>
        %add3A_206 = arith.addi %mul3A_137, %add3A_205 : vector<16xi32>
        tpu.vector_store_idx %arg7[%shift_right_logical3A_131, %add3A_206], %get3A_203 : memref<240x128xf32, #tpu.memory_space<vmem>>[vector<16xi32>, vector<16xi32>], vector<16xf32>,
        %get3A_207 = arith.constant 10 : i32
        %get3A_208 = arith.index_cast %get3A_207 : i32 to index
        %get3A_209 = arith.index_cast %add3A_127 : i32 to index
        %get3A_210 = tpu.vector_load %arg5[%get3A_208, %get3A_209] {strides = array<i32>} : memref<16x1920xf32, #tpu.memory_space<vmem>>, vector<16xf32>,
        %add3A_211 = arith.constant 10 : i32
        %add3A_212 = vector.broadcast %add3A_211 : i32 to vector<16xi32>
        %add3A_213 = arith.addi %mul3A_137, %add3A_212 : vector<16xi32>
        tpu.vector_store_idx %arg7[%shift_right_logical3A_131, %add3A_213], %get3A_210 : memref<240x128xf32, #tpu.memory_space<vmem>>[vector<16xi32>, vector<16xi32>], vector<16xf32>,
        %get3A_214 = arith.constant 11 : i32
        %get3A_215 = arith.index_cast %get3A_214 : i32 to index
        %get3A_216 = arith.index_cast %add3A_127 : i32 to index
        %get3A_217 = tpu.vector_load %arg5[%get3A_215, %get3A_216] {strides = array<i32>} : memref<16x1920xf32, #tpu.memory_space<vmem>>, vector<16xf32>,
        %add3A_218 = arith.constant 11 : i32
        %add3A_219 = vector.broadcast %add3A_218 : i32 to vector<16xi32>
        %add3A_220 = arith.addi %mul3A_137, %add3A_219 : vector<16xi32>
        tpu.vector_store_idx %arg7[%shift_right_logical3A_131, %add3A_220], %get3A_217 : memref<240x128xf32, #tpu.memory_space<vmem>>[vector<16xi32>, vector<16xi32>], vector<16xf32>,
        %get3A_221 = arith.constant 12 : i32
        %get3A_222 = arith.index_cast %get3A_221 : i32 to index
        %get3A_223 = arith.index_cast %add3A_127 : i32 to index
        %get3A_224 = tpu.vector_load %arg5[%get3A_222, %get3A_223] {strides = array<i32>} : memref<16x1920xf32, #tpu.memory_space<vmem>>, vector<16xf32>,
        %add3A_225 = arith.constant 12 : i32
        %add3A_226 = vector.broadcast %add3A_225 : i32 to vector<16xi32>
        %add3A_227 = arith.addi %mul3A_137, %add3A_226 : vector<16xi32>
        tpu.vector_store_idx %arg7[%shift_right_logical3A_131, %add3A_227], %get3A_224 : memref<240x128xf32, #tpu.memory_space<vmem>>[vector<16xi32>, vector<16xi32>], vector<16xf32>,
        %get3A_228 = arith.constant 13 : i32
        %get3A_229 = arith.index_cast %get3A_228 : i32 to index
        %get3A_230 = arith.index_cast %add3A_127 : i32 to index
        %get3A_231 = tpu.vector_load %arg5[%get3A_229, %get3A_230] {strides = array<i32>} : memref<16x1920xf32, #tpu.memory_space<vmem>>, vector<16xf32>,
        %add3A_232 = arith.constant 13 : i32
        %add3A_233 = vector.broadcast %add3A_232 : i32 to vector<16xi32>
        %add3A_234 = arith.addi %mul3A_137, %add3A_233 : vector<16xi32>
        tpu.vector_store_idx %arg7[%shift_right_logical3A_131, %add3A_234], %get3A_231 : memref<240x128xf32, #tpu.memory_space<vmem>>[vector<16xi32>, vector<16xi32>], vector<16xf32>,
        %get3A_235 = arith.constant 14 : i32
        %get3A_236 = arith.index_cast %get3A_235 : i32 to index
        %get3A_237 = arith.index_cast %add3A_127 : i32 to index
        %get3A_238 = tpu.vector_load %arg5[%get3A_236, %get3A_237] {strides = array<i32>} : memref<16x1920xf32, #tpu.memory_space<vmem>>, vector<16xf32>,
        %add3A_239 = arith.constant 14 : i32
        %add3A_240 = vector.broadcast %add3A_239 : i32 to vector<16xi32>
        %add3A_241 = arith.addi %mul3A_137, %add3A_240 : vector<16xi32>
        tpu.vector_store_idx %arg7[%shift_right_logical3A_131, %add3A_241], %get3A_238 : memref<240x128xf32, #tpu.memory_space<vmem>>[vector<16xi32>, vector<16xi32>], vector<16xf32>,
        %get3A_242 = arith.constant 15 : i32
        %get3A_243 = arith.index_cast %get3A_242 : i32 to index
        %get3A_244 = arith.index_cast %add3A_127 : i32 to index
        %get3A_245 = tpu.vector_load %arg5[%get3A_243, %get3A_244] {strides = array<i32>} : memref<16x1920xf32, #tpu.memory_space<vmem>>, vector<16xf32>,
        %add3A_246 = arith.constant 15 : i32
        %add3A_247 = vector.broadcast %add3A_246 : i32 to vector<16xi32>
        %add3A_248 = arith.addi %mul3A_137, %add3A_247 : vector<16xi32>
        tpu.vector_store_idx %arg7[%shift_right_logical3A_131, %add3A_248], %get3A_245 : memref<240x128xf32, #tpu.memory_space<vmem>>[vector<16xi32>, vector<16xi32>], vector<16xf32>,
      }
      %scan3A_122 = arith.constant 8 : i32
      "tpu.region"() ({
        %run_scoped3A = tpu.sem_alloc : memref<!tpu.dma_semaphore, #tpu.memory_space<semaphore_mem>>
        %dma_start3A = arith.constant 0 : i32
        %dma_start3A_123 = arith.constant 0 : i32
        %dma_start3A_124 = tpu.memref_slice %arg7[%dma_start3A, %dma_start3A_123] : memref<240x128xf32, #tpu.memory_space<vmem>> -> memref<16x128xf32, #tpu.memory_space<vmem>>
        %dma_start3A_125 = arith.constant 12480 : i32
        %dma_start3A_126 = arith.constant 0 : i32
        %dma_start3A_127 = tpu.memref_slice %arg4[%add3A_117, %dma_start3A_125, %dma_start3A_126] : memref<26x12500x128xf32, #tpu.memory_space<hbm>> -> memref<1x16x128xf32, #tpu.memory_space<hbm>>
        %dma_start3A_128 = tpu.memref_squeeze %dma_start3A_127 : memref<1x16x128xf32, #tpu.memory_space<hbm>> -> memref<16x128xf32, #tpu.memory_space<hbm>>
        %dma_start3A_129 = arith.constant 12480 : i32
        %dma_start3A_130 = arith.constant 0 : i32
        %dma_start3A_131 = tpu.memref_slice %arg4[%add3A_117, %dma_start3A_129, %dma_start3A_130] : memref<26x12500x128xf32, #tpu.memory_space<hbm>> -> memref<1x16x128xf32, #tpu.memory_space<hbm>>
        %dma_start3A_132 = tpu.memref_squeeze %dma_start3A_131 : memref<1x16x128xf32, #tpu.memory_space<hbm>> -> memref<16x128xf32, #tpu.memory_space<hbm>>
        %dma_start3A_133 = arith.constant 0 : i32
        %dma_start3A_134 = arith.constant 0 : i32
        %dma_start3A_135 = tpu.memref_slice %arg7[%dma_start3A_133, %dma_start3A_134] : memref<240x128xf32, #tpu.memory_space<vmem>> -> memref<16x128xf32, #tpu.memory_space<vmem>>
        tpu.enqueue_dma source(%dma_start3A_135 : memref<16x128xf32, #tpu.memory_space<vmem>>) target(%dma_start3A_132 : memref<16x128xf32, #tpu.memory_space<hbm>>) target_semaphore(%run_scoped3A : memref<!tpu.dma_semaphore, #tpu.memory_space<semaphore_mem>>)
        %dma_wait3A = arith.constant 0 : i32
        %dma_wait3A_136 = arith.constant 0 : i32
        %dma_wait3A_137 = tpu.memref_slice %arg7[%dma_wait3A, %dma_wait3A_136] : memref<240x128xf32, #tpu.memory_space<vmem>> -> memref<16x128xf32, #tpu.memory_space<vmem>>
        %dma_wait3A_138 = arith.constant 12480 : i32
        %dma_wait3A_139 = arith.constant 0 : i32
        %dma_wait3A_140 = tpu.memref_slice %arg4[%add3A_117, %dma_wait3A_138, %dma_wait3A_139] : memref<26x12500x128xf32, #tpu.memory_space<hbm>> -> memref<1x16x128xf32, #tpu.memory_space<hbm>>
        %dma_wait3A_141 = tpu.memref_squeeze %dma_wait3A_140 : memref<1x16x128xf32, #tpu.memory_space<hbm>> -> memref<16x128xf32, #tpu.memory_space<hbm>>
        %dma_wait3A_142 = arith.constant 12480 : i32
        %dma_wait3A_143 = arith.constant 0 : i32
        %dma_wait3A_144 = tpu.memref_slice %arg4[%add3A_117, %dma_wait3A_142, %dma_wait3A_143] : memref<26x12500x128xf32, #tpu.memory_space<hbm>> -> memref<1x16x128xf32, #tpu.memory_space<hbm>>
        %dma_wait3A_145 = tpu.memref_squeeze %dma_wait3A_144 : memref<1x16x128xf32, #tpu.memory_space<hbm>> -> memref<16x128xf32, #tpu.memory_space<hbm>>
        %dma_wait3A_146 = arith.constant 0 : i32
        %dma_wait3A_147 = arith.constant 0 : i32
        %dma_wait3A_148 = tpu.memref_slice %arg7[%dma_wait3A_146, %dma_wait3A_147] : memref<240x128xf32, #tpu.memory_space<vmem>> -> memref<16x128xf32, #tpu.memory_space<vmem>>
        tpu.wait_dma2 semaphore(%run_scoped3A : memref<!tpu.dma_semaphore, #tpu.memory_space<semaphore_mem>>) src(%dma_wait3A_148 : memref<16x128xf32, #tpu.memory_space<vmem>>) dst(%dma_wait3A_145 : memref<16x128xf32, #tpu.memory_space<hbm>>)
        tpu.yield
      }) : () -> ()
    }
    %while3A_96 = arith.constant 1 : i32
    scf.for %while3A_115 = %while3A_94 to %while3A_90 step %while3A_96  : i32 {
      %mul3A_116 = arith.muli %while3A_115, %while3A : i32
      %add3A_117 = arith.addi %add3A, %mul3A_116 : i32
      "tpu.region"() ({
        %run_scoped3A = tpu.sem_alloc : memref<!tpu.dma_semaphore, #tpu.memory_space<semaphore_mem>>
        %dma_start3A = arith.constant 0 : i32
        %dma_start3A_123 = arith.constant 0 : i32
        %dma_start3A_124 = tpu.memref_slice %arg5[%dma_start3A, %dma_start3A_123] : memref<16x1920xf32, #tpu.memory_space<vmem>> -> memref<16x128xf32, #tpu.memory_space<vmem>>
        %dma_start3A_125 = arith.constant 0 : i32
        %dma_start3A_126 = arith.constant 99840 : i32
        %dma_start3A_127 = tpu.memref_slice %arg2[%add3A_117, %dma_start3A_125, %dma_start3A_126] : memref<26x16x100000xf32, #tpu.memory_space<hbm>> -> memref<1x16x128xf32, #tpu.memory_space<hbm>>
        %dma_start3A_128 = tpu.memref_squeeze %dma_start3A_127 : memref<1x16x128xf32, #tpu.memory_space<hbm>> -> memref<16x128xf32, #tpu.memory_space<hbm>>
        %dma_start3A_129 = arith.constant 0 : i32
        %dma_start3A_130 = arith.constant 0 : i32
        %dma_start3A_131 = tpu.memref_slice %arg5[%dma_start3A_129, %dma_start3A_130] : memref<16x1920xf32, #tpu.memory_space<vmem>> -> memref<16x128xf32, #tpu.memory_space<vmem>>
        %dma_start3A_132 = arith.constant 0 : i32
        %dma_start3A_133 = arith.constant 99840 : i32
        %dma_start3A_134 = tpu.memref_slice %arg2[%add3A_117, %dma_start3A_132, %dma_start3A_133] : memref<26x16x100000xf32, #tpu.memory_space<hbm>> -> memref<1x16x128xf32, #tpu.memory_space<hbm>>
        %dma_start3A_135 = tpu.memref_squeeze %dma_start3A_134 : memref<1x16x128xf32, #tpu.memory_space<hbm>> -> memref<16x128xf32, #tpu.memory_space<hbm>>
        tpu.enqueue_dma source(%dma_start3A_135 : memref<16x128xf32, #tpu.memory_space<hbm>>) target(%dma_start3A_131 : memref<16x128xf32, #tpu.memory_space<vmem>>) target_semaphore(%run_scoped3A : memref<!tpu.dma_semaphore, #tpu.memory_space<semaphore_mem>>)
        %dma_wait3A = arith.constant 0 : i32
        %dma_wait3A_136 = arith.constant 0 : i32
        %dma_wait3A_137 = tpu.memref_slice %arg5[%dma_wait3A, %dma_wait3A_136] : memref<16x1920xf32, #tpu.memory_space<vmem>> -> memref<16x128xf32, #tpu.memory_space<vmem>>
        %dma_wait3A_138 = arith.constant 0 : i32
        %dma_wait3A_139 = arith.constant 99840 : i32
        %dma_wait3A_140 = tpu.memref_slice %arg2[%add3A_117, %dma_wait3A_138, %dma_wait3A_139] : memref<26x16x100000xf32, #tpu.memory_space<hbm>> -> memref<1x16x128xf32, #tpu.memory_space<hbm>>
        %dma_wait3A_141 = tpu.memref_squeeze %dma_wait3A_140 : memref<1x16x128xf32, #tpu.memory_space<hbm>> -> memref<16x128xf32, #tpu.memory_space<hbm>>
        %dma_wait3A_142 = arith.constant 0 : i32
        %dma_wait3A_143 = arith.constant 0 : i32
        %dma_wait3A_144 = tpu.memref_slice %arg5[%dma_wait3A_142, %dma_wait3A_143] : memref<16x1920xf32, #tpu.memory_space<vmem>> -> memref<16x128xf32, #tpu.memory_space<vmem>>
        %dma_wait3A_145 = arith.constant 0 : i32
        %dma_wait3A_146 = arith.constant 99840 : i32
        %dma_wait3A_147 = tpu.memref_slice %arg2[%add3A_117, %dma_wait3A_145, %dma_wait3A_146] : memref<26x16x100000xf32, #tpu.memory_space<hbm>> -> memref<1x16x128xf32, #tpu.memory_space<hbm>>
        %dma_wait3A_148 = tpu.memref_squeeze %dma_wait3A_147 : memref<1x16x128xf32, #tpu.memory_space<hbm>> -> memref<16x128xf32, #tpu.memory_space<hbm>>
        tpu.wait_dma2 semaphore(%run_scoped3A : memref<!tpu.dma_semaphore, #tpu.memory_space<semaphore_mem>>) src(%dma_wait3A_148 : memref<16x128xf32, #tpu.memory_space<hbm>>) dst(%dma_wait3A_144 : memref<16x128xf32, #tpu.memory_space<vmem>>)
        tpu.yield
      }) : () -> ()
      %scan3A_118 = arith.constant 0 : i32
      %scan3A_119 = arith.constant 8 : i32
      %scan3A_120 = arith.addi %scan3A_118, %scan3A_119 : i32
      %scan3A_121 = arith.constant 1 : i32
      scf.for %scan3A_123 = %scan3A_118 to %scan3A_120 step %scan3A_121  : i32 {
        %mul3A_124 = arith.constant 16 : i32
        %mul3A_125 = arith.muli %scan3A_123, %mul3A_124 : i32
        %add3A_126 = arith.constant 0 : i32
        %add3A_127 = arith.addi %add3A_126, %mul3A_125 : i32
        %iota3A = tpu.iota {dimensions = array<i32: 0>} : vector<16xi32>
        %add3A_128 = vector.broadcast %add3A_127 : i32 to vector<16xi32>
        %add3A_129 = arith.addi %iota3A, %add3A_128 : vector<16xi32>
        %shift_right_logical3A = arith.constant 3 : i32
        %shift_right_logical3A_130 = vector.broadcast %shift_right_logical3A : i32 to vector<16xi32>
        %shift_right_logical3A_131 = arith.shrui %add3A_129, %shift_right_logical3A_130 : vector<16xi32>
        %and3A_132 = arith.constant 7 : i32
        %and3A_133 = vector.broadcast %and3A_132 : i32 to vector<16xi32>
        %and3A_134 = arith.andi %add3A_129, %and3A_133 : vector<16xi32>
        %mul3A_135 = arith.constant 16 : i32
        %mul3A_136 = vector.broadcast %mul3A_135 : i32 to vector<16xi32>
        %mul3A_137 = arith.muli %and3A_134, %mul3A_136 : vector<16xi32>
        %get3A = arith.constant 0 : i32
        %get3A_138 = arith.index_cast %get3A : i32 to index
        %get3A_139 = arith.index_cast %add3A_127 : i32 to index
        %get3A_140 = tpu.vector_load %arg5[%get3A_138, %get3A_139] {strides = array<i32>} : memref<16x1920xf32, #tpu.memory_space<vmem>>, vector<16xf32>,
        %add3A_141 = arith.constant 0 : i32
        %add3A_142 = vector.broadcast %add3A_141 : i32 to vector<16xi32>
        %add3A_143 = arith.addi %mul3A_137, %add3A_142 : vector<16xi32>
        tpu.vector_store_idx %arg7[%shift_right_logical3A_131, %add3A_143], %get3A_140 : memref<240x128xf32, #tpu.memory_space<vmem>>[vector<16xi32>, vector<16xi32>], vector<16xf32>,
        %get3A_144 = arith.constant 1 : i32
        %get3A_145 = arith.index_cast %get3A_144 : i32 to index
        %get3A_146 = arith.index_cast %add3A_127 : i32 to index
        %get3A_147 = tpu.vector_load %arg5[%get3A_145, %get3A_146] {strides = array<i32>} : memref<16x1920xf32, #tpu.memory_space<vmem>>, vector<16xf32>,
        %add3A_148 = arith.constant 1 : i32
        %add3A_149 = vector.broadcast %add3A_148 : i32 to vector<16xi32>
        %add3A_150 = arith.addi %mul3A_137, %add3A_149 : vector<16xi32>
        tpu.vector_store_idx %arg7[%shift_right_logical3A_131, %add3A_150], %get3A_147 : memref<240x128xf32, #tpu.memory_space<vmem>>[vector<16xi32>, vector<16xi32>], vector<16xf32>,
        %get3A_151 = arith.constant 2 : i32
        %get3A_152 = arith.index_cast %get3A_151 : i32 to index
        %get3A_153 = arith.index_cast %add3A_127 : i32 to index
        %get3A_154 = tpu.vector_load %arg5[%get3A_152, %get3A_153] {strides = array<i32>} : memref<16x1920xf32, #tpu.memory_space<vmem>>, vector<16xf32>,
        %add3A_155 = arith.constant 2 : i32
        %add3A_156 = vector.broadcast %add3A_155 : i32 to vector<16xi32>
        %add3A_157 = arith.addi %mul3A_137, %add3A_156 : vector<16xi32>
        tpu.vector_store_idx %arg7[%shift_right_logical3A_131, %add3A_157], %get3A_154 : memref<240x128xf32, #tpu.memory_space<vmem>>[vector<16xi32>, vector<16xi32>], vector<16xf32>,
        %get3A_158 = arith.constant 3 : i32
        %get3A_159 = arith.index_cast %get3A_158 : i32 to index
        %get3A_160 = arith.index_cast %add3A_127 : i32 to index
        %get3A_161 = tpu.vector_load %arg5[%get3A_159, %get3A_160] {strides = array<i32>} : memref<16x1920xf32, #tpu.memory_space<vmem>>, vector<16xf32>,
        %add3A_162 = arith.constant 3 : i32
        %add3A_163 = vector.broadcast %add3A_162 : i32 to vector<16xi32>
        %add3A_164 = arith.addi %mul3A_137, %add3A_163 : vector<16xi32>
        tpu.vector_store_idx %arg7[%shift_right_logical3A_131, %add3A_164], %get3A_161 : memref<240x128xf32, #tpu.memory_space<vmem>>[vector<16xi32>, vector<16xi32>], vector<16xf32>,
        %get3A_165 = arith.constant 4 : i32
        %get3A_166 = arith.index_cast %get3A_165 : i32 to index
        %get3A_167 = arith.index_cast %add3A_127 : i32 to index
        %get3A_168 = tpu.vector_load %arg5[%get3A_166, %get3A_167] {strides = array<i32>} : memref<16x1920xf32, #tpu.memory_space<vmem>>, vector<16xf32>,
        %add3A_169 = arith.constant 4 : i32
        %add3A_170 = vector.broadcast %add3A_169 : i32 to vector<16xi32>
        %add3A_171 = arith.addi %mul3A_137, %add3A_170 : vector<16xi32>
        tpu.vector_store_idx %arg7[%shift_right_logical3A_131, %add3A_171], %get3A_168 : memref<240x128xf32, #tpu.memory_space<vmem>>[vector<16xi32>, vector<16xi32>], vector<16xf32>,
        %get3A_172 = arith.constant 5 : i32
        %get3A_173 = arith.index_cast %get3A_172 : i32 to index
        %get3A_174 = arith.index_cast %add3A_127 : i32 to index
        %get3A_175 = tpu.vector_load %arg5[%get3A_173, %get3A_174] {strides = array<i32>} : memref<16x1920xf32, #tpu.memory_space<vmem>>, vector<16xf32>,
        %add3A_176 = arith.constant 5 : i32
        %add3A_177 = vector.broadcast %add3A_176 : i32 to vector<16xi32>
        %add3A_178 = arith.addi %mul3A_137, %add3A_177 : vector<16xi32>
        tpu.vector_store_idx %arg7[%shift_right_logical3A_131, %add3A_178], %get3A_175 : memref<240x128xf32, #tpu.memory_space<vmem>>[vector<16xi32>, vector<16xi32>], vector<16xf32>,
        %get3A_179 = arith.constant 6 : i32
        %get3A_180 = arith.index_cast %get3A_179 : i32 to index
        %get3A_181 = arith.index_cast %add3A_127 : i32 to index
        %get3A_182 = tpu.vector_load %arg5[%get3A_180, %get3A_181] {strides = array<i32>} : memref<16x1920xf32, #tpu.memory_space<vmem>>, vector<16xf32>,
        %add3A_183 = arith.constant 6 : i32
        %add3A_184 = vector.broadcast %add3A_183 : i32 to vector<16xi32>
        %add3A_185 = arith.addi %mul3A_137, %add3A_184 : vector<16xi32>
        tpu.vector_store_idx %arg7[%shift_right_logical3A_131, %add3A_185], %get3A_182 : memref<240x128xf32, #tpu.memory_space<vmem>>[vector<16xi32>, vector<16xi32>], vector<16xf32>,
        %get3A_186 = arith.constant 7 : i32
        %get3A_187 = arith.index_cast %get3A_186 : i32 to index
        %get3A_188 = arith.index_cast %add3A_127 : i32 to index
        %get3A_189 = tpu.vector_load %arg5[%get3A_187, %get3A_188] {strides = array<i32>} : memref<16x1920xf32, #tpu.memory_space<vmem>>, vector<16xf32>,
        %add3A_190 = arith.constant 7 : i32
        %add3A_191 = vector.broadcast %add3A_190 : i32 to vector<16xi32>
        %add3A_192 = arith.addi %mul3A_137, %add3A_191 : vector<16xi32>
        tpu.vector_store_idx %arg7[%shift_right_logical3A_131, %add3A_192], %get3A_189 : memref<240x128xf32, #tpu.memory_space<vmem>>[vector<16xi32>, vector<16xi32>], vector<16xf32>,
        %get3A_193 = arith.constant 8 : i32
        %get3A_194 = arith.index_cast %get3A_193 : i32 to index
        %get3A_195 = arith.index_cast %add3A_127 : i32 to index
        %get3A_196 = tpu.vector_load %arg5[%get3A_194, %get3A_195] {strides = array<i32>} : memref<16x1920xf32, #tpu.memory_space<vmem>>, vector<16xf32>,
        %add3A_197 = arith.constant 8 : i32
        %add3A_198 = vector.broadcast %add3A_197 : i32 to vector<16xi32>
        %add3A_199 = arith.addi %mul3A_137, %add3A_198 : vector<16xi32>
        tpu.vector_store_idx %arg7[%shift_right_logical3A_131, %add3A_199], %get3A_196 : memref<240x128xf32, #tpu.memory_space<vmem>>[vector<16xi32>, vector<16xi32>], vector<16xf32>,
        %get3A_200 = arith.constant 9 : i32
        %get3A_201 = arith.index_cast %get3A_200 : i32 to index
        %get3A_202 = arith.index_cast %add3A_127 : i32 to index
        %get3A_203 = tpu.vector_load %arg5[%get3A_201, %get3A_202] {strides = array<i32>} : memref<16x1920xf32, #tpu.memory_space<vmem>>, vector<16xf32>,
        %add3A_204 = arith.constant 9 : i32
        %add3A_205 = vector.broadcast %add3A_204 : i32 to vector<16xi32>
        %add3A_206 = arith.addi %mul3A_137, %add3A_205 : vector<16xi32>
        tpu.vector_store_idx %arg7[%shift_right_logical3A_131, %add3A_206], %get3A_203 : memref<240x128xf32, #tpu.memory_space<vmem>>[vector<16xi32>, vector<16xi32>], vector<16xf32>,
        %get3A_207 = arith.constant 10 : i32
        %get3A_208 = arith.index_cast %get3A_207 : i32 to index
        %get3A_209 = arith.index_cast %add3A_127 : i32 to index
        %get3A_210 = tpu.vector_load %arg5[%get3A_208, %get3A_209] {strides = array<i32>} : memref<16x1920xf32, #tpu.memory_space<vmem>>, vector<16xf32>,
        %add3A_211 = arith.constant 10 : i32
        %add3A_212 = vector.broadcast %add3A_211 : i32 to vector<16xi32>
        %add3A_213 = arith.addi %mul3A_137, %add3A_212 : vector<16xi32>
        tpu.vector_store_idx %arg7[%shift_right_logical3A_131, %add3A_213], %get3A_210 : memref<240x128xf32, #tpu.memory_space<vmem>>[vector<16xi32>, vector<16xi32>], vector<16xf32>,
        %get3A_214 = arith.constant 11 : i32
        %get3A_215 = arith.index_cast %get3A_214 : i32 to index
        %get3A_216 = arith.index_cast %add3A_127 : i32 to index
        %get3A_217 = tpu.vector_load %arg5[%get3A_215, %get3A_216] {strides = array<i32>} : memref<16x1920xf32, #tpu.memory_space<vmem>>, vector<16xf32>,
        %add3A_218 = arith.constant 11 : i32
        %add3A_219 = vector.broadcast %add3A_218 : i32 to vector<16xi32>
        %add3A_220 = arith.addi %mul3A_137, %add3A_219 : vector<16xi32>
        tpu.vector_store_idx %arg7[%shift_right_logical3A_131, %add3A_220], %get3A_217 : memref<240x128xf32, #tpu.memory_space<vmem>>[vector<16xi32>, vector<16xi32>], vector<16xf32>,
        %get3A_221 = arith.constant 12 : i32
        %get3A_222 = arith.index_cast %get3A_221 : i32 to index
        %get3A_223 = arith.index_cast %add3A_127 : i32 to index
        %get3A_224 = tpu.vector_load %arg5[%get3A_222, %get3A_223] {strides = array<i32>} : memref<16x1920xf32, #tpu.memory_space<vmem>>, vector<16xf32>,
        %add3A_225 = arith.constant 12 : i32
        %add3A_226 = vector.broadcast %add3A_225 : i32 to vector<16xi32>
        %add3A_227 = arith.addi %mul3A_137, %add3A_226 : vector<16xi32>
        tpu.vector_store_idx %arg7[%shift_right_logical3A_131, %add3A_227], %get3A_224 : memref<240x128xf32, #tpu.memory_space<vmem>>[vector<16xi32>, vector<16xi32>], vector<16xf32>,
        %get3A_228 = arith.constant 13 : i32
        %get3A_229 = arith.index_cast %get3A_228 : i32 to index
        %get3A_230 = arith.index_cast %add3A_127 : i32 to index
        %get3A_231 = tpu.vector_load %arg5[%get3A_229, %get3A_230] {strides = array<i32>} : memref<16x1920xf32, #tpu.memory_space<vmem>>, vector<16xf32>,
        %add3A_232 = arith.constant 13 : i32
        %add3A_233 = vector.broadcast %add3A_232 : i32 to vector<16xi32>
        %add3A_234 = arith.addi %mul3A_137, %add3A_233 : vector<16xi32>
        tpu.vector_store_idx %arg7[%shift_right_logical3A_131, %add3A_234], %get3A_231 : memref<240x128xf32, #tpu.memory_space<vmem>>[vector<16xi32>, vector<16xi32>], vector<16xf32>,
        %get3A_235 = arith.constant 14 : i32
        %get3A_236 = arith.index_cast %get3A_235 : i32 to index
        %get3A_237 = arith.index_cast %add3A_127 : i32 to index
        %get3A_238 = tpu.vector_load %arg5[%get3A_236, %get3A_237] {strides = array<i32>} : memref<16x1920xf32, #tpu.memory_space<vmem>>, vector<16xf32>,
        %add3A_239 = arith.constant 14 : i32
        %add3A_240 = vector.broadcast %add3A_239 : i32 to vector<16xi32>
        %add3A_241 = arith.addi %mul3A_137, %add3A_240 : vector<16xi32>
        tpu.vector_store_idx %arg7[%shift_right_logical3A_131, %add3A_241], %get3A_238 : memref<240x128xf32, #tpu.memory_space<vmem>>[vector<16xi32>, vector<16xi32>], vector<16xf32>,
        %get3A_242 = arith.constant 15 : i32
        %get3A_243 = arith.index_cast %get3A_242 : i32 to index
        %get3A_244 = arith.index_cast %add3A_127 : i32 to index
        %get3A_245 = tpu.vector_load %arg5[%get3A_243, %get3A_244] {strides = array<i32>} : memref<16x1920xf32, #tpu.memory_space<vmem>>, vector<16xf32>,
        %add3A_246 = arith.constant 15 : i32
        %add3A_247 = vector.broadcast %add3A_246 : i32 to vector<16xi32>
        %add3A_248 = arith.addi %mul3A_137, %add3A_247 : vector<16xi32>
        tpu.vector_store_idx %arg7[%shift_right_logical3A_131, %add3A_248], %get3A_245 : memref<240x128xf32, #tpu.memory_space<vmem>>[vector<16xi32>, vector<16xi32>], vector<16xf32>,
      }
      %scan3A_122 = arith.constant 8 : i32
      "tpu.region"() ({
        %run_scoped3A = tpu.sem_alloc : memref<!tpu.dma_semaphore, #tpu.memory_space<semaphore_mem>>
        %dma_start3A = arith.constant 0 : i32
        %dma_start3A_123 = arith.constant 0 : i32
        %dma_start3A_124 = tpu.memref_slice %arg7[%dma_start3A, %dma_start3A_123] : memref<240x128xf32, #tpu.memory_space<vmem>> -> memref<16x128xf32, #tpu.memory_space<vmem>>
        %dma_start3A_125 = arith.constant 12480 : i32
        %dma_start3A_126 = arith.constant 0 : i32
        %dma_start3A_127 = tpu.memref_slice %arg4[%add3A_117, %dma_start3A_125, %dma_start3A_126] : memref<26x12500x128xf32, #tpu.memory_space<hbm>> -> memref<1x16x128xf32, #tpu.memory_space<hbm>>
        %dma_start3A_128 = tpu.memref_squeeze %dma_start3A_127 : memref<1x16x128xf32, #tpu.memory_space<hbm>> -> memref<16x128xf32, #tpu.memory_space<hbm>>
        %dma_start3A_129 = arith.constant 12480 : i32
        %dma_start3A_130 = arith.constant 0 : i32
        %dma_start3A_131 = tpu.memref_slice %arg4[%add3A_117, %dma_start3A_129, %dma_start3A_130] : memref<26x12500x128xf32, #tpu.memory_space<hbm>> -> memref<1x16x128xf32, #tpu.memory_space<hbm>>
        %dma_start3A_132 = tpu.memref_squeeze %dma_start3A_131 : memref<1x16x128xf32, #tpu.memory_space<hbm>> -> memref<16x128xf32, #tpu.memory_space<hbm>>
        %dma_start3A_133 = arith.constant 0 : i32
        %dma_start3A_134 = arith.constant 0 : i32
        %dma_start3A_135 = tpu.memref_slice %arg7[%dma_start3A_133, %dma_start3A_134] : memref<240x128xf32, #tpu.memory_space<vmem>> -> memref<16x128xf32, #tpu.memory_space<vmem>>
        tpu.enqueue_dma source(%dma_start3A_135 : memref<16x128xf32, #tpu.memory_space<vmem>>) target(%dma_start3A_132 : memref<16x128xf32, #tpu.memory_space<hbm>>) target_semaphore(%run_scoped3A : memref<!tpu.dma_semaphore, #tpu.memory_space<semaphore_mem>>)
        %dma_wait3A = arith.constant 0 : i32
        %dma_wait3A_136 = arith.constant 0 : i32
        %dma_wait3A_137 = tpu.memref_slice %arg7[%dma_wait3A, %dma_wait3A_136] : memref<240x128xf32, #tpu.memory_space<vmem>> -> memref<16x128xf32, #tpu.memory_space<vmem>>
        %dma_wait3A_138 = arith.constant 12480 : i32
        %dma_wait3A_139 = arith.constant 0 : i32
        %dma_wait3A_140 = tpu.memref_slice %arg4[%add3A_117, %dma_wait3A_138, %dma_wait3A_139] : memref<26x12500x128xf32, #tpu.memory_space<hbm>> -> memref<1x16x128xf32, #tpu.memory_space<hbm>>
        %dma_wait3A_141 = tpu.memref_squeeze %dma_wait3A_140 : memref<1x16x128xf32, #tpu.memory_space<hbm>> -> memref<16x128xf32, #tpu.memory_space<hbm>>
        %dma_wait3A_142 = arith.constant 12480 : i32
        %dma_wait3A_143 = arith.constant 0 : i32
        %dma_wait3A_144 = tpu.memref_slice %arg4[%add3A_117, %dma_wait3A_142, %dma_wait3A_143] : memref<26x12500x128xf32, #tpu.memory_space<hbm>> -> memref<1x16x128xf32, #tpu.memory_space<hbm>>
        %dma_wait3A_145 = tpu.memref_squeeze %dma_wait3A_144 : memref<1x16x128xf32, #tpu.memory_space<hbm>> -> memref<16x128xf32, #tpu.memory_space<hbm>>
        %dma_wait3A_146 = arith.constant 0 : i32
        %dma_wait3A_147 = arith.constant 0 : i32
        %dma_wait3A_148 = tpu.memref_slice %arg7[%dma_wait3A_146, %dma_wait3A_147] : memref<240x128xf32, #tpu.memory_space<vmem>> -> memref<16x128xf32, #tpu.memory_space<vmem>>
        tpu.wait_dma2 semaphore(%run_scoped3A : memref<!tpu.dma_semaphore, #tpu.memory_space<semaphore_mem>>) src(%dma_wait3A_148 : memref<16x128xf32, #tpu.memory_space<vmem>>) dst(%dma_wait3A_145 : memref<16x128xf32, #tpu.memory_space<hbm>>)
        tpu.yield
      }) : () -> ()
    }
    %sub3A_97 = arith.constant 26 : i32
    %sub3A_98 = arith.subi %sub3A_97, %add3A : i32
    %sub3A_99 = arith.constant 32 : i32
    %sub3A_100 = arith.constant 1 : i32
    %sub3A_101 = arith.subi %sub3A_99, %sub3A_100 : i32
    %add3A_102 = arith.addi %sub3A_98, %sub3A_101 : i32
    %div3A_103 = arith.constant 32 : i32
    %div3A_104 = arith.divsi %add3A_102, %div3A_103 : i32
    %while3A_105 = arith.constant 32 : i32
    %while3A_106 = arith.constant 0 : i32
    %while3A_107 = arith.subi %div3A_104, %while3A_106 : i32
    %while3A_108 = arith.addi %while3A_106, %while3A_107 : i32
    %while3A_109 = arith.constant 1 : i32
    %while3A_110 = arith.divsi %while3A_107, %while3A_109 : i32
    %while3A_111 = arith.muli %while3A_110, %while3A_109 : i32
    %while3A_112 = arith.addi %while3A_106, %while3A_111 : i32
    %while3A_113 = arith.constant 1 : i32
    scf.for %while3A_115 = %while3A_106 to %while3A_112 step %while3A_113  : i32 {
      %mul3A_116 = arith.muli %while3A_115, %while3A_105 : i32
      %add3A_117 = arith.addi %add3A, %mul3A_116 : i32
      "tpu.region"() ({
        %run_scoped3A = tpu.sem_alloc : memref<!tpu.dma_semaphore, #tpu.memory_space<semaphore_mem>>
        %dma_start3A = arith.constant 12496 : i32
        %dma_start3A_118 = arith.constant 0 : i32
        %dma_start3A_119 = tpu.memref_slice %arg4[%add3A_117, %dma_start3A, %dma_start3A_118] : memref<26x12500x128xf32, #tpu.memory_space<hbm>> -> memref<1x4x128xf32, #tpu.memory_space<hbm>>
        %dma_start3A_120 = tpu.memref_squeeze %dma_start3A_119 : memref<1x4x128xf32, #tpu.memory_space<hbm>> -> memref<4x128xf32, #tpu.memory_space<hbm>>
        %dma_start3A_121 = arith.constant 0 : i32
        %dma_start3A_122 = arith.constant 0 : i32
        %dma_start3A_123 = tpu.memref_slice %arg3[%add3A_117, %dma_start3A_121, %dma_start3A_122] : memref<26x4x128xf32, #tpu.memory_space<hbm>> -> memref<1x4x128xf32, #tpu.memory_space<hbm>>
        %dma_start3A_124 = tpu.memref_squeeze %dma_start3A_123 : memref<1x4x128xf32, #tpu.memory_space<hbm>> -> memref<4x128xf32, #tpu.memory_space<hbm>>
        tpu.enqueue_dma source(%dma_start3A_124 : memref<4x128xf32, #tpu.memory_space<hbm>>) target(%dma_start3A_120 : memref<4x128xf32, #tpu.memory_space<hbm>>) target_semaphore(%run_scoped3A : memref<!tpu.dma_semaphore, #tpu.memory_space<semaphore_mem>>)
        %dma_wait3A = arith.constant 12496 : i32
        %dma_wait3A_125 = arith.constant 0 : i32
        %dma_wait3A_126 = tpu.memref_slice %arg4[%add3A_117, %dma_wait3A, %dma_wait3A_125] : memref<26x12500x128xf32, #tpu.memory_space<hbm>> -> memref<1x4x128xf32, #tpu.memory_space<hbm>>
        %dma_wait3A_127 = tpu.memref_squeeze %dma_wait3A_126 : memref<1x4x128xf32, #tpu.memory_space<hbm>> -> memref<4x128xf32, #tpu.memory_space<hbm>>
        %dma_wait3A_128 = arith.constant 0 : i32
        %dma_wait3A_129 = arith.constant 0 : i32
        %dma_wait3A_130 = tpu.memref_slice %arg3[%add3A_117, %dma_wait3A_128, %dma_wait3A_129] : memref<26x4x128xf32, #tpu.memory_space<hbm>> -> memref<1x4x128xf32, #tpu.memory_space<hbm>>
        %dma_wait3A_131 = tpu.memref_squeeze %dma_wait3A_130 : memref<1x4x128xf32, #tpu.memory_space<hbm>> -> memref<4x128xf32, #tpu.memory_space<hbm>>
        tpu.wait_dma2 semaphore(%run_scoped3A : memref<!tpu.dma_semaphore, #tpu.memory_space<semaphore_mem>>) src(%dma_wait3A_131 : memref<4x128xf32, #tpu.memory_space<hbm>>) dst(%dma_wait3A_127 : memref<4x128xf32, #tpu.memory_space<hbm>>)
        tpu.yield
      }) : () -> ()
    }
    %while3A_114 = arith.constant 1 : i32
    scf.for %while3A_115 = %while3A_112 to %while3A_108 step %while3A_114  : i32 {
      %mul3A_116 = arith.muli %while3A_115, %while3A_105 : i32
      %add3A_117 = arith.addi %add3A, %mul3A_116 : i32
      "tpu.region"() ({
        %run_scoped3A = tpu.sem_alloc : memref<!tpu.dma_semaphore, #tpu.memory_space<semaphore_mem>>
        %dma_start3A = arith.constant 12496 : i32
        %dma_start3A_118 = arith.constant 0 : i32
        %dma_start3A_119 = tpu.memref_slice %arg4[%add3A_117, %dma_start3A, %dma_start3A_118] : memref<26x12500x128xf32, #tpu.memory_space<hbm>> -> memref<1x4x128xf32, #tpu.memory_space<hbm>>
        %dma_start3A_120 = tpu.memref_squeeze %dma_start3A_119 : memref<1x4x128xf32, #tpu.memory_space<hbm>> -> memref<4x128xf32, #tpu.memory_space<hbm>>
        %dma_start3A_121 = arith.constant 0 : i32
        %dma_start3A_122 = arith.constant 0 : i32
        %dma_start3A_123 = tpu.memref_slice %arg3[%add3A_117, %dma_start3A_121, %dma_start3A_122] : memref<26x4x128xf32, #tpu.memory_space<hbm>> -> memref<1x4x128xf32, #tpu.memory_space<hbm>>
        %dma_start3A_124 = tpu.memref_squeeze %dma_start3A_123 : memref<1x4x128xf32, #tpu.memory_space<hbm>> -> memref<4x128xf32, #tpu.memory_space<hbm>>
        tpu.enqueue_dma source(%dma_start3A_124 : memref<4x128xf32, #tpu.memory_space<hbm>>) target(%dma_start3A_120 : memref<4x128xf32, #tpu.memory_space<hbm>>) target_semaphore(%run_scoped3A : memref<!tpu.dma_semaphore, #tpu.memory_space<semaphore_mem>>)
        %dma_wait3A = arith.constant 12496 : i32
        %dma_wait3A_125 = arith.constant 0 : i32
        %dma_wait3A_126 = tpu.memref_slice %arg4[%add3A_117, %dma_wait3A, %dma_wait3A_125] : memref<26x12500x128xf32, #tpu.memory_space<hbm>> -> memref<1x4x128xf32, #tpu.memory_space<hbm>>
        %dma_wait3A_127 = tpu.memref_squeeze %dma_wait3A_126 : memref<1x4x128xf32, #tpu.memory_space<hbm>> -> memref<4x128xf32, #tpu.memory_space<hbm>>
        %dma_wait3A_128 = arith.constant 0 : i32
        %dma_wait3A_129 = arith.constant 0 : i32
        %dma_wait3A_130 = tpu.memref_slice %arg3[%add3A_117, %dma_wait3A_128, %dma_wait3A_129] : memref<26x4x128xf32, #tpu.memory_space<hbm>> -> memref<1x4x128xf32, #tpu.memory_space<hbm>>
        %dma_wait3A_131 = tpu.memref_squeeze %dma_wait3A_130 : memref<1x4x128xf32, #tpu.memory_space<hbm>> -> memref<4x128xf32, #tpu.memory_space<hbm>>
        tpu.wait_dma2 semaphore(%run_scoped3A : memref<!tpu.dma_semaphore, #tpu.memory_space<semaphore_mem>>) src(%dma_wait3A_131 : memref<4x128xf32, #tpu.memory_space<hbm>>) dst(%dma_wait3A_127 : memref<4x128xf32, #tpu.memory_space<hbm>>)
        tpu.yield
      }) : () -> ()
    }
    return
  }
}

#map = affine_map<(d0, d1) -> (0, 0, 0)>
#map1 = affine_map<(d0, d1) -> (0)>
#map2 = affine_map<(d0, d1) -> (0, 0)>
module attributes {stable_mosaic.version = 14 : i64} {
  func.func @k(%arg0: i32, %arg1: i32, %arg2: memref<26x12500x128xf32, #tpu.memory_space<hbm>>, %arg3: memref<2600000xf32, #tpu.memory_space<hbm>>, %arg4: memref<26x16384xi32, #tpu.memory_space<hbm>>, %arg5: memref<26x16x16384xf32, #tpu.memory_space<hbm>>, %arg6: memref<16384xf32, #tpu.memory_space<hbm>>, %arg7: memref<256xi32, #tpu.memory_space<vmem>>, %arg8: memref<256xi32, #tpu.memory_space<vmem>>, %arg9: memref<256xi32, #tpu.memory_space<vmem>>, %arg10: memref<256xi32, #tpu.memory_space<vmem>>, %arg11: memref<256x128xf32, #tpu.memory_space<vmem>>, %arg12: memref<256x128xf32, #tpu.memory_space<vmem>>, %arg13: memref<16x256xf32, #tpu.memory_space<vmem>>, %arg14: memref<16x256xf32, #tpu.memory_space<vmem>>, %arg15: memref<256xf32, #tpu.memory_space<vmem>>, %arg16: memref<256xf32, #tpu.memory_space<vmem>>, %arg17: memref<512xf32, #tpu.memory_space<vmem>>, %arg18: memref<!tpu.dma_semaphore, #tpu.memory_space<semaphore_mem>>, %arg19: memref<!tpu.dma_semaphore, #tpu.memory_space<semaphore_mem>>, %arg20: memref<!tpu.dma_semaphore, #tpu.memory_space<semaphore_mem>>, %arg21: memref<!tpu.dma_semaphore, #tpu.memory_space<semaphore_mem>>, %arg22: memref<!tpu.dma_semaphore, #tpu.memory_space<semaphore_mem>>, %arg23: memref<!tpu.dma_semaphore, #tpu.memory_space<semaphore_mem>>) attributes {dimension_semantics = [#tpu.dimension_semantics<core_parallel>, #tpu.dimension_semantics<subcore_parallel>], iteration_bounds = array<i64: 2, 16>, scalar_prefetch = 0 : i64, scratch_operands = 17 : i64, tpu.core_type = #tpu.core_type<sc_vector_subcore>, window_params = [{transform_indices = #map}, {transform_indices = #map1}, {transform_indices = #map2}, {transform_indices = #map}, {transform_indices = #map1}]} {
    %mul3A = arith.constant 2 : i32
    %mul3A_0 = arith.muli %arg1, %mul3A : i32
    %add3A = arith.addi %mul3A_0, %arg0 : i32
    %mul3A_1 = arith.constant 512 : i32
    %mul3A_2 = arith.muli %add3A, %mul3A_1 : i32
    %scan3A = arith.constant 0 : i32
    %scan3A_3 = arith.constant 32 : i32
    %scan3A_4 = arith.addi %scan3A, %scan3A_3 : i32
    %scan3A_5 = arith.constant 1 : i32
    scf.for %scan3A_59 = %scan3A to %scan3A_4 step %scan3A_5  : i32 {
      %mul3A_60 = arith.constant 16 : i32
      %mul3A_61 = arith.muli %scan3A_59, %mul3A_60 : i32
      %add3A_62 = arith.constant 0 : i32
      %add3A_63 = arith.addi %add3A_62, %mul3A_61 : i32
      %broadcast_in_dim3A = arith.constant 0.000000e+00 : f32
      %broadcast_in_dim3A_64 = vector.broadcast %broadcast_in_dim3A : f32 to vector<16xf32>
      %swap3A = arith.index_cast %add3A_63 : i32 to index
      %swap3A_65 = tpu.vector_load %arg17[%swap3A] {strides = array<i32>} : memref<512xf32, #tpu.memory_space<vmem>>, vector<16xf32>,
      tpu.vector_store %arg17[%swap3A], %broadcast_in_dim3A_64 {strides = array<i32>} : memref<512xf32, #tpu.memory_space<vmem>>, vector<16xf32>,
    }
    %scan3A_6 = arith.constant 32 : i32
    %add3A_7 = arith.constant 0 : i32
    %add3A_8 = arith.addi %mul3A_2, %add3A_7 : i32
    %run_scoped3A = arith.constant 0 : i32
    "tpu.region"() ({
      %run_scoped3A_59 = tpu.sem_alloc : memref<!tpu.dma_semaphore, #tpu.memory_space<semaphore_mem>>
      %dma_start3A_60 = tpu.memref_slice %arg4[%run_scoped3A, %add3A_8] : memref<26x16384xi32, #tpu.memory_space<hbm>> -> memref<1x256xi32, #tpu.memory_space<hbm>>
      %dma_start3A_61 = tpu.memref_squeeze %dma_start3A_60 : memref<1x256xi32, #tpu.memory_space<hbm>> -> memref<256xi32, #tpu.memory_space<hbm>>
      %dma_start3A_62 = tpu.memref_slice %arg4[%run_scoped3A, %add3A_8] : memref<26x16384xi32, #tpu.memory_space<hbm>> -> memref<1x256xi32, #tpu.memory_space<hbm>>
      %dma_start3A_63 = tpu.memref_squeeze %dma_start3A_62 : memref<1x256xi32, #tpu.memory_space<hbm>> -> memref<256xi32, #tpu.memory_space<hbm>>
      tpu.enqueue_dma source(%dma_start3A_63 : memref<256xi32, #tpu.memory_space<hbm>>) target(%arg7 : memref<256xi32, #tpu.memory_space<vmem>>) target_semaphore(%run_scoped3A_59 : memref<!tpu.dma_semaphore, #tpu.memory_space<semaphore_mem>>)
      %dma_wait3A_64 = tpu.memref_slice %arg4[%run_scoped3A, %add3A_8] : memref<26x16384xi32, #tpu.memory_space<hbm>> -> memref<1x256xi32, #tpu.memory_space<hbm>>
      %dma_wait3A_65 = tpu.memref_squeeze %dma_wait3A_64 : memref<1x256xi32, #tpu.memory_space<hbm>> -> memref<256xi32, #tpu.memory_space<hbm>>
      %dma_wait3A_66 = tpu.memref_slice %arg4[%run_scoped3A, %add3A_8] : memref<26x16384xi32, #tpu.memory_space<hbm>> -> memref<1x256xi32, #tpu.memory_space<hbm>>
      %dma_wait3A_67 = tpu.memref_squeeze %dma_wait3A_66 : memref<1x256xi32, #tpu.memory_space<hbm>> -> memref<256xi32, #tpu.memory_space<hbm>>
      tpu.wait_dma2 semaphore(%run_scoped3A_59 : memref<!tpu.dma_semaphore, #tpu.memory_space<semaphore_mem>>) src(%dma_wait3A_67 : memref<256xi32, #tpu.memory_space<hbm>>) dst(%arg7 : memref<256xi32, #tpu.memory_space<vmem>>)
      tpu.yield
    }) : () -> ()
    %scan3A_9 = arith.constant 0 : i32
    %scan3A_10 = arith.constant 16 : i32
    %scan3A_11 = arith.addi %scan3A_9, %scan3A_10 : i32
    %scan3A_12 = arith.constant 1 : i32
    scf.for %scan3A_59 = %scan3A_9 to %scan3A_11 step %scan3A_12  : i32 {
      %mul3A_60 = arith.constant 16 : i32
      %mul3A_61 = arith.muli %scan3A_59, %mul3A_60 : i32
      %add3A_62 = arith.constant 0 : i32
      %add3A_63 = arith.addi %add3A_62, %mul3A_61 : i32
      %get3A = arith.index_cast %add3A_63 : i32 to index
      %get3A_64 = tpu.vector_load %arg7[%get3A] {strides = array<i32>} : memref<256xi32, #tpu.memory_space<vmem>>, vector<16xi32>,
      %shift_right_logical3A = arith.constant 3 : i32
      %shift_right_logical3A_65 = vector.broadcast %shift_right_logical3A : i32 to vector<16xi32>
      %shift_right_logical3A_66 = arith.shrui %get3A_64, %shift_right_logical3A_65 : vector<16xi32>
      %swap3A = arith.index_cast %add3A_63 : i32 to index
      %swap3A_67 = tpu.vector_load %arg9[%swap3A] {strides = array<i32>} : memref<256xi32, #tpu.memory_space<vmem>>, vector<16xi32>,
      tpu.vector_store %arg9[%swap3A], %shift_right_logical3A_66 {strides = array<i32>} : memref<256xi32, #tpu.memory_space<vmem>>, vector<16xi32>,
    }
    %scan3A_13 = arith.constant 16 : i32
    %dma_start3A = arith.constant 0 : i32
    %dma_start3A_14 = arith.constant 0 : i32
    %dma_start3A_15 = arith.constant 0 : i32
    %dma_start3A_16 = tpu.memref_slice %arg2[%dma_start3A, %dma_start3A_14, %dma_start3A_15] : memref<26x12500x128xf32, #tpu.memory_space<hbm>> -> memref<1x12500x128xf32, #tpu.memory_space<hbm>>
    %dma_start3A_17 = tpu.memref_squeeze %dma_start3A_16 : memref<1x12500x128xf32, #tpu.memory_space<hbm>> -> memref<12500x128xf32, #tpu.memory_space<hbm>>
    %dma_start3A_18 = arith.constant 0 : i32
    %dma_start3A_19 = arith.constant 0 : i32
    %dma_start3A_20 = tpu.memref_slice %dma_start3A_17[%dma_start3A_18, %dma_start3A_19] : memref<12500x128xf32, #tpu.memory_space<hbm>> -> memref<12500x128xf32, #tpu.memory_space<hbm>>
    tpu.enqueue_indirect_dma source(%dma_start3A_20 : memref<12500x128xf32, #tpu.memory_space<hbm>>) target(%arg11 : memref<256x128xf32, #tpu.memory_space<vmem>>) offsets(%arg9 : memref<256xi32, #tpu.memory_space<vmem>>) semaphore(%arg18 : memref<!tpu.dma_semaphore, #tpu.memory_space<semaphore_mem>>)
    %add3A_21 = arith.constant 256 : i32
    %add3A_22 = arith.addi %mul3A_2, %add3A_21 : i32
    %run_scoped3A_23 = arith.constant 0 : i32
    "tpu.region"() ({
      %run_scoped3A_59 = tpu.sem_alloc : memref<!tpu.dma_semaphore, #tpu.memory_space<semaphore_mem>>
      %dma_start3A_60 = tpu.memref_slice %arg4[%run_scoped3A_23, %add3A_22] : memref<26x16384xi32, #tpu.memory_space<hbm>> -> memref<1x256xi32, #tpu.memory_space<hbm>>
      %dma_start3A_61 = tpu.memref_squeeze %dma_start3A_60 : memref<1x256xi32, #tpu.memory_space<hbm>> -> memref<256xi32, #tpu.memory_space<hbm>>
      %dma_start3A_62 = tpu.memref_slice %arg4[%run_scoped3A_23, %add3A_22] : memref<26x16384xi32, #tpu.memory_space<hbm>> -> memref<1x256xi32, #tpu.memory_space<hbm>>
      %dma_start3A_63 = tpu.memref_squeeze %dma_start3A_62 : memref<1x256xi32, #tpu.memory_space<hbm>> -> memref<256xi32, #tpu.memory_space<hbm>>
      tpu.enqueue_dma source(%dma_start3A_63 : memref<256xi32, #tpu.memory_space<hbm>>) target(%arg8 : memref<256xi32, #tpu.memory_space<vmem>>) target_semaphore(%run_scoped3A_59 : memref<!tpu.dma_semaphore, #tpu.memory_space<semaphore_mem>>)
      %dma_wait3A_64 = tpu.memref_slice %arg4[%run_scoped3A_23, %add3A_22] : memref<26x16384xi32, #tpu.memory_space<hbm>> -> memref<1x256xi32, #tpu.memory_space<hbm>>
      %dma_wait3A_65 = tpu.memref_squeeze %dma_wait3A_64 : memref<1x256xi32, #tpu.memory_space<hbm>> -> memref<256xi32, #tpu.memory_space<hbm>>
      %dma_wait3A_66 = tpu.memref_slice %arg4[%run_scoped3A_23, %add3A_22] : memref<26x16384xi32, #tpu.memory_space<hbm>> -> memref<1x256xi32, #tpu.memory_space<hbm>>
      %dma_wait3A_67 = tpu.memref_squeeze %dma_wait3A_66 : memref<1x256xi32, #tpu.memory_space<hbm>> -> memref<256xi32, #tpu.memory_space<hbm>>
      tpu.wait_dma2 semaphore(%run_scoped3A_59 : memref<!tpu.dma_semaphore, #tpu.memory_space<semaphore_mem>>) src(%dma_wait3A_67 : memref<256xi32, #tpu.memory_space<hbm>>) dst(%arg8 : memref<256xi32, #tpu.memory_space<vmem>>)
      tpu.yield
    }) : () -> ()
    %scan3A_24 = arith.constant 0 : i32
    %scan3A_25 = arith.constant 16 : i32
    %scan3A_26 = arith.addi %scan3A_24, %scan3A_25 : i32
    %scan3A_27 = arith.constant 1 : i32
    scf.for %scan3A_59 = %scan3A_24 to %scan3A_26 step %scan3A_27  : i32 {
      %mul3A_60 = arith.constant 16 : i32
      %mul3A_61 = arith.muli %scan3A_59, %mul3A_60 : i32
      %add3A_62 = arith.constant 0 : i32
      %add3A_63 = arith.addi %add3A_62, %mul3A_61 : i32
      %get3A = arith.index_cast %add3A_63 : i32 to index
      %get3A_64 = tpu.vector_load %arg8[%get3A] {strides = array<i32>} : memref<256xi32, #tpu.memory_space<vmem>>, vector<16xi32>,
      %shift_right_logical3A = arith.constant 3 : i32
      %shift_right_logical3A_65 = vector.broadcast %shift_right_logical3A : i32 to vector<16xi32>
      %shift_right_logical3A_66 = arith.shrui %get3A_64, %shift_right_logical3A_65 : vector<16xi32>
      %swap3A = arith.index_cast %add3A_63 : i32 to index
      %swap3A_67 = tpu.vector_load %arg10[%swap3A] {strides = array<i32>} : memref<256xi32, #tpu.memory_space<vmem>>, vector<16xi32>,
      tpu.vector_store %arg10[%swap3A], %shift_right_logical3A_66 {strides = array<i32>} : memref<256xi32, #tpu.memory_space<vmem>>, vector<16xi32>,
    }
    %scan3A_28 = arith.constant 16 : i32
    %dma_start3A_29 = arith.constant 0 : i32
    %dma_start3A_30 = arith.constant 0 : i32
    %dma_start3A_31 = arith.constant 0 : i32
    %dma_start3A_32 = tpu.memref_slice %arg2[%dma_start3A_29, %dma_start3A_30, %dma_start3A_31] : memref<26x12500x128xf32, #tpu.memory_space<hbm>> -> memref<1x12500x128xf32, #tpu.memory_space<hbm>>
    %dma_start3A_33 = tpu.memref_squeeze %dma_start3A_32 : memref<1x12500x128xf32, #tpu.memory_space<hbm>> -> memref<12500x128xf32, #tpu.memory_space<hbm>>
    %dma_start3A_34 = arith.constant 0 : i32
    %dma_start3A_35 = arith.constant 0 : i32
    %dma_start3A_36 = tpu.memref_slice %dma_start3A_33[%dma_start3A_34, %dma_start3A_35] : memref<12500x128xf32, #tpu.memory_space<hbm>> -> memref<12500x128xf32, #tpu.memory_space<hbm>>
    tpu.enqueue_indirect_dma source(%dma_start3A_36 : memref<12500x128xf32, #tpu.memory_space<hbm>>) target(%arg12 : memref<256x128xf32, #tpu.memory_space<vmem>>) offsets(%arg10 : memref<256xi32, #tpu.memory_space<vmem>>) semaphore(%arg19 : memref<!tpu.dma_semaphore, #tpu.memory_space<semaphore_mem>>)
    %scan3A_37 = arith.constant 0 : i32
    %scan3A_38 = arith.constant 26 : i32
    %scan3A_39 = arith.addi %scan3A_37, %scan3A_38 : i32
    %scan3A_40 = arith.constant 1 : i32
    scf.for %scan3A_59 = %scan3A_37 to %scan3A_39 step %scan3A_40  : i32 {
      %mul3A_60 = arith.constant 2 : i32
      %mul3A_61 = arith.muli %scan3A_59, %mul3A_60 : i32
      %add3A_62 = arith.constant 0 : i32
      %add3A_63 = arith.addi %add3A_62, %mul3A_61 : i32
      %add3A_64 = arith.constant 0 : i32
      %add3A_65 = arith.addi %add3A_63, %add3A_64 : i32
      %jit3A = arith.constant 2 : i32
      %div3A = arith.divsi %add3A_65, %jit3A : i32
      %sign3A = arith.constant 0 : i32
      %sign3A_66 = arith.cmpi sgt, %add3A_65, %sign3A : i32
      %sign3A_67 = arith.extui %sign3A_66 : i1 to i32
      %sign3A_68 = arith.constant 0 : i32
      %sign3A_69 = arith.cmpi slt, %add3A_65, %sign3A_68 : i32
      %sign3A_70 = arith.extui %sign3A_69 : i1 to i32
      %sign3A_71 = arith.subi %sign3A_67, %sign3A_70 : i32
      %sign3A_72 = arith.constant 0 : i32
      %sign3A_73 = arith.cmpi sgt, %jit3A, %sign3A_72 : i32
      %sign3A_74 = arith.extui %sign3A_73 : i1 to i32
      %sign3A_75 = arith.constant 0 : i32
      %sign3A_76 = arith.cmpi slt, %jit3A, %sign3A_75 : i32
      %sign3A_77 = arith.extui %sign3A_76 : i1 to i32
      %sign3A_78 = arith.subi %sign3A_74, %sign3A_77 : i32
      %ne3A = arith.cmpi ne, %sign3A_71, %sign3A_78 : i32
      %rem3A = arith.remsi %add3A_65, %jit3A : i32
      %ne3A_79 = arith.constant 0 : i32
      %ne3A_80 = arith.cmpi ne, %rem3A, %ne3A_79 : i32
      %and3A = arith.andi %ne3A, %ne3A_80 : i1
      %sub3A = arith.constant 1 : i32
      %sub3A_81 = arith.subi %div3A, %sub3A : i32
      %select_n3A = arith.select %and3A, %sub3A_81, %div3A : i32
      %dma_wait3A_82 = arith.constant 0 : i32
      %dma_wait3A_83 = arith.constant 0 : i32
      %dma_wait3A_84 = tpu.memref_slice %arg2[%select_n3A, %dma_wait3A_82, %dma_wait3A_83] : memref<26x12500x128xf32, #tpu.memory_space<hbm>> -> memref<1x12500x128xf32, #tpu.memory_space<hbm>>
      %dma_wait3A_85 = tpu.memref_squeeze %dma_wait3A_84 : memref<1x12500x128xf32, #tpu.memory_space<hbm>> -> memref<12500x128xf32, #tpu.memory_space<hbm>>
      %dma_wait3A_86 = arith.constant 0 : i32
      %dma_wait3A_87 = arith.constant 0 : i32
      %dma_wait3A_88 = tpu.memref_slice %dma_wait3A_85[%dma_wait3A_86, %dma_wait3A_87] : memref<12500x128xf32, #tpu.memory_space<hbm>> -> memref<12500x128xf32, #tpu.memory_space<hbm>>
      tpu.wait_indirect_dma semaphore(%arg18 : memref<!tpu.dma_semaphore, #tpu.memory_space<semaphore_mem>>) src(%dma_wait3A_88 : memref<12500x128xf32, #tpu.memory_space<hbm>>) dst(%arg11 : memref<256x128xf32, #tpu.memory_space<vmem>>)
      %ge3A = arith.constant 2 : i32
      %ge3A_89 = arith.cmpi sge, %add3A_65, %ge3A : i32
      %convert_element_type3A = arith.extui %ge3A_89 : i1 to i32
      %cond3A = arith.constant 0 : i32
      %cond3A_90 = arith.cmpi ne, %convert_element_type3A, %cond3A : i32
      scf.if %cond3A_90 {
        %sub3A_317 = arith.constant 2 : i32
        %sub3A_318 = arith.subi %add3A_65, %sub3A_317 : i32
        %jit3A_319 = arith.constant 2 : i32
        %div3A_320 = arith.divsi %sub3A_318, %jit3A_319 : i32
        %sign3A_321 = arith.constant 0 : i32
        %sign3A_322 = arith.cmpi sgt, %sub3A_318, %sign3A_321 : i32
        %sign3A_323 = arith.extui %sign3A_322 : i1 to i32
        %sign3A_324 = arith.constant 0 : i32
        %sign3A_325 = arith.cmpi slt, %sub3A_318, %sign3A_324 : i32
        %sign3A_326 = arith.extui %sign3A_325 : i1 to i32
        %sign3A_327 = arith.subi %sign3A_323, %sign3A_326 : i32
        %sign3A_328 = arith.constant 0 : i32
        %sign3A_329 = arith.cmpi sgt, %jit3A_319, %sign3A_328 : i32
        %sign3A_330 = arith.extui %sign3A_329 : i1 to i32
        %sign3A_331 = arith.constant 0 : i32
        %sign3A_332 = arith.cmpi slt, %jit3A_319, %sign3A_331 : i32
        %sign3A_333 = arith.extui %sign3A_332 : i1 to i32
        %sign3A_334 = arith.subi %sign3A_330, %sign3A_333 : i32
        %ne3A_335 = arith.cmpi ne, %sign3A_327, %sign3A_334 : i32
        %rem3A_336 = arith.remsi %sub3A_318, %jit3A_319 : i32
        %ne3A_337 = arith.constant 0 : i32
        %ne3A_338 = arith.cmpi ne, %rem3A_336, %ne3A_337 : i32
        %and3A_339 = arith.andi %ne3A_335, %ne3A_338 : i1
        %sub3A_340 = arith.constant 1 : i32
        %sub3A_341 = arith.subi %div3A_320, %sub3A_340 : i32
        %select_n3A_342 = arith.select %and3A_339, %sub3A_341, %div3A_320 : i32
        %jit3A_343 = arith.constant 2 : i32
        %eq3A_344 = arith.constant 0 : i32
        %eq3A_345 = arith.cmpi eq, %jit3A_343, %eq3A_344 : i32
        %jit3A_346 = arith.constant 1 : i32
        %select_n3A_347 = arith.select %eq3A_345, %jit3A_346, %jit3A_343 : i32
        %rem3A_348 = arith.remsi %sub3A_318, %select_n3A_347 : i32
        %ne3A_349 = arith.constant 0 : i32
        %ne3A_350 = arith.cmpi ne, %rem3A_348, %ne3A_349 : i32
        %lt3A_351 = arith.constant 0 : i32
        %lt3A_352 = arith.cmpi slt, %rem3A_348, %lt3A_351 : i32
        %lt3A_353 = arith.constant 0 : i32
        %lt3A_354 = arith.cmpi slt, %select_n3A_347, %lt3A_353 : i32
        %ne3A_355 = arith.xori %lt3A_352, %lt3A_354 : i1
        %and3A_356 = arith.andi %ne3A_355, %ne3A_350 : i1
        %add3A_357 = arith.addi %rem3A_348, %select_n3A_347 : i32
        %select_n3A_358 = arith.select %and3A_356, %add3A_357, %rem3A_348 : i32
        %mul3A_359 = arith.constant 256 : i32
        %mul3A_360 = arith.muli %select_n3A_358, %mul3A_359 : i32
        %add3A_361 = arith.addi %mul3A_2, %mul3A_360 : i32
        %dma_wait3A_362 = arith.constant 0 : i32
        %dma_wait3A_363 = tpu.memref_slice %arg5[%select_n3A_342, %dma_wait3A_362, %add3A_361] : memref<26x16x16384xf32, #tpu.memory_space<hbm>> -> memref<1x16x256xf32, #tpu.memory_space<hbm>>
        %dma_wait3A_364 = tpu.memref_squeeze %dma_wait3A_363 : memref<1x16x256xf32, #tpu.memory_space<hbm>> -> memref<16x256xf32, #tpu.memory_space<hbm>>
        %dma_wait3A_365 = arith.constant 0 : i32
        %dma_wait3A_366 = tpu.memref_slice %arg5[%select_n3A_342, %dma_wait3A_365, %add3A_361] : memref<26x16x16384xf32, #tpu.memory_space<hbm>> -> memref<1x16x256xf32, #tpu.memory_space<hbm>>
        %dma_wait3A_367 = tpu.memref_squeeze %dma_wait3A_366 : memref<1x16x256xf32, #tpu.memory_space<hbm>> -> memref<16x256xf32, #tpu.memory_space<hbm>>
        tpu.wait_dma2 semaphore(%arg20 : memref<!tpu.dma_semaphore, #tpu.memory_space<semaphore_mem>>) src(%arg13 : memref<16x256xf32, #tpu.memory_space<vmem>>) dst(%dma_wait3A_367 : memref<16x256xf32, #tpu.memory_space<hbm>>)
      } else {
      }
      %mul3A_91 = arith.constant 100000 : i32
      %mul3A_92 = arith.muli %select_n3A, %mul3A_91 : i32
      %scan3A_93 = arith.constant 0 : i32
      %scan3A_94 = arith.constant 16 : i32
      %scan3A_95 = arith.addi %scan3A_93, %scan3A_94 : i32
      %scan3A_96 = arith.constant 1 : i32
      scf.for %scan3A_317 = %scan3A_93 to %scan3A_95 step %scan3A_96  : i32 {
        %mul3A_318 = arith.constant 16 : i32
        %mul3A_319 = arith.muli %scan3A_317, %mul3A_318 : i32
        %add3A_320 = arith.constant 0 : i32
        %add3A_321 = arith.addi %add3A_320, %mul3A_319 : i32
        %get3A = arith.index_cast %add3A_321 : i32 to index
        %get3A_322 = tpu.vector_load %arg7[%get3A] {strides = array<i32>} : memref<256xi32, #tpu.memory_space<vmem>>, vector<16xi32>,
        %add3A_323 = vector.broadcast %mul3A_92 : i32 to vector<16xi32>
        %add3A_324 = arith.addi %get3A_322, %add3A_323 : vector<16xi32>
        %swap3A = arith.index_cast %add3A_321 : i32 to index
        %swap3A_325 = tpu.vector_load %arg9[%swap3A] {strides = array<i32>} : memref<256xi32, #tpu.memory_space<vmem>>, vector<16xi32>,
        tpu.vector_store %arg9[%swap3A], %add3A_324 {strides = array<i32>} : memref<256xi32, #tpu.memory_space<vmem>>, vector<16xi32>,
      }
      %scan3A_97 = arith.constant 16 : i32
      %dma_start3A_98 = arith.constant 0 : i32
      %dma_start3A_99 = tpu.memref_slice %arg3[%dma_start3A_98] : memref<2600000xf32, #tpu.memory_space<hbm>> -> memref<2600000xf32, #tpu.memory_space<hbm>>
      tpu.enqueue_indirect_dma source(%dma_start3A_99 : memref<2600000xf32, #tpu.memory_space<hbm>>) target(%arg15 : memref<256xf32, #tpu.memory_space<vmem>>) offsets(%arg9 : memref<256xi32, #tpu.memory_space<vmem>>) semaphore(%arg22 : memref<!tpu.dma_semaphore, #tpu.memory_space<semaphore_mem>>)
      %scan3A_100 = arith.constant 0 : i32
      %scan3A_101 = arith.constant 16 : i32
      %scan3A_102 = arith.addi %scan3A_100, %scan3A_101 : i32
      %scan3A_103 = arith.constant 1 : i32
      scf.for %scan3A_317 = %scan3A_100 to %scan3A_102 step %scan3A_103  : i32 {
        %mul3A_318 = arith.constant 16 : i32
        %mul3A_319 = arith.muli %scan3A_317, %mul3A_318 : i32
        %add3A_320 = arith.constant 0 : i32
        %add3A_321 = arith.addi %add3A_320, %mul3A_319 : i32
        %iota3A = tpu.iota {dimensions = array<i32: 0>} : vector<16xi32>
        %add3A_322 = vector.broadcast %add3A_321 : i32 to vector<16xi32>
        %add3A_323 = arith.addi %iota3A, %add3A_322 : vector<16xi32>
        %get3A = arith.index_cast %add3A_321 : i32 to index
        %get3A_324 = tpu.vector_load %arg7[%get3A] {strides = array<i32>} : memref<256xi32, #tpu.memory_space<vmem>>, vector<16xi32>,
        %and3A_325 = arith.constant 7 : i32
        %and3A_326 = vector.broadcast %and3A_325 : i32 to vector<16xi32>
        %and3A_327 = arith.andi %get3A_324, %and3A_326 : vector<16xi32>
        %mul3A_328 = arith.constant 16 : i32
        %mul3A_329 = vector.broadcast %mul3A_328 : i32 to vector<16xi32>
        %mul3A_330 = arith.muli %and3A_327, %mul3A_329 : vector<16xi32>
        %add3A_331 = arith.constant 0 : i32
        %add3A_332 = vector.broadcast %add3A_331 : i32 to vector<16xi32>
        %add3A_333 = arith.addi %mul3A_330, %add3A_332 : vector<16xi32>
        %gather3A = tpu.vector_load_idx %arg11[%add3A_323, %add3A_333] : memref<256x128xf32, #tpu.memory_space<vmem>>[vector<16xi32>, vector<16xi32>], vector<16xf32>,
        %swap3A = arith.constant 0 : i32
        %swap3A_334 = arith.index_cast %swap3A : i32 to index
        %swap3A_335 = arith.index_cast %add3A_321 : i32 to index
        %swap3A_336 = tpu.vector_load %arg13[%swap3A_334, %swap3A_335] {strides = array<i32>} : memref<16x256xf32, #tpu.memory_space<vmem>>, vector<16xf32>,
        tpu.vector_store %arg13[%swap3A_334, %swap3A_335], %gather3A {strides = array<i32>} : memref<16x256xf32, #tpu.memory_space<vmem>>, vector<16xf32>,
        %add3A_337 = arith.constant 1 : i32
        %add3A_338 = vector.broadcast %add3A_337 : i32 to vector<16xi32>
        %add3A_339 = arith.addi %mul3A_330, %add3A_338 : vector<16xi32>
        %gather3A_340 = tpu.vector_load_idx %arg11[%add3A_323, %add3A_339] : memref<256x128xf32, #tpu.memory_space<vmem>>[vector<16xi32>, vector<16xi32>], vector<16xf32>,
        %swap3A_341 = arith.constant 1 : i32
        %swap3A_342 = arith.index_cast %swap3A_341 : i32 to index
        %swap3A_343 = arith.index_cast %add3A_321 : i32 to index
        %swap3A_344 = tpu.vector_load %arg13[%swap3A_342, %swap3A_343] {strides = array<i32>} : memref<16x256xf32, #tpu.memory_space<vmem>>, vector<16xf32>,
        tpu.vector_store %arg13[%swap3A_342, %swap3A_343], %gather3A_340 {strides = array<i32>} : memref<16x256xf32, #tpu.memory_space<vmem>>, vector<16xf32>,
        %add3A_345 = arith.constant 2 : i32
        %add3A_346 = vector.broadcast %add3A_345 : i32 to vector<16xi32>
        %add3A_347 = arith.addi %mul3A_330, %add3A_346 : vector<16xi32>
        %gather3A_348 = tpu.vector_load_idx %arg11[%add3A_323, %add3A_347] : memref<256x128xf32, #tpu.memory_space<vmem>>[vector<16xi32>, vector<16xi32>], vector<16xf32>,
        %swap3A_349 = arith.constant 2 : i32
        %swap3A_350 = arith.index_cast %swap3A_349 : i32 to index
        %swap3A_351 = arith.index_cast %add3A_321 : i32 to index
        %swap3A_352 = tpu.vector_load %arg13[%swap3A_350, %swap3A_351] {strides = array<i32>} : memref<16x256xf32, #tpu.memory_space<vmem>>, vector<16xf32>,
        tpu.vector_store %arg13[%swap3A_350, %swap3A_351], %gather3A_348 {strides = array<i32>} : memref<16x256xf32, #tpu.memory_space<vmem>>, vector<16xf32>,
        %add3A_353 = arith.constant 3 : i32
        %add3A_354 = vector.broadcast %add3A_353 : i32 to vector<16xi32>
        %add3A_355 = arith.addi %mul3A_330, %add3A_354 : vector<16xi32>
        %gather3A_356 = tpu.vector_load_idx %arg11[%add3A_323, %add3A_355] : memref<256x128xf32, #tpu.memory_space<vmem>>[vector<16xi32>, vector<16xi32>], vector<16xf32>,
        %swap3A_357 = arith.constant 3 : i32
        %swap3A_358 = arith.index_cast %swap3A_357 : i32 to index
        %swap3A_359 = arith.index_cast %add3A_321 : i32 to index
        %swap3A_360 = tpu.vector_load %arg13[%swap3A_358, %swap3A_359] {strides = array<i32>} : memref<16x256xf32, #tpu.memory_space<vmem>>, vector<16xf32>,
        tpu.vector_store %arg13[%swap3A_358, %swap3A_359], %gather3A_356 {strides = array<i32>} : memref<16x256xf32, #tpu.memory_space<vmem>>, vector<16xf32>,
        %add3A_361 = arith.constant 4 : i32
        %add3A_362 = vector.broadcast %add3A_361 : i32 to vector<16xi32>
        %add3A_363 = arith.addi %mul3A_330, %add3A_362 : vector<16xi32>
        %gather3A_364 = tpu.vector_load_idx %arg11[%add3A_323, %add3A_363] : memref<256x128xf32, #tpu.memory_space<vmem>>[vector<16xi32>, vector<16xi32>], vector<16xf32>,
        %swap3A_365 = arith.constant 4 : i32
        %swap3A_366 = arith.index_cast %swap3A_365 : i32 to index
        %swap3A_367 = arith.index_cast %add3A_321 : i32 to index
        %swap3A_368 = tpu.vector_load %arg13[%swap3A_366, %swap3A_367] {strides = array<i32>} : memref<16x256xf32, #tpu.memory_space<vmem>>, vector<16xf32>,
        tpu.vector_store %arg13[%swap3A_366, %swap3A_367], %gather3A_364 {strides = array<i32>} : memref<16x256xf32, #tpu.memory_space<vmem>>, vector<16xf32>,
        %add3A_369 = arith.constant 5 : i32
        %add3A_370 = vector.broadcast %add3A_369 : i32 to vector<16xi32>
        %add3A_371 = arith.addi %mul3A_330, %add3A_370 : vector<16xi32>
        %gather3A_372 = tpu.vector_load_idx %arg11[%add3A_323, %add3A_371] : memref<256x128xf32, #tpu.memory_space<vmem>>[vector<16xi32>, vector<16xi32>], vector<16xf32>,
        %swap3A_373 = arith.constant 5 : i32
        %swap3A_374 = arith.index_cast %swap3A_373 : i32 to index
        %swap3A_375 = arith.index_cast %add3A_321 : i32 to index
        %swap3A_376 = tpu.vector_load %arg13[%swap3A_374, %swap3A_375] {strides = array<i32>} : memref<16x256xf32, #tpu.memory_space<vmem>>, vector<16xf32>,
        tpu.vector_store %arg13[%swap3A_374, %swap3A_375], %gather3A_372 {strides = array<i32>} : memref<16x256xf32, #tpu.memory_space<vmem>>, vector<16xf32>,
        %add3A_377 = arith.constant 6 : i32
        %add3A_378 = vector.broadcast %add3A_377 : i32 to vector<16xi32>
        %add3A_379 = arith.addi %mul3A_330, %add3A_378 : vector<16xi32>
        %gather3A_380 = tpu.vector_load_idx %arg11[%add3A_323, %add3A_379] : memref<256x128xf32, #tpu.memory_space<vmem>>[vector<16xi32>, vector<16xi32>], vector<16xf32>,
        %swap3A_381 = arith.constant 6 : i32
        %swap3A_382 = arith.index_cast %swap3A_381 : i32 to index
        %swap3A_383 = arith.index_cast %add3A_321 : i32 to index
        %swap3A_384 = tpu.vector_load %arg13[%swap3A_382, %swap3A_383] {strides = array<i32>} : memref<16x256xf32, #tpu.memory_space<vmem>>, vector<16xf32>,
        tpu.vector_store %arg13[%swap3A_382, %swap3A_383], %gather3A_380 {strides = array<i32>} : memref<16x256xf32, #tpu.memory_space<vmem>>, vector<16xf32>,
        %add3A_385 = arith.constant 7 : i32
        %add3A_386 = vector.broadcast %add3A_385 : i32 to vector<16xi32>
        %add3A_387 = arith.addi %mul3A_330, %add3A_386 : vector<16xi32>
        %gather3A_388 = tpu.vector_load_idx %arg11[%add3A_323, %add3A_387] : memref<256x128xf32, #tpu.memory_space<vmem>>[vector<16xi32>, vector<16xi32>], vector<16xf32>,
        %swap3A_389 = arith.constant 7 : i32
        %swap3A_390 = arith.index_cast %swap3A_389 : i32 to index
        %swap3A_391 = arith.index_cast %add3A_321 : i32 to index
        %swap3A_392 = tpu.vector_load %arg13[%swap3A_390, %swap3A_391] {strides = array<i32>} : memref<16x256xf32, #tpu.memory_space<vmem>>, vector<16xf32>,
        tpu.vector_store %arg13[%swap3A_390, %swap3A_391], %gather3A_388 {strides = array<i32>} : memref<16x256xf32, #tpu.memory_space<vmem>>, vector<16xf32>,
        %add3A_393 = arith.constant 8 : i32
        %add3A_394 = vector.broadcast %add3A_393 : i32 to vector<16xi32>
        %add3A_395 = arith.addi %mul3A_330, %add3A_394 : vector<16xi32>
        %gather3A_396 = tpu.vector_load_idx %arg11[%add3A_323, %add3A_395] : memref<256x128xf32, #tpu.memory_space<vmem>>[vector<16xi32>, vector<16xi32>], vector<16xf32>,
        %swap3A_397 = arith.constant 8 : i32
        %swap3A_398 = arith.index_cast %swap3A_397 : i32 to index
        %swap3A_399 = arith.index_cast %add3A_321 : i32 to index
        %swap3A_400 = tpu.vector_load %arg13[%swap3A_398, %swap3A_399] {strides = array<i32>} : memref<16x256xf32, #tpu.memory_space<vmem>>, vector<16xf32>,
        tpu.vector_store %arg13[%swap3A_398, %swap3A_399], %gather3A_396 {strides = array<i32>} : memref<16x256xf32, #tpu.memory_space<vmem>>, vector<16xf32>,
        %add3A_401 = arith.constant 9 : i32
        %add3A_402 = vector.broadcast %add3A_401 : i32 to vector<16xi32>
        %add3A_403 = arith.addi %mul3A_330, %add3A_402 : vector<16xi32>
        %gather3A_404 = tpu.vector_load_idx %arg11[%add3A_323, %add3A_403] : memref<256x128xf32, #tpu.memory_space<vmem>>[vector<16xi32>, vector<16xi32>], vector<16xf32>,
        %swap3A_405 = arith.constant 9 : i32
        %swap3A_406 = arith.index_cast %swap3A_405 : i32 to index
        %swap3A_407 = arith.index_cast %add3A_321 : i32 to index
        %swap3A_408 = tpu.vector_load %arg13[%swap3A_406, %swap3A_407] {strides = array<i32>} : memref<16x256xf32, #tpu.memory_space<vmem>>, vector<16xf32>,
        tpu.vector_store %arg13[%swap3A_406, %swap3A_407], %gather3A_404 {strides = array<i32>} : memref<16x256xf32, #tpu.memory_space<vmem>>, vector<16xf32>,
        %add3A_409 = arith.constant 10 : i32
        %add3A_410 = vector.broadcast %add3A_409 : i32 to vector<16xi32>
        %add3A_411 = arith.addi %mul3A_330, %add3A_410 : vector<16xi32>
        %gather3A_412 = tpu.vector_load_idx %arg11[%add3A_323, %add3A_411] : memref<256x128xf32, #tpu.memory_space<vmem>>[vector<16xi32>, vector<16xi32>], vector<16xf32>,
        %swap3A_413 = arith.constant 10 : i32
        %swap3A_414 = arith.index_cast %swap3A_413 : i32 to index
        %swap3A_415 = arith.index_cast %add3A_321 : i32 to index
        %swap3A_416 = tpu.vector_load %arg13[%swap3A_414, %swap3A_415] {strides = array<i32>} : memref<16x256xf32, #tpu.memory_space<vmem>>, vector<16xf32>,
        tpu.vector_store %arg13[%swap3A_414, %swap3A_415], %gather3A_412 {strides = array<i32>} : memref<16x256xf32, #tpu.memory_space<vmem>>, vector<16xf32>,
        %add3A_417 = arith.constant 11 : i32
        %add3A_418 = vector.broadcast %add3A_417 : i32 to vector<16xi32>
        %add3A_419 = arith.addi %mul3A_330, %add3A_418 : vector<16xi32>
        %gather3A_420 = tpu.vector_load_idx %arg11[%add3A_323, %add3A_419] : memref<256x128xf32, #tpu.memory_space<vmem>>[vector<16xi32>, vector<16xi32>], vector<16xf32>,
        %swap3A_421 = arith.constant 11 : i32
        %swap3A_422 = arith.index_cast %swap3A_421 : i32 to index
        %swap3A_423 = arith.index_cast %add3A_321 : i32 to index
        %swap3A_424 = tpu.vector_load %arg13[%swap3A_422, %swap3A_423] {strides = array<i32>} : memref<16x256xf32, #tpu.memory_space<vmem>>, vector<16xf32>,
        tpu.vector_store %arg13[%swap3A_422, %swap3A_423], %gather3A_420 {strides = array<i32>} : memref<16x256xf32, #tpu.memory_space<vmem>>, vector<16xf32>,
        %add3A_425 = arith.constant 12 : i32
        %add3A_426 = vector.broadcast %add3A_425 : i32 to vector<16xi32>
        %add3A_427 = arith.addi %mul3A_330, %add3A_426 : vector<16xi32>
        %gather3A_428 = tpu.vector_load_idx %arg11[%add3A_323, %add3A_427] : memref<256x128xf32, #tpu.memory_space<vmem>>[vector<16xi32>, vector<16xi32>], vector<16xf32>,
        %swap3A_429 = arith.constant 12 : i32
        %swap3A_430 = arith.index_cast %swap3A_429 : i32 to index
        %swap3A_431 = arith.index_cast %add3A_321 : i32 to index
        %swap3A_432 = tpu.vector_load %arg13[%swap3A_430, %swap3A_431] {strides = array<i32>} : memref<16x256xf32, #tpu.memory_space<vmem>>, vector<16xf32>,
        tpu.vector_store %arg13[%swap3A_430, %swap3A_431], %gather3A_428 {strides = array<i32>} : memref<16x256xf32, #tpu.memory_space<vmem>>, vector<16xf32>,
        %add3A_433 = arith.constant 13 : i32
        %add3A_434 = vector.broadcast %add3A_433 : i32 to vector<16xi32>
        %add3A_435 = arith.addi %mul3A_330, %add3A_434 : vector<16xi32>
        %gather3A_436 = tpu.vector_load_idx %arg11[%add3A_323, %add3A_435] : memref<256x128xf32, #tpu.memory_space<vmem>>[vector<16xi32>, vector<16xi32>], vector<16xf32>,
        %swap3A_437 = arith.constant 13 : i32
        %swap3A_438 = arith.index_cast %swap3A_437 : i32 to index
        %swap3A_439 = arith.index_cast %add3A_321 : i32 to index
        %swap3A_440 = tpu.vector_load %arg13[%swap3A_438, %swap3A_439] {strides = array<i32>} : memref<16x256xf32, #tpu.memory_space<vmem>>, vector<16xf32>,
        tpu.vector_store %arg13[%swap3A_438, %swap3A_439], %gather3A_436 {strides = array<i32>} : memref<16x256xf32, #tpu.memory_space<vmem>>, vector<16xf32>,
        %add3A_441 = arith.constant 14 : i32
        %add3A_442 = vector.broadcast %add3A_441 : i32 to vector<16xi32>
        %add3A_443 = arith.addi %mul3A_330, %add3A_442 : vector<16xi32>
        %gather3A_444 = tpu.vector_load_idx %arg11[%add3A_323, %add3A_443] : memref<256x128xf32, #tpu.memory_space<vmem>>[vector<16xi32>, vector<16xi32>], vector<16xf32>,
        %swap3A_445 = arith.constant 14 : i32
        %swap3A_446 = arith.index_cast %swap3A_445 : i32 to index
        %swap3A_447 = arith.index_cast %add3A_321 : i32 to index
        %swap3A_448 = tpu.vector_load %arg13[%swap3A_446, %swap3A_447] {strides = array<i32>} : memref<16x256xf32, #tpu.memory_space<vmem>>, vector<16xf32>,
        tpu.vector_store %arg13[%swap3A_446, %swap3A_447], %gather3A_444 {strides = array<i32>} : memref<16x256xf32, #tpu.memory_space<vmem>>, vector<16xf32>,
        %add3A_449 = arith.constant 15 : i32
        %add3A_450 = vector.broadcast %add3A_449 : i32 to vector<16xi32>
        %add3A_451 = arith.addi %mul3A_330, %add3A_450 : vector<16xi32>
        %gather3A_452 = tpu.vector_load_idx %arg11[%add3A_323, %add3A_451] : memref<256x128xf32, #tpu.memory_space<vmem>>[vector<16xi32>, vector<16xi32>], vector<16xf32>,
        %swap3A_453 = arith.constant 15 : i32
        %swap3A_454 = arith.index_cast %swap3A_453 : i32 to index
        %swap3A_455 = arith.index_cast %add3A_321 : i32 to index
        %swap3A_456 = tpu.vector_load %arg13[%swap3A_454, %swap3A_455] {strides = array<i32>} : memref<16x256xf32, #tpu.memory_space<vmem>>, vector<16xf32>,
        tpu.vector_store %arg13[%swap3A_454, %swap3A_455], %gather3A_452 {strides = array<i32>} : memref<16x256xf32, #tpu.memory_space<vmem>>, vector<16xf32>,
      }
      %scan3A_104 = arith.constant 16 : i32
      %jit3A_105 = arith.constant 2 : i32
      %div3A_106 = arith.divsi %add3A_65, %jit3A_105 : i32
      %sign3A_107 = arith.constant 0 : i32
      %sign3A_108 = arith.cmpi sgt, %add3A_65, %sign3A_107 : i32
      %sign3A_109 = arith.extui %sign3A_108 : i1 to i32
      %sign3A_110 = arith.constant 0 : i32
      %sign3A_111 = arith.cmpi slt, %add3A_65, %sign3A_110 : i32
      %sign3A_112 = arith.extui %sign3A_111 : i1 to i32
      %sign3A_113 = arith.subi %sign3A_109, %sign3A_112 : i32
      %sign3A_114 = arith.constant 0 : i32
      %sign3A_115 = arith.cmpi sgt, %jit3A_105, %sign3A_114 : i32
      %sign3A_116 = arith.extui %sign3A_115 : i1 to i32
      %sign3A_117 = arith.constant 0 : i32
      %sign3A_118 = arith.cmpi slt, %jit3A_105, %sign3A_117 : i32
      %sign3A_119 = arith.extui %sign3A_118 : i1 to i32
      %sign3A_120 = arith.subi %sign3A_116, %sign3A_119 : i32
      %ne3A_121 = arith.cmpi ne, %sign3A_113, %sign3A_120 : i32
      %rem3A_122 = arith.remsi %add3A_65, %jit3A_105 : i32
      %ne3A_123 = arith.constant 0 : i32
      %ne3A_124 = arith.cmpi ne, %rem3A_122, %ne3A_123 : i32
      %and3A_125 = arith.andi %ne3A_121, %ne3A_124 : i1
      %sub3A_126 = arith.constant 1 : i32
      %sub3A_127 = arith.subi %div3A_106, %sub3A_126 : i32
      %select_n3A_128 = arith.select %and3A_125, %sub3A_127, %div3A_106 : i32
      %jit3A_129 = arith.constant 2 : i32
      %eq3A = arith.constant 0 : i32
      %eq3A_130 = arith.cmpi eq, %jit3A_129, %eq3A : i32
      %jit3A_131 = arith.constant 1 : i32
      %select_n3A_132 = arith.select %eq3A_130, %jit3A_131, %jit3A_129 : i32
      %rem3A_133 = arith.remsi %add3A_65, %select_n3A_132 : i32
      %ne3A_134 = arith.constant 0 : i32
      %ne3A_135 = arith.cmpi ne, %rem3A_133, %ne3A_134 : i32
      %lt3A = arith.constant 0 : i32
      %lt3A_136 = arith.cmpi slt, %rem3A_133, %lt3A : i32
      %lt3A_137 = arith.constant 0 : i32
      %lt3A_138 = arith.cmpi slt, %select_n3A_132, %lt3A_137 : i32
      %ne3A_139 = arith.xori %lt3A_136, %lt3A_138 : i1
      %and3A_140 = arith.andi %ne3A_139, %ne3A_135 : i1
      %add3A_141 = arith.addi %rem3A_133, %select_n3A_132 : i32
      %select_n3A_142 = arith.select %and3A_140, %add3A_141, %rem3A_133 : i32
      %mul3A_143 = arith.constant 256 : i32
      %mul3A_144 = arith.muli %select_n3A_142, %mul3A_143 : i32
      %add3A_145 = arith.addi %mul3A_2, %mul3A_144 : i32
      %dma_start3A_146 = arith.constant 0 : i32
      %dma_start3A_147 = tpu.memref_slice %arg5[%select_n3A_128, %dma_start3A_146, %add3A_145] : memref<26x16x16384xf32, #tpu.memory_space<hbm>> -> memref<1x16x256xf32, #tpu.memory_space<hbm>>
      %dma_start3A_148 = tpu.memref_squeeze %dma_start3A_147 : memref<1x16x256xf32, #tpu.memory_space<hbm>> -> memref<16x256xf32, #tpu.memory_space<hbm>>
      %dma_start3A_149 = arith.constant 0 : i32
      %dma_start3A_150 = tpu.memref_slice %arg5[%select_n3A_128, %dma_start3A_149, %add3A_145] : memref<26x16x16384xf32, #tpu.memory_space<hbm>> -> memref<1x16x256xf32, #tpu.memory_space<hbm>>
      %dma_start3A_151 = tpu.memref_squeeze %dma_start3A_150 : memref<1x16x256xf32, #tpu.memory_space<hbm>> -> memref<16x256xf32, #tpu.memory_space<hbm>>
      tpu.enqueue_dma source(%arg13 : memref<16x256xf32, #tpu.memory_space<vmem>>) target(%dma_start3A_151 : memref<16x256xf32, #tpu.memory_space<hbm>>) target_semaphore(%arg20 : memref<!tpu.dma_semaphore, #tpu.memory_space<semaphore_mem>>)
      %dma_wait3A_152 = arith.constant 0 : i32
      %dma_wait3A_153 = tpu.memref_slice %arg3[%dma_wait3A_152] : memref<2600000xf32, #tpu.memory_space<hbm>> -> memref<2600000xf32, #tpu.memory_space<hbm>>
      tpu.wait_indirect_dma semaphore(%arg22 : memref<!tpu.dma_semaphore, #tpu.memory_space<semaphore_mem>>) src(%dma_wait3A_153 : memref<2600000xf32, #tpu.memory_space<hbm>>) dst(%arg15 : memref<256xf32, #tpu.memory_space<vmem>>)
      %jit3A_154 = arith.constant 2 : i32
      %eq3A_155 = arith.constant 0 : i32
      %eq3A_156 = arith.cmpi eq, %jit3A_154, %eq3A_155 : i32
      %jit3A_157 = arith.constant 1 : i32
      %select_n3A_158 = arith.select %eq3A_156, %jit3A_157, %jit3A_154 : i32
      %rem3A_159 = arith.remsi %add3A_65, %select_n3A_158 : i32
      %ne3A_160 = arith.constant 0 : i32
      %ne3A_161 = arith.cmpi ne, %rem3A_159, %ne3A_160 : i32
      %lt3A_162 = arith.constant 0 : i32
      %lt3A_163 = arith.cmpi slt, %rem3A_159, %lt3A_162 : i32
      %lt3A_164 = arith.constant 0 : i32
      %lt3A_165 = arith.cmpi slt, %select_n3A_158, %lt3A_164 : i32
      %ne3A_166 = arith.xori %lt3A_163, %lt3A_165 : i1
      %and3A_167 = arith.andi %ne3A_166, %ne3A_161 : i1
      %add3A_168 = arith.addi %rem3A_159, %select_n3A_158 : i32
      %select_n3A_169 = arith.select %and3A_167, %add3A_168, %rem3A_159 : i32
      %mul3A_170 = arith.constant 256 : i32
      %mul3A_171 = arith.muli %select_n3A_169, %mul3A_170 : i32
      %scan3A_172 = arith.constant 0 : i32
      %scan3A_173 = arith.constant 16 : i32
      %scan3A_174 = arith.addi %scan3A_172, %scan3A_173 : i32
      %scan3A_175 = arith.constant 1 : i32
      scf.for %scan3A_317 = %scan3A_172 to %scan3A_174 step %scan3A_175  : i32 {
        %mul3A_318 = arith.constant 16 : i32
        %mul3A_319 = arith.muli %scan3A_317, %mul3A_318 : i32
        %add3A_320 = arith.constant 0 : i32
        %add3A_321 = arith.addi %add3A_320, %mul3A_319 : i32
        %add3A_322 = arith.addi %mul3A_171, %add3A_321 : i32
        %get3A = arith.index_cast %add3A_322 : i32 to index
        %get3A_323 = tpu.vector_load %arg17[%get3A] {strides = array<i32>} : memref<512xf32, #tpu.memory_space<vmem>>, vector<16xf32>,
        %get3A_324 = arith.index_cast %add3A_321 : i32 to index
        %get3A_325 = tpu.vector_load %arg15[%get3A_324] {strides = array<i32>} : memref<256xf32, #tpu.memory_space<vmem>>, vector<16xf32>,
        %add3A_326 = arith.addf %get3A_323, %get3A_325 : vector<16xf32>
        %add3A_327 = arith.addi %mul3A_171, %add3A_321 : i32
        %swap3A = arith.index_cast %add3A_327 : i32 to index
        %swap3A_328 = tpu.vector_load %arg17[%swap3A] {strides = array<i32>} : memref<512xf32, #tpu.memory_space<vmem>>, vector<16xf32>,
        tpu.vector_store %arg17[%swap3A], %add3A_326 {strides = array<i32>} : memref<512xf32, #tpu.memory_space<vmem>>, vector<16xf32>,
      }
      %scan3A_176 = arith.constant 16 : i32
      %add3A_177 = arith.constant 2 : i32
      %add3A_178 = arith.addi %add3A_65, %add3A_177 : i32
      %lt3A_179 = arith.constant 52 : i32
      %lt3A_180 = arith.cmpi slt, %add3A_178, %lt3A_179 : i32
      %convert_element_type3A_181 = arith.extui %lt3A_180 : i1 to i32
      %cond3A_182 = arith.constant 0 : i32
      %cond3A_183 = arith.cmpi ne, %convert_element_type3A_181, %cond3A_182 : i32
      scf.if %cond3A_183 {
        %add3A_317 = arith.constant 2 : i32
        %add3A_318 = arith.addi %add3A_65, %add3A_317 : i32
        %jit3A_319 = arith.constant 2 : i32
        %div3A_320 = arith.divsi %add3A_318, %jit3A_319 : i32
        %sign3A_321 = arith.constant 0 : i32
        %sign3A_322 = arith.cmpi sgt, %add3A_318, %sign3A_321 : i32
        %sign3A_323 = arith.extui %sign3A_322 : i1 to i32
        %sign3A_324 = arith.constant 0 : i32
        %sign3A_325 = arith.cmpi slt, %add3A_318, %sign3A_324 : i32
        %sign3A_326 = arith.extui %sign3A_325 : i1 to i32
        %sign3A_327 = arith.subi %sign3A_323, %sign3A_326 : i32
        %sign3A_328 = arith.constant 0 : i32
        %sign3A_329 = arith.cmpi sgt, %jit3A_319, %sign3A_328 : i32
        %sign3A_330 = arith.extui %sign3A_329 : i1 to i32
        %sign3A_331 = arith.constant 0 : i32
        %sign3A_332 = arith.cmpi slt, %jit3A_319, %sign3A_331 : i32
        %sign3A_333 = arith.extui %sign3A_332 : i1 to i32
        %sign3A_334 = arith.subi %sign3A_330, %sign3A_333 : i32
        %ne3A_335 = arith.cmpi ne, %sign3A_327, %sign3A_334 : i32
        %rem3A_336 = arith.remsi %add3A_318, %jit3A_319 : i32
        %ne3A_337 = arith.constant 0 : i32
        %ne3A_338 = arith.cmpi ne, %rem3A_336, %ne3A_337 : i32
        %and3A_339 = arith.andi %ne3A_335, %ne3A_338 : i1
        %sub3A_340 = arith.constant 1 : i32
        %sub3A_341 = arith.subi %div3A_320, %sub3A_340 : i32
        %select_n3A_342 = arith.select %and3A_339, %sub3A_341, %div3A_320 : i32
        %jit3A_343 = arith.constant 2 : i32
        %eq3A_344 = arith.constant 0 : i32
        %eq3A_345 = arith.cmpi eq, %jit3A_343, %eq3A_344 : i32
        %jit3A_346 = arith.constant 1 : i32
        %select_n3A_347 = arith.select %eq3A_345, %jit3A_346, %jit3A_343 : i32
        %rem3A_348 = arith.remsi %add3A_318, %select_n3A_347 : i32
        %ne3A_349 = arith.constant 0 : i32
        %ne3A_350 = arith.cmpi ne, %rem3A_348, %ne3A_349 : i32
        %lt3A_351 = arith.constant 0 : i32
        %lt3A_352 = arith.cmpi slt, %rem3A_348, %lt3A_351 : i32
        %lt3A_353 = arith.constant 0 : i32
        %lt3A_354 = arith.cmpi slt, %select_n3A_347, %lt3A_353 : i32
        %ne3A_355 = arith.xori %lt3A_352, %lt3A_354 : i1
        %and3A_356 = arith.andi %ne3A_355, %ne3A_350 : i1
        %add3A_357 = arith.addi %rem3A_348, %select_n3A_347 : i32
        %select_n3A_358 = arith.select %and3A_356, %add3A_357, %rem3A_348 : i32
        %mul3A_359 = arith.constant 256 : i32
        %mul3A_360 = arith.muli %select_n3A_358, %mul3A_359 : i32
        %add3A_361 = arith.addi %mul3A_2, %mul3A_360 : i32
        "tpu.region"() ({
          %run_scoped3A_374 = tpu.sem_alloc : memref<!tpu.dma_semaphore, #tpu.memory_space<semaphore_mem>>
          %dma_start3A_375 = tpu.memref_slice %arg4[%select_n3A_342, %add3A_361] : memref<26x16384xi32, #tpu.memory_space<hbm>> -> memref<1x256xi32, #tpu.memory_space<hbm>>
          %dma_start3A_376 = tpu.memref_squeeze %dma_start3A_375 : memref<1x256xi32, #tpu.memory_space<hbm>> -> memref<256xi32, #tpu.memory_space<hbm>>
          %dma_start3A_377 = tpu.memref_slice %arg4[%select_n3A_342, %add3A_361] : memref<26x16384xi32, #tpu.memory_space<hbm>> -> memref<1x256xi32, #tpu.memory_space<hbm>>
          %dma_start3A_378 = tpu.memref_squeeze %dma_start3A_377 : memref<1x256xi32, #tpu.memory_space<hbm>> -> memref<256xi32, #tpu.memory_space<hbm>>
          tpu.enqueue_dma source(%dma_start3A_378 : memref<256xi32, #tpu.memory_space<hbm>>) target(%arg7 : memref<256xi32, #tpu.memory_space<vmem>>) target_semaphore(%run_scoped3A_374 : memref<!tpu.dma_semaphore, #tpu.memory_space<semaphore_mem>>)
          %dma_wait3A_379 = tpu.memref_slice %arg4[%select_n3A_342, %add3A_361] : memref<26x16384xi32, #tpu.memory_space<hbm>> -> memref<1x256xi32, #tpu.memory_space<hbm>>
          %dma_wait3A_380 = tpu.memref_squeeze %dma_wait3A_379 : memref<1x256xi32, #tpu.memory_space<hbm>> -> memref<256xi32, #tpu.memory_space<hbm>>
          %dma_wait3A_381 = tpu.memref_slice %arg4[%select_n3A_342, %add3A_361] : memref<26x16384xi32, #tpu.memory_space<hbm>> -> memref<1x256xi32, #tpu.memory_space<hbm>>
          %dma_wait3A_382 = tpu.memref_squeeze %dma_wait3A_381 : memref<1x256xi32, #tpu.memory_space<hbm>> -> memref<256xi32, #tpu.memory_space<hbm>>
          tpu.wait_dma2 semaphore(%run_scoped3A_374 : memref<!tpu.dma_semaphore, #tpu.memory_space<semaphore_mem>>) src(%dma_wait3A_382 : memref<256xi32, #tpu.memory_space<hbm>>) dst(%arg7 : memref<256xi32, #tpu.memory_space<vmem>>)
          tpu.yield
        }) : () -> ()
        %scan3A_362 = arith.constant 0 : i32
        %scan3A_363 = arith.constant 16 : i32
        %scan3A_364 = arith.addi %scan3A_362, %scan3A_363 : i32
        %scan3A_365 = arith.constant 1 : i32
        scf.for %scan3A_374 = %scan3A_362 to %scan3A_364 step %scan3A_365  : i32 {
          %mul3A_375 = arith.constant 16 : i32
          %mul3A_376 = arith.muli %scan3A_374, %mul3A_375 : i32
          %add3A_377 = arith.constant 0 : i32
          %add3A_378 = arith.addi %add3A_377, %mul3A_376 : i32
          %get3A = arith.index_cast %add3A_378 : i32 to index
          %get3A_379 = tpu.vector_load %arg7[%get3A] {strides = array<i32>} : memref<256xi32, #tpu.memory_space<vmem>>, vector<16xi32>,
          %shift_right_logical3A = arith.constant 3 : i32
          %shift_right_logical3A_380 = vector.broadcast %shift_right_logical3A : i32 to vector<16xi32>
          %shift_right_logical3A_381 = arith.shrui %get3A_379, %shift_right_logical3A_380 : vector<16xi32>
          %swap3A = arith.index_cast %add3A_378 : i32 to index
          %swap3A_382 = tpu.vector_load %arg9[%swap3A] {strides = array<i32>} : memref<256xi32, #tpu.memory_space<vmem>>, vector<16xi32>,
          tpu.vector_store %arg9[%swap3A], %shift_right_logical3A_381 {strides = array<i32>} : memref<256xi32, #tpu.memory_space<vmem>>, vector<16xi32>,
        }
        %scan3A_366 = arith.constant 16 : i32
        %dma_start3A_367 = arith.constant 0 : i32
        %dma_start3A_368 = arith.constant 0 : i32
        %dma_start3A_369 = tpu.memref_slice %arg2[%select_n3A_342, %dma_start3A_367, %dma_start3A_368] : memref<26x12500x128xf32, #tpu.memory_space<hbm>> -> memref<1x12500x128xf32, #tpu.memory_space<hbm>>
        %dma_start3A_370 = tpu.memref_squeeze %dma_start3A_369 : memref<1x12500x128xf32, #tpu.memory_space<hbm>> -> memref<12500x128xf32, #tpu.memory_space<hbm>>
        %dma_start3A_371 = arith.constant 0 : i32
        %dma_start3A_372 = arith.constant 0 : i32
        %dma_start3A_373 = tpu.memref_slice %dma_start3A_370[%dma_start3A_371, %dma_start3A_372] : memref<12500x128xf32, #tpu.memory_space<hbm>> -> memref<12500x128xf32, #tpu.memory_space<hbm>>
        tpu.enqueue_indirect_dma source(%dma_start3A_373 : memref<12500x128xf32, #tpu.memory_space<hbm>>) target(%arg11 : memref<256x128xf32, #tpu.memory_space<vmem>>) offsets(%arg9 : memref<256xi32, #tpu.memory_space<vmem>>) semaphore(%arg18 : memref<!tpu.dma_semaphore, #tpu.memory_space<semaphore_mem>>)
      } else {
      }
      %add3A_184 = arith.constant 1 : i32
      %add3A_185 = arith.addi %add3A_63, %add3A_184 : i32
      %jit3A_186 = arith.constant 2 : i32
      %div3A_187 = arith.divsi %add3A_185, %jit3A_186 : i32
      %sign3A_188 = arith.constant 0 : i32
      %sign3A_189 = arith.cmpi sgt, %add3A_185, %sign3A_188 : i32
      %sign3A_190 = arith.extui %sign3A_189 : i1 to i32
      %sign3A_191 = arith.constant 0 : i32
      %sign3A_192 = arith.cmpi slt, %add3A_185, %sign3A_191 : i32
      %sign3A_193 = arith.extui %sign3A_192 : i1 to i32
      %sign3A_194 = arith.subi %sign3A_190, %sign3A_193 : i32
      %sign3A_195 = arith.constant 0 : i32
      %sign3A_196 = arith.cmpi sgt, %jit3A_186, %sign3A_195 : i32
      %sign3A_197 = arith.extui %sign3A_196 : i1 to i32
      %sign3A_198 = arith.constant 0 : i32
      %sign3A_199 = arith.cmpi slt, %jit3A_186, %sign3A_198 : i32
      %sign3A_200 = arith.extui %sign3A_199 : i1 to i32
      %sign3A_201 = arith.subi %sign3A_197, %sign3A_200 : i32
      %ne3A_202 = arith.cmpi ne, %sign3A_194, %sign3A_201 : i32
      %rem3A_203 = arith.remsi %add3A_185, %jit3A_186 : i32
      %ne3A_204 = arith.constant 0 : i32
      %ne3A_205 = arith.cmpi ne, %rem3A_203, %ne3A_204 : i32
      %and3A_206 = arith.andi %ne3A_202, %ne3A_205 : i1
      %sub3A_207 = arith.constant 1 : i32
      %sub3A_208 = arith.subi %div3A_187, %sub3A_207 : i32
      %select_n3A_209 = arith.select %and3A_206, %sub3A_208, %div3A_187 : i32
      %dma_wait3A_210 = arith.constant 0 : i32
      %dma_wait3A_211 = arith.constant 0 : i32
      %dma_wait3A_212 = tpu.memref_slice %arg2[%select_n3A_209, %dma_wait3A_210, %dma_wait3A_211] : memref<26x12500x128xf32, #tpu.memory_space<hbm>> -> memref<1x12500x128xf32, #tpu.memory_space<hbm>>
      %dma_wait3A_213 = tpu.memref_squeeze %dma_wait3A_212 : memref<1x12500x128xf32, #tpu.memory_space<hbm>> -> memref<12500x128xf32, #tpu.memory_space<hbm>>
      %dma_wait3A_214 = arith.constant 0 : i32
      %dma_wait3A_215 = arith.constant 0 : i32
      %dma_wait3A_216 = tpu.memref_slice %dma_wait3A_213[%dma_wait3A_214, %dma_wait3A_215] : memref<12500x128xf32, #tpu.memory_space<hbm>> -> memref<12500x128xf32, #tpu.memory_space<hbm>>
      tpu.wait_indirect_dma semaphore(%arg19 : memref<!tpu.dma_semaphore, #tpu.memory_space<semaphore_mem>>) src(%dma_wait3A_216 : memref<12500x128xf32, #tpu.memory_space<hbm>>) dst(%arg12 : memref<256x128xf32, #tpu.memory_space<vmem>>)
      %ge3A_217 = arith.constant 2 : i32
      %ge3A_218 = arith.cmpi sge, %add3A_185, %ge3A_217 : i32
      %convert_element_type3A_219 = arith.extui %ge3A_218 : i1 to i32
      %cond3A_220 = arith.constant 0 : i32
      %cond3A_221 = arith.cmpi ne, %convert_element_type3A_219, %cond3A_220 : i32
      scf.if %cond3A_221 {
        %sub3A_317 = arith.constant 2 : i32
        %sub3A_318 = arith.subi %add3A_185, %sub3A_317 : i32
        %jit3A_319 = arith.constant 2 : i32
        %div3A_320 = arith.divsi %sub3A_318, %jit3A_319 : i32
        %sign3A_321 = arith.constant 0 : i32
        %sign3A_322 = arith.cmpi sgt, %sub3A_318, %sign3A_321 : i32
        %sign3A_323 = arith.extui %sign3A_322 : i1 to i32
        %sign3A_324 = arith.constant 0 : i32
        %sign3A_325 = arith.cmpi slt, %sub3A_318, %sign3A_324 : i32
        %sign3A_326 = arith.extui %sign3A_325 : i1 to i32
        %sign3A_327 = arith.subi %sign3A_323, %sign3A_326 : i32
        %sign3A_328 = arith.constant 0 : i32
        %sign3A_329 = arith.cmpi sgt, %jit3A_319, %sign3A_328 : i32
        %sign3A_330 = arith.extui %sign3A_329 : i1 to i32
        %sign3A_331 = arith.constant 0 : i32
        %sign3A_332 = arith.cmpi slt, %jit3A_319, %sign3A_331 : i32
        %sign3A_333 = arith.extui %sign3A_332 : i1 to i32
        %sign3A_334 = arith.subi %sign3A_330, %sign3A_333 : i32
        %ne3A_335 = arith.cmpi ne, %sign3A_327, %sign3A_334 : i32
        %rem3A_336 = arith.remsi %sub3A_318, %jit3A_319 : i32
        %ne3A_337 = arith.constant 0 : i32
        %ne3A_338 = arith.cmpi ne, %rem3A_336, %ne3A_337 : i32
        %and3A_339 = arith.andi %ne3A_335, %ne3A_338 : i1
        %sub3A_340 = arith.constant 1 : i32
        %sub3A_341 = arith.subi %div3A_320, %sub3A_340 : i32
        %select_n3A_342 = arith.select %and3A_339, %sub3A_341, %div3A_320 : i32
        %jit3A_343 = arith.constant 2 : i32
        %eq3A_344 = arith.constant 0 : i32
        %eq3A_345 = arith.cmpi eq, %jit3A_343, %eq3A_344 : i32
        %jit3A_346 = arith.constant 1 : i32
        %select_n3A_347 = arith.select %eq3A_345, %jit3A_346, %jit3A_343 : i32
        %rem3A_348 = arith.remsi %sub3A_318, %select_n3A_347 : i32
        %ne3A_349 = arith.constant 0 : i32
        %ne3A_350 = arith.cmpi ne, %rem3A_348, %ne3A_349 : i32
        %lt3A_351 = arith.constant 0 : i32
        %lt3A_352 = arith.cmpi slt, %rem3A_348, %lt3A_351 : i32
        %lt3A_353 = arith.constant 0 : i32
        %lt3A_354 = arith.cmpi slt, %select_n3A_347, %lt3A_353 : i32
        %ne3A_355 = arith.xori %lt3A_352, %lt3A_354 : i1
        %and3A_356 = arith.andi %ne3A_355, %ne3A_350 : i1
        %add3A_357 = arith.addi %rem3A_348, %select_n3A_347 : i32
        %select_n3A_358 = arith.select %and3A_356, %add3A_357, %rem3A_348 : i32
        %mul3A_359 = arith.constant 256 : i32
        %mul3A_360 = arith.muli %select_n3A_358, %mul3A_359 : i32
        %add3A_361 = arith.addi %mul3A_2, %mul3A_360 : i32
        %dma_wait3A_362 = arith.constant 0 : i32
        %dma_wait3A_363 = tpu.memref_slice %arg5[%select_n3A_342, %dma_wait3A_362, %add3A_361] : memref<26x16x16384xf32, #tpu.memory_space<hbm>> -> memref<1x16x256xf32, #tpu.memory_space<hbm>>
        %dma_wait3A_364 = tpu.memref_squeeze %dma_wait3A_363 : memref<1x16x256xf32, #tpu.memory_space<hbm>> -> memref<16x256xf32, #tpu.memory_space<hbm>>
        %dma_wait3A_365 = arith.constant 0 : i32
        %dma_wait3A_366 = tpu.memref_slice %arg5[%select_n3A_342, %dma_wait3A_365, %add3A_361] : memref<26x16x16384xf32, #tpu.memory_space<hbm>> -> memref<1x16x256xf32, #tpu.memory_space<hbm>>
        %dma_wait3A_367 = tpu.memref_squeeze %dma_wait3A_366 : memref<1x16x256xf32, #tpu.memory_space<hbm>> -> memref<16x256xf32, #tpu.memory_space<hbm>>
        tpu.wait_dma2 semaphore(%arg21 : memref<!tpu.dma_semaphore, #tpu.memory_space<semaphore_mem>>) src(%arg14 : memref<16x256xf32, #tpu.memory_space<vmem>>) dst(%dma_wait3A_367 : memref<16x256xf32, #tpu.memory_space<hbm>>)
      } else {
      }
      %mul3A_222 = arith.constant 100000 : i32
      %mul3A_223 = arith.muli %select_n3A_209, %mul3A_222 : i32
      %scan3A_224 = arith.constant 0 : i32
      %scan3A_225 = arith.constant 16 : i32
      %scan3A_226 = arith.addi %scan3A_224, %scan3A_225 : i32
      %scan3A_227 = arith.constant 1 : i32
      scf.for %scan3A_317 = %scan3A_224 to %scan3A_226 step %scan3A_227  : i32 {
        %mul3A_318 = arith.constant 16 : i32
        %mul3A_319 = arith.muli %scan3A_317, %mul3A_318 : i32
        %add3A_320 = arith.constant 0 : i32
        %add3A_321 = arith.addi %add3A_320, %mul3A_319 : i32
        %get3A = arith.index_cast %add3A_321 : i32 to index
        %get3A_322 = tpu.vector_load %arg8[%get3A] {strides = array<i32>} : memref<256xi32, #tpu.memory_space<vmem>>, vector<16xi32>,
        %add3A_323 = vector.broadcast %mul3A_223 : i32 to vector<16xi32>
        %add3A_324 = arith.addi %get3A_322, %add3A_323 : vector<16xi32>
        %swap3A = arith.index_cast %add3A_321 : i32 to index
        %swap3A_325 = tpu.vector_load %arg10[%swap3A] {strides = array<i32>} : memref<256xi32, #tpu.memory_space<vmem>>, vector<16xi32>,
        tpu.vector_store %arg10[%swap3A], %add3A_324 {strides = array<i32>} : memref<256xi32, #tpu.memory_space<vmem>>, vector<16xi32>,
      }
      %scan3A_228 = arith.constant 16 : i32
      %dma_start3A_229 = arith.constant 0 : i32
      %dma_start3A_230 = tpu.memref_slice %arg3[%dma_start3A_229] : memref<2600000xf32, #tpu.memory_space<hbm>> -> memref<2600000xf32, #tpu.memory_space<hbm>>
      tpu.enqueue_indirect_dma source(%dma_start3A_230 : memref<2600000xf32, #tpu.memory_space<hbm>>) target(%arg16 : memref<256xf32, #tpu.memory_space<vmem>>) offsets(%arg10 : memref<256xi32, #tpu.memory_space<vmem>>) semaphore(%arg23 : memref<!tpu.dma_semaphore, #tpu.memory_space<semaphore_mem>>)
      %scan3A_231 = arith.constant 0 : i32
      %scan3A_232 = arith.constant 16 : i32
      %scan3A_233 = arith.addi %scan3A_231, %scan3A_232 : i32
      %scan3A_234 = arith.constant 1 : i32
      scf.for %scan3A_317 = %scan3A_231 to %scan3A_233 step %scan3A_234  : i32 {
        %mul3A_318 = arith.constant 16 : i32
        %mul3A_319 = arith.muli %scan3A_317, %mul3A_318 : i32
        %add3A_320 = arith.constant 0 : i32
        %add3A_321 = arith.addi %add3A_320, %mul3A_319 : i32
        %iota3A = tpu.iota {dimensions = array<i32: 0>} : vector<16xi32>
        %add3A_322 = vector.broadcast %add3A_321 : i32 to vector<16xi32>
        %add3A_323 = arith.addi %iota3A, %add3A_322 : vector<16xi32>
        %get3A = arith.index_cast %add3A_321 : i32 to index
        %get3A_324 = tpu.vector_load %arg8[%get3A] {strides = array<i32>} : memref<256xi32, #tpu.memory_space<vmem>>, vector<16xi32>,
        %and3A_325 = arith.constant 7 : i32
        %and3A_326 = vector.broadcast %and3A_325 : i32 to vector<16xi32>
        %and3A_327 = arith.andi %get3A_324, %and3A_326 : vector<16xi32>
        %mul3A_328 = arith.constant 16 : i32
        %mul3A_329 = vector.broadcast %mul3A_328 : i32 to vector<16xi32>
        %mul3A_330 = arith.muli %and3A_327, %mul3A_329 : vector<16xi32>
        %add3A_331 = arith.constant 0 : i32
        %add3A_332 = vector.broadcast %add3A_331 : i32 to vector<16xi32>
        %add3A_333 = arith.addi %mul3A_330, %add3A_332 : vector<16xi32>
        %gather3A = tpu.vector_load_idx %arg12[%add3A_323, %add3A_333] : memref<256x128xf32, #tpu.memory_space<vmem>>[vector<16xi32>, vector<16xi32>], vector<16xf32>,
        %swap3A = arith.constant 0 : i32
        %swap3A_334 = arith.index_cast %swap3A : i32 to index
        %swap3A_335 = arith.index_cast %add3A_321 : i32 to index
        %swap3A_336 = tpu.vector_load %arg14[%swap3A_334, %swap3A_335] {strides = array<i32>} : memref<16x256xf32, #tpu.memory_space<vmem>>, vector<16xf32>,
        tpu.vector_store %arg14[%swap3A_334, %swap3A_335], %gather3A {strides = array<i32>} : memref<16x256xf32, #tpu.memory_space<vmem>>, vector<16xf32>,
        %add3A_337 = arith.constant 1 : i32
        %add3A_338 = vector.broadcast %add3A_337 : i32 to vector<16xi32>
        %add3A_339 = arith.addi %mul3A_330, %add3A_338 : vector<16xi32>
        %gather3A_340 = tpu.vector_load_idx %arg12[%add3A_323, %add3A_339] : memref<256x128xf32, #tpu.memory_space<vmem>>[vector<16xi32>, vector<16xi32>], vector<16xf32>,
        %swap3A_341 = arith.constant 1 : i32
        %swap3A_342 = arith.index_cast %swap3A_341 : i32 to index
        %swap3A_343 = arith.index_cast %add3A_321 : i32 to index
        %swap3A_344 = tpu.vector_load %arg14[%swap3A_342, %swap3A_343] {strides = array<i32>} : memref<16x256xf32, #tpu.memory_space<vmem>>, vector<16xf32>,
        tpu.vector_store %arg14[%swap3A_342, %swap3A_343], %gather3A_340 {strides = array<i32>} : memref<16x256xf32, #tpu.memory_space<vmem>>, vector<16xf32>,
        %add3A_345 = arith.constant 2 : i32
        %add3A_346 = vector.broadcast %add3A_345 : i32 to vector<16xi32>
        %add3A_347 = arith.addi %mul3A_330, %add3A_346 : vector<16xi32>
        %gather3A_348 = tpu.vector_load_idx %arg12[%add3A_323, %add3A_347] : memref<256x128xf32, #tpu.memory_space<vmem>>[vector<16xi32>, vector<16xi32>], vector<16xf32>,
        %swap3A_349 = arith.constant 2 : i32
        %swap3A_350 = arith.index_cast %swap3A_349 : i32 to index
        %swap3A_351 = arith.index_cast %add3A_321 : i32 to index
        %swap3A_352 = tpu.vector_load %arg14[%swap3A_350, %swap3A_351] {strides = array<i32>} : memref<16x256xf32, #tpu.memory_space<vmem>>, vector<16xf32>,
        tpu.vector_store %arg14[%swap3A_350, %swap3A_351], %gather3A_348 {strides = array<i32>} : memref<16x256xf32, #tpu.memory_space<vmem>>, vector<16xf32>,
        %add3A_353 = arith.constant 3 : i32
        %add3A_354 = vector.broadcast %add3A_353 : i32 to vector<16xi32>
        %add3A_355 = arith.addi %mul3A_330, %add3A_354 : vector<16xi32>
        %gather3A_356 = tpu.vector_load_idx %arg12[%add3A_323, %add3A_355] : memref<256x128xf32, #tpu.memory_space<vmem>>[vector<16xi32>, vector<16xi32>], vector<16xf32>,
        %swap3A_357 = arith.constant 3 : i32
        %swap3A_358 = arith.index_cast %swap3A_357 : i32 to index
        %swap3A_359 = arith.index_cast %add3A_321 : i32 to index
        %swap3A_360 = tpu.vector_load %arg14[%swap3A_358, %swap3A_359] {strides = array<i32>} : memref<16x256xf32, #tpu.memory_space<vmem>>, vector<16xf32>,
        tpu.vector_store %arg14[%swap3A_358, %swap3A_359], %gather3A_356 {strides = array<i32>} : memref<16x256xf32, #tpu.memory_space<vmem>>, vector<16xf32>,
        %add3A_361 = arith.constant 4 : i32
        %add3A_362 = vector.broadcast %add3A_361 : i32 to vector<16xi32>
        %add3A_363 = arith.addi %mul3A_330, %add3A_362 : vector<16xi32>
        %gather3A_364 = tpu.vector_load_idx %arg12[%add3A_323, %add3A_363] : memref<256x128xf32, #tpu.memory_space<vmem>>[vector<16xi32>, vector<16xi32>], vector<16xf32>,
        %swap3A_365 = arith.constant 4 : i32
        %swap3A_366 = arith.index_cast %swap3A_365 : i32 to index
        %swap3A_367 = arith.index_cast %add3A_321 : i32 to index
        %swap3A_368 = tpu.vector_load %arg14[%swap3A_366, %swap3A_367] {strides = array<i32>} : memref<16x256xf32, #tpu.memory_space<vmem>>, vector<16xf32>,
        tpu.vector_store %arg14[%swap3A_366, %swap3A_367], %gather3A_364 {strides = array<i32>} : memref<16x256xf32, #tpu.memory_space<vmem>>, vector<16xf32>,
        %add3A_369 = arith.constant 5 : i32
        %add3A_370 = vector.broadcast %add3A_369 : i32 to vector<16xi32>
        %add3A_371 = arith.addi %mul3A_330, %add3A_370 : vector<16xi32>
        %gather3A_372 = tpu.vector_load_idx %arg12[%add3A_323, %add3A_371] : memref<256x128xf32, #tpu.memory_space<vmem>>[vector<16xi32>, vector<16xi32>], vector<16xf32>,
        %swap3A_373 = arith.constant 5 : i32
        %swap3A_374 = arith.index_cast %swap3A_373 : i32 to index
        %swap3A_375 = arith.index_cast %add3A_321 : i32 to index
        %swap3A_376 = tpu.vector_load %arg14[%swap3A_374, %swap3A_375] {strides = array<i32>} : memref<16x256xf32, #tpu.memory_space<vmem>>, vector<16xf32>,
        tpu.vector_store %arg14[%swap3A_374, %swap3A_375], %gather3A_372 {strides = array<i32>} : memref<16x256xf32, #tpu.memory_space<vmem>>, vector<16xf32>,
        %add3A_377 = arith.constant 6 : i32
        %add3A_378 = vector.broadcast %add3A_377 : i32 to vector<16xi32>
        %add3A_379 = arith.addi %mul3A_330, %add3A_378 : vector<16xi32>
        %gather3A_380 = tpu.vector_load_idx %arg12[%add3A_323, %add3A_379] : memref<256x128xf32, #tpu.memory_space<vmem>>[vector<16xi32>, vector<16xi32>], vector<16xf32>,
        %swap3A_381 = arith.constant 6 : i32
        %swap3A_382 = arith.index_cast %swap3A_381 : i32 to index
        %swap3A_383 = arith.index_cast %add3A_321 : i32 to index
        %swap3A_384 = tpu.vector_load %arg14[%swap3A_382, %swap3A_383] {strides = array<i32>} : memref<16x256xf32, #tpu.memory_space<vmem>>, vector<16xf32>,
        tpu.vector_store %arg14[%swap3A_382, %swap3A_383], %gather3A_380 {strides = array<i32>} : memref<16x256xf32, #tpu.memory_space<vmem>>, vector<16xf32>,
        %add3A_385 = arith.constant 7 : i32
        %add3A_386 = vector.broadcast %add3A_385 : i32 to vector<16xi32>
        %add3A_387 = arith.addi %mul3A_330, %add3A_386 : vector<16xi32>
        %gather3A_388 = tpu.vector_load_idx %arg12[%add3A_323, %add3A_387] : memref<256x128xf32, #tpu.memory_space<vmem>>[vector<16xi32>, vector<16xi32>], vector<16xf32>,
        %swap3A_389 = arith.constant 7 : i32
        %swap3A_390 = arith.index_cast %swap3A_389 : i32 to index
        %swap3A_391 = arith.index_cast %add3A_321 : i32 to index
        %swap3A_392 = tpu.vector_load %arg14[%swap3A_390, %swap3A_391] {strides = array<i32>} : memref<16x256xf32, #tpu.memory_space<vmem>>, vector<16xf32>,
        tpu.vector_store %arg14[%swap3A_390, %swap3A_391], %gather3A_388 {strides = array<i32>} : memref<16x256xf32, #tpu.memory_space<vmem>>, vector<16xf32>,
        %add3A_393 = arith.constant 8 : i32
        %add3A_394 = vector.broadcast %add3A_393 : i32 to vector<16xi32>
        %add3A_395 = arith.addi %mul3A_330, %add3A_394 : vector<16xi32>
        %gather3A_396 = tpu.vector_load_idx %arg12[%add3A_323, %add3A_395] : memref<256x128xf32, #tpu.memory_space<vmem>>[vector<16xi32>, vector<16xi32>], vector<16xf32>,
        %swap3A_397 = arith.constant 8 : i32
        %swap3A_398 = arith.index_cast %swap3A_397 : i32 to index
        %swap3A_399 = arith.index_cast %add3A_321 : i32 to index
        %swap3A_400 = tpu.vector_load %arg14[%swap3A_398, %swap3A_399] {strides = array<i32>} : memref<16x256xf32, #tpu.memory_space<vmem>>, vector<16xf32>,
        tpu.vector_store %arg14[%swap3A_398, %swap3A_399], %gather3A_396 {strides = array<i32>} : memref<16x256xf32, #tpu.memory_space<vmem>>, vector<16xf32>,
        %add3A_401 = arith.constant 9 : i32
        %add3A_402 = vector.broadcast %add3A_401 : i32 to vector<16xi32>
        %add3A_403 = arith.addi %mul3A_330, %add3A_402 : vector<16xi32>
        %gather3A_404 = tpu.vector_load_idx %arg12[%add3A_323, %add3A_403] : memref<256x128xf32, #tpu.memory_space<vmem>>[vector<16xi32>, vector<16xi32>], vector<16xf32>,
        %swap3A_405 = arith.constant 9 : i32
        %swap3A_406 = arith.index_cast %swap3A_405 : i32 to index
        %swap3A_407 = arith.index_cast %add3A_321 : i32 to index
        %swap3A_408 = tpu.vector_load %arg14[%swap3A_406, %swap3A_407] {strides = array<i32>} : memref<16x256xf32, #tpu.memory_space<vmem>>, vector<16xf32>,
        tpu.vector_store %arg14[%swap3A_406, %swap3A_407], %gather3A_404 {strides = array<i32>} : memref<16x256xf32, #tpu.memory_space<vmem>>, vector<16xf32>,
        %add3A_409 = arith.constant 10 : i32
        %add3A_410 = vector.broadcast %add3A_409 : i32 to vector<16xi32>
        %add3A_411 = arith.addi %mul3A_330, %add3A_410 : vector<16xi32>
        %gather3A_412 = tpu.vector_load_idx %arg12[%add3A_323, %add3A_411] : memref<256x128xf32, #tpu.memory_space<vmem>>[vector<16xi32>, vector<16xi32>], vector<16xf32>,
        %swap3A_413 = arith.constant 10 : i32
        %swap3A_414 = arith.index_cast %swap3A_413 : i32 to index
        %swap3A_415 = arith.index_cast %add3A_321 : i32 to index
        %swap3A_416 = tpu.vector_load %arg14[%swap3A_414, %swap3A_415] {strides = array<i32>} : memref<16x256xf32, #tpu.memory_space<vmem>>, vector<16xf32>,
        tpu.vector_store %arg14[%swap3A_414, %swap3A_415], %gather3A_412 {strides = array<i32>} : memref<16x256xf32, #tpu.memory_space<vmem>>, vector<16xf32>,
        %add3A_417 = arith.constant 11 : i32
        %add3A_418 = vector.broadcast %add3A_417 : i32 to vector<16xi32>
        %add3A_419 = arith.addi %mul3A_330, %add3A_418 : vector<16xi32>
        %gather3A_420 = tpu.vector_load_idx %arg12[%add3A_323, %add3A_419] : memref<256x128xf32, #tpu.memory_space<vmem>>[vector<16xi32>, vector<16xi32>], vector<16xf32>,
        %swap3A_421 = arith.constant 11 : i32
        %swap3A_422 = arith.index_cast %swap3A_421 : i32 to index
        %swap3A_423 = arith.index_cast %add3A_321 : i32 to index
        %swap3A_424 = tpu.vector_load %arg14[%swap3A_422, %swap3A_423] {strides = array<i32>} : memref<16x256xf32, #tpu.memory_space<vmem>>, vector<16xf32>,
        tpu.vector_store %arg14[%swap3A_422, %swap3A_423], %gather3A_420 {strides = array<i32>} : memref<16x256xf32, #tpu.memory_space<vmem>>, vector<16xf32>,
        %add3A_425 = arith.constant 12 : i32
        %add3A_426 = vector.broadcast %add3A_425 : i32 to vector<16xi32>
        %add3A_427 = arith.addi %mul3A_330, %add3A_426 : vector<16xi32>
        %gather3A_428 = tpu.vector_load_idx %arg12[%add3A_323, %add3A_427] : memref<256x128xf32, #tpu.memory_space<vmem>>[vector<16xi32>, vector<16xi32>], vector<16xf32>,
        %swap3A_429 = arith.constant 12 : i32
        %swap3A_430 = arith.index_cast %swap3A_429 : i32 to index
        %swap3A_431 = arith.index_cast %add3A_321 : i32 to index
        %swap3A_432 = tpu.vector_load %arg14[%swap3A_430, %swap3A_431] {strides = array<i32>} : memref<16x256xf32, #tpu.memory_space<vmem>>, vector<16xf32>,
        tpu.vector_store %arg14[%swap3A_430, %swap3A_431], %gather3A_428 {strides = array<i32>} : memref<16x256xf32, #tpu.memory_space<vmem>>, vector<16xf32>,
        %add3A_433 = arith.constant 13 : i32
        %add3A_434 = vector.broadcast %add3A_433 : i32 to vector<16xi32>
        %add3A_435 = arith.addi %mul3A_330, %add3A_434 : vector<16xi32>
        %gather3A_436 = tpu.vector_load_idx %arg12[%add3A_323, %add3A_435] : memref<256x128xf32, #tpu.memory_space<vmem>>[vector<16xi32>, vector<16xi32>], vector<16xf32>,
        %swap3A_437 = arith.constant 13 : i32
        %swap3A_438 = arith.index_cast %swap3A_437 : i32 to index
        %swap3A_439 = arith.index_cast %add3A_321 : i32 to index
        %swap3A_440 = tpu.vector_load %arg14[%swap3A_438, %swap3A_439] {strides = array<i32>} : memref<16x256xf32, #tpu.memory_space<vmem>>, vector<16xf32>,
        tpu.vector_store %arg14[%swap3A_438, %swap3A_439], %gather3A_436 {strides = array<i32>} : memref<16x256xf32, #tpu.memory_space<vmem>>, vector<16xf32>,
        %add3A_441 = arith.constant 14 : i32
        %add3A_442 = vector.broadcast %add3A_441 : i32 to vector<16xi32>
        %add3A_443 = arith.addi %mul3A_330, %add3A_442 : vector<16xi32>
        %gather3A_444 = tpu.vector_load_idx %arg12[%add3A_323, %add3A_443] : memref<256x128xf32, #tpu.memory_space<vmem>>[vector<16xi32>, vector<16xi32>], vector<16xf32>,
        %swap3A_445 = arith.constant 14 : i32
        %swap3A_446 = arith.index_cast %swap3A_445 : i32 to index
        %swap3A_447 = arith.index_cast %add3A_321 : i32 to index
        %swap3A_448 = tpu.vector_load %arg14[%swap3A_446, %swap3A_447] {strides = array<i32>} : memref<16x256xf32, #tpu.memory_space<vmem>>, vector<16xf32>,
        tpu.vector_store %arg14[%swap3A_446, %swap3A_447], %gather3A_444 {strides = array<i32>} : memref<16x256xf32, #tpu.memory_space<vmem>>, vector<16xf32>,
        %add3A_449 = arith.constant 15 : i32
        %add3A_450 = vector.broadcast %add3A_449 : i32 to vector<16xi32>
        %add3A_451 = arith.addi %mul3A_330, %add3A_450 : vector<16xi32>
        %gather3A_452 = tpu.vector_load_idx %arg12[%add3A_323, %add3A_451] : memref<256x128xf32, #tpu.memory_space<vmem>>[vector<16xi32>, vector<16xi32>], vector<16xf32>,
        %swap3A_453 = arith.constant 15 : i32
        %swap3A_454 = arith.index_cast %swap3A_453 : i32 to index
        %swap3A_455 = arith.index_cast %add3A_321 : i32 to index
        %swap3A_456 = tpu.vector_load %arg14[%swap3A_454, %swap3A_455] {strides = array<i32>} : memref<16x256xf32, #tpu.memory_space<vmem>>, vector<16xf32>,
        tpu.vector_store %arg14[%swap3A_454, %swap3A_455], %gather3A_452 {strides = array<i32>} : memref<16x256xf32, #tpu.memory_space<vmem>>, vector<16xf32>,
      }
      %scan3A_235 = arith.constant 16 : i32
      %jit3A_236 = arith.constant 2 : i32
      %div3A_237 = arith.divsi %add3A_185, %jit3A_236 : i32
      %sign3A_238 = arith.constant 0 : i32
      %sign3A_239 = arith.cmpi sgt, %add3A_185, %sign3A_238 : i32
      %sign3A_240 = arith.extui %sign3A_239 : i1 to i32
      %sign3A_241 = arith.constant 0 : i32
      %sign3A_242 = arith.cmpi slt, %add3A_185, %sign3A_241 : i32
      %sign3A_243 = arith.extui %sign3A_242 : i1 to i32
      %sign3A_244 = arith.subi %sign3A_240, %sign3A_243 : i32
      %sign3A_245 = arith.constant 0 : i32
      %sign3A_246 = arith.cmpi sgt, %jit3A_236, %sign3A_245 : i32
      %sign3A_247 = arith.extui %sign3A_246 : i1 to i32
      %sign3A_248 = arith.constant 0 : i32
      %sign3A_249 = arith.cmpi slt, %jit3A_236, %sign3A_248 : i32
      %sign3A_250 = arith.extui %sign3A_249 : i1 to i32
      %sign3A_251 = arith.subi %sign3A_247, %sign3A_250 : i32
      %ne3A_252 = arith.cmpi ne, %sign3A_244, %sign3A_251 : i32
      %rem3A_253 = arith.remsi %add3A_185, %jit3A_236 : i32
      %ne3A_254 = arith.constant 0 : i32
      %ne3A_255 = arith.cmpi ne, %rem3A_253, %ne3A_254 : i32
      %and3A_256 = arith.andi %ne3A_252, %ne3A_255 : i1
      %sub3A_257 = arith.constant 1 : i32
      %sub3A_258 = arith.subi %div3A_237, %sub3A_257 : i32
      %select_n3A_259 = arith.select %and3A_256, %sub3A_258, %div3A_237 : i32
      %jit3A_260 = arith.constant 2 : i32
      %eq3A_261 = arith.constant 0 : i32
      %eq3A_262 = arith.cmpi eq, %jit3A_260, %eq3A_261 : i32
      %jit3A_263 = arith.constant 1 : i32
      %select_n3A_264 = arith.select %eq3A_262, %jit3A_263, %jit3A_260 : i32
      %rem3A_265 = arith.remsi %add3A_185, %select_n3A_264 : i32
      %ne3A_266 = arith.constant 0 : i32
      %ne3A_267 = arith.cmpi ne, %rem3A_265, %ne3A_266 : i32
      %lt3A_268 = arith.constant 0 : i32
      %lt3A_269 = arith.cmpi slt, %rem3A_265, %lt3A_268 : i32
      %lt3A_270 = arith.constant 0 : i32
      %lt3A_271 = arith.cmpi slt, %select_n3A_264, %lt3A_270 : i32
      %ne3A_272 = arith.xori %lt3A_269, %lt3A_271 : i1
      %and3A_273 = arith.andi %ne3A_272, %ne3A_267 : i1
      %add3A_274 = arith.addi %rem3A_265, %select_n3A_264 : i32
      %select_n3A_275 = arith.select %and3A_273, %add3A_274, %rem3A_265 : i32
      %mul3A_276 = arith.constant 256 : i32
      %mul3A_277 = arith.muli %select_n3A_275, %mul3A_276 : i32
      %add3A_278 = arith.addi %mul3A_2, %mul3A_277 : i32
      %dma_start3A_279 = arith.constant 0 : i32
      %dma_start3A_280 = tpu.memref_slice %arg5[%select_n3A_259, %dma_start3A_279, %add3A_278] : memref<26x16x16384xf32, #tpu.memory_space<hbm>> -> memref<1x16x256xf32, #tpu.memory_space<hbm>>
      %dma_start3A_281 = tpu.memref_squeeze %dma_start3A_280 : memref<1x16x256xf32, #tpu.memory_space<hbm>> -> memref<16x256xf32, #tpu.memory_space<hbm>>
      %dma_start3A_282 = arith.constant 0 : i32
      %dma_start3A_283 = tpu.memref_slice %arg5[%select_n3A_259, %dma_start3A_282, %add3A_278] : memref<26x16x16384xf32, #tpu.memory_space<hbm>> -> memref<1x16x256xf32, #tpu.memory_space<hbm>>
      %dma_start3A_284 = tpu.memref_squeeze %dma_start3A_283 : memref<1x16x256xf32, #tpu.memory_space<hbm>> -> memref<16x256xf32, #tpu.memory_space<hbm>>
      tpu.enqueue_dma source(%arg14 : memref<16x256xf32, #tpu.memory_space<vmem>>) target(%dma_start3A_284 : memref<16x256xf32, #tpu.memory_space<hbm>>) target_semaphore(%arg21 : memref<!tpu.dma_semaphore, #tpu.memory_space<semaphore_mem>>)
      %dma_wait3A_285 = arith.constant 0 : i32
      %dma_wait3A_286 = tpu.memref_slice %arg3[%dma_wait3A_285] : memref<2600000xf32, #tpu.memory_space<hbm>> -> memref<2600000xf32, #tpu.memory_space<hbm>>
      tpu.wait_indirect_dma semaphore(%arg23 : memref<!tpu.dma_semaphore, #tpu.memory_space<semaphore_mem>>) src(%dma_wait3A_286 : memref<2600000xf32, #tpu.memory_space<hbm>>) dst(%arg16 : memref<256xf32, #tpu.memory_space<vmem>>)
      %jit3A_287 = arith.constant 2 : i32
      %eq3A_288 = arith.constant 0 : i32
      %eq3A_289 = arith.cmpi eq, %jit3A_287, %eq3A_288 : i32
      %jit3A_290 = arith.constant 1 : i32
      %select_n3A_291 = arith.select %eq3A_289, %jit3A_290, %jit3A_287 : i32
      %rem3A_292 = arith.remsi %add3A_185, %select_n3A_291 : i32
      %ne3A_293 = arith.constant 0 : i32
      %ne3A_294 = arith.cmpi ne, %rem3A_292, %ne3A_293 : i32
      %lt3A_295 = arith.constant 0 : i32
      %lt3A_296 = arith.cmpi slt, %rem3A_292, %lt3A_295 : i32
      %lt3A_297 = arith.constant 0 : i32
      %lt3A_298 = arith.cmpi slt, %select_n3A_291, %lt3A_297 : i32
      %ne3A_299 = arith.xori %lt3A_296, %lt3A_298 : i1
      %and3A_300 = arith.andi %ne3A_299, %ne3A_294 : i1
      %add3A_301 = arith.addi %rem3A_292, %select_n3A_291 : i32
      %select_n3A_302 = arith.select %and3A_300, %add3A_301, %rem3A_292 : i32
      %mul3A_303 = arith.constant 256 : i32
      %mul3A_304 = arith.muli %select_n3A_302, %mul3A_303 : i32
      %scan3A_305 = arith.constant 0 : i32
      %scan3A_306 = arith.constant 16 : i32
      %scan3A_307 = arith.addi %scan3A_305, %scan3A_306 : i32
      %scan3A_308 = arith.constant 1 : i32
      scf.for %scan3A_317 = %scan3A_305 to %scan3A_307 step %scan3A_308  : i32 {
        %mul3A_318 = arith.constant 16 : i32
        %mul3A_319 = arith.muli %scan3A_317, %mul3A_318 : i32
        %add3A_320 = arith.constant 0 : i32
        %add3A_321 = arith.addi %add3A_320, %mul3A_319 : i32
        %add3A_322 = arith.addi %mul3A_304, %add3A_321 : i32
        %get3A = arith.index_cast %add3A_322 : i32 to index
        %get3A_323 = tpu.vector_load %arg17[%get3A] {strides = array<i32>} : memref<512xf32, #tpu.memory_space<vmem>>, vector<16xf32>,
        %get3A_324 = arith.index_cast %add3A_321 : i32 to index
        %get3A_325 = tpu.vector_load %arg16[%get3A_324] {strides = array<i32>} : memref<256xf32, #tpu.memory_space<vmem>>, vector<16xf32>,
        %add3A_326 = arith.addf %get3A_323, %get3A_325 : vector<16xf32>
        %add3A_327 = arith.addi %mul3A_304, %add3A_321 : i32
        %swap3A = arith.index_cast %add3A_327 : i32 to index
        %swap3A_328 = tpu.vector_load %arg17[%swap3A] {strides = array<i32>} : memref<512xf32, #tpu.memory_space<vmem>>, vector<16xf32>,
        tpu.vector_store %arg17[%swap3A], %add3A_326 {strides = array<i32>} : memref<512xf32, #tpu.memory_space<vmem>>, vector<16xf32>,
      }
      %scan3A_309 = arith.constant 16 : i32
      %add3A_310 = arith.constant 2 : i32
      %add3A_311 = arith.addi %add3A_185, %add3A_310 : i32
      %lt3A_312 = arith.constant 52 : i32
      %lt3A_313 = arith.cmpi slt, %add3A_311, %lt3A_312 : i32
      %convert_element_type3A_314 = arith.extui %lt3A_313 : i1 to i32
      %cond3A_315 = arith.constant 0 : i32
      %cond3A_316 = arith.cmpi ne, %convert_element_type3A_314, %cond3A_315 : i32
      scf.if %cond3A_316 {
        %add3A_317 = arith.constant 2 : i32
        %add3A_318 = arith.addi %add3A_185, %add3A_317 : i32
        %jit3A_319 = arith.constant 2 : i32
        %div3A_320 = arith.divsi %add3A_318, %jit3A_319 : i32
        %sign3A_321 = arith.constant 0 : i32
        %sign3A_322 = arith.cmpi sgt, %add3A_318, %sign3A_321 : i32
        %sign3A_323 = arith.extui %sign3A_322 : i1 to i32
        %sign3A_324 = arith.constant 0 : i32
        %sign3A_325 = arith.cmpi slt, %add3A_318, %sign3A_324 : i32
        %sign3A_326 = arith.extui %sign3A_325 : i1 to i32
        %sign3A_327 = arith.subi %sign3A_323, %sign3A_326 : i32
        %sign3A_328 = arith.constant 0 : i32
        %sign3A_329 = arith.cmpi sgt, %jit3A_319, %sign3A_328 : i32
        %sign3A_330 = arith.extui %sign3A_329 : i1 to i32
        %sign3A_331 = arith.constant 0 : i32
        %sign3A_332 = arith.cmpi slt, %jit3A_319, %sign3A_331 : i32
        %sign3A_333 = arith.extui %sign3A_332 : i1 to i32
        %sign3A_334 = arith.subi %sign3A_330, %sign3A_333 : i32
        %ne3A_335 = arith.cmpi ne, %sign3A_327, %sign3A_334 : i32
        %rem3A_336 = arith.remsi %add3A_318, %jit3A_319 : i32
        %ne3A_337 = arith.constant 0 : i32
        %ne3A_338 = arith.cmpi ne, %rem3A_336, %ne3A_337 : i32
        %and3A_339 = arith.andi %ne3A_335, %ne3A_338 : i1
        %sub3A_340 = arith.constant 1 : i32
        %sub3A_341 = arith.subi %div3A_320, %sub3A_340 : i32
        %select_n3A_342 = arith.select %and3A_339, %sub3A_341, %div3A_320 : i32
        %jit3A_343 = arith.constant 2 : i32
        %eq3A_344 = arith.constant 0 : i32
        %eq3A_345 = arith.cmpi eq, %jit3A_343, %eq3A_344 : i32
        %jit3A_346 = arith.constant 1 : i32
        %select_n3A_347 = arith.select %eq3A_345, %jit3A_346, %jit3A_343 : i32
        %rem3A_348 = arith.remsi %add3A_318, %select_n3A_347 : i32
        %ne3A_349 = arith.constant 0 : i32
        %ne3A_350 = arith.cmpi ne, %rem3A_348, %ne3A_349 : i32
        %lt3A_351 = arith.constant 0 : i32
        %lt3A_352 = arith.cmpi slt, %rem3A_348, %lt3A_351 : i32
        %lt3A_353 = arith.constant 0 : i32
        %lt3A_354 = arith.cmpi slt, %select_n3A_347, %lt3A_353 : i32
        %ne3A_355 = arith.xori %lt3A_352, %lt3A_354 : i1
        %and3A_356 = arith.andi %ne3A_355, %ne3A_350 : i1
        %add3A_357 = arith.addi %rem3A_348, %select_n3A_347 : i32
        %select_n3A_358 = arith.select %and3A_356, %add3A_357, %rem3A_348 : i32
        %mul3A_359 = arith.constant 256 : i32
        %mul3A_360 = arith.muli %select_n3A_358, %mul3A_359 : i32
        %add3A_361 = arith.addi %mul3A_2, %mul3A_360 : i32
        "tpu.region"() ({
          %run_scoped3A_374 = tpu.sem_alloc : memref<!tpu.dma_semaphore, #tpu.memory_space<semaphore_mem>>
          %dma_start3A_375 = tpu.memref_slice %arg4[%select_n3A_342, %add3A_361] : memref<26x16384xi32, #tpu.memory_space<hbm>> -> memref<1x256xi32, #tpu.memory_space<hbm>>
          %dma_start3A_376 = tpu.memref_squeeze %dma_start3A_375 : memref<1x256xi32, #tpu.memory_space<hbm>> -> memref<256xi32, #tpu.memory_space<hbm>>
          %dma_start3A_377 = tpu.memref_slice %arg4[%select_n3A_342, %add3A_361] : memref<26x16384xi32, #tpu.memory_space<hbm>> -> memref<1x256xi32, #tpu.memory_space<hbm>>
          %dma_start3A_378 = tpu.memref_squeeze %dma_start3A_377 : memref<1x256xi32, #tpu.memory_space<hbm>> -> memref<256xi32, #tpu.memory_space<hbm>>
          tpu.enqueue_dma source(%dma_start3A_378 : memref<256xi32, #tpu.memory_space<hbm>>) target(%arg8 : memref<256xi32, #tpu.memory_space<vmem>>) target_semaphore(%run_scoped3A_374 : memref<!tpu.dma_semaphore, #tpu.memory_space<semaphore_mem>>)
          %dma_wait3A_379 = tpu.memref_slice %arg4[%select_n3A_342, %add3A_361] : memref<26x16384xi32, #tpu.memory_space<hbm>> -> memref<1x256xi32, #tpu.memory_space<hbm>>
          %dma_wait3A_380 = tpu.memref_squeeze %dma_wait3A_379 : memref<1x256xi32, #tpu.memory_space<hbm>> -> memref<256xi32, #tpu.memory_space<hbm>>
          %dma_wait3A_381 = tpu.memref_slice %arg4[%select_n3A_342, %add3A_361] : memref<26x16384xi32, #tpu.memory_space<hbm>> -> memref<1x256xi32, #tpu.memory_space<hbm>>
          %dma_wait3A_382 = tpu.memref_squeeze %dma_wait3A_381 : memref<1x256xi32, #tpu.memory_space<hbm>> -> memref<256xi32, #tpu.memory_space<hbm>>
          tpu.wait_dma2 semaphore(%run_scoped3A_374 : memref<!tpu.dma_semaphore, #tpu.memory_space<semaphore_mem>>) src(%dma_wait3A_382 : memref<256xi32, #tpu.memory_space<hbm>>) dst(%arg8 : memref<256xi32, #tpu.memory_space<vmem>>)
          tpu.yield
        }) : () -> ()
        %scan3A_362 = arith.constant 0 : i32
        %scan3A_363 = arith.constant 16 : i32
        %scan3A_364 = arith.addi %scan3A_362, %scan3A_363 : i32
        %scan3A_365 = arith.constant 1 : i32
        scf.for %scan3A_374 = %scan3A_362 to %scan3A_364 step %scan3A_365  : i32 {
          %mul3A_375 = arith.constant 16 : i32
          %mul3A_376 = arith.muli %scan3A_374, %mul3A_375 : i32
          %add3A_377 = arith.constant 0 : i32
          %add3A_378 = arith.addi %add3A_377, %mul3A_376 : i32
          %get3A = arith.index_cast %add3A_378 : i32 to index
          %get3A_379 = tpu.vector_load %arg8[%get3A] {strides = array<i32>} : memref<256xi32, #tpu.memory_space<vmem>>, vector<16xi32>,
          %shift_right_logical3A = arith.constant 3 : i32
          %shift_right_logical3A_380 = vector.broadcast %shift_right_logical3A : i32 to vector<16xi32>
          %shift_right_logical3A_381 = arith.shrui %get3A_379, %shift_right_logical3A_380 : vector<16xi32>
          %swap3A = arith.index_cast %add3A_378 : i32 to index
          %swap3A_382 = tpu.vector_load %arg10[%swap3A] {strides = array<i32>} : memref<256xi32, #tpu.memory_space<vmem>>, vector<16xi32>,
          tpu.vector_store %arg10[%swap3A], %shift_right_logical3A_381 {strides = array<i32>} : memref<256xi32, #tpu.memory_space<vmem>>, vector<16xi32>,
        }
        %scan3A_366 = arith.constant 16 : i32
        %dma_start3A_367 = arith.constant 0 : i32
        %dma_start3A_368 = arith.constant 0 : i32
        %dma_start3A_369 = tpu.memref_slice %arg2[%select_n3A_342, %dma_start3A_367, %dma_start3A_368] : memref<26x12500x128xf32, #tpu.memory_space<hbm>> -> memref<1x12500x128xf32, #tpu.memory_space<hbm>>
        %dma_start3A_370 = tpu.memref_squeeze %dma_start3A_369 : memref<1x12500x128xf32, #tpu.memory_space<hbm>> -> memref<12500x128xf32, #tpu.memory_space<hbm>>
        %dma_start3A_371 = arith.constant 0 : i32
        %dma_start3A_372 = arith.constant 0 : i32
        %dma_start3A_373 = tpu.memref_slice %dma_start3A_370[%dma_start3A_371, %dma_start3A_372] : memref<12500x128xf32, #tpu.memory_space<hbm>> -> memref<12500x128xf32, #tpu.memory_space<hbm>>
        tpu.enqueue_indirect_dma source(%dma_start3A_373 : memref<12500x128xf32, #tpu.memory_space<hbm>>) target(%arg12 : memref<256x128xf32, #tpu.memory_space<vmem>>) offsets(%arg10 : memref<256xi32, #tpu.memory_space<vmem>>) semaphore(%arg19 : memref<!tpu.dma_semaphore, #tpu.memory_space<semaphore_mem>>)
      } else {
      }
    }
    %scan3A_41 = arith.constant 26 : i32
    %add3A_42 = arith.constant 0 : i32
    %add3A_43 = arith.addi %mul3A_2, %add3A_42 : i32
    %dma_wait3A = arith.constant 25 : i32
    %dma_wait3A_44 = arith.constant 0 : i32
    %dma_wait3A_45 = tpu.memref_slice %arg5[%dma_wait3A, %dma_wait3A_44, %add3A_43] : memref<26x16x16384xf32, #tpu.memory_space<hbm>> -> memref<1x16x256xf32, #tpu.memory_space<hbm>>
    %dma_wait3A_46 = tpu.memref_squeeze %dma_wait3A_45 : memref<1x16x256xf32, #tpu.memory_space<hbm>> -> memref<16x256xf32, #tpu.memory_space<hbm>>
    %dma_wait3A_47 = arith.constant 0 : i32
    %dma_wait3A_48 = tpu.memref_slice %arg5[%dma_wait3A, %dma_wait3A_47, %add3A_43] : memref<26x16x16384xf32, #tpu.memory_space<hbm>> -> memref<1x16x256xf32, #tpu.memory_space<hbm>>
    %dma_wait3A_49 = tpu.memref_squeeze %dma_wait3A_48 : memref<1x16x256xf32, #tpu.memory_space<hbm>> -> memref<16x256xf32, #tpu.memory_space<hbm>>
    tpu.wait_dma2 semaphore(%arg20 : memref<!tpu.dma_semaphore, #tpu.memory_space<semaphore_mem>>) src(%arg13 : memref<16x256xf32, #tpu.memory_space<vmem>>) dst(%dma_wait3A_49 : memref<16x256xf32, #tpu.memory_space<hbm>>)
    %add3A_50 = arith.constant 256 : i32
    %add3A_51 = arith.addi %mul3A_2, %add3A_50 : i32
    %dma_wait3A_52 = arith.constant 25 : i32
    %dma_wait3A_53 = arith.constant 0 : i32
    %dma_wait3A_54 = tpu.memref_slice %arg5[%dma_wait3A_52, %dma_wait3A_53, %add3A_51] : memref<26x16x16384xf32, #tpu.memory_space<hbm>> -> memref<1x16x256xf32, #tpu.memory_space<hbm>>
    %dma_wait3A_55 = tpu.memref_squeeze %dma_wait3A_54 : memref<1x16x256xf32, #tpu.memory_space<hbm>> -> memref<16x256xf32, #tpu.memory_space<hbm>>
    %dma_wait3A_56 = arith.constant 0 : i32
    %dma_wait3A_57 = tpu.memref_slice %arg5[%dma_wait3A_52, %dma_wait3A_56, %add3A_51] : memref<26x16x16384xf32, #tpu.memory_space<hbm>> -> memref<1x16x256xf32, #tpu.memory_space<hbm>>
    %dma_wait3A_58 = tpu.memref_squeeze %dma_wait3A_57 : memref<1x16x256xf32, #tpu.memory_space<hbm>> -> memref<16x256xf32, #tpu.memory_space<hbm>>
    tpu.wait_dma2 semaphore(%arg21 : memref<!tpu.dma_semaphore, #tpu.memory_space<semaphore_mem>>) src(%arg14 : memref<16x256xf32, #tpu.memory_space<vmem>>) dst(%dma_wait3A_58 : memref<16x256xf32, #tpu.memory_space<hbm>>)
    "tpu.region"() ({
      %run_scoped3A_59 = tpu.sem_alloc : memref<!tpu.dma_semaphore, #tpu.memory_space<semaphore_mem>>
      %dma_start3A_60 = tpu.memref_slice %arg6[%mul3A_2] : memref<16384xf32, #tpu.memory_space<hbm>> -> memref<512xf32, #tpu.memory_space<hbm>>
      %dma_start3A_61 = tpu.memref_slice %arg6[%mul3A_2] : memref<16384xf32, #tpu.memory_space<hbm>> -> memref<512xf32, #tpu.memory_space<hbm>>
      tpu.enqueue_dma source(%arg17 : memref<512xf32, #tpu.memory_space<vmem>>) target(%dma_start3A_61 : memref<512xf32, #tpu.memory_space<hbm>>) target_semaphore(%run_scoped3A_59 : memref<!tpu.dma_semaphore, #tpu.memory_space<semaphore_mem>>)
      %dma_wait3A_62 = tpu.memref_slice %arg6[%mul3A_2] : memref<16384xf32, #tpu.memory_space<hbm>> -> memref<512xf32, #tpu.memory_space<hbm>>
      %dma_wait3A_63 = tpu.memref_slice %arg6[%mul3A_2] : memref<16384xf32, #tpu.memory_space<hbm>> -> memref<512xf32, #tpu.memory_space<hbm>>
      tpu.wait_dma2 semaphore(%run_scoped3A_59 : memref<!tpu.dma_semaphore, #tpu.memory_space<semaphore_mem>>) src(%arg17 : memref<512xf32, #tpu.memory_space<vmem>>) dst(%dma_wait3A_63 : memref<512xf32, #tpu.memory_space<hbm>>)
      tpu.yield
    }) : () -> ()
    return
  }
}

module attributes {stable_mosaic.version = 14 : i64} {
  func.func @_tc1_body(%arg0: i32, %arg1: memref<26x16x512xf32, #tpu.memory_space<vmem>>, %arg2: memref<13x512xf32, #tpu.memory_space<vmem>>, %arg3: memref<1x512xf32, #tpu.memory_space<vmem>>, %arg4: memref<400x416xbf16, #tpu.memory_space<vmem>>, %arg5: memref<400x13xf32, #tpu.memory_space<vmem>>, %arg6: memref<400x1xf32, #tpu.memory_space<vmem>>, %arg7: memref<1x1xf32, #tpu.memory_space<vmem>>, %arg8: memref<400x512xf32, #tpu.memory_space<vmem>>, %arg9: memref<1x512xf32, #tpu.memory_space<vmem>>, %arg10: memref<400x1xf32, #tpu.memory_space<vmem>>, %arg11: memref<400x1xf32, #tpu.memory_space<vmem>>) attributes {dimension_semantics = [#tpu.dimension_semantics<arbitrary>], iteration_bounds = array<i64: 32>, scalar_prefetch = 0 : i64, scratch_operands = 0 : i64, tpu.core_type = #tpu.core_type<tc>, window_params = [{transform_indices = @transform_0, window_bounds = array<i64: 26, 16, 512>}, {transform_indices = @transform_1, window_bounds = array<i64: 13, 512>}, {transform_indices = @transform_2, window_bounds = array<i64: 1, 512>}, {pipeline_mode = #tpu.pipeline_mode<synchronous>, transform_indices = @transform_3, window_bounds = array<i64: 400, 416>}, {pipeline_mode = #tpu.pipeline_mode<synchronous>, transform_indices = @transform_4, window_bounds = array<i64: 400, 13>}, {pipeline_mode = #tpu.pipeline_mode<synchronous>, transform_indices = @transform_5, window_bounds = array<i64: 400, 1>}, {pipeline_mode = #tpu.pipeline_mode<synchronous>, transform_indices = @transform_6, window_bounds = array<i64: 1, 1>}, {transform_indices = @transform_7, window_bounds = array<i64: 400, 512>}, {transform_indices = @transform_8, window_bounds = array<i64: 1, 512>}, {pipeline_mode = #tpu.pipeline_mode<synchronous>, transform_indices = @transform_9, window_bounds = array<i64: 400, 1>}, {pipeline_mode = #tpu.pipeline_mode<synchronous>, transform_indices = @transform_10, window_bounds = array<i64: 400, 1>}]} {
    %get3A = arith.constant 0 : index
    %get3A_0 = arith.constant 0 : index
    %get3A_1 = vector.load %arg5[%get3A, %get3A_0] : memref<400x13xf32, #tpu.memory_space<vmem>>, vector<400x13xf32>
    %get3A_2 = arith.constant 0 : index
    %get3A_3 = arith.constant 0 : index
    %get3A_4 = vector.load %arg2[%get3A_2, %get3A_3] : memref<13x512xf32, #tpu.memory_space<vmem>>, vector<13x512xf32>
    %dot_general3A = arith.constant dense<0.000000e+00> : vector<400x512xf32>
    %dot_general3A_5 = tpu.matmul %get3A_1, %get3A_4, %dot_general3A {dimension_numbers = #tpu.dot_dimension_numbers<[1], [0], [0], [1], [0, 0, 1, 1], [], []>, precision = #tpu.contract_precision<fp32>, transpose_lhs_hint = false} : vector<400x13xf32>, vector<13x512xf32>, vector<400x512xf32> -> vector<400x512xf32>
    %get3A_6 = arith.constant 0 : index
    %get3A_7 = arith.constant 0 : index
    %get3A_8 = vector.load %arg6[%get3A_6, %get3A_7] : memref<400x1xf32, #tpu.memory_space<vmem>>, vector<400x1xf32>
    %add3A = vector.broadcast %get3A_8 : vector<400x1xf32> to vector<400x512xf32>
    %add3A_9 = arith.addf %dot_general3A_5, %add3A : vector<400x512xf32>
    %get3A_10 = arith.constant 0 : index
    %get3A_11 = arith.constant 0 : index
    %get3A_12 = arith.constant 0 : index
    %get3A_13 = vector.load %arg1[%get3A_10, %get3A_11, %get3A_12] : memref<26x16x512xf32, #tpu.memory_space<vmem>>, vector<1x16x512xf32>
    %get3A_14 = vector.shape_cast %get3A_13 : vector<1x16x512xf32> to vector<16x512xf32>
    %mul3A = arith.mulf %get3A_14, %get3A_14 : vector<16x512xf32>
    %reduce_sum3A = arith.constant dense<0.000000e+00> : vector<512xf32>
    %reduce_sum3A_15 = vector.multi_reduction <add>, %mul3A, %reduce_sum3A [0] : vector<16x512xf32> to vector<512xf32>
    %get3A_16 = arith.constant 0 : index
    %get3A_17 = arith.constant 0 : index
    %get3A_18 = vector.load %arg4[%get3A_16, %get3A_17] : memref<400x416xbf16, #tpu.memory_space<vmem>>, vector<400x16xbf16>
    %convert_element_type3A = arith.truncf %get3A_14 : vector<16x512xf32> to vector<16x512xbf16>
    %dot_general3A_19 = arith.constant dense<0.000000e+00> : vector<400x512xf32>
    %dot_general3A_20 = tpu.matmul %get3A_18, %convert_element_type3A, %dot_general3A_19 {dimension_numbers = #tpu.dot_dimension_numbers<[1], [0], [0], [1], [0, 0, 1, 1], [], []>, transpose_lhs_hint = false} : vector<400x16xbf16>, vector<16x512xbf16>, vector<400x512xf32> -> vector<400x512xf32>
    %add3A_21 = arith.addf %add3A_9, %dot_general3A_20 : vector<400x512xf32>
    %get3A_22 = arith.constant 1 : index
    %get3A_23 = arith.constant 0 : index
    %get3A_24 = arith.constant 0 : index
    %get3A_25 = vector.load %arg1[%get3A_22, %get3A_23, %get3A_24] : memref<26x16x512xf32, #tpu.memory_space<vmem>>, vector<1x16x512xf32>
    %get3A_26 = vector.shape_cast %get3A_25 : vector<1x16x512xf32> to vector<16x512xf32>
    %add3A_27 = arith.addf %get3A_14, %get3A_26 : vector<16x512xf32>
    %mul3A_28 = arith.mulf %get3A_26, %get3A_26 : vector<16x512xf32>
    %reduce_sum3A_29 = arith.constant dense<0.000000e+00> : vector<512xf32>
    %reduce_sum3A_30 = vector.multi_reduction <add>, %mul3A_28, %reduce_sum3A_29 [0] : vector<16x512xf32> to vector<512xf32>
    %add3A_31 = arith.addf %reduce_sum3A_15, %reduce_sum3A_30 : vector<512xf32>
    %get3A_32 = arith.constant 0 : index
    %get3A_33 = arith.constant 16 : index
    %get3A_34 = vector.load %arg4[%get3A_32, %get3A_33] : memref<400x416xbf16, #tpu.memory_space<vmem>>, vector<400x16xbf16>
    %convert_element_type3A_35 = arith.truncf %get3A_26 : vector<16x512xf32> to vector<16x512xbf16>
    %dot_general3A_36 = arith.constant dense<0.000000e+00> : vector<400x512xf32>
    %dot_general3A_37 = tpu.matmul %get3A_34, %convert_element_type3A_35, %dot_general3A_36 {dimension_numbers = #tpu.dot_dimension_numbers<[1], [0], [0], [1], [0, 0, 1, 1], [], []>, transpose_lhs_hint = false} : vector<400x16xbf16>, vector<16x512xbf16>, vector<400x512xf32> -> vector<400x512xf32>
    %add3A_38 = arith.addf %add3A_21, %dot_general3A_37 : vector<400x512xf32>
    %get3A_39 = arith.constant 2 : index
    %get3A_40 = arith.constant 0 : index
    %get3A_41 = arith.constant 0 : index
    %get3A_42 = vector.load %arg1[%get3A_39, %get3A_40, %get3A_41] : memref<26x16x512xf32, #tpu.memory_space<vmem>>, vector<1x16x512xf32>
    %get3A_43 = vector.shape_cast %get3A_42 : vector<1x16x512xf32> to vector<16x512xf32>
    %add3A_44 = arith.addf %add3A_27, %get3A_43 : vector<16x512xf32>
    %mul3A_45 = arith.mulf %get3A_43, %get3A_43 : vector<16x512xf32>
    %reduce_sum3A_46 = arith.constant dense<0.000000e+00> : vector<512xf32>
    %reduce_sum3A_47 = vector.multi_reduction <add>, %mul3A_45, %reduce_sum3A_46 [0] : vector<16x512xf32> to vector<512xf32>
    %add3A_48 = arith.addf %add3A_31, %reduce_sum3A_47 : vector<512xf32>
    %get3A_49 = arith.constant 0 : index
    %get3A_50 = arith.constant 32 : index
    %get3A_51 = vector.load %arg4[%get3A_49, %get3A_50] : memref<400x416xbf16, #tpu.memory_space<vmem>>, vector<400x16xbf16>
    %convert_element_type3A_52 = arith.truncf %get3A_43 : vector<16x512xf32> to vector<16x512xbf16>
    %dot_general3A_53 = arith.constant dense<0.000000e+00> : vector<400x512xf32>
    %dot_general3A_54 = tpu.matmul %get3A_51, %convert_element_type3A_52, %dot_general3A_53 {dimension_numbers = #tpu.dot_dimension_numbers<[1], [0], [0], [1], [0, 0, 1, 1], [], []>, transpose_lhs_hint = false} : vector<400x16xbf16>, vector<16x512xbf16>, vector<400x512xf32> -> vector<400x512xf32>
    %add3A_55 = arith.addf %add3A_38, %dot_general3A_54 : vector<400x512xf32>
    %get3A_56 = arith.constant 3 : index
    %get3A_57 = arith.constant 0 : index
    %get3A_58 = arith.constant 0 : index
    %get3A_59 = vector.load %arg1[%get3A_56, %get3A_57, %get3A_58] : memref<26x16x512xf32, #tpu.memory_space<vmem>>, vector<1x16x512xf32>
    %get3A_60 = vector.shape_cast %get3A_59 : vector<1x16x512xf32> to vector<16x512xf32>
    %add3A_61 = arith.addf %add3A_44, %get3A_60 : vector<16x512xf32>
    %mul3A_62 = arith.mulf %get3A_60, %get3A_60 : vector<16x512xf32>
    %reduce_sum3A_63 = arith.constant dense<0.000000e+00> : vector<512xf32>
    %reduce_sum3A_64 = vector.multi_reduction <add>, %mul3A_62, %reduce_sum3A_63 [0] : vector<16x512xf32> to vector<512xf32>
    %add3A_65 = arith.addf %add3A_48, %reduce_sum3A_64 : vector<512xf32>
    %get3A_66 = arith.constant 0 : index
    %get3A_67 = arith.constant 48 : index
    %get3A_68 = vector.load %arg4[%get3A_66, %get3A_67] : memref<400x416xbf16, #tpu.memory_space<vmem>>, vector<400x16xbf16>
    %convert_element_type3A_69 = arith.truncf %get3A_60 : vector<16x512xf32> to vector<16x512xbf16>
    %dot_general3A_70 = arith.constant dense<0.000000e+00> : vector<400x512xf32>
    %dot_general3A_71 = tpu.matmul %get3A_68, %convert_element_type3A_69, %dot_general3A_70 {dimension_numbers = #tpu.dot_dimension_numbers<[1], [0], [0], [1], [0, 0, 1, 1], [], []>, transpose_lhs_hint = false} : vector<400x16xbf16>, vector<16x512xbf16>, vector<400x512xf32> -> vector<400x512xf32>
    %add3A_72 = arith.addf %add3A_55, %dot_general3A_71 : vector<400x512xf32>
    %get3A_73 = arith.constant 4 : index
    %get3A_74 = arith.constant 0 : index
    %get3A_75 = arith.constant 0 : index
    %get3A_76 = vector.load %arg1[%get3A_73, %get3A_74, %get3A_75] : memref<26x16x512xf32, #tpu.memory_space<vmem>>, vector<1x16x512xf32>
    %get3A_77 = vector.shape_cast %get3A_76 : vector<1x16x512xf32> to vector<16x512xf32>
    %add3A_78 = arith.addf %add3A_61, %get3A_77 : vector<16x512xf32>
    %mul3A_79 = arith.mulf %get3A_77, %get3A_77 : vector<16x512xf32>
    %reduce_sum3A_80 = arith.constant dense<0.000000e+00> : vector<512xf32>
    %reduce_sum3A_81 = vector.multi_reduction <add>, %mul3A_79, %reduce_sum3A_80 [0] : vector<16x512xf32> to vector<512xf32>
    %add3A_82 = arith.addf %add3A_65, %reduce_sum3A_81 : vector<512xf32>
    %get3A_83 = arith.constant 0 : index
    %get3A_84 = arith.constant 64 : index
    %get3A_85 = vector.load %arg4[%get3A_83, %get3A_84] : memref<400x416xbf16, #tpu.memory_space<vmem>>, vector<400x16xbf16>
    %convert_element_type3A_86 = arith.truncf %get3A_77 : vector<16x512xf32> to vector<16x512xbf16>
    %dot_general3A_87 = arith.constant dense<0.000000e+00> : vector<400x512xf32>
    %dot_general3A_88 = tpu.matmul %get3A_85, %convert_element_type3A_86, %dot_general3A_87 {dimension_numbers = #tpu.dot_dimension_numbers<[1], [0], [0], [1], [0, 0, 1, 1], [], []>, transpose_lhs_hint = false} : vector<400x16xbf16>, vector<16x512xbf16>, vector<400x512xf32> -> vector<400x512xf32>
    %add3A_89 = arith.addf %add3A_72, %dot_general3A_88 : vector<400x512xf32>
    %get3A_90 = arith.constant 5 : index
    %get3A_91 = arith.constant 0 : index
    %get3A_92 = arith.constant 0 : index
    %get3A_93 = vector.load %arg1[%get3A_90, %get3A_91, %get3A_92] : memref<26x16x512xf32, #tpu.memory_space<vmem>>, vector<1x16x512xf32>
    %get3A_94 = vector.shape_cast %get3A_93 : vector<1x16x512xf32> to vector<16x512xf32>
    %add3A_95 = arith.addf %add3A_78, %get3A_94 : vector<16x512xf32>
    %mul3A_96 = arith.mulf %get3A_94, %get3A_94 : vector<16x512xf32>
    %reduce_sum3A_97 = arith.constant dense<0.000000e+00> : vector<512xf32>
    %reduce_sum3A_98 = vector.multi_reduction <add>, %mul3A_96, %reduce_sum3A_97 [0] : vector<16x512xf32> to vector<512xf32>
    %add3A_99 = arith.addf %add3A_82, %reduce_sum3A_98 : vector<512xf32>
    %get3A_100 = arith.constant 0 : index
    %get3A_101 = arith.constant 80 : index
    %get3A_102 = vector.load %arg4[%get3A_100, %get3A_101] : memref<400x416xbf16, #tpu.memory_space<vmem>>, vector<400x16xbf16>
    %convert_element_type3A_103 = arith.truncf %get3A_94 : vector<16x512xf32> to vector<16x512xbf16>
    %dot_general3A_104 = arith.constant dense<0.000000e+00> : vector<400x512xf32>
    %dot_general3A_105 = tpu.matmul %get3A_102, %convert_element_type3A_103, %dot_general3A_104 {dimension_numbers = #tpu.dot_dimension_numbers<[1], [0], [0], [1], [0, 0, 1, 1], [], []>, transpose_lhs_hint = false} : vector<400x16xbf16>, vector<16x512xbf16>, vector<400x512xf32> -> vector<400x512xf32>
    %add3A_106 = arith.addf %add3A_89, %dot_general3A_105 : vector<400x512xf32>
    %get3A_107 = arith.constant 6 : index
    %get3A_108 = arith.constant 0 : index
    %get3A_109 = arith.constant 0 : index
    %get3A_110 = vector.load %arg1[%get3A_107, %get3A_108, %get3A_109] : memref<26x16x512xf32, #tpu.memory_space<vmem>>, vector<1x16x512xf32>
    %get3A_111 = vector.shape_cast %get3A_110 : vector<1x16x512xf32> to vector<16x512xf32>
    %add3A_112 = arith.addf %add3A_95, %get3A_111 : vector<16x512xf32>
    %mul3A_113 = arith.mulf %get3A_111, %get3A_111 : vector<16x512xf32>
    %reduce_sum3A_114 = arith.constant dense<0.000000e+00> : vector<512xf32>
    %reduce_sum3A_115 = vector.multi_reduction <add>, %mul3A_113, %reduce_sum3A_114 [0] : vector<16x512xf32> to vector<512xf32>
    %add3A_116 = arith.addf %add3A_99, %reduce_sum3A_115 : vector<512xf32>
    %get3A_117 = arith.constant 0 : index
    %get3A_118 = arith.constant 96 : index
    %get3A_119 = vector.load %arg4[%get3A_117, %get3A_118] : memref<400x416xbf16, #tpu.memory_space<vmem>>, vector<400x16xbf16>
    %convert_element_type3A_120 = arith.truncf %get3A_111 : vector<16x512xf32> to vector<16x512xbf16>
    %dot_general3A_121 = arith.constant dense<0.000000e+00> : vector<400x512xf32>
    %dot_general3A_122 = tpu.matmul %get3A_119, %convert_element_type3A_120, %dot_general3A_121 {dimension_numbers = #tpu.dot_dimension_numbers<[1], [0], [0], [1], [0, 0, 1, 1], [], []>, transpose_lhs_hint = false} : vector<400x16xbf16>, vector<16x512xbf16>, vector<400x512xf32> -> vector<400x512xf32>
    %add3A_123 = arith.addf %add3A_106, %dot_general3A_122 : vector<400x512xf32>
    %get3A_124 = arith.constant 7 : index
    %get3A_125 = arith.constant 0 : index
    %get3A_126 = arith.constant 0 : index
    %get3A_127 = vector.load %arg1[%get3A_124, %get3A_125, %get3A_126] : memref<26x16x512xf32, #tpu.memory_space<vmem>>, vector<1x16x512xf32>
    %get3A_128 = vector.shape_cast %get3A_127 : vector<1x16x512xf32> to vector<16x512xf32>
    %add3A_129 = arith.addf %add3A_112, %get3A_128 : vector<16x512xf32>
    %mul3A_130 = arith.mulf %get3A_128, %get3A_128 : vector<16x512xf32>
    %reduce_sum3A_131 = arith.constant dense<0.000000e+00> : vector<512xf32>
    %reduce_sum3A_132 = vector.multi_reduction <add>, %mul3A_130, %reduce_sum3A_131 [0] : vector<16x512xf32> to vector<512xf32>
    %add3A_133 = arith.addf %add3A_116, %reduce_sum3A_132 : vector<512xf32>
    %get3A_134 = arith.constant 0 : index
    %get3A_135 = arith.constant 112 : index
    %get3A_136 = vector.load %arg4[%get3A_134, %get3A_135] : memref<400x416xbf16, #tpu.memory_space<vmem>>, vector<400x16xbf16>
    %convert_element_type3A_137 = arith.truncf %get3A_128 : vector<16x512xf32> to vector<16x512xbf16>
    %dot_general3A_138 = arith.constant dense<0.000000e+00> : vector<400x512xf32>
    %dot_general3A_139 = tpu.matmul %get3A_136, %convert_element_type3A_137, %dot_general3A_138 {dimension_numbers = #tpu.dot_dimension_numbers<[1], [0], [0], [1], [0, 0, 1, 1], [], []>, transpose_lhs_hint = false} : vector<400x16xbf16>, vector<16x512xbf16>, vector<400x512xf32> -> vector<400x512xf32>
    %add3A_140 = arith.addf %add3A_123, %dot_general3A_139 : vector<400x512xf32>
    %get3A_141 = arith.constant 8 : index
    %get3A_142 = arith.constant 0 : index
    %get3A_143 = arith.constant 0 : index
    %get3A_144 = vector.load %arg1[%get3A_141, %get3A_142, %get3A_143] : memref<26x16x512xf32, #tpu.memory_space<vmem>>, vector<1x16x512xf32>
    %get3A_145 = vector.shape_cast %get3A_144 : vector<1x16x512xf32> to vector<16x512xf32>
    %add3A_146 = arith.addf %add3A_129, %get3A_145 : vector<16x512xf32>
    %mul3A_147 = arith.mulf %get3A_145, %get3A_145 : vector<16x512xf32>
    %reduce_sum3A_148 = arith.constant dense<0.000000e+00> : vector<512xf32>
    %reduce_sum3A_149 = vector.multi_reduction <add>, %mul3A_147, %reduce_sum3A_148 [0] : vector<16x512xf32> to vector<512xf32>
    %add3A_150 = arith.addf %add3A_133, %reduce_sum3A_149 : vector<512xf32>
    %get3A_151 = arith.constant 0 : index
    %get3A_152 = arith.constant 128 : index
    %get3A_153 = vector.load %arg4[%get3A_151, %get3A_152] : memref<400x416xbf16, #tpu.memory_space<vmem>>, vector<400x16xbf16>
    %convert_element_type3A_154 = arith.truncf %get3A_145 : vector<16x512xf32> to vector<16x512xbf16>
    %dot_general3A_155 = arith.constant dense<0.000000e+00> : vector<400x512xf32>
    %dot_general3A_156 = tpu.matmul %get3A_153, %convert_element_type3A_154, %dot_general3A_155 {dimension_numbers = #tpu.dot_dimension_numbers<[1], [0], [0], [1], [0, 0, 1, 1], [], []>, transpose_lhs_hint = false} : vector<400x16xbf16>, vector<16x512xbf16>, vector<400x512xf32> -> vector<400x512xf32>
    %add3A_157 = arith.addf %add3A_140, %dot_general3A_156 : vector<400x512xf32>
    %get3A_158 = arith.constant 9 : index
    %get3A_159 = arith.constant 0 : index
    %get3A_160 = arith.constant 0 : index
    %get3A_161 = vector.load %arg1[%get3A_158, %get3A_159, %get3A_160] : memref<26x16x512xf32, #tpu.memory_space<vmem>>, vector<1x16x512xf32>
    %get3A_162 = vector.shape_cast %get3A_161 : vector<1x16x512xf32> to vector<16x512xf32>
    %add3A_163 = arith.addf %add3A_146, %get3A_162 : vector<16x512xf32>
    %mul3A_164 = arith.mulf %get3A_162, %get3A_162 : vector<16x512xf32>
    %reduce_sum3A_165 = arith.constant dense<0.000000e+00> : vector<512xf32>
    %reduce_sum3A_166 = vector.multi_reduction <add>, %mul3A_164, %reduce_sum3A_165 [0] : vector<16x512xf32> to vector<512xf32>
    %add3A_167 = arith.addf %add3A_150, %reduce_sum3A_166 : vector<512xf32>
    %get3A_168 = arith.constant 0 : index
    %get3A_169 = arith.constant 144 : index
    %get3A_170 = vector.load %arg4[%get3A_168, %get3A_169] : memref<400x416xbf16, #tpu.memory_space<vmem>>, vector<400x16xbf16>
    %convert_element_type3A_171 = arith.truncf %get3A_162 : vector<16x512xf32> to vector<16x512xbf16>
    %dot_general3A_172 = arith.constant dense<0.000000e+00> : vector<400x512xf32>
    %dot_general3A_173 = tpu.matmul %get3A_170, %convert_element_type3A_171, %dot_general3A_172 {dimension_numbers = #tpu.dot_dimension_numbers<[1], [0], [0], [1], [0, 0, 1, 1], [], []>, transpose_lhs_hint = false} : vector<400x16xbf16>, vector<16x512xbf16>, vector<400x512xf32> -> vector<400x512xf32>
    %add3A_174 = arith.addf %add3A_157, %dot_general3A_173 : vector<400x512xf32>
    %get3A_175 = arith.constant 10 : index
    %get3A_176 = arith.constant 0 : index
    %get3A_177 = arith.constant 0 : index
    %get3A_178 = vector.load %arg1[%get3A_175, %get3A_176, %get3A_177] : memref<26x16x512xf32, #tpu.memory_space<vmem>>, vector<1x16x512xf32>
    %get3A_179 = vector.shape_cast %get3A_178 : vector<1x16x512xf32> to vector<16x512xf32>
    %add3A_180 = arith.addf %add3A_163, %get3A_179 : vector<16x512xf32>
    %mul3A_181 = arith.mulf %get3A_179, %get3A_179 : vector<16x512xf32>
    %reduce_sum3A_182 = arith.constant dense<0.000000e+00> : vector<512xf32>
    %reduce_sum3A_183 = vector.multi_reduction <add>, %mul3A_181, %reduce_sum3A_182 [0] : vector<16x512xf32> to vector<512xf32>
    %add3A_184 = arith.addf %add3A_167, %reduce_sum3A_183 : vector<512xf32>
    %get3A_185 = arith.constant 0 : index
    %get3A_186 = arith.constant 160 : index
    %get3A_187 = vector.load %arg4[%get3A_185, %get3A_186] : memref<400x416xbf16, #tpu.memory_space<vmem>>, vector<400x16xbf16>
    %convert_element_type3A_188 = arith.truncf %get3A_179 : vector<16x512xf32> to vector<16x512xbf16>
    %dot_general3A_189 = arith.constant dense<0.000000e+00> : vector<400x512xf32>
    %dot_general3A_190 = tpu.matmul %get3A_187, %convert_element_type3A_188, %dot_general3A_189 {dimension_numbers = #tpu.dot_dimension_numbers<[1], [0], [0], [1], [0, 0, 1, 1], [], []>, transpose_lhs_hint = false} : vector<400x16xbf16>, vector<16x512xbf16>, vector<400x512xf32> -> vector<400x512xf32>
    %add3A_191 = arith.addf %add3A_174, %dot_general3A_190 : vector<400x512xf32>
    %get3A_192 = arith.constant 11 : index
    %get3A_193 = arith.constant 0 : index
    %get3A_194 = arith.constant 0 : index
    %get3A_195 = vector.load %arg1[%get3A_192, %get3A_193, %get3A_194] : memref<26x16x512xf32, #tpu.memory_space<vmem>>, vector<1x16x512xf32>
    %get3A_196 = vector.shape_cast %get3A_195 : vector<1x16x512xf32> to vector<16x512xf32>
    %add3A_197 = arith.addf %add3A_180, %get3A_196 : vector<16x512xf32>
    %mul3A_198 = arith.mulf %get3A_196, %get3A_196 : vector<16x512xf32>
    %reduce_sum3A_199 = arith.constant dense<0.000000e+00> : vector<512xf32>
    %reduce_sum3A_200 = vector.multi_reduction <add>, %mul3A_198, %reduce_sum3A_199 [0] : vector<16x512xf32> to vector<512xf32>
    %add3A_201 = arith.addf %add3A_184, %reduce_sum3A_200 : vector<512xf32>
    %get3A_202 = arith.constant 0 : index
    %get3A_203 = arith.constant 176 : index
    %get3A_204 = vector.load %arg4[%get3A_202, %get3A_203] : memref<400x416xbf16, #tpu.memory_space<vmem>>, vector<400x16xbf16>
    %convert_element_type3A_205 = arith.truncf %get3A_196 : vector<16x512xf32> to vector<16x512xbf16>
    %dot_general3A_206 = arith.constant dense<0.000000e+00> : vector<400x512xf32>
    %dot_general3A_207 = tpu.matmul %get3A_204, %convert_element_type3A_205, %dot_general3A_206 {dimension_numbers = #tpu.dot_dimension_numbers<[1], [0], [0], [1], [0, 0, 1, 1], [], []>, transpose_lhs_hint = false} : vector<400x16xbf16>, vector<16x512xbf16>, vector<400x512xf32> -> vector<400x512xf32>
    %add3A_208 = arith.addf %add3A_191, %dot_general3A_207 : vector<400x512xf32>
    %get3A_209 = arith.constant 12 : index
    %get3A_210 = arith.constant 0 : index
    %get3A_211 = arith.constant 0 : index
    %get3A_212 = vector.load %arg1[%get3A_209, %get3A_210, %get3A_211] : memref<26x16x512xf32, #tpu.memory_space<vmem>>, vector<1x16x512xf32>
    %get3A_213 = vector.shape_cast %get3A_212 : vector<1x16x512xf32> to vector<16x512xf32>
    %add3A_214 = arith.addf %add3A_197, %get3A_213 : vector<16x512xf32>
    %mul3A_215 = arith.mulf %get3A_213, %get3A_213 : vector<16x512xf32>
    %reduce_sum3A_216 = arith.constant dense<0.000000e+00> : vector<512xf32>
    %reduce_sum3A_217 = vector.multi_reduction <add>, %mul3A_215, %reduce_sum3A_216 [0] : vector<16x512xf32> to vector<512xf32>
    %add3A_218 = arith.addf %add3A_201, %reduce_sum3A_217 : vector<512xf32>
    %get3A_219 = arith.constant 0 : index
    %get3A_220 = arith.constant 192 : index
    %get3A_221 = vector.load %arg4[%get3A_219, %get3A_220] : memref<400x416xbf16, #tpu.memory_space<vmem>>, vector<400x16xbf16>
    %convert_element_type3A_222 = arith.truncf %get3A_213 : vector<16x512xf32> to vector<16x512xbf16>
    %dot_general3A_223 = arith.constant dense<0.000000e+00> : vector<400x512xf32>
    %dot_general3A_224 = tpu.matmul %get3A_221, %convert_element_type3A_222, %dot_general3A_223 {dimension_numbers = #tpu.dot_dimension_numbers<[1], [0], [0], [1], [0, 0, 1, 1], [], []>, transpose_lhs_hint = false} : vector<400x16xbf16>, vector<16x512xbf16>, vector<400x512xf32> -> vector<400x512xf32>
    %add3A_225 = arith.addf %add3A_208, %dot_general3A_224 : vector<400x512xf32>
    %get3A_226 = arith.constant 13 : index
    %get3A_227 = arith.constant 0 : index
    %get3A_228 = arith.constant 0 : index
    %get3A_229 = vector.load %arg1[%get3A_226, %get3A_227, %get3A_228] : memref<26x16x512xf32, #tpu.memory_space<vmem>>, vector<1x16x512xf32>
    %get3A_230 = vector.shape_cast %get3A_229 : vector<1x16x512xf32> to vector<16x512xf32>
    %add3A_231 = arith.addf %add3A_214, %get3A_230 : vector<16x512xf32>
    %mul3A_232 = arith.mulf %get3A_230, %get3A_230 : vector<16x512xf32>
    %reduce_sum3A_233 = arith.constant dense<0.000000e+00> : vector<512xf32>
    %reduce_sum3A_234 = vector.multi_reduction <add>, %mul3A_232, %reduce_sum3A_233 [0] : vector<16x512xf32> to vector<512xf32>
    %add3A_235 = arith.addf %add3A_218, %reduce_sum3A_234 : vector<512xf32>
    %get3A_236 = arith.constant 0 : index
    %get3A_237 = arith.constant 208 : index
    %get3A_238 = vector.load %arg4[%get3A_236, %get3A_237] : memref<400x416xbf16, #tpu.memory_space<vmem>>, vector<400x16xbf16>
    %convert_element_type3A_239 = arith.truncf %get3A_230 : vector<16x512xf32> to vector<16x512xbf16>
    %dot_general3A_240 = arith.constant dense<0.000000e+00> : vector<400x512xf32>
    %dot_general3A_241 = tpu.matmul %get3A_238, %convert_element_type3A_239, %dot_general3A_240 {dimension_numbers = #tpu.dot_dimension_numbers<[1], [0], [0], [1], [0, 0, 1, 1], [], []>, transpose_lhs_hint = false} : vector<400x16xbf16>, vector<16x512xbf16>, vector<400x512xf32> -> vector<400x512xf32>
    %add3A_242 = arith.addf %add3A_225, %dot_general3A_241 : vector<400x512xf32>
    %get3A_243 = arith.constant 14 : index
    %get3A_244 = arith.constant 0 : index
    %get3A_245 = arith.constant 0 : index
    %get3A_246 = vector.load %arg1[%get3A_243, %get3A_244, %get3A_245] : memref<26x16x512xf32, #tpu.memory_space<vmem>>, vector<1x16x512xf32>
    %get3A_247 = vector.shape_cast %get3A_246 : vector<1x16x512xf32> to vector<16x512xf32>
    %add3A_248 = arith.addf %add3A_231, %get3A_247 : vector<16x512xf32>
    %mul3A_249 = arith.mulf %get3A_247, %get3A_247 : vector<16x512xf32>
    %reduce_sum3A_250 = arith.constant dense<0.000000e+00> : vector<512xf32>
    %reduce_sum3A_251 = vector.multi_reduction <add>, %mul3A_249, %reduce_sum3A_250 [0] : vector<16x512xf32> to vector<512xf32>
    %add3A_252 = arith.addf %add3A_235, %reduce_sum3A_251 : vector<512xf32>
    %get3A_253 = arith.constant 0 : index
    %get3A_254 = arith.constant 224 : index
    %get3A_255 = vector.load %arg4[%get3A_253, %get3A_254] : memref<400x416xbf16, #tpu.memory_space<vmem>>, vector<400x16xbf16>
    %convert_element_type3A_256 = arith.truncf %get3A_247 : vector<16x512xf32> to vector<16x512xbf16>
    %dot_general3A_257 = arith.constant dense<0.000000e+00> : vector<400x512xf32>
    %dot_general3A_258 = tpu.matmul %get3A_255, %convert_element_type3A_256, %dot_general3A_257 {dimension_numbers = #tpu.dot_dimension_numbers<[1], [0], [0], [1], [0, 0, 1, 1], [], []>, transpose_lhs_hint = false} : vector<400x16xbf16>, vector<16x512xbf16>, vector<400x512xf32> -> vector<400x512xf32>
    %add3A_259 = arith.addf %add3A_242, %dot_general3A_258 : vector<400x512xf32>
    %get3A_260 = arith.constant 15 : index
    %get3A_261 = arith.constant 0 : index
    %get3A_262 = arith.constant 0 : index
    %get3A_263 = vector.load %arg1[%get3A_260, %get3A_261, %get3A_262] : memref<26x16x512xf32, #tpu.memory_space<vmem>>, vector<1x16x512xf32>
    %get3A_264 = vector.shape_cast %get3A_263 : vector<1x16x512xf32> to vector<16x512xf32>
    %add3A_265 = arith.addf %add3A_248, %get3A_264 : vector<16x512xf32>
    %mul3A_266 = arith.mulf %get3A_264, %get3A_264 : vector<16x512xf32>
    %reduce_sum3A_267 = arith.constant dense<0.000000e+00> : vector<512xf32>
    %reduce_sum3A_268 = vector.multi_reduction <add>, %mul3A_266, %reduce_sum3A_267 [0] : vector<16x512xf32> to vector<512xf32>
    %add3A_269 = arith.addf %add3A_252, %reduce_sum3A_268 : vector<512xf32>
    %get3A_270 = arith.constant 0 : index
    %get3A_271 = arith.constant 240 : index
    %get3A_272 = vector.load %arg4[%get3A_270, %get3A_271] : memref<400x416xbf16, #tpu.memory_space<vmem>>, vector<400x16xbf16>
    %convert_element_type3A_273 = arith.truncf %get3A_264 : vector<16x512xf32> to vector<16x512xbf16>
    %dot_general3A_274 = arith.constant dense<0.000000e+00> : vector<400x512xf32>
    %dot_general3A_275 = tpu.matmul %get3A_272, %convert_element_type3A_273, %dot_general3A_274 {dimension_numbers = #tpu.dot_dimension_numbers<[1], [0], [0], [1], [0, 0, 1, 1], [], []>, transpose_lhs_hint = false} : vector<400x16xbf16>, vector<16x512xbf16>, vector<400x512xf32> -> vector<400x512xf32>
    %add3A_276 = arith.addf %add3A_259, %dot_general3A_275 : vector<400x512xf32>
    %get3A_277 = arith.constant 16 : index
    %get3A_278 = arith.constant 0 : index
    %get3A_279 = arith.constant 0 : index
    %get3A_280 = vector.load %arg1[%get3A_277, %get3A_278, %get3A_279] : memref<26x16x512xf32, #tpu.memory_space<vmem>>, vector<1x16x512xf32>
    %get3A_281 = vector.shape_cast %get3A_280 : vector<1x16x512xf32> to vector<16x512xf32>
    %add3A_282 = arith.addf %add3A_265, %get3A_281 : vector<16x512xf32>
    %mul3A_283 = arith.mulf %get3A_281, %get3A_281 : vector<16x512xf32>
    %reduce_sum3A_284 = arith.constant dense<0.000000e+00> : vector<512xf32>
    %reduce_sum3A_285 = vector.multi_reduction <add>, %mul3A_283, %reduce_sum3A_284 [0] : vector<16x512xf32> to vector<512xf32>
    %add3A_286 = arith.addf %add3A_269, %reduce_sum3A_285 : vector<512xf32>
    %get3A_287 = arith.constant 0 : index
    %get3A_288 = arith.constant 256 : index
    %get3A_289 = vector.load %arg4[%get3A_287, %get3A_288] : memref<400x416xbf16, #tpu.memory_space<vmem>>, vector<400x16xbf16>
    %convert_element_type3A_290 = arith.truncf %get3A_281 : vector<16x512xf32> to vector<16x512xbf16>
    %dot_general3A_291 = arith.constant dense<0.000000e+00> : vector<400x512xf32>
    %dot_general3A_292 = tpu.matmul %get3A_289, %convert_element_type3A_290, %dot_general3A_291 {dimension_numbers = #tpu.dot_dimension_numbers<[1], [0], [0], [1], [0, 0, 1, 1], [], []>, transpose_lhs_hint = false} : vector<400x16xbf16>, vector<16x512xbf16>, vector<400x512xf32> -> vector<400x512xf32>
    %add3A_293 = arith.addf %add3A_276, %dot_general3A_292 : vector<400x512xf32>
    %get3A_294 = arith.constant 17 : index
    %get3A_295 = arith.constant 0 : index
    %get3A_296 = arith.constant 0 : index
    %get3A_297 = vector.load %arg1[%get3A_294, %get3A_295, %get3A_296] : memref<26x16x512xf32, #tpu.memory_space<vmem>>, vector<1x16x512xf32>
    %get3A_298 = vector.shape_cast %get3A_297 : vector<1x16x512xf32> to vector<16x512xf32>
    %add3A_299 = arith.addf %add3A_282, %get3A_298 : vector<16x512xf32>
    %mul3A_300 = arith.mulf %get3A_298, %get3A_298 : vector<16x512xf32>
    %reduce_sum3A_301 = arith.constant dense<0.000000e+00> : vector<512xf32>
    %reduce_sum3A_302 = vector.multi_reduction <add>, %mul3A_300, %reduce_sum3A_301 [0] : vector<16x512xf32> to vector<512xf32>
    %add3A_303 = arith.addf %add3A_286, %reduce_sum3A_302 : vector<512xf32>
    %get3A_304 = arith.constant 0 : index
    %get3A_305 = arith.constant 272 : index
    %get3A_306 = vector.load %arg4[%get3A_304, %get3A_305] : memref<400x416xbf16, #tpu.memory_space<vmem>>, vector<400x16xbf16>
    %convert_element_type3A_307 = arith.truncf %get3A_298 : vector<16x512xf32> to vector<16x512xbf16>
    %dot_general3A_308 = arith.constant dense<0.000000e+00> : vector<400x512xf32>
    %dot_general3A_309 = tpu.matmul %get3A_306, %convert_element_type3A_307, %dot_general3A_308 {dimension_numbers = #tpu.dot_dimension_numbers<[1], [0], [0], [1], [0, 0, 1, 1], [], []>, transpose_lhs_hint = false} : vector<400x16xbf16>, vector<16x512xbf16>, vector<400x512xf32> -> vector<400x512xf32>
    %add3A_310 = arith.addf %add3A_293, %dot_general3A_309 : vector<400x512xf32>
    %get3A_311 = arith.constant 18 : index
    %get3A_312 = arith.constant 0 : index
    %get3A_313 = arith.constant 0 : index
    %get3A_314 = vector.load %arg1[%get3A_311, %get3A_312, %get3A_313] : memref<26x16x512xf32, #tpu.memory_space<vmem>>, vector<1x16x512xf32>
    %get3A_315 = vector.shape_cast %get3A_314 : vector<1x16x512xf32> to vector<16x512xf32>
    %add3A_316 = arith.addf %add3A_299, %get3A_315 : vector<16x512xf32>
    %mul3A_317 = arith.mulf %get3A_315, %get3A_315 : vector<16x512xf32>
    %reduce_sum3A_318 = arith.constant dense<0.000000e+00> : vector<512xf32>
    %reduce_sum3A_319 = vector.multi_reduction <add>, %mul3A_317, %reduce_sum3A_318 [0] : vector<16x512xf32> to vector<512xf32>
    %add3A_320 = arith.addf %add3A_303, %reduce_sum3A_319 : vector<512xf32>
    %get3A_321 = arith.constant 0 : index
    %get3A_322 = arith.constant 288 : index
    %get3A_323 = vector.load %arg4[%get3A_321, %get3A_322] : memref<400x416xbf16, #tpu.memory_space<vmem>>, vector<400x16xbf16>
    %convert_element_type3A_324 = arith.truncf %get3A_315 : vector<16x512xf32> to vector<16x512xbf16>
    %dot_general3A_325 = arith.constant dense<0.000000e+00> : vector<400x512xf32>
    %dot_general3A_326 = tpu.matmul %get3A_323, %convert_element_type3A_324, %dot_general3A_325 {dimension_numbers = #tpu.dot_dimension_numbers<[1], [0], [0], [1], [0, 0, 1, 1], [], []>, transpose_lhs_hint = false} : vector<400x16xbf16>, vector<16x512xbf16>, vector<400x512xf32> -> vector<400x512xf32>
    %add3A_327 = arith.addf %add3A_310, %dot_general3A_326 : vector<400x512xf32>
    %get3A_328 = arith.constant 19 : index
    %get3A_329 = arith.constant 0 : index
    %get3A_330 = arith.constant 0 : index
    %get3A_331 = vector.load %arg1[%get3A_328, %get3A_329, %get3A_330] : memref<26x16x512xf32, #tpu.memory_space<vmem>>, vector<1x16x512xf32>
    %get3A_332 = vector.shape_cast %get3A_331 : vector<1x16x512xf32> to vector<16x512xf32>
    %add3A_333 = arith.addf %add3A_316, %get3A_332 : vector<16x512xf32>
    %mul3A_334 = arith.mulf %get3A_332, %get3A_332 : vector<16x512xf32>
    %reduce_sum3A_335 = arith.constant dense<0.000000e+00> : vector<512xf32>
    %reduce_sum3A_336 = vector.multi_reduction <add>, %mul3A_334, %reduce_sum3A_335 [0] : vector<16x512xf32> to vector<512xf32>
    %add3A_337 = arith.addf %add3A_320, %reduce_sum3A_336 : vector<512xf32>
    %get3A_338 = arith.constant 0 : index
    %get3A_339 = arith.constant 304 : index
    %get3A_340 = vector.load %arg4[%get3A_338, %get3A_339] : memref<400x416xbf16, #tpu.memory_space<vmem>>, vector<400x16xbf16>
    %convert_element_type3A_341 = arith.truncf %get3A_332 : vector<16x512xf32> to vector<16x512xbf16>
    %dot_general3A_342 = arith.constant dense<0.000000e+00> : vector<400x512xf32>
    %dot_general3A_343 = tpu.matmul %get3A_340, %convert_element_type3A_341, %dot_general3A_342 {dimension_numbers = #tpu.dot_dimension_numbers<[1], [0], [0], [1], [0, 0, 1, 1], [], []>, transpose_lhs_hint = false} : vector<400x16xbf16>, vector<16x512xbf16>, vector<400x512xf32> -> vector<400x512xf32>
    %add3A_344 = arith.addf %add3A_327, %dot_general3A_343 : vector<400x512xf32>
    %get3A_345 = arith.constant 20 : index
    %get3A_346 = arith.constant 0 : index
    %get3A_347 = arith.constant 0 : index
    %get3A_348 = vector.load %arg1[%get3A_345, %get3A_346, %get3A_347] : memref<26x16x512xf32, #tpu.memory_space<vmem>>, vector<1x16x512xf32>
    %get3A_349 = vector.shape_cast %get3A_348 : vector<1x16x512xf32> to vector<16x512xf32>
    %add3A_350 = arith.addf %add3A_333, %get3A_349 : vector<16x512xf32>
    %mul3A_351 = arith.mulf %get3A_349, %get3A_349 : vector<16x512xf32>
    %reduce_sum3A_352 = arith.constant dense<0.000000e+00> : vector<512xf32>
    %reduce_sum3A_353 = vector.multi_reduction <add>, %mul3A_351, %reduce_sum3A_352 [0] : vector<16x512xf32> to vector<512xf32>
    %add3A_354 = arith.addf %add3A_337, %reduce_sum3A_353 : vector<512xf32>
    %get3A_355 = arith.constant 0 : index
    %get3A_356 = arith.constant 320 : index
    %get3A_357 = vector.load %arg4[%get3A_355, %get3A_356] : memref<400x416xbf16, #tpu.memory_space<vmem>>, vector<400x16xbf16>
    %convert_element_type3A_358 = arith.truncf %get3A_349 : vector<16x512xf32> to vector<16x512xbf16>
    %dot_general3A_359 = arith.constant dense<0.000000e+00> : vector<400x512xf32>
    %dot_general3A_360 = tpu.matmul %get3A_357, %convert_element_type3A_358, %dot_general3A_359 {dimension_numbers = #tpu.dot_dimension_numbers<[1], [0], [0], [1], [0, 0, 1, 1], [], []>, transpose_lhs_hint = false} : vector<400x16xbf16>, vector<16x512xbf16>, vector<400x512xf32> -> vector<400x512xf32>
    %add3A_361 = arith.addf %add3A_344, %dot_general3A_360 : vector<400x512xf32>
    %get3A_362 = arith.constant 21 : index
    %get3A_363 = arith.constant 0 : index
    %get3A_364 = arith.constant 0 : index
    %get3A_365 = vector.load %arg1[%get3A_362, %get3A_363, %get3A_364] : memref<26x16x512xf32, #tpu.memory_space<vmem>>, vector<1x16x512xf32>
    %get3A_366 = vector.shape_cast %get3A_365 : vector<1x16x512xf32> to vector<16x512xf32>
    %add3A_367 = arith.addf %add3A_350, %get3A_366 : vector<16x512xf32>
    %mul3A_368 = arith.mulf %get3A_366, %get3A_366 : vector<16x512xf32>
    %reduce_sum3A_369 = arith.constant dense<0.000000e+00> : vector<512xf32>
    %reduce_sum3A_370 = vector.multi_reduction <add>, %mul3A_368, %reduce_sum3A_369 [0] : vector<16x512xf32> to vector<512xf32>
    %add3A_371 = arith.addf %add3A_354, %reduce_sum3A_370 : vector<512xf32>
    %get3A_372 = arith.constant 0 : index
    %get3A_373 = arith.constant 336 : index
    %get3A_374 = vector.load %arg4[%get3A_372, %get3A_373] : memref<400x416xbf16, #tpu.memory_space<vmem>>, vector<400x16xbf16>
    %convert_element_type3A_375 = arith.truncf %get3A_366 : vector<16x512xf32> to vector<16x512xbf16>
    %dot_general3A_376 = arith.constant dense<0.000000e+00> : vector<400x512xf32>
    %dot_general3A_377 = tpu.matmul %get3A_374, %convert_element_type3A_375, %dot_general3A_376 {dimension_numbers = #tpu.dot_dimension_numbers<[1], [0], [0], [1], [0, 0, 1, 1], [], []>, transpose_lhs_hint = false} : vector<400x16xbf16>, vector<16x512xbf16>, vector<400x512xf32> -> vector<400x512xf32>
    %add3A_378 = arith.addf %add3A_361, %dot_general3A_377 : vector<400x512xf32>
    %get3A_379 = arith.constant 22 : index
    %get3A_380 = arith.constant 0 : index
    %get3A_381 = arith.constant 0 : index
    %get3A_382 = vector.load %arg1[%get3A_379, %get3A_380, %get3A_381] : memref<26x16x512xf32, #tpu.memory_space<vmem>>, vector<1x16x512xf32>
    %get3A_383 = vector.shape_cast %get3A_382 : vector<1x16x512xf32> to vector<16x512xf32>
    %add3A_384 = arith.addf %add3A_367, %get3A_383 : vector<16x512xf32>
    %mul3A_385 = arith.mulf %get3A_383, %get3A_383 : vector<16x512xf32>
    %reduce_sum3A_386 = arith.constant dense<0.000000e+00> : vector<512xf32>
    %reduce_sum3A_387 = vector.multi_reduction <add>, %mul3A_385, %reduce_sum3A_386 [0] : vector<16x512xf32> to vector<512xf32>
    %add3A_388 = arith.addf %add3A_371, %reduce_sum3A_387 : vector<512xf32>
    %get3A_389 = arith.constant 0 : index
    %get3A_390 = arith.constant 352 : index
    %get3A_391 = vector.load %arg4[%get3A_389, %get3A_390] : memref<400x416xbf16, #tpu.memory_space<vmem>>, vector<400x16xbf16>
    %convert_element_type3A_392 = arith.truncf %get3A_383 : vector<16x512xf32> to vector<16x512xbf16>
    %dot_general3A_393 = arith.constant dense<0.000000e+00> : vector<400x512xf32>
    %dot_general3A_394 = tpu.matmul %get3A_391, %convert_element_type3A_392, %dot_general3A_393 {dimension_numbers = #tpu.dot_dimension_numbers<[1], [0], [0], [1], [0, 0, 1, 1], [], []>, transpose_lhs_hint = false} : vector<400x16xbf16>, vector<16x512xbf16>, vector<400x512xf32> -> vector<400x512xf32>
    %add3A_395 = arith.addf %add3A_378, %dot_general3A_394 : vector<400x512xf32>
    %get3A_396 = arith.constant 23 : index
    %get3A_397 = arith.constant 0 : index
    %get3A_398 = arith.constant 0 : index
    %get3A_399 = vector.load %arg1[%get3A_396, %get3A_397, %get3A_398] : memref<26x16x512xf32, #tpu.memory_space<vmem>>, vector<1x16x512xf32>
    %get3A_400 = vector.shape_cast %get3A_399 : vector<1x16x512xf32> to vector<16x512xf32>
    %add3A_401 = arith.addf %add3A_384, %get3A_400 : vector<16x512xf32>
    %mul3A_402 = arith.mulf %get3A_400, %get3A_400 : vector<16x512xf32>
    %reduce_sum3A_403 = arith.constant dense<0.000000e+00> : vector<512xf32>
    %reduce_sum3A_404 = vector.multi_reduction <add>, %mul3A_402, %reduce_sum3A_403 [0] : vector<16x512xf32> to vector<512xf32>
    %add3A_405 = arith.addf %add3A_388, %reduce_sum3A_404 : vector<512xf32>
    %get3A_406 = arith.constant 0 : index
    %get3A_407 = arith.constant 368 : index
    %get3A_408 = vector.load %arg4[%get3A_406, %get3A_407] : memref<400x416xbf16, #tpu.memory_space<vmem>>, vector<400x16xbf16>
    %convert_element_type3A_409 = arith.truncf %get3A_400 : vector<16x512xf32> to vector<16x512xbf16>
    %dot_general3A_410 = arith.constant dense<0.000000e+00> : vector<400x512xf32>
    %dot_general3A_411 = tpu.matmul %get3A_408, %convert_element_type3A_409, %dot_general3A_410 {dimension_numbers = #tpu.dot_dimension_numbers<[1], [0], [0], [1], [0, 0, 1, 1], [], []>, transpose_lhs_hint = false} : vector<400x16xbf16>, vector<16x512xbf16>, vector<400x512xf32> -> vector<400x512xf32>
    %add3A_412 = arith.addf %add3A_395, %dot_general3A_411 : vector<400x512xf32>
    %get3A_413 = arith.constant 24 : index
    %get3A_414 = arith.constant 0 : index
    %get3A_415 = arith.constant 0 : index
    %get3A_416 = vector.load %arg1[%get3A_413, %get3A_414, %get3A_415] : memref<26x16x512xf32, #tpu.memory_space<vmem>>, vector<1x16x512xf32>
    %get3A_417 = vector.shape_cast %get3A_416 : vector<1x16x512xf32> to vector<16x512xf32>
    %add3A_418 = arith.addf %add3A_401, %get3A_417 : vector<16x512xf32>
    %mul3A_419 = arith.mulf %get3A_417, %get3A_417 : vector<16x512xf32>
    %reduce_sum3A_420 = arith.constant dense<0.000000e+00> : vector<512xf32>
    %reduce_sum3A_421 = vector.multi_reduction <add>, %mul3A_419, %reduce_sum3A_420 [0] : vector<16x512xf32> to vector<512xf32>
    %add3A_422 = arith.addf %add3A_405, %reduce_sum3A_421 : vector<512xf32>
    %get3A_423 = arith.constant 0 : index
    %get3A_424 = arith.constant 384 : index
    %get3A_425 = vector.load %arg4[%get3A_423, %get3A_424] : memref<400x416xbf16, #tpu.memory_space<vmem>>, vector<400x16xbf16>
    %convert_element_type3A_426 = arith.truncf %get3A_417 : vector<16x512xf32> to vector<16x512xbf16>
    %dot_general3A_427 = arith.constant dense<0.000000e+00> : vector<400x512xf32>
    %dot_general3A_428 = tpu.matmul %get3A_425, %convert_element_type3A_426, %dot_general3A_427 {dimension_numbers = #tpu.dot_dimension_numbers<[1], [0], [0], [1], [0, 0, 1, 1], [], []>, transpose_lhs_hint = false} : vector<400x16xbf16>, vector<16x512xbf16>, vector<400x512xf32> -> vector<400x512xf32>
    %add3A_429 = arith.addf %add3A_412, %dot_general3A_428 : vector<400x512xf32>
    %get3A_430 = arith.constant 25 : index
    %get3A_431 = arith.constant 0 : index
    %get3A_432 = arith.constant 0 : index
    %get3A_433 = vector.load %arg1[%get3A_430, %get3A_431, %get3A_432] : memref<26x16x512xf32, #tpu.memory_space<vmem>>, vector<1x16x512xf32>
    %get3A_434 = vector.shape_cast %get3A_433 : vector<1x16x512xf32> to vector<16x512xf32>
    %add3A_435 = arith.addf %add3A_418, %get3A_434 : vector<16x512xf32>
    %mul3A_436 = arith.mulf %get3A_434, %get3A_434 : vector<16x512xf32>
    %reduce_sum3A_437 = arith.constant dense<0.000000e+00> : vector<512xf32>
    %reduce_sum3A_438 = vector.multi_reduction <add>, %mul3A_436, %reduce_sum3A_437 [0] : vector<16x512xf32> to vector<512xf32>
    %add3A_439 = arith.addf %add3A_422, %reduce_sum3A_438 : vector<512xf32>
    %get3A_440 = arith.constant 0 : index
    %get3A_441 = arith.constant 400 : index
    %get3A_442 = vector.load %arg4[%get3A_440, %get3A_441] : memref<400x416xbf16, #tpu.memory_space<vmem>>, vector<400x16xbf16>
    %convert_element_type3A_443 = arith.truncf %get3A_434 : vector<16x512xf32> to vector<16x512xbf16>
    %dot_general3A_444 = arith.constant dense<0.000000e+00> : vector<400x512xf32>
    %dot_general3A_445 = tpu.matmul %get3A_442, %convert_element_type3A_443, %dot_general3A_444 {dimension_numbers = #tpu.dot_dimension_numbers<[1], [0], [0], [1], [0, 0, 1, 1], [], []>, transpose_lhs_hint = false} : vector<400x16xbf16>, vector<16x512xbf16>, vector<400x512xf32> -> vector<400x512xf32>
    %add3A_446 = arith.addf %add3A_429, %dot_general3A_445 : vector<400x512xf32>
    %mul3A_447 = arith.mulf %add3A_435, %add3A_435 : vector<16x512xf32>
    %reduce_sum3A_448 = arith.constant dense<0.000000e+00> : vector<512xf32>
    %reduce_sum3A_449 = vector.multi_reduction <add>, %mul3A_447, %reduce_sum3A_448 [0] : vector<16x512xf32> to vector<512xf32>
    %sub3A = arith.subf %reduce_sum3A_449, %add3A_439 : vector<512xf32>
    %mul3A_450 = arith.constant 5.000000e-01 : f32
    %mul3A_451 = vector.broadcast %mul3A_450 : f32 to vector<512xf32>
    %mul3A_452 = arith.mulf %mul3A_451, %sub3A : vector<512xf32>
    %get3A_453 = arith.constant 0 : index
    %get3A_454 = arith.constant 0 : index
    %get3A_455 = vector.load %arg3[%get3A_453, %get3A_454] : memref<1x512xf32, #tpu.memory_space<vmem>>, vector<1x512xf32>
    %get3A_456 = vector.shape_cast %get3A_455 : vector<1x512xf32> to vector<512xf32>
    %add3A_457 = arith.addf %get3A_456, %mul3A_452 : vector<512xf32>
    %get3A_458 = arith.constant 0 : index
    %get3A_459 = arith.constant 0 : index
    %get3A_460 = vector.load %arg7[%get3A_458, %get3A_459] : memref<1x1xf32, #tpu.memory_space<vmem>>, vector<1x1xf32>
    %get3A_461 = vector.extract %get3A_460[0, 0] : f32 from vector<1x1xf32>
    %add3A_462 = vector.broadcast %get3A_461 : f32 to vector<512xf32>
    %add3A_463 = arith.addf %add3A_457, %add3A_462 : vector<512xf32>
    %broadcast_in_dim3A = vector.shape_cast %add3A_463 : vector<512xf32> to vector<1x512xf32>
    %swap3A = arith.constant 0 : index
    %swap3A_464 = arith.constant 0 : index
    %swap3A_465 = vector.load %arg9[%swap3A, %swap3A_464] : memref<1x512xf32, #tpu.memory_space<vmem>>, vector<1x512xf32>
    tpu.vector_store %arg9[%swap3A, %swap3A_464], %broadcast_in_dim3A {strides = array<i32>} : memref<1x512xf32, #tpu.memory_space<vmem>>, vector<1x512xf32>,
    %swap3A_466 = arith.constant 0 : index
    %swap3A_467 = arith.constant 0 : index
    %swap3A_468 = vector.load %arg8[%swap3A_466, %swap3A_467] : memref<400x512xf32, #tpu.memory_space<vmem>>, vector<400x512xf32>
    tpu.vector_store %arg8[%swap3A_466, %swap3A_467], %add3A_446 {strides = array<i32>} : memref<400x512xf32, #tpu.memory_space<vmem>>, vector<400x512xf32>,
    %eq3A = arith.constant 0 : i32
    %eq3A_469 = arith.cmpi eq, %arg0, %eq3A : i32
    %convert_element_type3A_470 = arith.extui %eq3A_469 : i1 to i32
    %cond3A = arith.constant 0 : i32
    %cond3A_471 = arith.cmpi ne, %convert_element_type3A_470, %cond3A : i32
    scf.if %cond3A_471 {
      %broadcast_in_dim3A_493 = arith.constant 0.000000e+00 : f32
      %broadcast_in_dim3A_494 = vector.broadcast %broadcast_in_dim3A_493 : f32 to vector<400x1xf32>
      %swap3A_495 = arith.constant 0 : index
      %swap3A_496 = arith.constant 0 : index
      %swap3A_497 = vector.load %arg10[%swap3A_495, %swap3A_496] : memref<400x1xf32, #tpu.memory_space<vmem>>, vector<400x1xf32>
      tpu.vector_store %arg10[%swap3A_495, %swap3A_496], %broadcast_in_dim3A_494 {strides = array<i32>} : memref<400x1xf32, #tpu.memory_space<vmem>>, vector<400x1xf32>,
      %broadcast_in_dim3A_498 = arith.constant 0.000000e+00 : f32
      %broadcast_in_dim3A_499 = vector.broadcast %broadcast_in_dim3A_498 : f32 to vector<400x1xf32>
      %swap3A_500 = arith.constant 0 : index
      %swap3A_501 = arith.constant 0 : index
      %swap3A_502 = vector.load %arg11[%swap3A_500, %swap3A_501] : memref<400x1xf32, #tpu.memory_space<vmem>>, vector<400x1xf32>
      tpu.vector_store %arg11[%swap3A_500, %swap3A_501], %broadcast_in_dim3A_499 {strides = array<i32>} : memref<400x1xf32, #tpu.memory_space<vmem>>, vector<400x1xf32>,
    } else {
    }
    %get3A_472 = arith.constant 0 : index
    %get3A_473 = arith.constant 0 : index
    %get3A_474 = vector.load %arg10[%get3A_472, %get3A_473] : memref<400x1xf32, #tpu.memory_space<vmem>>, vector<400x1xf32>
    %reduce_sum3A_475 = arith.constant dense<0.000000e+00> : vector<400xf32>
    %reduce_sum3A_476 = vector.multi_reduction <add>, %add3A_446, %reduce_sum3A_475 [1] : vector<400x512xf32> to vector<400xf32>
    %broadcast_in_dim3A_477 = vector.shape_cast %reduce_sum3A_476 : vector<400xf32> to vector<400x1xf32>
    %add3A_478 = arith.addf %get3A_474, %broadcast_in_dim3A_477 : vector<400x1xf32>
    %swap3A_479 = arith.constant 0 : index
    %swap3A_480 = arith.constant 0 : index
    %swap3A_481 = vector.load %arg10[%swap3A_479, %swap3A_480] : memref<400x1xf32, #tpu.memory_space<vmem>>, vector<400x1xf32>
    tpu.vector_store %arg10[%swap3A_479, %swap3A_480], %add3A_478 {strides = array<i32>} : memref<400x1xf32, #tpu.memory_space<vmem>>, vector<400x1xf32>,
    %get3A_482 = arith.constant 0 : index
    %get3A_483 = arith.constant 0 : index
    %get3A_484 = vector.load %arg11[%get3A_482, %get3A_483] : memref<400x1xf32, #tpu.memory_space<vmem>>, vector<400x1xf32>
    %mul3A_485 = arith.mulf %add3A_446, %add3A_446 : vector<400x512xf32>
    %reduce_sum3A_486 = arith.constant dense<0.000000e+00> : vector<400xf32>
    %reduce_sum3A_487 = vector.multi_reduction <add>, %mul3A_485, %reduce_sum3A_486 [1] : vector<400x512xf32> to vector<400xf32>
    %broadcast_in_dim3A_488 = vector.shape_cast %reduce_sum3A_487 : vector<400xf32> to vector<400x1xf32>
    %add3A_489 = arith.addf %get3A_484, %broadcast_in_dim3A_488 : vector<400x1xf32>
    %swap3A_490 = arith.constant 0 : index
    %swap3A_491 = arith.constant 0 : index
    %swap3A_492 = vector.load %arg11[%swap3A_490, %swap3A_491] : memref<400x1xf32, #tpu.memory_space<vmem>>, vector<400x1xf32>
    tpu.vector_store %arg11[%swap3A_490, %swap3A_491], %add3A_489 {strides = array<i32>} : memref<400x1xf32, #tpu.memory_space<vmem>>, vector<400x1xf32>,
    return
  }
  func.func @transform_0(%arg0: i32) -> (i32, i32, i32) {
    %c0_i32 = arith.constant 0 : i32
    %c0_i32_0 = arith.constant 0 : i32
    %c0_i32_1 = arith.constant 0 : i32
    return %c0_i32, %c0_i32_0, %arg0 : i32, i32, i32
  }
  func.func @transform_1(%arg0: i32) -> (i32, i32) {
    %c0_i32 = arith.constant 0 : i32
    %c0_i32_0 = arith.constant 0 : i32
    return %c0_i32, %arg0 : i32, i32
  }
  func.func @transform_2(%arg0: i32) -> (i32, i32) {
    %c0_i32 = arith.constant 0 : i32
    %c0_i32_0 = arith.constant 0 : i32
    return %c0_i32, %arg0 : i32, i32
  }
  func.func @transform_3(%arg0: i32) -> (i32, i32) {
    %c0_i32 = arith.constant 0 : i32
    %c0_i32_0 = arith.constant 0 : i32
    %c0_i32_1 = arith.constant 0 : i32
    return %c0_i32, %c0_i32_0 : i32, i32
  }
  func.func @transform_4(%arg0: i32) -> (i32, i32) {
    %c0_i32 = arith.constant 0 : i32
    %c0_i32_0 = arith.constant 0 : i32
    %c0_i32_1 = arith.constant 0 : i32
    return %c0_i32, %c0_i32_0 : i32, i32
  }
  func.func @transform_5(%arg0: i32) -> (i32, i32) {
    %c0_i32 = arith.constant 0 : i32
    %c0_i32_0 = arith.constant 0 : i32
    %c0_i32_1 = arith.constant 0 : i32
    return %c0_i32, %c0_i32_0 : i32, i32
  }
  func.func @transform_6(%arg0: i32) -> (i32, i32) {
    %c0_i32 = arith.constant 0 : i32
    %c0_i32_0 = arith.constant 0 : i32
    %c0_i32_1 = arith.constant 0 : i32
    return %c0_i32, %c0_i32_0 : i32, i32
  }
  func.func @transform_7(%arg0: i32) -> (i32, i32) {
    %c0_i32 = arith.constant 0 : i32
    %c0_i32_0 = arith.constant 0 : i32
    return %c0_i32, %arg0 : i32, i32
  }
  func.func @transform_8(%arg0: i32) -> (i32, i32) {
    %c0_i32 = arith.constant 0 : i32
    %c0_i32_0 = arith.constant 0 : i32
    return %c0_i32, %arg0 : i32, i32
  }
  func.func @transform_9(%arg0: i32) -> (i32, i32) {
    %c0_i32 = arith.constant 0 : i32
    %c0_i32_0 = arith.constant 0 : i32
    %c0_i32_1 = arith.constant 0 : i32
    return %c0_i32, %c0_i32_0 : i32, i32
  }
  func.func @transform_10(%arg0: i32) -> (i32, i32) {
    %c0_i32 = arith.constant 0 : i32
    %c0_i32_0 = arith.constant 0 : i32
    %c0_i32_1 = arith.constant 0 : i32
    return %c0_i32, %c0_i32_0 : i32, i32
  }
}

module attributes {stable_mosaic.version = 14 : i64} {
  func.func @_tc3_body(%arg0: i32, %arg1: memref<400x512xf32, #tpu.memory_space<vmem>>, %arg2: memref<400x1xf32, #tpu.memory_space<vmem>>, %arg3: memref<400x1xf32, #tpu.memory_space<vmem>>, %arg4: memref<400x1xf32, #tpu.memory_space<vmem>>, %arg5: memref<400x1xf32, #tpu.memory_space<vmem>>, %arg6: memref<400x1xf32, #tpu.memory_space<vmem>>, %arg7: memref<1x512xf32, #tpu.memory_space<vmem>>, %arg8: memref<1x512xf32, #tpu.memory_space<vmem>>) attributes {dimension_semantics = [#tpu.dimension_semantics<arbitrary>], iteration_bounds = array<i64: 32>, scalar_prefetch = 0 : i64, scratch_operands = 0 : i64, tpu.core_type = #tpu.core_type<tc>, window_params = [{transform_indices = @transform_0, window_bounds = array<i64: 400, 512>}, {pipeline_mode = #tpu.pipeline_mode<synchronous>, transform_indices = @transform_1, window_bounds = array<i64: 400, 1>}, {pipeline_mode = #tpu.pipeline_mode<synchronous>, transform_indices = @transform_2, window_bounds = array<i64: 400, 1>}, {pipeline_mode = #tpu.pipeline_mode<synchronous>, transform_indices = @transform_3, window_bounds = array<i64: 400, 1>}, {pipeline_mode = #tpu.pipeline_mode<synchronous>, transform_indices = @transform_4, window_bounds = array<i64: 400, 1>}, {pipeline_mode = #tpu.pipeline_mode<synchronous>, transform_indices = @transform_5, window_bounds = array<i64: 400, 1>}, {transform_indices = @transform_6, window_bounds = array<i64: 1, 512>}, {transform_indices = @transform_7, window_bounds = array<i64: 1, 512>}]} {
    %get3A = arith.constant 0 : index
    %get3A_0 = arith.constant 0 : index
    %get3A_1 = vector.load %arg2[%get3A, %get3A_0] : memref<400x1xf32, #tpu.memory_space<vmem>>, vector<400x1xf32>
    %mul3A = arith.constant 6.10351563E-5 : f32
    %mul3A_2 = vector.broadcast %mul3A : f32 to vector<400x1xf32>
    %mul3A_3 = arith.mulf %get3A_1, %mul3A_2 : vector<400x1xf32>
    %get3A_4 = arith.constant 0 : index
    %get3A_5 = arith.constant 0 : index
    %get3A_6 = vector.load %arg3[%get3A_4, %get3A_5] : memref<400x1xf32, #tpu.memory_space<vmem>>, vector<400x1xf32>
    %mul3A_7 = arith.constant 6.10351563E-5 : f32
    %mul3A_8 = vector.broadcast %mul3A_7 : f32 to vector<400x1xf32>
    %mul3A_9 = arith.mulf %get3A_6, %mul3A_8 : vector<400x1xf32>
    %mul3A_10 = arith.mulf %mul3A_3, %mul3A_3 : vector<400x1xf32>
    %sub3A = arith.subf %mul3A_9, %mul3A_10 : vector<400x1xf32>
    %get3A_11 = arith.constant 0 : index
    %get3A_12 = arith.constant 0 : index
    %get3A_13 = vector.load %arg4[%get3A_11, %get3A_12] : memref<400x1xf32, #tpu.memory_space<vmem>>, vector<400x1xf32>
    %add3A = arith.constant 9.99999974E-6 : f32
    %add3A_14 = vector.broadcast %add3A : f32 to vector<400x1xf32>
    %add3A_15 = arith.addf %sub3A, %add3A_14 : vector<400x1xf32>
    %sqrt3A = math.sqrt %add3A_15 : vector<400x1xf32>
    %div3A = arith.divf %get3A_13, %sqrt3A : vector<400x1xf32>
    %get3A_16 = arith.constant 0 : index
    %get3A_17 = arith.constant 0 : index
    %get3A_18 = vector.load %arg1[%get3A_16, %get3A_17] : memref<400x512xf32, #tpu.memory_space<vmem>>, vector<400x512xf32>
    %mul3A_19 = vector.broadcast %div3A : vector<400x1xf32> to vector<400x512xf32>
    %mul3A_20 = arith.mulf %get3A_18, %mul3A_19 : vector<400x512xf32>
    %get3A_21 = arith.constant 0 : index
    %get3A_22 = arith.constant 0 : index
    %get3A_23 = vector.load %arg5[%get3A_21, %get3A_22] : memref<400x1xf32, #tpu.memory_space<vmem>>, vector<400x1xf32>
    %mul3A_24 = arith.mulf %mul3A_3, %div3A : vector<400x1xf32>
    %sub3A_25 = arith.subf %get3A_23, %mul3A_24 : vector<400x1xf32>
    %add3A_26 = vector.broadcast %sub3A_25 : vector<400x1xf32> to vector<400x512xf32>
    %add3A_27 = arith.addf %mul3A_20, %add3A_26 : vector<400x512xf32>
    %max3A = arith.constant 0.000000e+00 : f32
    %max3A_28 = vector.broadcast %max3A : f32 to vector<400x512xf32>
    %max3A_29 = arith.maximumf %add3A_27, %max3A_28 : vector<400x512xf32>
    %get3A_30 = arith.constant 0 : index
    %get3A_31 = arith.constant 0 : index
    %get3A_32 = vector.load %arg6[%get3A_30, %get3A_31] : memref<400x1xf32, #tpu.memory_space<vmem>>, vector<400x1xf32>
    %mul3A_33 = vector.broadcast %get3A_32 : vector<400x1xf32> to vector<400x512xf32>
    %mul3A_34 = arith.mulf %max3A_29, %mul3A_33 : vector<400x512xf32>
    %reduce_sum3A = arith.constant dense<0.000000e+00> : vector<512xf32>
    %reduce_sum3A_35 = vector.multi_reduction <add>, %mul3A_34, %reduce_sum3A [0] : vector<400x512xf32> to vector<512xf32>
    %get3A_36 = arith.constant 0 : index
    %get3A_37 = arith.constant 0 : index
    %get3A_38 = vector.load %arg7[%get3A_36, %get3A_37] : memref<1x512xf32, #tpu.memory_space<vmem>>, vector<1x512xf32>
    %get3A_39 = vector.shape_cast %get3A_38 : vector<1x512xf32> to vector<512xf32>
    %add3A_40 = arith.addf %reduce_sum3A_35, %get3A_39 : vector<512xf32>
    %logistic3A = arith.negf %add3A_40 : vector<512xf32>
    %logistic3A_41 = math.exp %logistic3A : vector<512xf32>
    %logistic3A_42 = arith.constant 1.000000e+00 : f32
    %logistic3A_43 = vector.broadcast %logistic3A_42 : f32 to vector<512xf32>
    %logistic3A_44 = arith.addf %logistic3A_43, %logistic3A_41 : vector<512xf32>
    %logistic3A_45 = arith.divf %logistic3A_43, %logistic3A_44 : vector<512xf32>
    %broadcast_in_dim3A = vector.shape_cast %logistic3A_45 : vector<512xf32> to vector<1x512xf32>
    %swap3A = arith.constant 0 : index
    %swap3A_46 = arith.constant 0 : index
    %swap3A_47 = vector.load %arg8[%swap3A, %swap3A_46] : memref<1x512xf32, #tpu.memory_space<vmem>>, vector<1x512xf32>
    tpu.vector_store %arg8[%swap3A, %swap3A_46], %broadcast_in_dim3A {strides = array<i32>} : memref<1x512xf32, #tpu.memory_space<vmem>>, vector<1x512xf32>,
    return
  }
  func.func @transform_0(%arg0: i32) -> (i32, i32) {
    %c0_i32 = arith.constant 0 : i32
    %c0_i32_0 = arith.constant 0 : i32
    return %c0_i32, %arg0 : i32, i32
  }
  func.func @transform_1(%arg0: i32) -> (i32, i32) {
    %c0_i32 = arith.constant 0 : i32
    %c0_i32_0 = arith.constant 0 : i32
    %c0_i32_1 = arith.constant 0 : i32
    return %c0_i32, %c0_i32_0 : i32, i32
  }
  func.func @transform_2(%arg0: i32) -> (i32, i32) {
    %c0_i32 = arith.constant 0 : i32
    %c0_i32_0 = arith.constant 0 : i32
    %c0_i32_1 = arith.constant 0 : i32
    return %c0_i32, %c0_i32_0 : i32, i32
  }
  func.func @transform_3(%arg0: i32) -> (i32, i32) {
    %c0_i32 = arith.constant 0 : i32
    %c0_i32_0 = arith.constant 0 : i32
    %c0_i32_1 = arith.constant 0 : i32
    return %c0_i32, %c0_i32_0 : i32, i32
  }
  func.func @transform_4(%arg0: i32) -> (i32, i32) {
    %c0_i32 = arith.constant 0 : i32
    %c0_i32_0 = arith.constant 0 : i32
    %c0_i32_1 = arith.constant 0 : i32
    return %c0_i32, %c0_i32_0 : i32, i32
  }
  func.func @transform_5(%arg0: i32) -> (i32, i32) {
    %c0_i32 = arith.constant 0 : i32
    %c0_i32_0 = arith.constant 0 : i32
    %c0_i32_1 = arith.constant 0 : i32
    return %c0_i32, %c0_i32_0 : i32, i32
  }
  func.func @transform_6(%arg0: i32) -> (i32, i32) {
    %c0_i32 = arith.constant 0 : i32
    %c0_i32_0 = arith.constant 0 : i32
    return %c0_i32, %arg0 : i32, i32
  }
  func.func @transform_7(%arg0: i32) -> (i32, i32) {
    %c0_i32 = arith.constant 0 : i32
    %c0_i32_0 = arith.constant 0 : i32
    return %c0_i32, %arg0 : i32, i32
  }
}

module attributes {stable_mosaic.version = 14 : i64} {
  func.func @_tc2_body(%arg0: i32, %arg1: memref<400x512xf32, #tpu.memory_space<vmem>>, %arg2: memref<400x1xf32, #tpu.memory_space<vmem>>, %arg3: memref<400x1xf32, #tpu.memory_space<vmem>>, %arg4: memref<400x1xf32, #tpu.memory_space<vmem>>, %arg5: memref<400x1xf32, #tpu.memory_space<vmem>>, %arg6: memref<400x400xbf16, #tpu.memory_space<vmem>>, %arg7: memref<400x1xf32, #tpu.memory_space<vmem>>, %arg8: memref<400x512xf32, #tpu.memory_space<vmem>>, %arg9: memref<400x1xf32, #tpu.memory_space<vmem>>, %arg10: memref<400x1xf32, #tpu.memory_space<vmem>>) attributes {dimension_semantics = [#tpu.dimension_semantics<arbitrary>], iteration_bounds = array<i64: 32>, scalar_prefetch = 0 : i64, scratch_operands = 0 : i64, tpu.core_type = #tpu.core_type<tc>, window_params = [{transform_indices = @transform_0, window_bounds = array<i64: 400, 512>}, {pipeline_mode = #tpu.pipeline_mode<synchronous>, transform_indices = @transform_1, window_bounds = array<i64: 400, 1>}, {pipeline_mode = #tpu.pipeline_mode<synchronous>, transform_indices = @transform_2, window_bounds = array<i64: 400, 1>}, {pipeline_mode = #tpu.pipeline_mode<synchronous>, transform_indices = @transform_3, window_bounds = array<i64: 400, 1>}, {pipeline_mode = #tpu.pipeline_mode<synchronous>, transform_indices = @transform_4, window_bounds = array<i64: 400, 1>}, {pipeline_mode = #tpu.pipeline_mode<synchronous>, transform_indices = @transform_5, window_bounds = array<i64: 400, 400>}, {pipeline_mode = #tpu.pipeline_mode<synchronous>, transform_indices = @transform_6, window_bounds = array<i64: 400, 1>}, {transform_indices = @transform_7, window_bounds = array<i64: 400, 512>}, {pipeline_mode = #tpu.pipeline_mode<synchronous>, transform_indices = @transform_8, window_bounds = array<i64: 400, 1>}, {pipeline_mode = #tpu.pipeline_mode<synchronous>, transform_indices = @transform_9, window_bounds = array<i64: 400, 1>}]} {
    %get3A = arith.constant 0 : index
    %get3A_0 = arith.constant 0 : index
    %get3A_1 = vector.load %arg2[%get3A, %get3A_0] : memref<400x1xf32, #tpu.memory_space<vmem>>, vector<400x1xf32>
    %mul3A = arith.constant 6.10351563E-5 : f32
    %mul3A_2 = vector.broadcast %mul3A : f32 to vector<400x1xf32>
    %mul3A_3 = arith.mulf %get3A_1, %mul3A_2 : vector<400x1xf32>
    %get3A_4 = arith.constant 0 : index
    %get3A_5 = arith.constant 0 : index
    %get3A_6 = vector.load %arg3[%get3A_4, %get3A_5] : memref<400x1xf32, #tpu.memory_space<vmem>>, vector<400x1xf32>
    %mul3A_7 = arith.constant 6.10351563E-5 : f32
    %mul3A_8 = vector.broadcast %mul3A_7 : f32 to vector<400x1xf32>
    %mul3A_9 = arith.mulf %get3A_6, %mul3A_8 : vector<400x1xf32>
    %mul3A_10 = arith.mulf %mul3A_3, %mul3A_3 : vector<400x1xf32>
    %sub3A = arith.subf %mul3A_9, %mul3A_10 : vector<400x1xf32>
    %get3A_11 = arith.constant 0 : index
    %get3A_12 = arith.constant 0 : index
    %get3A_13 = vector.load %arg4[%get3A_11, %get3A_12] : memref<400x1xf32, #tpu.memory_space<vmem>>, vector<400x1xf32>
    %add3A = arith.constant 9.99999974E-6 : f32
    %add3A_14 = vector.broadcast %add3A : f32 to vector<400x1xf32>
    %add3A_15 = arith.addf %sub3A, %add3A_14 : vector<400x1xf32>
    %sqrt3A = math.sqrt %add3A_15 : vector<400x1xf32>
    %div3A = arith.divf %get3A_13, %sqrt3A : vector<400x1xf32>
    %get3A_16 = arith.constant 0 : index
    %get3A_17 = arith.constant 0 : index
    %get3A_18 = vector.load %arg1[%get3A_16, %get3A_17] : memref<400x512xf32, #tpu.memory_space<vmem>>, vector<400x512xf32>
    %mul3A_19 = vector.broadcast %div3A : vector<400x1xf32> to vector<400x512xf32>
    %mul3A_20 = arith.mulf %get3A_18, %mul3A_19 : vector<400x512xf32>
    %get3A_21 = arith.constant 0 : index
    %get3A_22 = arith.constant 0 : index
    %get3A_23 = vector.load %arg5[%get3A_21, %get3A_22] : memref<400x1xf32, #tpu.memory_space<vmem>>, vector<400x1xf32>
    %mul3A_24 = arith.mulf %mul3A_3, %div3A : vector<400x1xf32>
    %sub3A_25 = arith.subf %get3A_23, %mul3A_24 : vector<400x1xf32>
    %add3A_26 = vector.broadcast %sub3A_25 : vector<400x1xf32> to vector<400x512xf32>
    %add3A_27 = arith.addf %mul3A_20, %add3A_26 : vector<400x512xf32>
    %max3A = arith.constant 0.000000e+00 : f32
    %max3A_28 = vector.broadcast %max3A : f32 to vector<400x512xf32>
    %max3A_29 = arith.maximumf %add3A_27, %max3A_28 : vector<400x512xf32>
    %get3A_30 = arith.constant 0 : index
    %get3A_31 = arith.constant 0 : index
    %get3A_32 = vector.load %arg6[%get3A_30, %get3A_31] : memref<400x400xbf16, #tpu.memory_space<vmem>>, vector<400x400xbf16>
    %convert_element_type3A = arith.truncf %max3A_29 : vector<400x512xf32> to vector<400x512xbf16>
    %dot_general3A = arith.constant dense<0.000000e+00> : vector<400x512xf32>
    %dot_general3A_33 = tpu.matmul %get3A_32, %convert_element_type3A, %dot_general3A {dimension_numbers = #tpu.dot_dimension_numbers<[1], [0], [0], [1], [0, 0, 1, 1], [], []>, transpose_lhs_hint = false} : vector<400x400xbf16>, vector<400x512xbf16>, vector<400x512xf32> -> vector<400x512xf32>
    %get3A_34 = arith.constant 0 : index
    %get3A_35 = arith.constant 0 : index
    %get3A_36 = vector.load %arg7[%get3A_34, %get3A_35] : memref<400x1xf32, #tpu.memory_space<vmem>>, vector<400x1xf32>
    %add3A_37 = vector.broadcast %get3A_36 : vector<400x1xf32> to vector<400x512xf32>
    %add3A_38 = arith.addf %dot_general3A_33, %add3A_37 : vector<400x512xf32>
    %swap3A = arith.constant 0 : index
    %swap3A_39 = arith.constant 0 : index
    %swap3A_40 = vector.load %arg8[%swap3A, %swap3A_39] : memref<400x512xf32, #tpu.memory_space<vmem>>, vector<400x512xf32>
    tpu.vector_store %arg8[%swap3A, %swap3A_39], %add3A_38 {strides = array<i32>} : memref<400x512xf32, #tpu.memory_space<vmem>>, vector<400x512xf32>,
    %eq3A = arith.constant 0 : i32
    %eq3A_41 = arith.cmpi eq, %arg0, %eq3A : i32
    %convert_element_type3A_42 = arith.extui %eq3A_41 : i1 to i32
    %cond3A = arith.constant 0 : i32
    %cond3A_43 = arith.cmpi ne, %convert_element_type3A_42, %cond3A : i32
    scf.if %cond3A_43 {
      %broadcast_in_dim3A_63 = arith.constant 0.000000e+00 : f32
      %broadcast_in_dim3A_64 = vector.broadcast %broadcast_in_dim3A_63 : f32 to vector<400x1xf32>
      %swap3A_65 = arith.constant 0 : index
      %swap3A_66 = arith.constant 0 : index
      %swap3A_67 = vector.load %arg9[%swap3A_65, %swap3A_66] : memref<400x1xf32, #tpu.memory_space<vmem>>, vector<400x1xf32>
      tpu.vector_store %arg9[%swap3A_65, %swap3A_66], %broadcast_in_dim3A_64 {strides = array<i32>} : memref<400x1xf32, #tpu.memory_space<vmem>>, vector<400x1xf32>,
      %broadcast_in_dim3A_68 = arith.constant 0.000000e+00 : f32
      %broadcast_in_dim3A_69 = vector.broadcast %broadcast_in_dim3A_68 : f32 to vector<400x1xf32>
      %swap3A_70 = arith.constant 0 : index
      %swap3A_71 = arith.constant 0 : index
      %swap3A_72 = vector.load %arg10[%swap3A_70, %swap3A_71] : memref<400x1xf32, #tpu.memory_space<vmem>>, vector<400x1xf32>
      tpu.vector_store %arg10[%swap3A_70, %swap3A_71], %broadcast_in_dim3A_69 {strides = array<i32>} : memref<400x1xf32, #tpu.memory_space<vmem>>, vector<400x1xf32>,
    } else {
    }
    %get3A_44 = arith.constant 0 : index
    %get3A_45 = arith.constant 0 : index
    %get3A_46 = vector.load %arg9[%get3A_44, %get3A_45] : memref<400x1xf32, #tpu.memory_space<vmem>>, vector<400x1xf32>
    %reduce_sum3A = arith.constant dense<0.000000e+00> : vector<400xf32>
    %reduce_sum3A_47 = vector.multi_reduction <add>, %add3A_38, %reduce_sum3A [1] : vector<400x512xf32> to vector<400xf32>
    %broadcast_in_dim3A = vector.shape_cast %reduce_sum3A_47 : vector<400xf32> to vector<400x1xf32>
    %add3A_48 = arith.addf %get3A_46, %broadcast_in_dim3A : vector<400x1xf32>
    %swap3A_49 = arith.constant 0 : index
    %swap3A_50 = arith.constant 0 : index
    %swap3A_51 = vector.load %arg9[%swap3A_49, %swap3A_50] : memref<400x1xf32, #tpu.memory_space<vmem>>, vector<400x1xf32>
    tpu.vector_store %arg9[%swap3A_49, %swap3A_50], %add3A_48 {strides = array<i32>} : memref<400x1xf32, #tpu.memory_space<vmem>>, vector<400x1xf32>,
    %get3A_52 = arith.constant 0 : index
    %get3A_53 = arith.constant 0 : index
    %get3A_54 = vector.load %arg10[%get3A_52, %get3A_53] : memref<400x1xf32, #tpu.memory_space<vmem>>, vector<400x1xf32>
    %mul3A_55 = arith.mulf %add3A_38, %add3A_38 : vector<400x512xf32>
    %reduce_sum3A_56 = arith.constant dense<0.000000e+00> : vector<400xf32>
    %reduce_sum3A_57 = vector.multi_reduction <add>, %mul3A_55, %reduce_sum3A_56 [1] : vector<400x512xf32> to vector<400xf32>
    %broadcast_in_dim3A_58 = vector.shape_cast %reduce_sum3A_57 : vector<400xf32> to vector<400x1xf32>
    %add3A_59 = arith.addf %get3A_54, %broadcast_in_dim3A_58 : vector<400x1xf32>
    %swap3A_60 = arith.constant 0 : index
    %swap3A_61 = arith.constant 0 : index
    %swap3A_62 = vector.load %arg10[%swap3A_60, %swap3A_61] : memref<400x1xf32, #tpu.memory_space<vmem>>, vector<400x1xf32>
    tpu.vector_store %arg10[%swap3A_60, %swap3A_61], %add3A_59 {strides = array<i32>} : memref<400x1xf32, #tpu.memory_space<vmem>>, vector<400x1xf32>,
    return
  }
  func.func @transform_0(%arg0: i32) -> (i32, i32) {
    %c0_i32 = arith.constant 0 : i32
    %c0_i32_0 = arith.constant 0 : i32
    return %c0_i32, %arg0 : i32, i32
  }
  func.func @transform_1(%arg0: i32) -> (i32, i32) {
    %c0_i32 = arith.constant 0 : i32
    %c0_i32_0 = arith.constant 0 : i32
    %c0_i32_1 = arith.constant 0 : i32
    return %c0_i32, %c0_i32_0 : i32, i32
  }
  func.func @transform_2(%arg0: i32) -> (i32, i32) {
    %c0_i32 = arith.constant 0 : i32
    %c0_i32_0 = arith.constant 0 : i32
    %c0_i32_1 = arith.constant 0 : i32
    return %c0_i32, %c0_i32_0 : i32, i32
  }
  func.func @transform_3(%arg0: i32) -> (i32, i32) {
    %c0_i32 = arith.constant 0 : i32
    %c0_i32_0 = arith.constant 0 : i32
    %c0_i32_1 = arith.constant 0 : i32
    return %c0_i32, %c0_i32_0 : i32, i32
  }
  func.func @transform_4(%arg0: i32) -> (i32, i32) {
    %c0_i32 = arith.constant 0 : i32
    %c0_i32_0 = arith.constant 0 : i32
    %c0_i32_1 = arith.constant 0 : i32
    return %c0_i32, %c0_i32_0 : i32, i32
  }
  func.func @transform_5(%arg0: i32) -> (i32, i32) {
    %c0_i32 = arith.constant 0 : i32
    %c0_i32_0 = arith.constant 0 : i32
    %c0_i32_1 = arith.constant 0 : i32
    return %c0_i32, %c0_i32_0 : i32, i32
  }
  func.func @transform_6(%arg0: i32) -> (i32, i32) {
    %c0_i32 = arith.constant 0 : i32
    %c0_i32_0 = arith.constant 0 : i32
    %c0_i32_1 = arith.constant 0 : i32
    return %c0_i32, %c0_i32_0 : i32, i32
  }
  func.func @transform_7(%arg0: i32) -> (i32, i32) {
    %c0_i32 = arith.constant 0 : i32
    %c0_i32_0 = arith.constant 0 : i32
    return %c0_i32, %arg0 : i32, i32
  }
  func.func @transform_8(%arg0: i32) -> (i32, i32) {
    %c0_i32 = arith.constant 0 : i32
    %c0_i32_0 = arith.constant 0 : i32
    %c0_i32_1 = arith.constant 0 : i32
    return %c0_i32, %c0_i32_0 : i32, i32
  }
  func.func @transform_9(%arg0: i32) -> (i32, i32) {
    %c0_i32 = arith.constant 0 : i32
    %c0_i32_0 = arith.constant 0 : i32
    %c0_i32_1 = arith.constant 0 : i32
    return %c0_i32, %c0_i32_0 : i32, i32
  }
}

</mosaic_0001>

<sc_bundles>
// kernel: kernel.10.cloned.1.call-start
scs
__scs_entry_jumppad:
0x0: {  	(pc) =	sbr.rel $0x88, $3  }
0x1: {  	(tag) =	ssettag $0x0;
	lr =	simm.s32 $0x1  }
0x2: {  	[smem:$0x3F93] =	sst lr;
	_ =	strace $0xD0000000  }
0x3: {  	_ = 	snop  }
0x4: {  	_ = 	snop  }
0x5: {  	_ = 	snop  }
0x6: {  	_ = 	snop  }
0x7: {  	_ = 	snop  }
__scs_overlays_trampoline_lowered:
0x8: {  	[smem:$0x3FA2] =	sst s0  }
0x9: {  	[smem:$0x3FA3] =	sst s1  }
0xa: {  	[smem:$0x3FA4] =	sst s2  }
0xb: {  	[smem:$0x3FA5] =	sst s3  }
0xc: {  	[smem:$0x3FA6] =	sst s4  }
0xd: {  	[smem:$0x3FA7] =	sst s5  }
0xe: {  	[smem:$0x3FA8] =	sst s6  }
0xf: {  	[smem:$0x3FA9] =	sst s7  }
0x10: {  	[smem:$0x3FAA] =	sst s8  }
0x11: {  	[smem:$0x3FAB] =	sst s9;
	s0 =	simm.s32 @!p0 $0x0  }
0x12: {  	s1 =	sld [smem:$0x3F91];
	s0 =	simm.s32 @p0 $0x1  }
0x13: {  	[smem:$0x3FAC] =	sst s0;
	s0 =	simm.s32 @!p1 $0x0  }
0x14: {  	s2 =	sld [smem:$0x3F90];
	s0 =	simm.s32 @p1 $0x1  }
0x15: {  	[smem:$0x3FAD] =	sst s0;
	s0 =	simm.s32 @!p2 $0x0  }
0x16: {  	s3 =	sld [smem:$0x3FDB];
	s0 =	simm.s32 @p2 $0x1  }
0x17: {  	s4 =	simm.s32 $0x1BF5;
	[smem:$0x3FAF] =	sst s0  }
0x18: {  	s0 =	sld [smem:$0x3F92];
	_ =	swait.ge [sflag:s4], $0x0  }
0x19: {  	s7 =	sld [smem:$0x3F93]  }
0x1a: {  	s8 =	sadd.s32 $0xFFFFE003, lr  }
0x1b: {  	s9 =	sadd.s32 $0xFFFFFEF7, lr;
	s5 =	simm.s32 $0xFFFFFFFF;
	p2 =	slt.u32 s8, $0xFFFFF086  }
0x1c: {  	p1 =	slt.u32 s9, $0xF7A;
	s5 =	simm.s32 @!p2 $0x0  }
0x1d: {  	s5 =	simm.s32 @p1 $0x1;
	p0 =	seq.s32 s7, s2  }
0x1e: {  	s7 =	smul.u32 @!p0 $0xF7A, s2;
	p2 =	seq.s32 @!p0 s5, $0x0  }
0x1f: {  	s9 =	smul.u32 $0xF7A, s1;
	s8 =	simm.s32 @!p0 $0x1BF5;
	p2 =	por !p2, p0  }
0x20: {  	[sflag:s8] =	ssyncset.s32 @!p0 $0xFFFFF086;
	s6 =	sadd.s32 @!p0 s3, s7;
	s7 =	simm.s32 @!p0 $0x108  }
0x21: {  	s3 =	sadd.s32 s3, s9;
	s6 =	sadd.s32 @!p0 $0x88, s6;
	s7 =	simm.s32 @p2 $0x1082  }
0x22: {  	[simem:s7], [sflag:s8] =	dma.local @!p0 [hbm:s6], $0xF7A  }
0x23: {  	s9 =	sor.u32 $0xD0000000, s2;
	s6 =	simm.s32 $0x108;
	_ =	swait.ge @!p0 [sflag:s8], $0x0  }
0x24: {  	s3 =	sadd.s32 $0x88, s3;
	s6 =	simm.s32 @!p1 $0x1082;
	[sflag:s4] =	ssyncset.s32 $0xFFFFF086  }
0x25: {  	[simem:s6], [sflag:s4] =	dma.local [hbm:s3], $0xF7A  }
0x26: {  	[smem:$0x3F93] =	sst s1;
	(tag) =	ssettag s2;
	_ =	strace s9  }
0x27: {  	s1 =	sld [smem:$0x3FA3]  }
0x28: {  	s2 =	sld [smem:$0x3FA4]  }
0x29: {  	s4 =	sld [smem:$0x3FA6]  }
0x2a: {  	p0 =	seq.s32 s5, $0x0;
	s5 =	sld [smem:$0x3FA7]  }
0x2b: {  	s6 =	sld [smem:$0x3FA8]  }
0x2c: {  	s7 =	sld [smem:$0x3FA9]  }
0x2d: {  	s3 =	simm.s32 $0x108;
	s8 =	sld [smem:$0x3FAA]  }
0x2e: {  	s3 =	simm.s32 @!p0 $0x1082;
	s9 =	sld [smem:$0x3FAB]  }
0x2f: {  	lr =	sadd.s32 s0, s3;
	s0 =	sld [smem:$0x3FA2]  }
0x30: {  	s3 =	sld [smem:$0x3FA5]  }
0x31: {  	[smem:$0x3FAE] =	sst s10  }
0x32: {  	s10 =	sld [smem:$0x3FAC];
	_ =	sdelay $0x3  }
0x33: {  	p0 =	seq.s32 s10, $0x1;
	s10 =	sld [smem:$0x3FAE];
	_ =	sdelay $0x3  }
0x34: {  	[smem:$0x3FAE] =	sst s10  }
0x35: {  	s10 =	sld [smem:$0x3FAD];
	_ =	sdelay $0x3  }
0x36: {  	p1 =	seq.s32 s10, $0x1;
	s10 =	sld [smem:$0x3FAE];
	_ =	sdelay $0x3  }
0x37: {  	[smem:$0x3FAE] =	sst s10  }
0x38: {  	s10 =	sld [smem:$0x3FAF]  }
0x39: {  	_ = 	snop;
	(pc) =	sbr.ind lr, $3  }
0x3a: {  	_ = 	snop  }
0x3b: {  	_ = 	snop  }
0x3c: {  	p2 =	seq.s32 s10, $0x1;
	s10 =	sld [smem:$0x3FAE]  }
0x3d: {  	_ =	shalt  }
0x3e: {  	_ =	shalt  }
0x3f: {  	_ =	shalt  }
0x40: {  	_ =	shalt  }
0x41: {  	_ =	shalt  }
0x42: {  	_ =	shalt  }
0x43: {  	_ =	shalt  }
0x44: {  	_ =	shalt  }
0x45: {  	_ =	shalt  }
0x46: {  	_ =	shalt  }
0x47: {  	_ =	shalt  }
0x48: {  	_ =	shalt  }
0x49: {  	_ =	shalt  }
0x4a: {  	_ =	shalt  }
0x4b: {  	_ =	shalt  }
0x4c: {  	_ =	shalt  }
0x4d: {  	_ =	shalt  }
0x4e: {  	_ =	shalt  }
0x4f: {  	_ =	shalt  }
0x50: {  	_ =	shalt  }
0x51: {  	_ =	shalt  }
0x52: {  	_ =	shalt  }
0x53: {  	_ =	shalt  }
0x54: {  	_ =	shalt  }
0x55: {  	_ =	shalt  }
0x56: {  	_ =	shalt  }
0x57: {  	_ =	shalt  }
0x58: {  	_ =	shalt  }
0x59: {  	_ =	shalt  }
0x5a: {  	_ =	shalt  }
0x5b: {  	_ =	shalt  }
0x5c: {  	_ =	shalt  }
0x5d: {  	_ =	shalt  }
0x5e: {  	_ =	shalt  }
0x5f: {  	_ =	shalt  }
0x60: {  	_ =	shalt  }
0x61: {  	_ =	shalt  }
0x62: {  	_ =	shalt  }
0x63: {  	_ =	shalt  }
0x64: {  	_ =	shalt  }
0x65: {  	_ =	shalt  }
0x66: {  	_ =	shalt  }
0x67: {  	_ =	shalt  }
0x68: {  	_ =	shalt  }
0x69: {  	_ =	shalt  }
0x6a: {  	_ =	shalt  }
0x6b: {  	_ =	shalt  }
0x6c: {  	_ =	shalt  }
0x6d: {  	_ =	shalt  }
0x6e: {  	_ =	shalt  }
0x6f: {  	_ =	shalt  }
0x70: {  	_ =	shalt  }
0x71: {  	_ =	shalt  }
0x72: {  	_ =	shalt  }
0x73: {  	_ =	shalt  }
0x74: {  	_ =	shalt  }
0x75: {  	_ =	shalt  }
0x76: {  	_ =	shalt  }
0x77: {  	_ =	shalt  }
0x78: {  	_ =	shalt  }
0x79: {  	_ =	shalt  }
0x7a: {  	_ =	shalt  }
0x7b: {  	_ =	shalt  }
0x7c: {  	_ =	shalt  }
0x7d: {  	_ =	shalt  }
0x7e: {  	_ =	shalt  }
0x7f: {  	_ =	shalt  }
0x80: {  	_ =	shalt  }
0x81: {  	_ =	shalt  }
0x82: {  	_ =	shalt  }
0x83: {  	_ =	shalt  }
0x84: {  	_ =	shalt  }
0x85: {  	_ =	shalt  }
0x86: {  	_ =	shalt  }
0x87: {  	_ =	shalt  }
.Lfunc_end0:
.L_simem_size_0:
called_computation.1_lowered:
.L_overlay_start_0:
0x88: {  	s2 =	sld [smem:$0x3FD9]  }
0x89: {  	s3 =	sld [smem:$0x3FFE];
	_ =	sdelay $0x1  }
0x8a: {  	s1 =	srdreg.scid  }
0x8b: {  	s0 =	sand.u32 $0x1, s1  }
0x8c: {  	s17 =	sshll.u32 s0, $0xA;
	s2 =	sadd.s32 s3, s2  }
0x8d: {  	s2 =	sadd.s32 s2, s17  }
0x8e: {  	[smem:$0x3FBA] =	sst s2  }
0x8f: {  	_ = 	snop  }
0x90: {  	s2 =	sld [smem:$0x3FC9]  }
0x91: {  	s18 =	sld [smem:$0x3FD0];
	(tm) =	ssettm $0x1  }
0x92: {  	s4 =	sld [smem:$0x3FFB];
	_ =	sdelay $0x3  }
0x93: {  	_ =	strace s4  }
0x94: {  	s4 =	sld [smem:$0x3FFC];
	_ =	sdelay $0x3  }
0x95: {  	_ =	strace s4  }
0x96: {  	s4 =	sld [smem:$0x3FFD];
	_ =	sdelay $0x3  }
0x97: {  	_ =	strace s4  }
0x98: {  	_ =	strace $0x8FFFFFFF  }
0x99: {  	s19 =	sld [smem:$0x3FDB];
	_ =	sdelay $0x1  }
0x9a: {  	s5 =	simm.s32 $_scs_section_size  }
0x9b: {  	s6 =	simm.s32 $_size__tile_overlayer_lowered;
	s7 =	simm.s32 $_tile_overlayer_lowered  }
0x9c: {  	s22 =	simm.s32 $0x1BFF;
	s21 =	sshll.u32 s7, $0x1;
	s4 =	sadd.s32 s5, s19  }
0x9d: {  	s8 =	simm.s32 $0x0;
	s20 =	sshll.u32 s6, $0x1;
	s6 =	sadd.s32 s21, s4  }
0x9e: {  	[timem:s8], [sflag:s22] =	dma.local [hbm:s6], s20  }
0x9f: {  	_ =	swait.ge [sflag:s22], s20  }
0xa0: {  	s5 =	ssub.s32 $0x0, s20;
	[sflag:s22] =	ssyncset.done $0x0  }
0xa1: {  	[sflag:s22] =	ssyncadd.s32 s5;
	_ =	sdelay $0x1  }
0xa2: {  	s23 =	simm.s32 $0x1B8B  }
0xa3: {  	_ =	swait.ge [sflag:s23], $0x1  }
0xa4: {  	[sflag:s23] =	ssyncset.done $0x0  }
0xa5: {  	s25 =	simm.s32 $0x1B8E;
	s24 =	sld [smem:$0x3FFE];
	[sflag:s23] =	ssyncadd.s32 $0xFFFFFFFF  }
0xa6: {  	s26 =	simm.s32 $execute0_lowered;
	[smem:$0x3FD2] =	sst s25  }
0xa7: {  	s6 =	sshll.u32 s26, $0x1;
	_ =	strace $0x80000049;
	[dreg:$0x1] =	wrdreg $0xFFFFFFFF  }
0xa8: {  	s28 =	simm.s32 $_size_execute0_lowered;
	s4 =	sadd.s32 s4, s6;
	[dreg:$0x0] =	wrdreg $0x0  }
0xa9: {  	s6 =	sshll.u32 s28, $0x1;
	[dreg:$0x2] =	wrdreg s4  }
0xaa: {  	[dreg:$0x3] =	wrdreg s6  }
0xab: {  	[dreg:$0x4] =	wrdreg $0xC0  }
0xac: {  	_ =	task [dreg:s8], $0x5FFFF  }
0xad: {  	[dreg:$0x1] =	wrdreg $0xFFFFFFFF  }
0xae: {  	[dreg:$0x0] =	wrdreg $0x60  }
0xaf: {  	[dreg:$0x2] =	wrdreg s24  }
0xb0: {  	[dreg:$0x3] =	wrdreg s2  }
0xb1: {  	[dreg:$0x4] =	wrdreg s18  }
0xb2: {  	[dreg:$0x5] =	wrdreg $0x9  }
0xb3: {  	_ =	task.clear_ibuf [dreg:s8], $0x6FFFF;
	_ =	strace $0x90000049  }
0xb4: {  	s29 =	simm.s32 $0x9;
	_ =	strace $0x8000004B  }
0xb5: {  	_ =	swait.ge [sflag:s29], $0x1  }
0xb6: {  	[sflag:s29] =	ssyncadd.s32 $0xFFFFFFFF  }
0xb7: {  	_ =	strace $0x9000004B  }
0xb8: {  	_ =	sfence  }
0xb9: {  	s30 =	sld [smem:$0x0];
	_ =	sdelay $0x2  }
0xba: {  	s31 =	sshll.u32 s1, $0xD;
	s1 =	sshrl.u32 s1, $0x2  }
0xbb: {  	s3 =	sand.u32 $0x4000, s31;
	s1 =	sadd.s32 s1, s30  }
0xbc: {  	s0 =	sor.u32 s3, s0;
	s1 =	sshll.u32 s1, $0x11  }
0xbd: {  	s0 =	sor.u32 s1, s0  }
0xbe: {  	s0 =	sadd.s32 $0x8F2B, s0  }
0xbf: {  	[sflag:s0] =	ssyncadd.remote.s32 $0x1  }
0xc0: {  	_ =	sfence.sel $0xFFFF  }
0xc1: {  	[dreg:$0x0] =	wrdreg $0xFFFFFFFF;
	(pc) =	sbr.abs _section_cstart, $3  }
0xc2: {  	[dreg:$0x1] =	wrdreg $0xFFFFFFFF  }
0xc3: {  	_ =	task.clear_ibuf [dreg:s8], $0x2FFFF;
	_ =	strace $0x9FFFFFFF  }
0xc4: {  	(tm) =	ssettm $0x7FFFFFFF  }
0xc5: {  	_ =	shalt  }
tec
execute0_lowered:
.L_overlay_start_1:
0x0: {  	(tag) =	ssettag $0x1  }
0x1: {  	s0 =	rddreg [dreg:$0x0]  }
0x2: {  	s1 =	rddreg [dreg:$0x1]  }
0x3: {  	s2 =	rddreg [dreg:$0x2]  }
0x4: {  	s3 =	simm.s32 $0x0;
	s5 =	srdreg.scid;
	s7 =	stileid.u32  }
0x5: {  	s11 =	simm.s32 $0x80;
	s12 =	simm.s32 $0x400;
	s13 =	simm.s32 $0x7  }
0x6: {  	s14 =	simm.s32 $0x100;
	s15 =	simm.s32 $0x200;
	s16 =	simm.s32 $0x300  }
0x7: {  	s17 =	simm.s32 $0x8400;
	s18 =	simm.s32 $0x1;
	s20 =	simm.s32 $0x800  }
0x8: {  	s21 =	simm.s32 $0x20000;
	s22 =	simm.s32 $0x10400;
	s23 =	simm.s32 $0x5  }
0x9: {  	s24 =	simm.s32 $0x2;
	s25 =	simm.s32 $0x4;
	s28 =	simm.s32 $0x11400  }
0xa: {  	s29 =	simm.s32 $0x6;
	[smem:$0x7FF] =	sst s3;
	s3 =	sadd.s32 $0x2400, s0  }
0xb: {  	s4 =	sadd.s32 $0x4F8400, s0;
	s5 =	sand.u32 $0x1, s5;
	s7 =	sshll.u32 s7, $0xA  }
0xc: {  	s0 =	sadd.s32 $0x547A00, s0;
	s6 =	ssub.s32 $0x2, s5;
	s5 =	sshll.u32 s5, $0x9  }
0xd: {  	_ =	strace $0x8000004A;
	s8 =	sshrl.u32 s6, $0x1;
	s9 =	sor.u32 s5, s7  }
.Ltmp0:
0xe: {  	s10 =	ssub.s32 s6, s8;
	s5 =	sadd.s32 s1, s9;
	(pc) =	sbr.rel .LBB2_1-.Ltmp0, $4  }
0xf: {  	s26 =	sor.u32 $0x100, s9;
	s7 =	sadd.s32 s0, s9;
	s30 =	sshrl.u32 s9, $0x3  }
0x10: {  	s6 =	sadd.s32 s1, s26;
	s8 =	sadd.s32 s0, s26;
	s1 =	sadd.s32 s2, s30  }
0x11: {  	v1 =	vlaneseq.u32;
	s0 =	simm.s32 $0x0;
	s31 =	smax.u32 s10, $0x1;
	[dreg:$0x4] =	wrdreg s1  }
0x12: {  	v0 =	vimm.f32 $0.0e+00;
	v1 =	vmul.u32 $0x80, v1;
	s26 =	simm.s32 $0x12500;
	s2 =	simm.s32 $0x0;
	[dreg:$0x5] =	wrdreg s31  }
.LBB2_14:
0x13: {  	s0 =	simm.s32 $0x3  }
0x14: {  	_ =	swait.ge [sflag:s0], $0x1000  }
0x15: {  	[sflag:s0] =	ssyncset.done $0x0  }
0x16: {  	[sflag:s0] =	ssyncadd.s32 $0xFFFFF000  }
0x17: {  	_ =	swait.ge [sflag:s25], $0x1000  }
0x18: {  	s2 =	simm.s32 $0x12600;
	[sflag:s25] =	ssyncset.done $0x0  }
0x19: {  	s0 =	simm.s32 $0x0;
	s1 =	rddreg [dreg:$0x4];
	[sflag:s25] =	ssyncadd.s32 $0xFFFFF000  }
0x1a: {  	[hbm4b:s1+s0] =	stream.linear.scatter [tilespmem:s2], [sflag:$0x7], $0x200, $0x38;
	[tilespmem:$0x12800] =	vst v63  }
0x1b: {  	_ =	swait.ge [sflag:s13], $0x200  }
0x1c: {  	s30 =	rddreg [dreg:$0x6]  }
0x1d: {  	s31 =	rddreg [dreg:$0x5];
	s2 =	sadd.s32 $0x1, s30  }
0x1e: {  	p0 =	sne.s32 s2, s31  }
.Ltmp1:
0x1f: {  	_ = 	snop;
	(pc) =	sbr.rel @!p0 .LBB2_15-.Ltmp1, $3  }
0x20: {  	_ =	sdelay $0x1  }
0x21: {  	[sflag:s13] =	ssyncset.done $0x0  }
0x22: {  	[sflag:s13] =	ssyncadd.s32 $0xFFFFFE00  }
.LBB2_1:
0x23: {  	[tilespmem:$0x12600] =	vst v0  }
0x24: {  	[tilespmem:$0x12610] =	vst v0  }
0x25: {  	[tilespmem:$0x12620] =	vst v0  }
0x26: {  	[tilespmem:$0x12630] =	vst v0  }
0x27: {  	[tilespmem:$0x12640] =	vst v0  }
0x28: {  	[tilespmem:$0x12650] =	vst v0  }
0x29: {  	[tilespmem:$0x12660] =	vst v0  }
0x2a: {  	[tilespmem:$0x12670] =	vst v0  }
0x2b: {  	[tilespmem:$0x12680] =	vst v0  }
0x2c: {  	[tilespmem:$0x12690] =	vst v0  }
0x2d: {  	[tilespmem:$0x126A0] =	vst v0  }
0x2e: {  	[tilespmem:$0x126B0] =	vst v0  }
0x2f: {  	[tilespmem:$0x126C0] =	vst v0  }
0x30: {  	[tilespmem:$0x126D0] =	vst v0  }
0x31: {  	[tilespmem:$0x126E0] =	vst v0  }
0x32: {  	[tilespmem:$0x126F0] =	vst v0  }
0x33: {  	[tilespmem:$0x12700] =	vst v0  }
0x34: {  	[tilespmem:$0x12710] =	vst v0  }
0x35: {  	[tilespmem:$0x12720] =	vst v0  }
0x36: {  	[tilespmem:$0x12730] =	vst v0  }
0x37: {  	[tilespmem:$0x12740] =	vst v0  }
0x38: {  	[tilespmem:$0x12750] =	vst v0  }
0x39: {  	[tilespmem:$0x12760] =	vst v0  }
0x3a: {  	[tilespmem:$0x12770] =	vst v0  }
0x3b: {  	[tilespmem:$0x12780] =	vst v0  }
0x3c: {  	[tilespmem:$0x12790] =	vst v0  }
0x3d: {  	[tilespmem:$0x127A0] =	vst v0  }
0x3e: {  	[tilespmem:$0x127B0] =	vst v0  }
0x3f: {  	[tilespmem:$0x127C0] =	vst v0  }
0x40: {  	[tilespmem:$0x127D0] =	vst v0  }
0x41: {  	[tilespmem:$0x127E0] =	vst v0  }
0x42: {  	[dreg:$0x6] =	wrdreg s2;
	[tilespmem:$0x127F0] =	vst v0  }
0x43: {  	[tilespmem:s0], [sflag:$0x7] =	stream.strided.gather [hbm4b:s5+s11], $0x100, s12, s11, $0x38;
	[tilespmem:$0x12800] =	vst v63  }
0x44: {  	_ =	swait.ge [sflag:s13], $0x100  }
0x45: {  	[sflag:s13] =	ssyncset.done $0x0  }
0x46: {  	[sflag:s13] =	ssyncadd.s32 $0xFFFFFF00  }
0x47: {  	v2 =	vld [tilespmem:$0x0]  }
0x48: {  	v3 =	vld [tilespmem:$0x10]  }
0x49: {  	v4 =	vld [tilespmem:$0x20]  }
0x4a: {  	v5 =	vld [tilespmem:$0x30]  }
0x4b: {  	v6 =	vld [tilespmem:$0x40]  }
0x4c: {  	v7 =	vld [tilespmem:$0x50];
	v2 =	vshrl.u32 v2, $0x3  }
0x4d: {  	[tilespmem:$0x200] =	vst v2;
	v2 =	vshrl.u32 v3, $0x3;
	v3 =	vld [tilespmem:$0x60]  }
0x4e: {  	v44 =	vld [tilespmem:$0x70];
	[tilespmem:$0x210] =	vst v2;
	v2 =	vshrl.u32 v4, $0x3  }
0x4f: {  	v45 =	vld [tilespmem:$0x80];
	[tilespmem:$0x220] =	vst v2;
	v2 =	vshrl.u32 v5, $0x3  }
0x50: {  	v46 =	vld [tilespmem:$0x90];
	[tilespmem:$0x230] =	vst v2;
	v2 =	vshrl.u32 v6, $0x3  }
0x51: {  	v47 =	vld [tilespmem:$0xA0];
	[tilespmem:$0x240] =	vst v2;
	v2 =	vshrl.u32 v7, $0x3  }
0x52: {  	[tilespmem:$0x250] =	vst v2;
	v2 =	vshrl.u32 v3, $0x3;
	v3 =	vld [tilespmem:$0xB0]  }
0x53: {  	v48 =	vld [tilespmem:$0xC0];
	[tilespmem:$0x260] =	vst v2;
	v2 =	vshrl.u32 v44, $0x3  }
0x54: {  	v49 =	vld [tilespmem:$0xD0];
	[tilespmem:$0x270] =	vst v2;
	v2 =	vshrl.u32 v45, $0x3  }
0x55: {  	v50 =	vld [tilespmem:$0xE0];
	[tilespmem:$0x280] =	vst v2;
	v2 =	vshrl.u32 v46, $0x3  }
0x56: {  	v51 =	vld [tilespmem:$0xF0];
	[tilespmem:$0x290] =	vst v2;
	v2 =	vshrl.u32 v47, $0x3  }
0x57: {  	[tilespmem:$0x2A0] =	vst v2;
	v2 =	vshrl.u32 v3, $0x3  }
0x58: {  	[tilespmem:$0x2B0] =	vst v2;
	v2 =	vshrl.u32 v48, $0x3  }
0x59: {  	[tilespmem:$0x2C0] =	vst v2;
	v2 =	vshrl.u32 v49, $0x3  }
0x5a: {  	[tilespmem:$0x2D0] =	vst v2;
	v2 =	vshrl.u32 v50, $0x3  }
0x5b: {  	[tilespmem:$0x2E0] =	vst v2;
	v2 =	vshrl.u32 v51, $0x3  }
0x5c: {  	[tilespmem:$0x2F0] =	vst v2  }
0x5d: {  	[tilespmem:s12], [sflag:$0x1] =	stream.indirect.gather [hbm4b:s3+s14], $0x80, s15, s14, $0xb8;
	[tilespmem:$0x12800] =	vst v63  }
0x5e: {  	_ = 	snop  }
0x5f: {  	[tilespmem:s14], [sflag:$0x7] =	stream.strided.gather [hbm4b:s6+s11], $0x100, s12, s11, $0x38;
	[tilespmem:$0x12800] =	vst v63  }
0x60: {  	_ =	swait.ge [sflag:s13], $0x100  }
0x61: {  	[sflag:s13] =	ssyncset.done $0x0  }
0x62: {  	[sflag:s13] =	ssyncadd.s32 $0xFFFFFF00  }
0x63: {  	v2 =	vld [tilespmem:$0x100]  }
0x64: {  	v3 =	vld [tilespmem:$0x110]  }
0x65: {  	v52 =	vld [tilespmem:$0x120]  }
0x66: {  	v53 =	vld [tilespmem:$0x130]  }
0x67: {  	v54 =	vld [tilespmem:$0x140]  }
0x68: {  	v55 =	vld [tilespmem:$0x150];
	v2 =	vshrl.u32 v2, $0x3  }
0x69: {  	[tilespmem:$0x300] =	vst v2;
	v2 =	vshrl.u32 v3, $0x3;
	v3 =	vld [tilespmem:$0x160]  }
0x6a: {  	v56 =	vld [tilespmem:$0x170];
	[tilespmem:$0x310] =	vst v2;
	v2 =	vshrl.u32 v52, $0x3  }
0x6b: {  	v57 =	vld [tilespmem:$0x180];
	[tilespmem:$0x320] =	vst v2;
	v2 =	vshrl.u32 v53, $0x3  }
0x6c: {  	v58 =	vld [tilespmem:$0x190];
	[tilespmem:$0x330] =	vst v2;
	v2 =	vshrl.u32 v54, $0x3  }
0x6d: {  	v59 =	vld [tilespmem:$0x1A0];
	[tilespmem:$0x340] =	vst v2;
	v2 =	vshrl.u32 v55, $0x3  }
0x6e: {  	[tilespmem:$0x350] =	vst v2;
	v2 =	vshrl.u32 v3, $0x3;
	v3 =	vld [tilespmem:$0x1B0]  }
0x6f: {  	v60 =	vld [tilespmem:$0x1C0];
	[tilespmem:$0x360] =	vst v2;
	v2 =	vshrl.u32 v56, $0x3  }
0x70: {  	v61 =	vld [tilespmem:$0x1D0];
	[tilespmem:$0x370] =	vst v2;
	v2 =	vshrl.u32 v57, $0x3  }
0x71: {  	v62 =	vld [tilespmem:$0x1E0];
	[tilespmem:$0x380] =	vst v2;
	v2 =	vshrl.u32 v58, $0x3  }
0x72: {  	v63 =	vld [tilespmem:$0x1F0];
	[tilespmem:$0x390] =	vst v2;
	v2 =	vshrl.u32 v59, $0x3  }
0x73: {  	[tilespmem:$0x3A0] =	vst v2;
	v2 =	vshrl.u32 v3, $0x3  }
0x74: {  	[tilespmem:$0x3B0] =	vst v2;
	v2 =	vshrl.u32 v60, $0x3  }
0x75: {  	[tilespmem:$0x3C0] =	vst v2;
	v2 =	vshrl.u32 v61, $0x3  }
0x76: {  	[tilespmem:$0x3D0] =	vst v2;
	v2 =	vshrl.u32 v62, $0x3  }
0x77: {  	[tilespmem:$0x3E0] =	vst v2;
	v2 =	vshrl.u32 v63, $0x3  }
0x78: {  	s2 =	simm.s32 $0x0;
	s0 =	smov.u32 s3;
	[tilespmem:$0x3F0] =	vst v2  }
.LBB2_2:
0x79: {  	[tilespmem:s17], [sflag:$0x2] =	stream.indirect.gather [hbm4b:s0+s14], $0x80, s16, s14, $0xb8;
	[tilespmem:$0x12800] =	vst v63  }
0x7a: {  	_ =	swait.ge [sflag:s18], $0x8000  }
0x7b: {  	p0 =	seq.s32 s2, $0x0;
	[sflag:s18] =	ssyncset.done $0x0  }
0x7c: {  	s0 =	simm.s32 @!p0 $0x3;
	[sflag:s18] =	ssyncadd.s32 $0xFFFF8000  }
0x7d: {  	_ =	swait.ge @!p0 [sflag:s0], $0x1000  }
0x7e: {  	[sflag:s0] =	ssyncset.done @!p0 $0x0  }
0x7f: {  	[sflag:s0] =	ssyncadd.s32 @!p0 $0xFFFFF000  }
0x80: {  	v2 =	vld [tilespmem:$0x0]  }
0x81: {  	v3 =	vld [tilespmem:$0x10]  }
0x82: {  	v4 =	vld [tilespmem:$0x20]  }
0x83: {  	s0 =	smul.u32 $0x186A0, s2;
	v5 =	vld [tilespmem:$0x30]  }
0x84: {  	v6 =	vld [tilespmem:$0x40]  }
0x85: {  	v7 =	vld [tilespmem:$0x50];
	v2 =	vadd.s32 s0, v2  }
0x86: {  	[tilespmem:$0x200] =	vst v2;
	v2 =	vadd.s32 s0, v3;
	v3 =	vld [tilespmem:$0x60]  }
0x87: {  	[tilespmem:$0x210] =	vst v2;
	v2 =	vadd.s32 s0, v4;
	v4 =	vld [tilespmem:$0x70]  }
0x88: {  	[tilespmem:$0x220] =	vst v2;
	v2 =	vadd.s32 s0, v5;
	v5 =	vld [tilespmem:$0x80]  }
0x89: {  	v60 =	vld [tilespmem:$0x90];
	[tilespmem:$0x230] =	vst v2;
	v2 =	vadd.s32 s0, v6  }
0x8a: {  	v61 =	vld [tilespmem:$0xA0];
	[tilespmem:$0x240] =	vst v2;
	v2 =	vadd.s32 s0, v7  }
0x8b: {  	[tilespmem:$0x250] =	vst v2;
	v2 =	vadd.s32 s0, v3;
	v3 =	vld [tilespmem:$0xB0]  }
0x8c: {  	[tilespmem:$0x260] =	vst v2;
	v2 =	vadd.s32 s0, v4;
	v4 =	vld [tilespmem:$0xC0]  }
0x8d: {  	[tilespmem:$0x270] =	vst v2;
	v2 =	vadd.s32 s0, v5;
	v5 =	vld [tilespmem:$0xD0]  }
0x8e: {  	v62 =	vld [tilespmem:$0xE0];
	[tilespmem:$0x280] =	vst v2;
	v2 =	vadd.s32 s0, v60  }
0x8f: {  	v63 =	vld [tilespmem:$0xF0];
	[tilespmem:$0x290] =	vst v2;
	v2 =	vadd.s32 s0, v61  }
0x90: {  	[tilespmem:$0x2A0] =	vst v2;
	v2 =	vadd.s32 s0, v3  }
0x91: {  	[tilespmem:$0x2B0] =	vst v2;
	v2 =	vadd.s32 s0, v4  }
0x92: {  	[tilespmem:$0x2C0] =	vst v2;
	v2 =	vadd.s32 s0, v5  }
0x93: {  	[tilespmem:$0x2D0] =	vst v2;
	v2 =	vadd.s32 s0, v62  }
0x94: {  	[tilespmem:$0x2E0] =	vst v2;
	v2 =	vadd.s32 s0, v63  }
0x95: {  	s1 =	simm.s32 $0x12400;
	s31 =	simm.s32 $0x0;
	[tilespmem:$0x2F0] =	vst v2  }
0x96: {  	[tilespmem:s1], [sflag:$0x5] =	stream.indirect.gather [hbm4b:s4+s14], $0x1, s15, s14, $0xb8;
	[tilespmem:$0x12800] =	vst v63  }
0x97: {  	v2 =	vld [tilespmem:s31+$0x0];
	_ =	sdelay $0x3  }
0x98: {  	v3 =	vmov s31  }
0x99: {  	v3 =	vshll.u32 v3, $0x7;
	v2 =	vshll.u32 v2, $0x4  }
0x9a: {  	v3 =	vor.u32 v1, v3;
	v2 =	vand.u32 $0x70, v2  }
0x9b: {  	v2 =	vor.u32 v3, v2;
	_ =	sdelay $0x4  }
0x9c: {  	v3 =	vld.idx.msk [tilespmem:v2+s12+$0x0], $0xffff  }
0x9d: {  	v4 =	vor.u32 $0x1, v2;
	_ =	sdelay $0x1  }
0x9e: {  	s10 =	sand.u32 $0x70, s31;
	s9 =	sand.u32 $0x400, s31  }
0x9f: {  	s10 =	sor.u32 s10, s9  }
0xa0: {  	[tilespmem:s10+$0x10400] =	vst v3  }
0xa1: {  	v3 =	vld.idx.msk [tilespmem:v4+s12+$0x0], $0xffff  }
0xa2: {  	v4 =	vor.u32 $0x2, v2;
	_ =	sdelay $0x2  }
0xa3: {  	s1 =	sadd.s32 $0x10400, s10  }
0xa4: {  	[tilespmem:s1+$0x80] =	vst v3  }
0xa5: {  	v3 =	vld.idx.msk [tilespmem:v4+s12+$0x0], $0xffff  }
0xa6: {  	v4 =	vor.u32 $0x3, v2;
	_ =	sdelay $0x3  }
0xa7: {  	[tilespmem:s1+$0x100] =	vst v3  }
0xa8: {  	v3 =	vld.idx.msk [tilespmem:v4+s12+$0x0], $0xffff  }
0xa9: {  	v4 =	vor.u32 $0x4, v2;
	_ =	sdelay $0x3  }
0xaa: {  	[tilespmem:s1+$0x180] =	vst v3  }
0xab: {  	v3 =	vld.idx.msk [tilespmem:v4+s12+$0x0], $0xffff  }
0xac: {  	v4 =	vor.u32 $0x5, v2;
	_ =	sdelay $0x3  }
0xad: {  	[tilespmem:s1+$0x200] =	vst v3  }
0xae: {  	v3 =	vld.idx.msk [tilespmem:v4+s12+$0x0], $0xffff  }
0xaf: {  	v4 =	vor.u32 $0x6, v2;
	_ =	sdelay $0x3  }
0xb0: {  	[tilespmem:s1+$0x280] =	vst v3  }
0xb1: {  	v3 =	vld.idx.msk [tilespmem:v4+s12+$0x0], $0xffff  }
0xb2: {  	v4 =	vor.u32 $0x7, v2;
	_ =	sdelay $0x3  }
0xb3: {  	[tilespmem:s1+$0x300] =	vst v3  }
0xb4: {  	v3 =	vld.idx.msk [tilespmem:v4+s12+$0x0], $0xffff  }
0xb5: {  	v4 =	vor.u32 $0x8, v2;
	_ =	sdelay $0x1  }
0xb6: {  	s19 =	sor.u32 s31, s31  }
0xb7: {  	s1 =	sor.u32 $0x380, s19  }
0xb8: {  	[tilespmem:s1+$0x10400] =	vst v3  }
0xb9: {  	v3 =	vld.idx.msk [tilespmem:v4+s12+$0x0], $0xffff  }
0xba: {  	v4 =	vor.u32 $0x9, v2;
	_ =	sdelay $0x3  }
0xbb: {  	[tilespmem:s10+$0x10C00] =	vst v3  }
0xbc: {  	v3 =	vld.idx.msk [tilespmem:v4+s12+$0x0], $0xffff  }
0xbd: {  	v4 =	vor.u32 $0xA, v2;
	_ =	sdelay $0x3  }
0xbe: {  	[tilespmem:s10+$0x10C80] =	vst v3  }
0xbf: {  	v3 =	vld.idx.msk [tilespmem:v4+s12+$0x0], $0xffff  }
0xc0: {  	v4 =	vor.u32 $0xB, v2;
	_ =	sdelay $0x3  }
0xc1: {  	[tilespmem:s10+$0x10D00] =	vst v3  }
0xc2: {  	v3 =	vld.idx.msk [tilespmem:v4+s12+$0x0], $0xffff  }
0xc3: {  	v4 =	vor.u32 $0xC, v2;
	_ =	sdelay $0x3  }
0xc4: {  	[tilespmem:s10+$0x10D80] =	vst v3  }
0xc5: {  	v3 =	vld.idx.msk [tilespmem:v4+s12+$0x0], $0xffff  }
0xc6: {  	v4 =	vor.u32 $0xD, v2;
	_ =	sdelay $0x3  }
0xc7: {  	[tilespmem:s10+$0x10E00] =	vst v3  }
0xc8: {  	v3 =	vld.idx.msk [tilespmem:v4+s12+$0x0], $0xffff  }
0xc9: {  	v4 =	vor.u32 $0xE, v2;
	_ =	sdelay $0x3  }
0xca: {  	[tilespmem:s10+$0x10E80] =	vst v3  }
0xcb: {  	v3 =	vld.idx.msk [tilespmem:v4+s12+$0x0], $0xffff  }
0xcc: {  	v4 =	vor.u32 $0xF, v2;
	_ =	sdelay $0x3  }
0xcd: {  	[tilespmem:s10+$0x10F00] =	vst v3  }
0xce: {  	s30 =	simm.s32 $0x10;
	s9 =	sshll.u32 s2, $0x1;
	v2 =	vmov s0;
	s0 =	simm.s32 $0x0;
	v3 =	vld.idx.msk [tilespmem:v4+s12+$0x0], $0xffff  }
.LBB2_3:
0xcf: {  	_ =	sdelay $0x3  }
0xd0: {  	p1 =	sne.s32 s30, $0xF0;
	s31 =	sadd.s32 $0x80, s31;
	s0 =	sadd.s32 $0x10, s0;
	[tilespmem:s10+$0x10F80] =	vst v3  }
0xd1: {  	s1 =	smov.u32 s30;
	s30 =	sadd.s32 $0x10, s30;
	v3 =	vld [tilespmem:s0+$0x0];
	_ =	sdelay $0x3  }
0xd2: {  	v4 =	vmov s1  }
0xd3: {  	v4 =	vshll.u32 v4, $0x7;
	v3 =	vshll.u32 v3, $0x4  }
0xd4: {  	v4 =	vor.u32 v1, v4;
	v3 =	vand.u32 $0x70, v3  }
0xd5: {  	v3 =	vor.u32 v4, v3;
	_ =	sdelay $0x4  }
0xd6: {  	v4 =	vld.idx.msk [tilespmem:v3+s12+$0x0], $0xffff;
	_ =	sdelay $0x1  }
0xd7: {  	v5 =	vor.u32 $0x1, v3;
	_ =	sdelay $0x1  }
0xd8: {  	s19 =	sand.u32 $0x400, s31;
	s10 =	sand.u32 $0x70, s1  }
0xd9: {  	s10 =	sor.u32 s10, s19  }
0xda: {  	[tilespmem:s10+$0x10400] =	vst v4  }
0xdb: {  	v4 =	vld.idx.msk [tilespmem:v5+s12+$0x0], $0xffff;
	_ =	sdelay $0x1  }
0xdc: {  	v5 =	vor.u32 $0x2, v3;
	_ =	sdelay $0x2  }
0xdd: {  	s19 =	sadd.s32 $0x10400, s10  }
0xde: {  	[tilespmem:s19+$0x80] =	vst v4  }
0xdf: {  	v4 =	vld.idx.msk [tilespmem:v5+s12+$0x0], $0xffff;
	_ =	sdelay $0x1  }
0xe0: {  	v5 =	vor.u32 $0x3, v3;
	_ =	sdelay $0x3  }
0xe1: {  	[tilespmem:s19+$0x100] =	vst v4  }
0xe2: {  	v4 =	vld.idx.msk [tilespmem:v5+s12+$0x0], $0xffff;
	_ =	sdelay $0x1  }
0xe3: {  	v5 =	vor.u32 $0x4, v3;
	_ =	sdelay $0x3  }
0xe4: {  	[tilespmem:s19+$0x180] =	vst v4  }
0xe5: {  	v4 =	vld.idx.msk [tilespmem:v5+s12+$0x0], $0xffff;
	_ =	sdelay $0x1  }
0xe6: {  	v5 =	vor.u32 $0x5, v3;
	_ =	sdelay $0x3  }
0xe7: {  	[tilespmem:s19+$0x200] =	vst v4  }
0xe8: {  	v4 =	vld.idx.msk [tilespmem:v5+s12+$0x0], $0xffff;
	_ =	sdelay $0x1  }
0xe9: {  	v5 =	vor.u32 $0x6, v3;
	_ =	sdelay $0x3  }
0xea: {  	[tilespmem:s19+$0x280] =	vst v4  }
0xeb: {  	v4 =	vld.idx.msk [tilespmem:v5+s12+$0x0], $0xffff;
	_ =	sdelay $0x1  }
0xec: {  	v5 =	vor.u32 $0x7, v3;
	_ =	sdelay $0x3  }
0xed: {  	[tilespmem:s19+$0x300] =	vst v4  }
0xee: {  	v4 =	vld.idx.msk [tilespmem:v5+s12+$0x0], $0xffff;
	_ =	sdelay $0x1  }
0xef: {  	v5 =	vor.u32 $0x8, v3;
	_ =	sdelay $0x1  }
0xf0: {  	s1 =	sor.u32 s31, s1  }
0xf1: {  	s1 =	sor.u32 $0x380, s1  }
0xf2: {  	[tilespmem:s1+$0x10400] =	vst v4  }
0xf3: {  	v4 =	vld.idx.msk [tilespmem:v5+s12+$0x0], $0xffff;
	_ =	sdelay $0x1  }
0xf4: {  	v5 =	vor.u32 $0x9, v3;
	_ =	sdelay $0x3  }
0xf5: {  	[tilespmem:s10+$0x10C00] =	vst v4  }
0xf6: {  	v4 =	vld.idx.msk [tilespmem:v5+s12+$0x0], $0xffff;
	_ =	sdelay $0x1  }
0xf7: {  	v5 =	vor.u32 $0xA, v3;
	_ =	sdelay $0x3  }
0xf8: {  	[tilespmem:s10+$0x10C80] =	vst v4  }
0xf9: {  	v4 =	vld.idx.msk [tilespmem:v5+s12+$0x0], $0xffff;
	_ =	sdelay $0x1  }
0xfa: {  	v5 =	vor.u32 $0xB, v3;
	_ =	sdelay $0x3  }
0xfb: {  	[tilespmem:s10+$0x10D00] =	vst v4  }
0xfc: {  	v4 =	vld.idx.msk [tilespmem:v5+s12+$0x0], $0xffff;
	_ =	sdelay $0x1  }
0xfd: {  	v5 =	vor.u32 $0xC, v3;
	_ =	sdelay $0x3  }
0xfe: {  	[tilespmem:s10+$0x10D80] =	vst v4  }
0xff: {  	v4 =	vld.idx.msk [tilespmem:v5+s12+$0x0], $0xffff;
	_ =	sdelay $0x1  }
0x100: {  	v5 =	vor.u32 $0xD, v3;
	_ =	sdelay $0x3  }
0x101: {  	[tilespmem:s10+$0x10E00] =	vst v4  }
0x102: {  	v4 =	vld.idx.msk [tilespmem:v5+s12+$0x0], $0xffff;
	_ =	sdelay $0x1  }
0x103: {  	v5 =	vor.u32 $0xE, v3;
	_ =	sdelay $0x3  }
0x104: {  	[tilespmem:s10+$0x10E80] =	vst v4  }
0x105: {  	v4 =	vld.idx.msk [tilespmem:v5+s12+$0x0], $0xffff;
	_ =	sdelay $0x1  }
0x106: {  	v3 =	vor.u32 $0xF, v3  }
.Ltmp2:
0x107: {  	(pc) =	sbr.rel @p1 .LBB2_3-.Ltmp2, $3  }
0x108: {  	_ =	sdelay $0x1  }
0x109: {  	[tilespmem:s10+$0x10F00] =	vst v4  }
0x10a: {  	v3 =	vld.idx.msk [tilespmem:v3+s12+$0x0], $0xffff  }
0x10b: {  	_ =	sdelay $0x2  }
0x10c: {  	s31 =	sshll.u32 s2, $0xF  }
0x10d: {  	s0 =	sadd.s32 s31, s7;
	[tilespmem:s10+$0x10F80] =	vst v3  }
0x10e: {  	[hbm4b:s0+s20] =	stream.strided.scatter [tilespmem:s22], [sflag:$0x3], $0x1000, s21, s20, $0x38;
	[tilespmem:$0x12800] =	vst v63  }
0x10f: {  	_ =	swait.ge [sflag:s23], $0x100  }
0x110: {  	[sflag:s23] =	ssyncset.done $0x0  }
0x111: {  	[sflag:s23] =	ssyncadd.s32 $0xFFFFFF00  }
0x112: {  	v3 =	vld [tilespmem:$0x12600]  }
0x113: {  	v4 =	vld [tilespmem:$0x12400]  }
0x114: {  	v5 =	vld [tilespmem:$0x12610]  }
0x115: {  	v6 =	vld [tilespmem:$0x12410]  }
0x116: {  	v7 =	vld [tilespmem:$0x12620]  }
0x117: {  	v8 =	vld [tilespmem:$0x12420]  }
0x118: {  	v9 =	vld [tilespmem:$0x12630]  }
0x119: {  	v10 =	vld [tilespmem:$0x12430]  }
0x11a: {  	v11 =	vld [tilespmem:$0x12640]  }
0x11b: {  	v12 =	vld [tilespmem:$0x12440]  }
0x11c: {  	v13 =	vld [tilespmem:$0x12650]  }
0x11d: {  	v14 =	vld [tilespmem:$0x12450]  }
0x11e: {  	v15 =	vld [tilespmem:$0x12660]  }
0x11f: {  	v16 =	vld [tilespmem:$0x12460]  }
0x120: {  	v17 =	vld [tilespmem:$0x12670]  }
0x121: {  	v18 =	vld [tilespmem:$0x12470]  }
0x122: {  	v19 =	vld [tilespmem:$0x12680]  }
0x123: {  	v20 =	vld [tilespmem:$0x12480]  }
0x124: {  	v21 =	vld [tilespmem:$0x12690]  }
0x125: {  	v22 =	vld [tilespmem:$0x12490]  }
0x126: {  	v23 =	vld [tilespmem:$0x126A0]  }
0x127: {  	v47 =	vld [tilespmem:$0x124A0];
	v3 =	vadd.f32 v4, v3  }
0x128: {  	v48 =	vld [tilespmem:$0x126B0];
	v5 =	vadd.f32 v6, v5  }
0x129: {  	v49 =	vld [tilespmem:$0x124B0];
	v50 =	vadd.f32 v10, v9;
	[tilespmem:$0x12600] =	vst v3  }
0x12a: {  	v51 =	vld [tilespmem:$0x126C0];
	v3 =	vadd.f32 v8, v7;
	[tilespmem:$0x12610] =	vst v5  }
0x12b: {  	v52 =	vld [tilespmem:$0x124C0];
	v53 =	vadd.f32 v14, v13;
	[tilespmem:$0x12630] =	vst v50  }
0x12c: {  	v54 =	vld [tilespmem:$0x126D0];
	[tilespmem:$0x12620] =	vst v3;
	v3 =	vadd.f32 v12, v11  }
0x12d: {  	v55 =	vld [tilespmem:$0x124D0];
	v56 =	vadd.f32 v18, v17;
	[tilespmem:$0x12650] =	vst v53  }
0x12e: {  	v57 =	vld [tilespmem:$0x126E0];
	[tilespmem:$0x12640] =	vst v3;
	v3 =	vadd.f32 v16, v15  }
0x12f: {  	v60 =	vld [tilespmem:$0x126F0];
	v59 =	vadd.f32 v22, v21;
	[tilespmem:$0x12670] =	vst v56  }
0x130: {  	v61 =	vld [tilespmem:$0x124F0];
	[tilespmem:$0x12660] =	vst v3;
	v3 =	vadd.f32 v20, v19  }
0x131: {  	v58 =	vld [tilespmem:$0x124E0];
	v62 =	vadd.f32 v49, v48;
	[tilespmem:$0x12690] =	vst v59  }
0x132: {  	[tilespmem:$0x12680] =	vst v3;
	v3 =	vadd.f32 v47, v23  }
0x133: {  	p1 =	sne.s32 s2, $0x19;
	v63 =	vadd.f32 v55, v54;
	[tilespmem:$0x126B0] =	vst v62  }
.Ltmp3:
0x134: {  	[tilespmem:$0x126A0] =	vst v3;
	v3 =	vadd.f32 v52, v51;
	(pc) =	sbr.rel @p1 .LBB2_6-.Ltmp3, $4  }
0x135: {  	v4 =	vadd.f32 v61, v60;
	[tilespmem:$0x126D0] =	vst v63  }
0x136: {  	[tilespmem:$0x126C0] =	vst v3;
	v3 =	vadd.f32 v58, v57  }
0x137: {  	[tilespmem:$0x126F0] =	vst v4  }
0x138: {  	[tilespmem:$0x126E0] =	vst v3  }
.Ltmp4:
0x139: {  	(pc) =	sbr.rel .LBB2_7-.Ltmp4, $4  }
0x13a: {  	_ = 	snop  }
0x13b: {  	_ =	swait.ge [sflag:s24], $0x8000  }
0x13c: {  	[sflag:s24] =	ssyncset.done $0x0  }
0x13d: {  	[sflag:s24] =	ssyncadd.s32 $0xFFFF8000  }
.LBB2_6:
0x13e: {  	s0 =	sadd.s32 $0x2, s9  }
0x13f: {  	s1 =	sshll.u32 s0, $0xA;
	s9 =	sshll.u32 s0, $0x3  }
0x140: {  	s1 =	sand.u32 $0x1C000, s1;
	s9 =	sand.u32 $0x70, s9  }
0x141: {  	s1 =	sor.u32 s9, s1  }
0x142: {  	s30 =	simm.s32 $0x0;
	s1 =	sadd.s32 s1, s5  }
0x143: {  	[tilespmem:s30], [sflag:$0x7] =	stream.strided.gather [hbm4b:s1+s11], $0x100, s12, s11, $0x38;
	[tilespmem:$0x12800] =	vst v63  }
0x144: {  	_ =	swait.ge [sflag:s13], $0x100  }
0x145: {  	[sflag:s13] =	ssyncset.done $0x0  }
0x146: {  	[sflag:s13] =	ssyncadd.s32 $0xFFFFFF00  }
0x147: {  	v3 =	vld [tilespmem:$0x0]  }
0x148: {  	v4 =	vld [tilespmem:$0x10]  }
0x149: {  	v5 =	vld [tilespmem:$0x20]  }
0x14a: {  	v6 =	vld [tilespmem:$0x30]  }
0x14b: {  	v7 =	vld [tilespmem:$0x40]  }
0x14c: {  	v8 =	vld [tilespmem:$0x50];
	v3 =	vshrl.u32 v3, $0x3  }
0x14d: {  	v54 =	vld [tilespmem:$0x60];
	[tilespmem:$0x200] =	vst v3;
	v3 =	vshrl.u32 v4, $0x3  }
0x14e: {  	v55 =	vld [tilespmem:$0x70];
	[tilespmem:$0x210] =	vst v3;
	v3 =	vshrl.u32 v5, $0x3  }
0x14f: {  	v56 =	vld [tilespmem:$0x80];
	[tilespmem:$0x220] =	vst v3;
	v3 =	vshrl.u32 v6, $0x3  }
0x150: {  	v57 =	vld [tilespmem:$0x90];
	[tilespmem:$0x230] =	vst v3;
	v3 =	vshrl.u32 v7, $0x3  }
0x151: {  	v58 =	vld [tilespmem:$0xA0];
	[tilespmem:$0x240] =	vst v3;
	v3 =	vshrl.u32 v8, $0x3  }
0x152: {  	v59 =	vld [tilespmem:$0xB0];
	[tilespmem:$0x250] =	vst v3;
	v3 =	vshrl.u32 v54, $0x3  }
0x153: {  	v60 =	vld [tilespmem:$0xC0];
	[tilespmem:$0x260] =	vst v3;
	v3 =	vshrl.u32 v55, $0x3  }
0x154: {  	v61 =	vld [tilespmem:$0xD0];
	[tilespmem:$0x270] =	vst v3;
	v3 =	vshrl.u32 v56, $0x3  }
0x155: {  	v62 =	vld [tilespmem:$0xE0];
	[tilespmem:$0x280] =	vst v3;
	v3 =	vshrl.u32 v57, $0x3  }
0x156: {  	v63 =	vld [tilespmem:$0xF0];
	[tilespmem:$0x290] =	vst v3;
	v3 =	vshrl.u32 v58, $0x3  }
0x157: {  	[tilespmem:$0x2A0] =	vst v3;
	v3 =	vshrl.u32 v59, $0x3  }
0x158: {  	[tilespmem:$0x2B0] =	vst v3;
	v3 =	vshrl.u32 v60, $0x3  }
0x159: {  	s0 =	sshrl.u32 s0, $0x1;
	[tilespmem:$0x2C0] =	vst v3;
	v3 =	vshrl.u32 v61, $0x3  }
0x15a: {  	s0 =	smul.u32 $0x30D80, s0;
	[tilespmem:$0x2D0] =	vst v3;
	v3 =	vshrl.u32 v62, $0x3  }
0x15b: {  	[tilespmem:$0x2E0] =	vst v3;
	v3 =	vshrl.u32 v63, $0x3  }
.Ltmp5:
0x15c: {  	s0 =	sadd.s32 s3, s0;
	[tilespmem:$0x2F0] =	vst v3;
	(pc) =	sbr.rel @p0 .LBB2_8-.Ltmp5, $4  }
0x15d: {  	[tilespmem:s12], [sflag:$0x1] =	stream.indirect.gather [hbm4b:s0+s14], $0x80, s15, s14, $0xb8;
	[tilespmem:$0x12800] =	vst v63  }
0x15e: {  	_ =	swait.ge [sflag:s24], $0x8000  }
0x15f: {  	[sflag:s24] =	ssyncset.done $0x0  }
0x160: {  	[sflag:s24] =	ssyncadd.s32 $0xFFFF8000  }
.LBB2_7:
0x161: {  	_ =	swait.ge [sflag:s25], $0x1000  }
0x162: {  	[sflag:s25] =	ssyncset.done $0x0  }
0x163: {  	[sflag:s25] =	ssyncadd.s32 $0xFFFFF000  }
.LBB2_8:
0x164: {  	v3 =	vld [tilespmem:$0x100]  }
0x165: {  	v4 =	vld [tilespmem:$0x110]  }
0x166: {  	v5 =	vld [tilespmem:$0x120]  }
0x167: {  	v6 =	vld [tilespmem:$0x130]  }
0x168: {  	v7 =	vld [tilespmem:$0x140]  }
0x169: {  	v8 =	vld [tilespmem:$0x150];
	v3 =	vadd.s32 v2, v3  }
0x16a: {  	v40 =	vld [tilespmem:$0x160];
	[tilespmem:$0x300] =	vst v3;
	v3 =	vadd.s32 v2, v4  }
0x16b: {  	v41 =	vld [tilespmem:$0x170];
	[tilespmem:$0x310] =	vst v3;
	v3 =	vadd.s32 v2, v5  }
0x16c: {  	v42 =	vld [tilespmem:$0x180];
	[tilespmem:$0x320] =	vst v3;
	v3 =	vadd.s32 v2, v6  }
0x16d: {  	v43 =	vld [tilespmem:$0x190];
	[tilespmem:$0x330] =	vst v3;
	v3 =	vadd.s32 v2, v7  }
0x16e: {  	v44 =	vld [tilespmem:$0x1A0];
	[tilespmem:$0x340] =	vst v3;
	v3 =	vadd.s32 v2, v8  }
0x16f: {  	v45 =	vld [tilespmem:$0x1B0];
	[tilespmem:$0x350] =	vst v3;
	v3 =	vadd.s32 v2, v40  }
0x170: {  	v46 =	vld [tilespmem:$0x1C0];
	[tilespmem:$0x360] =	vst v3;
	v3 =	vadd.s32 v2, v41  }
0x171: {  	v47 =	vld [tilespmem:$0x1D0];
	[tilespmem:$0x370] =	vst v3;
	v3 =	vadd.s32 v2, v42  }
0x172: {  	v48 =	vld [tilespmem:$0x1E0];
	[tilespmem:$0x380] =	vst v3;
	v3 =	vadd.s32 v2, v43  }
0x173: {  	v49 =	vld [tilespmem:$0x1F0];
	[tilespmem:$0x390] =	vst v3;
	v3 =	vadd.s32 v2, v44  }
0x174: {  	[tilespmem:$0x3A0] =	vst v3;
	v3 =	vadd.s32 v2, v45  }
0x175: {  	[tilespmem:$0x3B0] =	vst v3;
	v3 =	vadd.s32 v2, v46  }
0x176: {  	[tilespmem:$0x3C0] =	vst v3;
	v3 =	vadd.s32 v2, v47  }
0x177: {  	[tilespmem:$0x3D0] =	vst v3;
	v3 =	vadd.s32 v2, v48  }
0x178: {  	v2 =	vadd.s32 v2, v49;
	[tilespmem:$0x3E0] =	vst v3  }
0x179: {  	s9 =	simm.s32 $0x100;
	[tilespmem:$0x3F0] =	vst v2  }
0x17a: {  	[tilespmem:s26], [sflag:$0x6] =	stream.indirect.gather [hbm4b:s4+s9], $0x1, s16, s9, $0xb8;
	[tilespmem:$0x12800] =	vst v63  }
0x17b: {  	v2 =	vld [tilespmem:s9+$0x0];
	_ =	sdelay $0x2  }
0x17c: {  	s10 =	simm.s32 $0x0  }
0x17d: {  	v3 =	vmov s10  }
0x17e: {  	v3 =	vshll.u32 v3, $0x7;
	v2 =	vshll.u32 v2, $0x4  }
0x17f: {  	v3 =	vor.u32 v1, v3;
	v2 =	vand.u32 $0x70, v2  }
0x180: {  	v2 =	vor.u32 v3, v2;
	_ =	sdelay $0x4  }
0x181: {  	v3 =	vld.idx.msk [tilespmem:v2+s17+$0x0], $0xffff  }
0x182: {  	v50 =	vor.u32 $0x1, v2;
	_ =	sdelay $0x1  }
0x183: {  	s0 =	sand.u32 $0x70, s10;
	s1 =	sand.u32 $0x400, s10  }
0x184: {  	s30 =	sor.u32 s0, s1  }
0x185: {  	[tilespmem:s30+$0x11400] =	vst v3  }
0x186: {  	v3 =	vld.idx.msk [tilespmem:v50+s17+$0x0], $0xffff  }
0x187: {  	v51 =	vor.u32 $0x2, v2;
	_ =	sdelay $0x2  }
0x188: {  	s0 =	sadd.s32 $0x11400, s30  }
0x189: {  	[tilespmem:s0+$0x80] =	vst v3  }
0x18a: {  	v3 =	vld.idx.msk [tilespmem:v51+s17+$0x0], $0xffff  }
0x18b: {  	v52 =	vor.u32 $0x3, v2;
	_ =	sdelay $0x3  }
0x18c: {  	[tilespmem:s0+$0x100] =	vst v3  }
0x18d: {  	v3 =	vld.idx.msk [tilespmem:v52+s17+$0x0], $0xffff  }
0x18e: {  	v53 =	vor.u32 $0x4, v2;
	_ =	sdelay $0x3  }
0x18f: {  	[tilespmem:s0+$0x180] =	vst v3  }
0x190: {  	v3 =	vld.idx.msk [tilespmem:v53+s17+$0x0], $0xffff  }
0x191: {  	v54 =	vor.u32 $0x5, v2;
	_ =	sdelay $0x3  }
0x192: {  	[tilespmem:s0+$0x200] =	vst v3  }
0x193: {  	v3 =	vld.idx.msk [tilespmem:v54+s17+$0x0], $0xffff  }
0x194: {  	v55 =	vor.u32 $0x6, v2;
	_ =	sdelay $0x3  }
0x195: {  	[tilespmem:s0+$0x280] =	vst v3  }
0x196: {  	v3 =	vld.idx.msk [tilespmem:v55+s17+$0x0], $0xffff  }
0x197: {  	v56 =	vor.u32 $0x7, v2;
	_ =	sdelay $0x3  }
0x198: {  	[tilespmem:s0+$0x300] =	vst v3  }
0x199: {  	v3 =	vld.idx.msk [tilespmem:v56+s17+$0x0], $0xffff  }
0x19a: {  	v57 =	vor.u32 $0x8, v2;
	_ =	sdelay $0x1  }
0x19b: {  	s19 =	sor.u32 s10, s10  }
0x19c: {  	s0 =	sor.u32 $0x380, s19  }
0x19d: {  	[tilespmem:s0+$0x11400] =	vst v3  }
0x19e: {  	v3 =	vld.idx.msk [tilespmem:v57+s17+$0x0], $0xffff  }
0x19f: {  	v58 =	vor.u32 $0x9, v2;
	_ =	sdelay $0x3  }
0x1a0: {  	[tilespmem:s30+$0x11C00] =	vst v3  }
0x1a1: {  	v3 =	vld.idx.msk [tilespmem:v58+s17+$0x0], $0xffff  }
0x1a2: {  	v59 =	vor.u32 $0xA, v2;
	_ =	sdelay $0x3  }
0x1a3: {  	[tilespmem:s30+$0x11C80] =	vst v3  }
0x1a4: {  	v3 =	vld.idx.msk [tilespmem:v59+s17+$0x0], $0xffff  }
0x1a5: {  	v60 =	vor.u32 $0xB, v2;
	_ =	sdelay $0x3  }
0x1a6: {  	[tilespmem:s30+$0x11D00] =	vst v3  }
0x1a7: {  	v3 =	vld.idx.msk [tilespmem:v60+s17+$0x0], $0xffff  }
0x1a8: {  	v61 =	vor.u32 $0xC, v2;
	_ =	sdelay $0x3  }
0x1a9: {  	[tilespmem:s30+$0x11D80] =	vst v3  }
0x1aa: {  	v3 =	vld.idx.msk [tilespmem:v61+s17+$0x0], $0xffff  }
0x1ab: {  	v62 =	vor.u32 $0xD, v2;
	_ =	sdelay $0x3  }
0x1ac: {  	[tilespmem:s30+$0x11E00] =	vst v3  }
0x1ad: {  	v3 =	vld.idx.msk [tilespmem:v62+s17+$0x0], $0xffff  }
0x1ae: {  	v63 =	vor.u32 $0xE, v2;
	_ =	sdelay $0x3  }
0x1af: {  	[tilespmem:s30+$0x11E80] =	vst v3  }
0x1b0: {  	v3 =	vld.idx.msk [tilespmem:v63+s17+$0x0], $0xffff  }
0x1b1: {  	v2 =	vor.u32 $0xF, v2;
	_ =	sdelay $0x3  }
0x1b2: {  	[tilespmem:s30+$0x11F00] =	vst v3  }
0x1b3: {  	s0 =	simm.s32 $0x10;
	v2 =	vld.idx.msk [tilespmem:v2+s17+$0x0], $0xffff  }
.LBB2_9:
0x1b4: {  	_ =	sdelay $0x3  }
0x1b5: {  	p0 =	sne.s32 s0, $0xF0;
	s10 =	sadd.s32 $0x80, s10;
	s9 =	sadd.s32 $0x10, s9;
	[tilespmem:s30+$0x11F80] =	vst v2  }
0x1b6: {  	s1 =	smov.u32 s0;
	s0 =	sadd.s32 $0x10, s0;
	v2 =	vld [tilespmem:s9+$0x0];
	_ =	sdelay $0x3  }
0x1b7: {  	v3 =	vmov s1  }
0x1b8: {  	v3 =	vshll.u32 v3, $0x7;
	v2 =	vshll.u32 v2, $0x4  }
0x1b9: {  	v3 =	vor.u32 v1, v3;
	v2 =	vand.u32 $0x70, v2  }
0x1ba: {  	v2 =	vor.u32 v3, v2;
	_ =	sdelay $0x4  }
0x1bb: {  	v3 =	vld.idx.msk [tilespmem:v2+s17+$0x0], $0xffff;
	_ =	sdelay $0x1  }
0x1bc: {  	v4 =	vor.u32 $0x1, v2;
	_ =	sdelay $0x1  }
0x1bd: {  	s19 =	sand.u32 $0x70, s1;
	s30 =	sand.u32 $0x400, s10  }
0x1be: {  	s30 =	sor.u32 s19, s30  }
0x1bf: {  	[tilespmem:s30+$0x11400] =	vst v3  }
0x1c0: {  	v3 =	vld.idx.msk [tilespmem:v4+s17+$0x0], $0xffff;
	_ =	sdelay $0x1  }
0x1c1: {  	v4 =	vor.u32 $0x2, v2;
	_ =	sdelay $0x2  }
0x1c2: {  	s19 =	sadd.s32 $0x11400, s30  }
0x1c3: {  	[tilespmem:s19+$0x80] =	vst v3  }
0x1c4: {  	v3 =	vld.idx.msk [tilespmem:v4+s17+$0x0], $0xffff;
	_ =	sdelay $0x1  }
0x1c5: {  	v4 =	vor.u32 $0x3, v2;
	_ =	sdelay $0x3  }
0x1c6: {  	[tilespmem:s19+$0x100] =	vst v3  }
0x1c7: {  	v3 =	vld.idx.msk [tilespmem:v4+s17+$0x0], $0xffff;
	_ =	sdelay $0x1  }
0x1c8: {  	v4 =	vor.u32 $0x4, v2;
	_ =	sdelay $0x3  }
0x1c9: {  	[tilespmem:s19+$0x180] =	vst v3  }
0x1ca: {  	v3 =	vld.idx.msk [tilespmem:v4+s17+$0x0], $0xffff;
	_ =	sdelay $0x1  }
0x1cb: {  	v4 =	vor.u32 $0x5, v2;
	_ =	sdelay $0x3  }
0x1cc: {  	[tilespmem:s19+$0x200] =	vst v3  }
0x1cd: {  	v3 =	vld.idx.msk [tilespmem:v4+s17+$0x0], $0xffff;
	_ =	sdelay $0x1  }
0x1ce: {  	v4 =	vor.u32 $0x6, v2;
	_ =	sdelay $0x3  }
0x1cf: {  	[tilespmem:s19+$0x280] =	vst v3  }
0x1d0: {  	v3 =	vld.idx.msk [tilespmem:v4+s17+$0x0], $0xffff;
	_ =	sdelay $0x1  }
0x1d1: {  	v4 =	vor.u32 $0x7, v2;
	_ =	sdelay $0x3  }
0x1d2: {  	[tilespmem:s19+$0x300] =	vst v3  }
0x1d3: {  	v3 =	vld.idx.msk [tilespmem:v4+s17+$0x0], $0xffff;
	_ =	sdelay $0x1  }
0x1d4: {  	v4 =	vor.u32 $0x8, v2;
	_ =	sdelay $0x1  }
0x1d5: {  	s1 =	sor.u32 s10, s1  }
0x1d6: {  	s1 =	sor.u32 $0x380, s1  }
0x1d7: {  	[tilespmem:s1+$0x11400] =	vst v3  }
0x1d8: {  	v3 =	vld.idx.msk [tilespmem:v4+s17+$0x0], $0xffff;
	_ =	sdelay $0x1  }
0x1d9: {  	v4 =	vor.u32 $0x9, v2;
	_ =	sdelay $0x3  }
0x1da: {  	[tilespmem:s30+$0x11C00] =	vst v3  }
0x1db: {  	v3 =	vld.idx.msk [tilespmem:v4+s17+$0x0], $0xffff;
	_ =	sdelay $0x1  }
0x1dc: {  	v4 =	vor.u32 $0xA, v2;
	_ =	sdelay $0x3  }
0x1dd: {  	[tilespmem:s30+$0x11C80] =	vst v3  }
0x1de: {  	v3 =	vld.idx.msk [tilespmem:v4+s17+$0x0], $0xffff;
	_ =	sdelay $0x1  }
0x1df: {  	v4 =	vor.u32 $0xB, v2;
	_ =	sdelay $0x3  }
0x1e0: {  	[tilespmem:s30+$0x11D00] =	vst v3  }
0x1e1: {  	v3 =	vld.idx.msk [tilespmem:v4+s17+$0x0], $0xffff;
	_ =	sdelay $0x1  }
0x1e2: {  	v4 =	vor.u32 $0xC, v2;
	_ =	sdelay $0x3  }
0x1e3: {  	[tilespmem:s30+$0x11D80] =	vst v3  }
0x1e4: {  	v3 =	vld.idx.msk [tilespmem:v4+s17+$0x0], $0xffff;
	_ =	sdelay $0x1  }
0x1e5: {  	v4 =	vor.u32 $0xD, v2;
	_ =	sdelay $0x3  }
0x1e6: {  	[tilespmem:s30+$0x11E00] =	vst v3  }
0x1e7: {  	v3 =	vld.idx.msk [tilespmem:v4+s17+$0x0], $0xffff;
	_ =	sdelay $0x1  }
0x1e8: {  	v4 =	vor.u32 $0xE, v2;
	_ =	sdelay $0x3  }
0x1e9: {  	[tilespmem:s30+$0x11E80] =	vst v3  }
0x1ea: {  	v3 =	vld.idx.msk [tilespmem:v4+s17+$0x0], $0xffff;
	_ =	sdelay $0x1  }
0x1eb: {  	v2 =	vor.u32 $0xF, v2  }
.Ltmp6:
0x1ec: {  	(pc) =	sbr.rel @p0 .LBB2_9-.Ltmp6, $3  }
0x1ed: {  	_ =	sdelay $0x1  }
0x1ee: {  	[tilespmem:s30+$0x11F00] =	vst v3  }
0x1ef: {  	v2 =	vld.idx.msk [tilespmem:v2+s17+$0x0], $0xffff  }
0x1f0: {  	_ =	sdelay $0x3  }
0x1f1: {  	s0 =	sadd.s32 s31, s8;
	[tilespmem:s30+$0x11F80] =	vst v2  }
0x1f2: {  	[hbm4b:s0+s20] =	stream.strided.scatter [tilespmem:s28], [sflag:$0x4], $0x1000, s21, s20, $0x38;
	[tilespmem:$0x12800] =	vst v63  }
0x1f3: {  	_ =	swait.ge [sflag:s29], $0x100  }
0x1f4: {  	[sflag:s29] =	ssyncset.done $0x0  }
0x1f5: {  	s31 =	simm.s32 $0x0;
	s1 =	simm.s32 $0x12500;
	[sflag:s29] =	ssyncadd.s32 $0xFFFFFF00  }
0x1f6: {  	s9 =	simm.s32 $0x10;
	s0 =	sand.u32 $0xF0, s31;
	v2 =	vld [tilespmem:s1+$0x0]  }
.LBB2_11:
0x1f7: {  	p0 =	sne.s32 s9, $0xF0;
	v3 =	vld [tilespmem:s0+$0x12700];
	_ =	sdelay $0x3  }
.Ltmp7:
0x1f8: {  	(pc) =	sbr.rel @p0 .LBB2_11-.Ltmp7, $3  }
0x1f9: {  	v2 =	vadd.f32 v2, v3;
	_ =	sdelay $0x1  }
0x1fa: {  	s1 =	sadd.s32 $0x10, s1;
	[tilespmem:s0+$0x12700] =	vst v2  }
0x1fb: {  	s0 =	sand.u32 $0xF0, s9;
	s9 =	sadd.s32 $0x10, s9;
	v2 =	vld [tilespmem:s1+$0x0]  }
0x1fc: {  	v3 =	vld [tilespmem:s0+$0x12700];
	_ =	sdelay $0x1  }
0x1fd: {  	p0 =	seq.s32 s2, $0x19  }
.Ltmp8:
0x1fe: {  	_ = 	snop;
	(pc) =	sbr.rel @p0 .LBB2_14-.Ltmp8, $3  }
0x1ff: {  	_ = 	snop  }
0x200: {  	v2 =	vadd.f32 v2, v3;
	_ =	sdelay $0x1  }
0x201: {  	[tilespmem:s0+$0x12700] =	vst v2  }
0x202: {  	s2 =	sadd.s32 $0x1, s2  }
0x203: {  	s0 =	sshll.u32 s2, $0xB;
	s1 =	sshll.u32 s2, $0x4  }
0x204: {  	s0 =	sand.u32 $0x1C000, s0;
	s1 =	sand.u32 $0x70, s1  }
0x205: {  	s0 =	sor.u32 s1, s0  }
0x206: {  	s0 =	sadd.s32 s0, s6  }
0x207: {  	[tilespmem:s14], [sflag:$0x7] =	stream.strided.gather [hbm4b:s0+s11], $0x100, s12, s11, $0x38;
	[tilespmem:$0x12800] =	vst v63  }
0x208: {  	_ =	swait.ge [sflag:s13], $0x100  }
0x209: {  	[sflag:s13] =	ssyncset.done $0x0  }
0x20a: {  	[sflag:s13] =	ssyncadd.s32 $0xFFFFFF00  }
0x20b: {  	v2 =	vld [tilespmem:$0x100]  }
0x20c: {  	v3 =	vld [tilespmem:$0x110]  }
0x20d: {  	v4 =	vld [tilespmem:$0x120]  }
0x20e: {  	v5 =	vld [tilespmem:$0x130]  }
0x20f: {  	v6 =	vld [tilespmem:$0x140]  }
0x210: {  	v7 =	vld [tilespmem:$0x150];
	v2 =	vshrl.u32 v2, $0x3  }
0x211: {  	[tilespmem:$0x300] =	vst v2;
	v2 =	vshrl.u32 v3, $0x3;
	v3 =	vld [tilespmem:$0x160]  }
0x212: {  	v56 =	vld [tilespmem:$0x170];
	[tilespmem:$0x310] =	vst v2;
	v2 =	vshrl.u32 v4, $0x3  }
0x213: {  	v57 =	vld [tilespmem:$0x180];
	[tilespmem:$0x320] =	vst v2;
	v2 =	vshrl.u32 v5, $0x3  }
0x214: {  	v58 =	vld [tilespmem:$0x190];
	[tilespmem:$0x330] =	vst v2;
	v2 =	vshrl.u32 v6, $0x3  }
0x215: {  	v59 =	vld [tilespmem:$0x1A0];
	[tilespmem:$0x340] =	vst v2;
	v2 =	vshrl.u32 v7, $0x3  }
0x216: {  	[tilespmem:$0x350] =	vst v2;
	v2 =	vshrl.u32 v3, $0x3;
	v3 =	vld [tilespmem:$0x1B0]  }
0x217: {  	v60 =	vld [tilespmem:$0x1C0];
	[tilespmem:$0x360] =	vst v2;
	v2 =	vshrl.u32 v56, $0x3  }
0x218: {  	v61 =	vld [tilespmem:$0x1D0];
	[tilespmem:$0x370] =	vst v2;
	v2 =	vshrl.u32 v57, $0x3  }
0x219: {  	v62 =	vld [tilespmem:$0x1E0];
	[tilespmem:$0x380] =	vst v2;
	v2 =	vshrl.u32 v58, $0x3  }
0x21a: {  	v63 =	vld [tilespmem:$0x1F0];
	[tilespmem:$0x390] =	vst v2;
	v2 =	vshrl.u32 v59, $0x3  }
0x21b: {  	[tilespmem:$0x3A0] =	vst v2;
	v2 =	vshrl.u32 v3, $0x3  }
.Ltmp9:
0x21c: {  	[tilespmem:$0x3B0] =	vst v2;
	v2 =	vshrl.u32 v60, $0x3;
	(pc) =	sbr.rel .LBB2_2-.Ltmp9, $4  }
0x21d: {  	[tilespmem:$0x3C0] =	vst v2;
	v2 =	vshrl.u32 v61, $0x3  }
0x21e: {  	s31 =	smul.u32 $0x30D80, s2;
	[tilespmem:$0x3D0] =	vst v2;
	v2 =	vshrl.u32 v62, $0x3  }
0x21f: {  	[tilespmem:$0x3E0] =	vst v2;
	v2 =	vshrl.u32 v63, $0x3  }
0x220: {  	s0 =	sadd.s32 s3, s31;
	[tilespmem:$0x3F0] =	vst v2  }
.LBB2_15:
0x221: {  	_ =	sfence.sel $0x180000  }
0x222: {  	[bflag:$0x0] =	sbarrier.arrive $0xFFFF  }
0x223: {  	_ =	strace $0x9000004A  }
0x224: {  	s0 =	stileid.u32;
	[bflag:$0x2] =	sbarrier.arrive $0xFFFF  }
0x225: {  	p0 =	sne.s32 s0, $0x0;
	s0 =	rddreg [dreg:$0x3]  }
0x226: {  	s0 =	sadd.s32 @!p0 $0x100000, s0  }
0x227: {  	[sflag:s0] =	ssyncadd.tile.s32 @!p0 $0x1;
	_ =	shalt  }
.Lfunc_end2:
_tile_overlayer_lowered:
.L_overlay_start_2:
0x228: {  	(tag) =	ssettag $0x2  }
0x229: {  	s0 =	rddreg [dreg:$0x0];
	s2 =	stileid.u32  }
0x22a: {  	s1 =	rddreg [dreg:$0x1];
	p0 =	sne.s32 s2, $0x0  }
0x22b: {  	s3 =	rddreg [dreg:$0x2];
	[bflag:$0x3] =	sbarrier.arrive $0xFFFF;
	s2 =	simm.s32 @!p0 $0x1C07  }
0x22c: {  	[timem:s3], [sflag:s2] =	dma.local @!p0 [hbm:s0], s1  }
0x22d: {  	s0 =	simm.s32 @!p0 $0x7  }
0x22e: {  	_ =	swait.ge @!p0 [sflag:s0], s1  }
0x22f: {  	s1 =	ssub.s32 @!p0 $0x0, s1;
	[sflag:s0] =	ssyncset.done @!p0 $0x0  }
0x230: {  	[sflag:s0] =	ssyncadd.s32 @!p0 s1  }
0x231: {  	[bflag:$0x3] =	sbarrier.arrive $0xFFFF  }
0x232: {  	_ =	shalt  }

// kernel: kernel.7.cloned.1.call-start
scs
__scs_entry_jumppad:
0x0: {  	(pc) =	sbr.rel $0x88, $3  }
0x1: {  	(tag) =	ssettag $0x0;
	lr =	simm.s32 $0x1  }
0x2: {  	[smem:$0x3F93] =	sst lr;
	_ =	strace $0xD0000000  }
0x3: {  	_ = 	snop  }
0x4: {  	_ = 	snop  }
0x5: {  	_ = 	snop  }
0x6: {  	_ = 	snop  }
0x7: {  	_ = 	snop  }
__scs_overlays_trampoline_lowered:
0x8: {  	[smem:$0x3FA2] =	sst s0  }
0x9: {  	[smem:$0x3FA3] =	sst s1  }
0xa: {  	[smem:$0x3FA4] =	sst s2  }
0xb: {  	[smem:$0x3FA5] =	sst s3  }
0xc: {  	[smem:$0x3FA6] =	sst s4  }
0xd: {  	[smem:$0x3FA7] =	sst s5  }
0xe: {  	[smem:$0x3FA8] =	sst s6  }
0xf: {  	[smem:$0x3FA9] =	sst s7  }
0x10: {  	[smem:$0x3FAA] =	sst s8  }
0x11: {  	[smem:$0x3FAB] =	sst s9;
	s0 =	simm.s32 @!p0 $0x0  }
0x12: {  	s1 =	sld [smem:$0x3F91];
	s0 =	simm.s32 @p0 $0x1  }
0x13: {  	[smem:$0x3FAC] =	sst s0;
	s0 =	simm.s32 @!p1 $0x0  }
0x14: {  	s2 =	sld [smem:$0x3F90];
	s0 =	simm.s32 @p1 $0x1  }
0x15: {  	[smem:$0x3FAD] =	sst s0;
	s0 =	simm.s32 @!p2 $0x0  }
0x16: {  	s3 =	sld [smem:$0x3FDB];
	s0 =	simm.s32 @p2 $0x1  }
0x17: {  	s4 =	simm.s32 $0x1BF5;
	[smem:$0x3FAF] =	sst s0  }
0x18: {  	s0 =	sld [smem:$0x3F92];
	_ =	swait.ge [sflag:s4], $0x0  }
0x19: {  	s7 =	sld [smem:$0x3F93]  }
0x1a: {  	s8 =	sadd.s32 $0xFFFFE003, lr  }
0x1b: {  	s9 =	sadd.s32 $0xFFFFFEF7, lr;
	s5 =	simm.s32 $0xFFFFFFFF;
	p2 =	slt.u32 s8, $0xFFFFF086  }
0x1c: {  	p1 =	slt.u32 s9, $0xF7A;
	s5 =	simm.s32 @!p2 $0x0  }
0x1d: {  	s5 =	simm.s32 @p1 $0x1;
	p0 =	seq.s32 s7, s2  }
0x1e: {  	s7 =	smul.u32 @!p0 $0xF7A, s2;
	p2 =	seq.s32 @!p0 s5, $0x0  }
0x1f: {  	s9 =	smul.u32 $0xF7A, s1;
	s8 =	simm.s32 @!p0 $0x1BF5;
	p2 =	por !p2, p0  }
0x20: {  	[sflag:s8] =	ssyncset.s32 @!p0 $0xFFFFF086;
	s6 =	sadd.s32 @!p0 s3, s7;
	s7 =	simm.s32 @!p0 $0x108  }
0x21: {  	s3 =	sadd.s32 s3, s9;
	s6 =	sadd.s32 @!p0 $0x88, s6;
	s7 =	simm.s32 @p2 $0x1082  }
0x22: {  	[simem:s7], [sflag:s8] =	dma.local @!p0 [hbm:s6], $0xF7A  }
0x23: {  	s9 =	sor.u32 $0xD0000000, s2;
	s6 =	simm.s32 $0x108;
	_ =	swait.ge @!p0 [sflag:s8], $0x0  }
0x24: {  	s3 =	sadd.s32 $0x88, s3;
	s6 =	simm.s32 @!p1 $0x1082;
	[sflag:s4] =	ssyncset.s32 $0xFFFFF086  }
0x25: {  	[simem:s6], [sflag:s4] =	dma.local [hbm:s3], $0xF7A  }
0x26: {  	[smem:$0x3F93] =	sst s1;
	(tag) =	ssettag s2;
	_ =	strace s9  }
0x27: {  	s1 =	sld [smem:$0x3FA3]  }
0x28: {  	s2 =	sld [smem:$0x3FA4]  }
0x29: {  	s4 =	sld [smem:$0x3FA6]  }
0x2a: {  	p0 =	seq.s32 s5, $0x0;
	s5 =	sld [smem:$0x3FA7]  }
0x2b: {  	s6 =	sld [smem:$0x3FA8]  }
0x2c: {  	s7 =	sld [smem:$0x3FA9]  }
0x2d: {  	s3 =	simm.s32 $0x108;
	s8 =	sld [smem:$0x3FAA]  }
0x2e: {  	s3 =	simm.s32 @!p0 $0x1082;
	s9 =	sld [smem:$0x3FAB]  }
0x2f: {  	lr =	sadd.s32 s0, s3;
	s0 =	sld [smem:$0x3FA2]  }
0x30: {  	s3 =	sld [smem:$0x3FA5]  }
0x31: {  	[smem:$0x3FAE] =	sst s10  }
0x32: {  	s10 =	sld [smem:$0x3FAC];
	_ =	sdelay $0x3  }
0x33: {  	p0 =	seq.s32 s10, $0x1;
	s10 =	sld [smem:$0x3FAE];
	_ =	sdelay $0x3  }
0x34: {  	[smem:$0x3FAE] =	sst s10  }
0x35: {  	s10 =	sld [smem:$0x3FAD];
	_ =	sdelay $0x3  }
0x36: {  	p1 =	seq.s32 s10, $0x1;
	s10 =	sld [smem:$0x3FAE];
	_ =	sdelay $0x3  }
0x37: {  	[smem:$0x3FAE] =	sst s10  }
0x38: {  	s10 =	sld [smem:$0x3FAF]  }
0x39: {  	_ = 	snop;
	(pc) =	sbr.ind lr, $3  }
0x3a: {  	_ = 	snop  }
0x3b: {  	_ = 	snop  }
0x3c: {  	p2 =	seq.s32 s10, $0x1;
	s10 =	sld [smem:$0x3FAE]  }
0x3d: {  	_ =	shalt  }
0x3e: {  	_ =	shalt  }
0x3f: {  	_ =	shalt  }
0x40: {  	_ =	shalt  }
0x41: {  	_ =	shalt  }
0x42: {  	_ =	shalt  }
0x43: {  	_ =	shalt  }
0x44: {  	_ =	shalt  }
0x45: {  	_ =	shalt  }
0x46: {  	_ =	shalt  }
0x47: {  	_ =	shalt  }
0x48: {  	_ =	shalt  }
0x49: {  	_ =	shalt  }
0x4a: {  	_ =	shalt  }
0x4b: {  	_ =	shalt  }
0x4c: {  	_ =	shalt  }
0x4d: {  	_ =	shalt  }
0x4e: {  	_ =	shalt  }
0x4f: {  	_ =	shalt  }
0x50: {  	_ =	shalt  }
0x51: {  	_ =	shalt  }
0x52: {  	_ =	shalt  }
0x53: {  	_ =	shalt  }
0x54: {  	_ =	shalt  }
0x55: {  	_ =	shalt  }
0x56: {  	_ =	shalt  }
0x57: {  	_ =	shalt  }
0x58: {  	_ =	shalt  }
0x59: {  	_ =	shalt  }
0x5a: {  	_ =	shalt  }
0x5b: {  	_ =	shalt  }
0x5c: {  	_ =	shalt  }
0x5d: {  	_ =	shalt  }
0x5e: {  	_ =	shalt  }
0x5f: {  	_ =	shalt  }
0x60: {  	_ =	shalt  }
0x61: {  	_ =	shalt  }
0x62: {  	_ =	shalt  }
0x63: {  	_ =	shalt  }
0x64: {  	_ =	shalt  }
0x65: {  	_ =	shalt  }
0x66: {  	_ =	shalt  }
0x67: {  	_ =	shalt  }
0x68: {  	_ =	shalt  }
0x69: {  	_ =	shalt  }
0x6a: {  	_ =	shalt  }
0x6b: {  	_ =	shalt  }
0x6c: {  	_ =	shalt  }
0x6d: {  	_ =	shalt  }
0x6e: {  	_ =	shalt  }
0x6f: {  	_ =	shalt  }
0x70: {  	_ =	shalt  }
0x71: {  	_ =	shalt  }
0x72: {  	_ =	shalt  }
0x73: {  	_ =	shalt  }
0x74: {  	_ =	shalt  }
0x75: {  	_ =	shalt  }
0x76: {  	_ =	shalt  }
0x77: {  	_ =	shalt  }
0x78: {  	_ =	shalt  }
0x79: {  	_ =	shalt  }
0x7a: {  	_ =	shalt  }
0x7b: {  	_ =	shalt  }
0x7c: {  	_ =	shalt  }
0x7d: {  	_ =	shalt  }
0x7e: {  	_ =	shalt  }
0x7f: {  	_ =	shalt  }
0x80: {  	_ =	shalt  }
0x81: {  	_ =	shalt  }
0x82: {  	_ =	shalt  }
0x83: {  	_ =	shalt  }
0x84: {  	_ =	shalt  }
0x85: {  	_ =	shalt  }
0x86: {  	_ =	shalt  }
0x87: {  	_ =	shalt  }
.Lfunc_end0:
.L_simem_size_0:
called_computation_lowered:
.L_overlay_start_0:
0x88: {  	s2 =	sld [smem:$0x3FD9]  }
0x89: {  	s3 =	sld [smem:$0x3FFE];
	_ =	sdelay $0x1  }
0x8a: {  	s1 =	srdreg.scid  }
0x8b: {  	s0 =	sand.u32 $0x1, s1  }
0x8c: {  	s17 =	sshll.u32 s0, $0xA;
	s2 =	sadd.s32 s3, s2  }
0x8d: {  	s2 =	sadd.s32 s2, s17  }
0x8e: {  	[smem:$0x3FBA] =	sst s2  }
0x8f: {  	_ = 	snop  }
0x90: {  	s2 =	sld [smem:$0x3FC7]  }
0x91: {  	s18 =	sld [smem:$0x3FD0];
	(tm) =	ssettm $0x1  }
0x92: {  	s4 =	sld [smem:$0x3FFB];
	_ =	sdelay $0x3  }
0x93: {  	_ =	strace s4  }
0x94: {  	s4 =	sld [smem:$0x3FFC];
	_ =	sdelay $0x3  }
0x95: {  	_ =	strace s4  }
0x96: {  	s4 =	sld [smem:$0x3FFD];
	_ =	sdelay $0x3  }
0x97: {  	_ =	strace s4  }
0x98: {  	_ =	strace $0x8FFFFFFF  }
0x99: {  	s19 =	sld [smem:$0x3FDB];
	_ =	sdelay $0x1  }
0x9a: {  	s5 =	simm.s32 $_scs_section_size  }
0x9b: {  	s6 =	simm.s32 $_size__tile_overlayer_lowered;
	s7 =	simm.s32 $_tile_overlayer_lowered  }
0x9c: {  	s22 =	simm.s32 $0x1BFF;
	s21 =	sshll.u32 s7, $0x1;
	s4 =	sadd.s32 s5, s19  }
0x9d: {  	s8 =	simm.s32 $0x0;
	s20 =	sshll.u32 s6, $0x1;
	s6 =	sadd.s32 s21, s4  }
0x9e: {  	[timem:s8], [sflag:s22] =	dma.local [hbm:s6], s20  }
0x9f: {  	_ =	swait.ge [sflag:s22], s20  }
0xa0: {  	s5 =	ssub.s32 $0x0, s20;
	[sflag:s22] =	ssyncset.done $0x0  }
0xa1: {  	[sflag:s22] =	ssyncadd.s32 s5;
	_ =	sdelay $0x1  }
0xa2: {  	s23 =	simm.s32 $0x1B8B  }
0xa3: {  	_ =	swait.ge [sflag:s23], $0x1  }
0xa4: {  	[sflag:s23] =	ssyncset.done $0x0  }
0xa5: {  	s25 =	simm.s32 $0x1B8E;
	s24 =	sld [smem:$0x3FFE];
	[sflag:s23] =	ssyncadd.s32 $0xFFFFFFFF  }
0xa6: {  	s26 =	simm.s32 $execute0_lowered;
	[smem:$0x3FD2] =	sst s25  }
0xa7: {  	s6 =	sshll.u32 s26, $0x1;
	_ =	strace $0x80000046;
	[dreg:$0x1] =	wrdreg $0xFFFFFFFF  }
0xa8: {  	s28 =	simm.s32 $_size_execute0_lowered;
	s4 =	sadd.s32 s4, s6;
	[dreg:$0x0] =	wrdreg $0x0  }
0xa9: {  	s6 =	sshll.u32 s28, $0x1;
	[dreg:$0x2] =	wrdreg s4  }
0xaa: {  	[dreg:$0x3] =	wrdreg s6  }
0xab: {  	[dreg:$0x4] =	wrdreg $0xC0  }
0xac: {  	_ =	task [dreg:s8], $0x5FFFF  }
0xad: {  	[dreg:$0x1] =	wrdreg $0xFFFFFFFF  }
0xae: {  	[dreg:$0x0] =	wrdreg $0x60  }
0xaf: {  	[dreg:$0x2] =	wrdreg s2  }
0xb0: {  	[dreg:$0x3] =	wrdreg s18  }
0xb1: {  	[dreg:$0x4] =	wrdreg s24  }
0xb2: {  	[dreg:$0x5] =	wrdreg $0x9  }
0xb3: {  	_ =	task.clear_ibuf [dreg:s8], $0x6FFFF;
	_ =	strace $0x90000046  }
0xb4: {  	s29 =	simm.s32 $0x9;
	_ =	strace $0x80000048  }
0xb5: {  	_ =	swait.ge [sflag:s29], $0x1  }
0xb6: {  	[sflag:s29] =	ssyncadd.s32 $0xFFFFFFFF  }
0xb7: {  	_ =	strace $0x90000048  }
0xb8: {  	_ =	sfence  }
0xb9: {  	s30 =	sld [smem:$0x0];
	_ =	sdelay $0x2  }
0xba: {  	s31 =	sshll.u32 s1, $0xD;
	s1 =	sshrl.u32 s1, $0x2  }
0xbb: {  	s3 =	sand.u32 $0x4000, s31;
	s1 =	sadd.s32 s1, s30  }
0xbc: {  	s0 =	sor.u32 s3, s0;
	s1 =	sshll.u32 s1, $0x11  }
0xbd: {  	s0 =	sor.u32 s1, s0  }
0xbe: {  	s0 =	sadd.s32 $0x8F2B, s0  }
0xbf: {  	[sflag:s0] =	ssyncadd.remote.s32 $0x1  }
0xc0: {  	_ =	sfence.sel $0xFFFF  }
0xc1: {  	[dreg:$0x0] =	wrdreg $0xFFFFFFFF;
	(pc) =	sbr.abs _section_cstart, $3  }
0xc2: {  	[dreg:$0x1] =	wrdreg $0xFFFFFFFF  }
0xc3: {  	_ =	task.clear_ibuf [dreg:s8], $0x2FFFF;
	_ =	strace $0x9FFFFFFF  }
0xc4: {  	(tm) =	ssettm $0x7FFFFFFF  }
0xc5: {  	_ =	shalt  }
tec
execute0_lowered:
.L_overlay_start_1:
0x0: {  	(tag) =	ssettag $0x1  }
0x1: {  	s1 =	rddreg [dreg:$0x0];
	s0 =	srdreg.scid  }
0x2: {  	s15 =	stileid.u32;
	s2 =	rddreg [dreg:$0x1]  }
0x3: {  	s5 =	rddreg [dreg:$0x2];
	s4 =	simm.s32 $0x0;
	s9 =	simm.s32 $0x187000  }
0x4: {  	s13 =	simm.s32 $0x3C00;
	s14 =	simm.s32 $0xC3800;
	s16 =	simm.s32 $0x1  }
0x5: {  	s17 =	simm.s32 $0xF000;
	s18 =	simm.s32 $0x2;
	s19 =	simm.s32 $0x16800  }
0x6: {  	s20 =	simm.s32 $0x3;
	s21 =	simm.s32 $0x4;
	s22 =	simm.s32 $0x5  }
0x7: {  	s23 =	simm.s32 $0x0;
	s0 =	sand.u32 $0x1, s0;
	s3 =	sshll.u32 s15, $0x1  }
0x8: {  	[smem:$0x7FF] =	sst s4;
	s5 =	sadd.s32 $0x2400, s5;
	s3 =	sor.u32 s0, s3  }
0x9: {  	_ =	strace $0x80000047;
	s0 =	ssub.s32 $0x2, s0;
	s8 =	smul.u32 $0x780, s3  }
0xa: {  	v1 =	vlaneseq.u32;
	s6 =	sor.u32 $0x20, s3;
	s10 =	smul.u32 $0x187000, s3;
	s26 =	sshrl.u32 s0, $0x1  }
0xb: {  	v0 =	vand.u32 $0x7, v1;
	s11 =	smul.u32 $0x186C00, s3;
	s31 =	sshll.u32 s3, $0x6;
	s7 =	sadd.s32 $0xFFFFFFCC, s6  }
0xc: {  	v0 =	vmul.u32 $0x10, v0;
	p0 =	sgt.u32 s6, $0x33;
	s0 =	ssub.s32 s0, s26;
	s7 =	smin.u32 s6, s7  }
0xd: {  	v1 =	vmul.u32 $0x10, v1;
	s9 =	simm.s32 @!p0 $0x0;
	s6 =	sadd.s32 s1, s8;
	s7 =	smul.u32 $0x3C00, s7  }
.Ltmp0:
0xe: {  	v2 =	vor.u32 $0x1, v0;
	v3 =	vor.u32 $0x2, v0;
	v4 =	vor.u32 $0x3, v0;
	s28 =	sshrl.u32 s10, $0x3;
	s29 =	sshrl.u32 s11, $0x3;
	(pc) =	sbr.rel .LBB2_1-.Ltmp0, $4  }
0xf: {  	v5 =	vor.u32 $0x4, v0;
	v6 =	vor.u32 $0x5, v0;
	v7 =	vor.u32 $0x6, v0;
	s11 =	sadd.s32 s2, s31;
	s12 =	smax.u32 s0, $0x1;
	p0 =	sgt.u32 s15, $0xC  }
0x10: {  	v8 =	vor.u32 $0x7, v0;
	v9 =	vor.u32 $0x8, v0;
	v10 =	vor.u32 $0x9, v0;
	s8 =	sadd.s32 s1, s28;
	s30 =	sadd.s32 s5, s29;
	s7 =	sadd.s32 s7, s9  }
0x11: {  	v11 =	vor.u32 $0xA, v0;
	v12 =	vor.u32 $0xB, v0;
	v13 =	vor.u32 $0xC, v0;
	s8 =	sadd.s32 $0x18600, s8;
	s9 =	sadd.s32 $0x30C00, s30;
	s7 =	sshrl.u32 s7, $0x3  }
0x12: {  	v14 =	vor.u32 $0xD, v0;
	v15 =	vor.u32 $0xE, v0;
	v16 =	vor.u32 $0xF, v0;
	s10 =	sadd.s32 $0x30D00, s30;
	[dreg:$0x4] =	wrdreg s9;
	s7 =	sadd.s32 s1, s7  }
.LBB2_15:
0x13: {  	s23 =	sadd.s32 $0x1, s23  }
0x14: {  	p1 =	sne.s32 s23, s12  }
.Ltmp1:
0x15: {  	_ = 	snop;
	(pc) =	sbr.rel @!p1 .LBB2_16-.Ltmp1, $1  }
0x16: {  	_ =	sdelay $0x3  }
.LBB2_1:
.Ltmp2:
0x17: {  	(pc) =	sbr.rel .LBB2_2-.Ltmp2, $4  }
0x18: {  	_ = 	snop  }
0x19: {  	[tilespmem:s4], [sflag:$0x1] =	stream.strided.gather [hbm4b:s6+s13], $0x7800, s14, s13, $0x38;
	[tilespmem:$0x1E000] =	vst v63  }
0x1a: {  	s0 =	simm.s32 $0x7800;
	s24 =	simm.s32 $0x0  }
0x1b: {  	[tilespmem:s0], [sflag:$0x2] =	stream.strided.gather [hbm4b:s7+s13], $0x7800, s14, s13, $0x38;
	[tilespmem:$0x1E000] =	vst v63  }
.LBB2_10:
0x1c: {  	s24 =	sadd.s32 $0x1, s24  }
0x1d: {  	p1 =	sne.s32 s24, $0x16  }
.Ltmp3:
0x1e: {  	_ = 	snop;
	(pc) =	sbr.rel @!p1 .LBB2_11-.Ltmp3, $1  }
0x1f: {  	_ =	sdelay $0x3  }
.LBB2_2:
0x20: {  	s0 =	sshll.u32 s24, $0x6  }
0x21: {  	s25 =	sor.u32 s3, s0  }
0x22: {  	p1 =	sgt.u32 s25, $0x547  }
.Ltmp4:
0x23: {  	_ = 	snop;
	(pc) =	sbr.rel @p1 .LBB2_6-.Ltmp4, $1  }
0x24: {  	_ =	sdelay $0x3  }
0x25: {  	_ =	swait.ge [sflag:s16], $0x7800  }
0x26: {  	p1 =	seq.s32 s24, $0x0;
	s26 =	simm.s32 $0x0;
	[sflag:s16] =	ssyncset.done $0x0  }
0x27: {  	s0 =	simm.s32 @!p1 $0x3;
	v17 =	vmov s26;
	[sflag:s16] =	ssyncadd.s32 $0xFFFF8800  }
0x28: {  	v17 =	vshll.u32 v17, $0x4;
	_ =	swait.ge @!p1 [sflag:s0], $0x7800  }
0x29: {  	s2 =	sand.u32 $0x70, s26;
	s15 =	sand.u32 $0x3C00, s26;
	v17 =	vor.u32 v1, v17;
	[sflag:s0] =	ssyncset.done @!p1 $0x0  }
0x2a: {  	v17 =	vand.u32 $0x7F80, v17;
	[sflag:s0] =	ssyncadd.s32 @!p1 $0xFFFF8800;
	s0 =	sor.u32 s2, s15  }
0x2b: {  	v19 =	vor.u32 v0, v17;
	v18 =	vld [tilespmem:s0+$0x0];
	_ =	sdelay $0x4  }
0x2c: {  	[tilespmem:v19+s17+$0x0] =	vst.idx.msk $0xffff, v18  }
0x2d: {  	v19 =	vor.u32 v2, v17;
	v18 =	vld [tilespmem:s0+$0x80];
	_ =	sdelay $0x4  }
0x2e: {  	[tilespmem:v19+s17+$0x0] =	vst.idx.msk $0xffff, v18  }
0x2f: {  	v19 =	vor.u32 v3, v17;
	v18 =	vld [tilespmem:s0+$0x100];
	_ =	sdelay $0x4  }
0x30: {  	[tilespmem:v19+s17+$0x0] =	vst.idx.msk $0xffff, v18  }
0x31: {  	v19 =	vor.u32 v4, v17;
	v18 =	vld [tilespmem:s0+$0x180];
	_ =	sdelay $0x4  }
0x32: {  	[tilespmem:v19+s17+$0x0] =	vst.idx.msk $0xffff, v18  }
0x33: {  	v19 =	vor.u32 v5, v17;
	v18 =	vld [tilespmem:s0+$0x200];
	_ =	sdelay $0x4  }
0x34: {  	[tilespmem:v19+s17+$0x0] =	vst.idx.msk $0xffff, v18  }
0x35: {  	v19 =	vor.u32 v6, v17;
	v18 =	vld [tilespmem:s0+$0x280];
	_ =	sdelay $0x4  }
0x36: {  	[tilespmem:v19+s17+$0x0] =	vst.idx.msk $0xffff, v18  }
0x37: {  	v19 =	vor.u32 v7, v17;
	v18 =	vld [tilespmem:s0+$0x300];
	_ =	sdelay $0x1  }
0x38: {  	s9 =	sand.u32 $0x7, s26  }
0x39: {  	s2 =	sshll.u32 s9, $0x4  }
0x3a: {  	s2 =	sadd.s32 $0x0, s2  }
0x3b: {  	s2 =	sor.u32 $0x380, s2;
	[tilespmem:v19+s17+$0x0] =	vst.idx.msk $0xffff, v18  }
0x3c: {  	v19 =	vor.u32 v8, v17;
	v18 =	vld [tilespmem:s2+$0x0];
	_ =	sdelay $0x4  }
0x3d: {  	[tilespmem:v19+s17+$0x0] =	vst.idx.msk $0xffff, v18  }
0x3e: {  	v19 =	vor.u32 v9, v17;
	v18 =	vld [tilespmem:s0+$0x3C00];
	_ =	sdelay $0x4  }
0x3f: {  	[tilespmem:v19+s17+$0x0] =	vst.idx.msk $0xffff, v18  }
0x40: {  	v19 =	vor.u32 v10, v17;
	v18 =	vld [tilespmem:s0+$0x3C80];
	_ =	sdelay $0x4  }
0x41: {  	[tilespmem:v19+s17+$0x0] =	vst.idx.msk $0xffff, v18  }
0x42: {  	v19 =	vor.u32 v11, v17;
	v18 =	vld [tilespmem:s0+$0x3D00];
	_ =	sdelay $0x4  }
0x43: {  	[tilespmem:v19+s17+$0x0] =	vst.idx.msk $0xffff, v18  }
0x44: {  	v19 =	vor.u32 v12, v17;
	v18 =	vld [tilespmem:s0+$0x3D80];
	_ =	sdelay $0x4  }
0x45: {  	[tilespmem:v19+s17+$0x0] =	vst.idx.msk $0xffff, v18  }
0x46: {  	v19 =	vor.u32 v13, v17;
	v18 =	vld [tilespmem:s0+$0x3E00];
	_ =	sdelay $0x4  }
0x47: {  	[tilespmem:v19+s17+$0x0] =	vst.idx.msk $0xffff, v18  }
0x48: {  	v19 =	vor.u32 v14, v17;
	v18 =	vld [tilespmem:s0+$0x3E80];
	_ =	sdelay $0x4  }
0x49: {  	[tilespmem:v19+s17+$0x0] =	vst.idx.msk $0xffff, v18  }
0x4a: {  	v19 =	vor.u32 v15, v17;
	v18 =	vld [tilespmem:s0+$0x3F00];
	_ =	sdelay $0x1  }
0x4b: {  	s15 =	smul.u32 $0x4EC5, s25;
	_ =	sdelay $0x1  }
0x4c: {  	s28 =	sshrl.u32 s15, $0x14  }
0x4d: {  	s2 =	smul.u32 $0x34, s28;
	[tilespmem:v19+s17+$0x0] =	vst.idx.msk $0xffff, v18  }
0x4e: {  	v19 =	vor.u32 v16, v17;
	v18 =	vld [tilespmem:s0+$0x3F80]  }
0x4f: {  	s31 =	simm.s32 $0x10;
	s2 =	ssub.s32 s25, s2  }
0x50: {  	s30 =	simm.s32 $0x0;
	s29 =	sand.u32 $0xFFFF, s2;
	s2 =	simm.s32 $0x20;
	v17 =	vmov s31  }
.LBB2_4:
0x51: {  	p1 =	sne.s32 s2, $0x770;
	v17 =	vshll.u32 v17, $0x4;
	s26 =	sadd.s32 $0x80, s26  }
0x52: {  	s0 =	sand.u32 $0x70, s31;
	s31 =	smov.u32 s2;
	s15 =	sand.u32 $0x3C00, s26;
	v17 =	vor.u32 v1, v17  }
0x53: {  	s0 =	sor.u32 s0, s15;
	v17 =	vand.u32 $0x7F80, v17;
	[tilespmem:v19+s17+$0x0] =	vst.idx.msk $0xffff, v18  }
0x54: {  	v18 =	vld [tilespmem:s0+$0x0];
	v19 =	vor.u32 v0, v17;
	_ =	sdelay $0x4  }
0x55: {  	[tilespmem:v19+s17+$0x0] =	vst.idx.msk $0xffff, v18  }
0x56: {  	v19 =	vor.u32 v2, v17;
	v18 =	vld [tilespmem:s0+$0x80];
	_ =	sdelay $0x4  }
0x57: {  	[tilespmem:v19+s17+$0x0] =	vst.idx.msk $0xffff, v18  }
0x58: {  	v19 =	vor.u32 v3, v17;
	v18 =	vld [tilespmem:s0+$0x100];
	_ =	sdelay $0x4  }
0x59: {  	[tilespmem:v19+s17+$0x0] =	vst.idx.msk $0xffff, v18  }
0x5a: {  	v19 =	vor.u32 v4, v17;
	v18 =	vld [tilespmem:s0+$0x180];
	_ =	sdelay $0x4  }
0x5b: {  	[tilespmem:v19+s17+$0x0] =	vst.idx.msk $0xffff, v18  }
0x5c: {  	v19 =	vor.u32 v5, v17;
	v18 =	vld [tilespmem:s0+$0x200];
	_ =	sdelay $0x4  }
0x5d: {  	[tilespmem:v19+s17+$0x0] =	vst.idx.msk $0xffff, v18  }
0x5e: {  	v19 =	vor.u32 v6, v17;
	v18 =	vld [tilespmem:s0+$0x280];
	_ =	sdelay $0x4  }
0x5f: {  	[tilespmem:v19+s17+$0x0] =	vst.idx.msk $0xffff, v18  }
0x60: {  	v19 =	vor.u32 v7, v17;
	v18 =	vld [tilespmem:s0+$0x300]  }
0x61: {  	s30 =	sadd.s32 $0x1, s30  }
0x62: {  	s15 =	sand.u32 $0x7, s30  }
0x63: {  	s15 =	sshll.u32 s15, $0x4  }
0x64: {  	s15 =	sadd.s32 s15, s26  }
0x65: {  	s15 =	sor.u32 $0x380, s15;
	[tilespmem:v19+s17+$0x0] =	vst.idx.msk $0xffff, v18  }
0x66: {  	v19 =	vor.u32 v8, v17;
	v18 =	vld [tilespmem:s15+$0x0];
	_ =	sdelay $0x4  }
0x67: {  	[tilespmem:v19+s17+$0x0] =	vst.idx.msk $0xffff, v18  }
0x68: {  	v19 =	vor.u32 v9, v17;
	v18 =	vld [tilespmem:s0+$0x3C00];
	_ =	sdelay $0x4  }
0x69: {  	[tilespmem:v19+s17+$0x0] =	vst.idx.msk $0xffff, v18  }
0x6a: {  	v19 =	vor.u32 v10, v17;
	v18 =	vld [tilespmem:s0+$0x3C80];
	_ =	sdelay $0x4  }
0x6b: {  	[tilespmem:v19+s17+$0x0] =	vst.idx.msk $0xffff, v18  }
0x6c: {  	v19 =	vor.u32 v11, v17;
	v18 =	vld [tilespmem:s0+$0x3D00];
	_ =	sdelay $0x4  }
0x6d: {  	[tilespmem:v19+s17+$0x0] =	vst.idx.msk $0xffff, v18  }
0x6e: {  	v19 =	vor.u32 v12, v17;
	v18 =	vld [tilespmem:s0+$0x3D80];
	_ =	sdelay $0x4  }
0x6f: {  	[tilespmem:v19+s17+$0x0] =	vst.idx.msk $0xffff, v18  }
0x70: {  	v19 =	vor.u32 v13, v17;
	v18 =	vld [tilespmem:s0+$0x3E00];
	_ =	sdelay $0x4  }
0x71: {  	[tilespmem:v19+s17+$0x0] =	vst.idx.msk $0xffff, v18  }
0x72: {  	v19 =	vor.u32 v14, v17;
	v18 =	vld [tilespmem:s0+$0x3E80];
	_ =	sdelay $0x4  }
0x73: {  	[tilespmem:v19+s17+$0x0] =	vst.idx.msk $0xffff, v18  }
0x74: {  	v19 =	vor.u32 v15, v17;
	v18 =	vld [tilespmem:s0+$0x3F00];
	_ =	sdelay $0x3  }
.Ltmp5:
0x75: {  	(pc) =	sbr.rel @p1 .LBB2_4-.Ltmp5, $3  }
0x76: {  	[tilespmem:v19+s17+$0x0] =	vst.idx.msk $0xffff, v18  }
0x77: {  	v19 =	vor.u32 v16, v17;
	v18 =	vld [tilespmem:s0+$0x3F80];
	_ =	sdelay $0x1  }
0x78: {  	s2 =	sadd.s32 $0x10, s2;
	v17 =	vmov s31  }
0x79: {  	_ =	sdelay $0x1  }
0x7a: {  	v17 =	vshll.u32 v17, $0x4;
	s0 =	sadd.s32 $0x80, s26  }
0x7b: {  	s2 =	sand.u32 $0x70, s31;
	s15 =	sand.u32 $0x3C00, s0;
	v17 =	vor.u32 v1, v17  }
0x7c: {  	s2 =	sor.u32 s2, s15;
	v17 =	vand.u32 $0x7F80, v17;
	[tilespmem:v19+s17+$0x0] =	vst.idx.msk $0xffff, v18  }
0x7d: {  	v18 =	vld [tilespmem:s2+$0x0];
	v19 =	vor.u32 v0, v17;
	_ =	sdelay $0x4  }
0x7e: {  	[tilespmem:v19+s17+$0x0] =	vst.idx.msk $0xffff, v18  }
0x7f: {  	v19 =	vor.u32 v2, v17;
	v18 =	vld [tilespmem:s2+$0x80];
	_ =	sdelay $0x4  }
0x80: {  	[tilespmem:v19+s17+$0x0] =	vst.idx.msk $0xffff, v18  }
0x81: {  	v19 =	vor.u32 v3, v17;
	v18 =	vld [tilespmem:s2+$0x100];
	_ =	sdelay $0x4  }
0x82: {  	[tilespmem:v19+s17+$0x0] =	vst.idx.msk $0xffff, v18  }
0x83: {  	v19 =	vor.u32 v4, v17;
	v18 =	vld [tilespmem:s2+$0x180];
	_ =	sdelay $0x4  }
0x84: {  	[tilespmem:v19+s17+$0x0] =	vst.idx.msk $0xffff, v18  }
0x85: {  	v19 =	vor.u32 v5, v17;
	v18 =	vld [tilespmem:s2+$0x200];
	_ =	sdelay $0x4  }
0x86: {  	[tilespmem:v19+s17+$0x0] =	vst.idx.msk $0xffff, v18  }
0x87: {  	v19 =	vor.u32 v6, v17;
	v18 =	vld [tilespmem:s2+$0x280];
	_ =	sdelay $0x4  }
0x88: {  	[tilespmem:v19+s17+$0x0] =	vst.idx.msk $0xffff, v18  }
0x89: {  	v19 =	vor.u32 v7, v17;
	v18 =	vld [tilespmem:s2+$0x300]  }
0x8a: {  	s26 =	sadd.s32 $0x1, s30  }
0x8b: {  	s15 =	sand.u32 $0x7, s26  }
0x8c: {  	s15 =	sshll.u32 s15, $0x4  }
0x8d: {  	s0 =	sadd.s32 s15, s0  }
0x8e: {  	s0 =	sor.u32 $0x380, s0;
	[tilespmem:v19+s17+$0x0] =	vst.idx.msk $0xffff, v18  }
0x8f: {  	v19 =	vor.u32 v8, v17;
	v18 =	vld [tilespmem:s0+$0x0];
	_ =	sdelay $0x4  }
0x90: {  	[tilespmem:v19+s17+$0x0] =	vst.idx.msk $0xffff, v18  }
0x91: {  	v19 =	vor.u32 v9, v17;
	v18 =	vld [tilespmem:s2+$0x3C00];
	_ =	sdelay $0x4  }
0x92: {  	[tilespmem:v19+s17+$0x0] =	vst.idx.msk $0xffff, v18  }
0x93: {  	v19 =	vor.u32 v10, v17;
	v18 =	vld [tilespmem:s2+$0x3C80];
	_ =	sdelay $0x4  }
0x94: {  	[tilespmem:v19+s17+$0x0] =	vst.idx.msk $0xffff, v18  }
0x95: {  	v19 =	vor.u32 v11, v17;
	v18 =	vld [tilespmem:s2+$0x3D00];
	_ =	sdelay $0x4  }
0x96: {  	[tilespmem:v19+s17+$0x0] =	vst.idx.msk $0xffff, v18  }
0x97: {  	v19 =	vor.u32 v12, v17;
	v18 =	vld [tilespmem:s2+$0x3D80];
	_ =	sdelay $0x4  }
0x98: {  	[tilespmem:v19+s17+$0x0] =	vst.idx.msk $0xffff, v18  }
0x99: {  	v19 =	vor.u32 v13, v17;
	v18 =	vld [tilespmem:s2+$0x3E00];
	_ =	sdelay $0x4  }
0x9a: {  	[tilespmem:v19+s17+$0x0] =	vst.idx.msk $0xffff, v18  }
0x9b: {  	v19 =	vor.u32 v14, v17;
	v18 =	vld [tilespmem:s2+$0x3E80];
	_ =	sdelay $0x3  }
0x9c: {  	p1 =	sgt.u32 s25, $0x507  }
0x9d: {  	s0 =	sadd.s32 @!p1 $0x40, s25;
	[tilespmem:v19+s17+$0x0] =	vst.idx.msk $0xffff, v18  }
0x9e: {  	s15 =	sand.u32 @!p1 $0xFFFF, s0;
	v19 =	vor.u32 v15, v17;
	v18 =	vld [tilespmem:s2+$0x3F00]  }
0x9f: {  	s15 =	smul.u32 @!p1 $0x4EC5, s15;
	_ =	sdelay $0x1  }
0xa0: {  	s30 =	smul.u32 $0x186C00, s28;
	s15 =	sshrl.u32 @!p1 s15, $0x14  }
0xa1: {  	s28 =	smul.u32 @!p1 $0x34, s15  }
0xa2: {  	[tilespmem:v19+s17+$0x0] =	vst.idx.msk $0xffff, v18  }
0xa3: {  	s31 =	smul.u32 $0x7800, s29;
	s0 =	ssub.s32 @!p1 s0, s28;
	v17 =	vor.u32 v16, v17;
	v18 =	vld [tilespmem:s2+$0x3F80]  }
0xa4: {  	s15 =	smul.u32 @!p1 $0x187000, s15;
	s0 =	sand.u32 @!p1 $0xFFFF, s0  }
0xa5: {  	s0 =	smul.u32 @!p1 $0x3C00, s0  }
0xa6: {  	s2 =	sadd.s32 s31, s30  }
0xa7: {  	s0 =	sadd.s32 @!p1 s0, s15;
	s2 =	sshrl.u32 s2, $0x3  }
0xa8: {  	s26 =	simm.s32 @!p1 $0x0;
	s0 =	sshrl.u32 @!p1 s0, $0x3;
	s2 =	sadd.s32 s5, s2;
	[tilespmem:v17+s17+$0x0] =	vst.idx.msk $0xffff, v18  }
0xa9: {  	[hbm4b:s2+s4] =	stream.linear.scatter [tilespmem:s17], [sflag:$0x3], $0x7800, $0x38;
	[tilespmem:$0x1E000] =	vst v63  }
0xaa: {  	s15 =	simm.s32 @!p1 $0xC3800;
	s0 =	sadd.s32 @!p1 s1, s0;
	s2 =	simm.s32 @!p1 $0x3C00  }
0xab: {  	[tilespmem:s26], [sflag:$0x1] =	stream.strided.gather @!p1 [hbm4b:s0+s2], $0x7800, s15, s2, $0x38;
	[tilespmem:$0x1E000] =	vst v63  }
.LBB2_6:
0xac: {  	s26 =	sor.u32 $0x20, s25  }
0xad: {  	p1 =	sgt.u32 s26, $0x547  }
.Ltmp6:
0xae: {  	_ = 	snop;
	(pc) =	sbr.rel @p1 .LBB2_10-.Ltmp6, $1  }
0xaf: {  	_ =	sdelay $0x3  }
0xb0: {  	_ =	swait.ge [sflag:s18], $0x7800  }
0xb1: {  	p1 =	seq.s32 s24, $0x0;
	s28 =	simm.s32 $0x0;
	[sflag:s18] =	ssyncset.done $0x0  }
0xb2: {  	s0 =	simm.s32 @!p1 $0x4;
	v17 =	vmov s28;
	[sflag:s18] =	ssyncadd.s32 $0xFFFF8800  }
0xb3: {  	v17 =	vshll.u32 v17, $0x4;
	_ =	swait.ge @!p1 [sflag:s0], $0x7800  }
0xb4: {  	s2 =	sand.u32 $0x70, s28;
	s15 =	sand.u32 $0x3C00, s28;
	v17 =	vor.u32 v1, v17;
	[sflag:s0] =	ssyncset.done @!p1 $0x0  }
0xb5: {  	v17 =	vand.u32 $0x7F80, v17;
	[sflag:s0] =	ssyncadd.s32 @!p1 $0xFFFF8800;
	s0 =	sor.u32 s2, s15  }
0xb6: {  	v19 =	vor.u32 v0, v17;
	v18 =	vld [tilespmem:s0+$0x7800];
	_ =	sdelay $0x4  }
0xb7: {  	[tilespmem:v19+s19+$0x0] =	vst.idx.msk $0xffff, v18  }
0xb8: {  	v19 =	vor.u32 v2, v17;
	v18 =	vld [tilespmem:s0+$0x7880];
	_ =	sdelay $0x4  }
0xb9: {  	[tilespmem:v19+s19+$0x0] =	vst.idx.msk $0xffff, v18  }
0xba: {  	v19 =	vor.u32 v3, v17;
	v18 =	vld [tilespmem:s0+$0x7900];
	_ =	sdelay $0x4  }
0xbb: {  	[tilespmem:v19+s19+$0x0] =	vst.idx.msk $0xffff, v18  }
0xbc: {  	v19 =	vor.u32 v4, v17;
	v18 =	vld [tilespmem:s0+$0x7980];
	_ =	sdelay $0x4  }
0xbd: {  	[tilespmem:v19+s19+$0x0] =	vst.idx.msk $0xffff, v18  }
0xbe: {  	v19 =	vor.u32 v5, v17;
	v18 =	vld [tilespmem:s0+$0x7A00];
	_ =	sdelay $0x4  }
0xbf: {  	[tilespmem:v19+s19+$0x0] =	vst.idx.msk $0xffff, v18  }
0xc0: {  	v19 =	vor.u32 v6, v17;
	v18 =	vld [tilespmem:s0+$0x7A80];
	_ =	sdelay $0x4  }
0xc1: {  	[tilespmem:v19+s19+$0x0] =	vst.idx.msk $0xffff, v18  }
0xc2: {  	v19 =	vor.u32 v7, v17;
	v18 =	vld [tilespmem:s0+$0x7B00];
	_ =	sdelay $0x1  }
0xc3: {  	s9 =	sand.u32 $0x7, s28  }
0xc4: {  	s2 =	sshll.u32 s9, $0x4  }
0xc5: {  	s2 =	sadd.s32 $0x0, s2  }
0xc6: {  	s2 =	sor.u32 $0x380, s2;
	[tilespmem:v19+s19+$0x0] =	vst.idx.msk $0xffff, v18  }
0xc7: {  	v19 =	vor.u32 v8, v17;
	v18 =	vld [tilespmem:s2+$0x7800];
	_ =	sdelay $0x4  }
0xc8: {  	[tilespmem:v19+s19+$0x0] =	vst.idx.msk $0xffff, v18  }
0xc9: {  	v19 =	vor.u32 v9, v17;
	v18 =	vld [tilespmem:s0+$0xB400];
	_ =	sdelay $0x4  }
0xca: {  	[tilespmem:v19+s19+$0x0] =	vst.idx.msk $0xffff, v18  }
0xcb: {  	v19 =	vor.u32 v10, v17;
	v18 =	vld [tilespmem:s0+$0xB480];
	_ =	sdelay $0x4  }
0xcc: {  	[tilespmem:v19+s19+$0x0] =	vst.idx.msk $0xffff, v18  }
0xcd: {  	v19 =	vor.u32 v11, v17;
	v18 =	vld [tilespmem:s0+$0xB500];
	_ =	sdelay $0x4  }
0xce: {  	[tilespmem:v19+s19+$0x0] =	vst.idx.msk $0xffff, v18  }
0xcf: {  	v19 =	vor.u32 v12, v17;
	v18 =	vld [tilespmem:s0+$0xB580];
	_ =	sdelay $0x4  }
0xd0: {  	[tilespmem:v19+s19+$0x0] =	vst.idx.msk $0xffff, v18  }
0xd1: {  	v19 =	vor.u32 v13, v17;
	v18 =	vld [tilespmem:s0+$0xB600];
	_ =	sdelay $0x4  }
0xd2: {  	[tilespmem:v19+s19+$0x0] =	vst.idx.msk $0xffff, v18  }
0xd3: {  	v19 =	vor.u32 v14, v17;
	v18 =	vld [tilespmem:s0+$0xB680];
	_ =	sdelay $0x4  }
0xd4: {  	[tilespmem:v19+s19+$0x0] =	vst.idx.msk $0xffff, v18  }
0xd5: {  	v19 =	vor.u32 v15, v17;
	v18 =	vld [tilespmem:s0+$0xB700];
	_ =	sdelay $0x1  }
0xd6: {  	s15 =	smul.u32 $0x4EC5, s26;
	_ =	sdelay $0x1  }
0xd7: {  	s29 =	sshrl.u32 s15, $0x14  }
0xd8: {  	s2 =	smul.u32 $0x34, s29;
	[tilespmem:v19+s19+$0x0] =	vst.idx.msk $0xffff, v18  }
0xd9: {  	v19 =	vor.u32 v16, v17;
	v18 =	vld [tilespmem:s0+$0xB780]  }
0xda: {  	s9 =	ssub.s32 s26, s2;
	s2 =	simm.s32 $0x10  }
0xdb: {  	s31 =	simm.s32 $0x0;
	s30 =	sand.u32 $0xFFFF, s9;
	v17 =	vmov s2;
	s0 =	simm.s32 $0x20  }
.LBB2_8:
0xdc: {  	p1 =	sne.s32 s0, $0x770;
	v17 =	vshll.u32 v17, $0x4;
	s28 =	sadd.s32 $0x80, s28  }
0xdd: {  	s15 =	sand.u32 $0x70, s2;
	s2 =	smov.u32 s0;
	s9 =	sand.u32 $0x3C00, s28;
	v17 =	vor.u32 v1, v17  }
0xde: {  	s15 =	sor.u32 s15, s9;
	v17 =	vand.u32 $0x7F80, v17;
	[tilespmem:v19+s19+$0x0] =	vst.idx.msk $0xffff, v18  }
0xdf: {  	v18 =	vld [tilespmem:s15+$0x7800];
	v19 =	vor.u32 v0, v17;
	_ =	sdelay $0x4  }
0xe0: {  	[tilespmem:v19+s19+$0x0] =	vst.idx.msk $0xffff, v18  }
0xe1: {  	v19 =	vor.u32 v2, v17;
	v18 =	vld [tilespmem:s15+$0x7880];
	_ =	sdelay $0x4  }
0xe2: {  	[tilespmem:v19+s19+$0x0] =	vst.idx.msk $0xffff, v18  }
0xe3: {  	v19 =	vor.u32 v3, v17;
	v18 =	vld [tilespmem:s15+$0x7900];
	_ =	sdelay $0x4  }
0xe4: {  	[tilespmem:v19+s19+$0x0] =	vst.idx.msk $0xffff, v18  }
0xe5: {  	v19 =	vor.u32 v4, v17;
	v18 =	vld [tilespmem:s15+$0x7980];
	_ =	sdelay $0x4  }
0xe6: {  	[tilespmem:v19+s19+$0x0] =	vst.idx.msk $0xffff, v18  }
0xe7: {  	v19 =	vor.u32 v5, v17;
	v18 =	vld [tilespmem:s15+$0x7A00];
	_ =	sdelay $0x4  }
0xe8: {  	[tilespmem:v19+s19+$0x0] =	vst.idx.msk $0xffff, v18  }
0xe9: {  	v19 =	vor.u32 v6, v17;
	v18 =	vld [tilespmem:s15+$0x7A80];
	_ =	sdelay $0x4  }
0xea: {  	[tilespmem:v19+s19+$0x0] =	vst.idx.msk $0xffff, v18  }
0xeb: {  	v19 =	vor.u32 v7, v17;
	v18 =	vld [tilespmem:s15+$0x7B00]  }
0xec: {  	s31 =	sadd.s32 $0x1, s31  }
0xed: {  	s9 =	sand.u32 $0x7, s31  }
0xee: {  	s9 =	sshll.u32 s9, $0x4  }
0xef: {  	s9 =	sadd.s32 s9, s28  }
0xf0: {  	s9 =	sor.u32 $0x380, s9;
	[tilespmem:v19+s19+$0x0] =	vst.idx.msk $0xffff, v18  }
0xf1: {  	v19 =	vor.u32 v8, v17;
	v18 =	vld [tilespmem:s9+$0x7800];
	_ =	sdelay $0x4  }
0xf2: {  	[tilespmem:v19+s19+$0x0] =	vst.idx.msk $0xffff, v18  }
0xf3: {  	v19 =	vor.u32 v9, v17;
	v18 =	vld [tilespmem:s15+$0xB400];
	_ =	sdelay $0x4  }
0xf4: {  	[tilespmem:v19+s19+$0x0] =	vst.idx.msk $0xffff, v18  }
0xf5: {  	v19 =	vor.u32 v10, v17;
	v18 =	vld [tilespmem:s15+$0xB480];
	_ =	sdelay $0x4  }
0xf6: {  	[tilespmem:v19+s19+$0x0] =	vst.idx.msk $0xffff, v18  }
0xf7: {  	v19 =	vor.u32 v11, v17;
	v18 =	vld [tilespmem:s15+$0xB500];
	_ =	sdelay $0x4  }
0xf8: {  	[tilespmem:v19+s19+$0x0] =	vst.idx.msk $0xffff, v18  }
0xf9: {  	v19 =	vor.u32 v12, v17;
	v18 =	vld [tilespmem:s15+$0xB580];
	_ =	sdelay $0x4  }
0xfa: {  	[tilespmem:v19+s19+$0x0] =	vst.idx.msk $0xffff, v18  }
0xfb: {  	v19 =	vor.u32 v13, v17;
	v18 =	vld [tilespmem:s15+$0xB600];
	_ =	sdelay $0x4  }
0xfc: {  	[tilespmem:v19+s19+$0x0] =	vst.idx.msk $0xffff, v18  }
0xfd: {  	v19 =	vor.u32 v14, v17;
	v18 =	vld [tilespmem:s15+$0xB680];
	_ =	sdelay $0x4  }
0xfe: {  	[tilespmem:v19+s19+$0x0] =	vst.idx.msk $0xffff, v18  }
0xff: {  	v19 =	vor.u32 v15, v17;
	v18 =	vld [tilespmem:s15+$0xB700];
	_ =	sdelay $0x3  }
.Ltmp7:
0x100: {  	(pc) =	sbr.rel @p1 .LBB2_8-.Ltmp7, $3  }
0x101: {  	[tilespmem:v19+s19+$0x0] =	vst.idx.msk $0xffff, v18  }
0x102: {  	v19 =	vor.u32 v16, v17;
	v18 =	vld [tilespmem:s15+$0xB780];
	_ =	sdelay $0x1  }
0x103: {  	s0 =	sadd.s32 $0x10, s0;
	v17 =	vmov s2  }
0x104: {  	_ =	sdelay $0x1  }
0x105: {  	v17 =	vshll.u32 v17, $0x4;
	s0 =	sadd.s32 $0x80, s28  }
0x106: {  	s2 =	sand.u32 $0x70, s2;
	s9 =	sand.u32 $0x3C00, s0;
	v17 =	vor.u32 v1, v17  }
0x107: {  	s2 =	sor.u32 s2, s9;
	v17 =	vand.u32 $0x7F80, v17;
	[tilespmem:v19+s19+$0x0] =	vst.idx.msk $0xffff, v18  }
0x108: {  	v18 =	vld [tilespmem:s2+$0x7800];
	v19 =	vor.u32 v0, v17;
	_ =	sdelay $0x4  }
0x109: {  	[tilespmem:v19+s19+$0x0] =	vst.idx.msk $0xffff, v18  }
0x10a: {  	v19 =	vor.u32 v2, v17;
	v18 =	vld [tilespmem:s2+$0x7880];
	_ =	sdelay $0x4  }
0x10b: {  	[tilespmem:v19+s19+$0x0] =	vst.idx.msk $0xffff, v18  }
0x10c: {  	v19 =	vor.u32 v3, v17;
	v18 =	vld [tilespmem:s2+$0x7900];
	_ =	sdelay $0x4  }
0x10d: {  	[tilespmem:v19+s19+$0x0] =	vst.idx.msk $0xffff, v18  }
0x10e: {  	v19 =	vor.u32 v4, v17;
	v18 =	vld [tilespmem:s2+$0x7980];
	_ =	sdelay $0x4  }
0x10f: {  	[tilespmem:v19+s19+$0x0] =	vst.idx.msk $0xffff, v18  }
0x110: {  	v19 =	vor.u32 v5, v17;
	v18 =	vld [tilespmem:s2+$0x7A00];
	_ =	sdelay $0x4  }
0x111: {  	[tilespmem:v19+s19+$0x0] =	vst.idx.msk $0xffff, v18  }
0x112: {  	v19 =	vor.u32 v6, v17;
	v18 =	vld [tilespmem:s2+$0x7A80];
	_ =	sdelay $0x4  }
0x113: {  	[tilespmem:v19+s19+$0x0] =	vst.idx.msk $0xffff, v18  }
0x114: {  	v19 =	vor.u32 v7, v17;
	v18 =	vld [tilespmem:s2+$0x7B00]  }
0x115: {  	s28 =	sadd.s32 $0x1, s31  }
0x116: {  	s9 =	sand.u32 $0x7, s28  }
0x117: {  	s9 =	sshll.u32 s9, $0x4  }
0x118: {  	s0 =	sadd.s32 s9, s0  }
0x119: {  	s0 =	sor.u32 $0x380, s0;
	[tilespmem:v19+s19+$0x0] =	vst.idx.msk $0xffff, v18  }
0x11a: {  	v19 =	vor.u32 v8, v17;
	v18 =	vld [tilespmem:s0+$0x7800];
	_ =	sdelay $0x4  }
0x11b: {  	[tilespmem:v19+s19+$0x0] =	vst.idx.msk $0xffff, v18  }
0x11c: {  	v19 =	vor.u32 v9, v17;
	v18 =	vld [tilespmem:s2+$0xB400];
	_ =	sdelay $0x4  }
0x11d: {  	[tilespmem:v19+s19+$0x0] =	vst.idx.msk $0xffff, v18  }
0x11e: {  	v19 =	vor.u32 v10, v17;
	v18 =	vld [tilespmem:s2+$0xB480];
	_ =	sdelay $0x4  }
0x11f: {  	[tilespmem:v19+s19+$0x0] =	vst.idx.msk $0xffff, v18  }
0x120: {  	v19 =	vor.u32 v11, v17;
	v18 =	vld [tilespmem:s2+$0xB500];
	_ =	sdelay $0x4  }
0x121: {  	[tilespmem:v19+s19+$0x0] =	vst.idx.msk $0xffff, v18  }
0x122: {  	v19 =	vor.u32 v12, v17;
	v18 =	vld [tilespmem:s2+$0xB580];
	_ =	sdelay $0x4  }
0x123: {  	[tilespmem:v19+s19+$0x0] =	vst.idx.msk $0xffff, v18  }
0x124: {  	v19 =	vor.u32 v13, v17;
	v18 =	vld [tilespmem:s2+$0xB600];
	_ =	sdelay $0x4  }
0x125: {  	[tilespmem:v19+s19+$0x0] =	vst.idx.msk $0xffff, v18  }
0x126: {  	v19 =	vor.u32 v14, v17;
	v18 =	vld [tilespmem:s2+$0xB680];
	_ =	sdelay $0x3  }
0x127: {  	p1 =	sgt.u32 s26, $0x507  }
0x128: {  	s0 =	sadd.s32 @!p1 $0x60, s25;
	[tilespmem:v19+s19+$0x0] =	vst.idx.msk $0xffff, v18  }
0x129: {  	s9 =	sand.u32 @!p1 $0xFFFF, s0;
	v19 =	vor.u32 v15, v17;
	v18 =	vld [tilespmem:s2+$0xB700]  }
0x12a: {  	s9 =	smul.u32 @!p1 $0x4EC5, s9;
	_ =	sdelay $0x1  }
0x12b: {  	s9 =	sshrl.u32 @!p1 s9, $0x14  }
0x12c: {  	s25 =	smul.u32 @!p1 $0x34, s9  }
0x12d: {  	s15 =	smul.u32 $0x186C00, s29;
	[tilespmem:v19+s19+$0x0] =	vst.idx.msk $0xffff, v18  }
0x12e: {  	s31 =	smul.u32 $0x7800, s30;
	s0 =	ssub.s32 @!p1 s0, s25;
	v17 =	vor.u32 v16, v17;
	v18 =	vld [tilespmem:s2+$0xB780]  }
0x12f: {  	s9 =	smul.u32 @!p1 $0x187000, s9;
	s0 =	sand.u32 @!p1 $0xFFFF, s0  }
0x130: {  	s0 =	smul.u32 @!p1 $0x3C00, s0  }
0x131: {  	s2 =	sadd.s32 s31, s15  }
.Ltmp8:
0x132: {  	s0 =	sadd.s32 @!p1 s0, s9;
	s2 =	sshrl.u32 s2, $0x3;
	(pc) =	sbr.rel .LBB2_10-.Ltmp8, $4  }
0x133: {  	s9 =	simm.s32 @!p1 $0xC3800;
	s0 =	sshrl.u32 @!p1 s0, $0x3;
	s2 =	sadd.s32 s5, s2;
	[tilespmem:v17+s19+$0x0] =	vst.idx.msk $0xffff, v18  }
0x134: {  	[hbm4b:s2+s4] =	stream.linear.scatter [tilespmem:s19], [sflag:$0x4], $0x7800, $0x38;
	[tilespmem:$0x1E000] =	vst v63  }
0x135: {  	s0 =	sadd.s32 @!p1 s1, s0;
	s15 =	simm.s32 @!p1 $0x7800;
	s2 =	simm.s32 @!p1 $0x3C00  }
0x136: {  	[tilespmem:s15], [sflag:$0x2] =	stream.strided.gather @!p1 [hbm4b:s0+s2], $0x7800, s9, s2, $0x38;
	[tilespmem:$0x1E000] =	vst v63  }
.LBB2_11:
0x137: {  	_ =	swait.ge [sflag:s20], $0x7800  }
.Ltmp9:
0x138: {  	[sflag:s20] =	ssyncset.done $0x0;
	(pc) =	sbr.rel @p0 .LBB2_15-.Ltmp9, $4  }
0x139: {  	[sflag:s20] =	ssyncadd.s32 $0xFFFF8800  }
0x13a: {  	_ =	swait.ge [sflag:s21], $0x7800  }
0x13b: {  	[sflag:s21] =	ssyncset.done $0x0  }
0x13c: {  	[sflag:s21] =	ssyncadd.s32 $0xFFFF8800  }
0x13d: {  	s0 =	simm.s32 $0x0  }
0x13e: {  	[tilespmem:s0], [sflag:$0x5] =	stream.linear.gather [hbm4b:s8+s0], $0x400, $0x38;
	[tilespmem:$0x1E000] =	vst v63  }
0x13f: {  	s2 =	sadd.s32 $0x18700, s8  }
0x140: {  	v17 =	vmov s0;
	[tilespmem:s13], [sflag:$0x5] =	stream.linear.gather [hbm4b:s2+s0], $0x400, $0x38;
	[tilespmem:$0x1E000] =	vst v63  }
0x141: {  	v17 =	vshll.u32 v17, $0x4;
	_ =	swait.ge [sflag:s22], $0x800  }
0x142: {  	v17 =	vor.u32 v1, v17;
	[sflag:s22] =	ssyncset.done $0x0  }
0x143: {  	s24 =	simm.s32 $0x3F80;
	v17 =	vand.u32 $0x780, v17;
	[sflag:s22] =	ssyncadd.s32 $0xFFFFF800  }
0x144: {  	v19 =	vor.u32 v0, v17;
	v18 =	vld [tilespmem:s24+$0xFFFFC080];
	_ =	sdelay $0x4  }
0x145: {  	[tilespmem:v19+s17+$0x0] =	vst.idx.msk $0xffff, v18  }
0x146: {  	v19 =	vor.u32 v2, v17;
	v18 =	vld [tilespmem:s24+$0xFFFFC100];
	_ =	sdelay $0x4  }
0x147: {  	[tilespmem:v19+s17+$0x0] =	vst.idx.msk $0xffff, v18  }
0x148: {  	v19 =	vor.u32 v3, v17;
	v18 =	vld [tilespmem:s24+$0xFFFFC180];
	_ =	sdelay $0x4  }
0x149: {  	[tilespmem:v19+s17+$0x0] =	vst.idx.msk $0xffff, v18  }
0x14a: {  	v19 =	vor.u32 v4, v17;
	v18 =	vld [tilespmem:s24+$0xFFFFC200];
	_ =	sdelay $0x4  }
0x14b: {  	[tilespmem:v19+s17+$0x0] =	vst.idx.msk $0xffff, v18  }
0x14c: {  	v19 =	vor.u32 v5, v17;
	v18 =	vld [tilespmem:s24+$0xFFFFC280];
	_ =	sdelay $0x4  }
0x14d: {  	[tilespmem:v19+s17+$0x0] =	vst.idx.msk $0xffff, v18  }
0x14e: {  	v19 =	vor.u32 v6, v17;
	v18 =	vld [tilespmem:s24+$0xFFFFC300];
	_ =	sdelay $0x4  }
0x14f: {  	[tilespmem:v19+s17+$0x0] =	vst.idx.msk $0xffff, v18  }
0x150: {  	v19 =	vor.u32 v7, v17;
	v18 =	vld [tilespmem:s24+$0xFFFFC380];
	_ =	sdelay $0x4  }
0x151: {  	[tilespmem:v19+s17+$0x0] =	vst.idx.msk $0xffff, v18  }
0x152: {  	v19 =	vor.u32 v8, v17;
	v18 =	vld [tilespmem:s24+$0xFFFFC400];
	_ =	sdelay $0x4  }
0x153: {  	[tilespmem:v19+s17+$0x0] =	vst.idx.msk $0xffff, v18  }
0x154: {  	v19 =	vor.u32 v9, v17;
	v18 =	vld [tilespmem:s24+$0xFFFFFC80];
	_ =	sdelay $0x4  }
0x155: {  	[tilespmem:v19+s17+$0x0] =	vst.idx.msk $0xffff, v18  }
0x156: {  	v19 =	vor.u32 v10, v17;
	v18 =	vld [tilespmem:s24+$0xFFFFFD00];
	_ =	sdelay $0x4  }
0x157: {  	[tilespmem:v19+s17+$0x0] =	vst.idx.msk $0xffff, v18  }
0x158: {  	v19 =	vor.u32 v11, v17;
	v18 =	vld [tilespmem:s24+$0xFFFFFD80];
	_ =	sdelay $0x4  }
0x159: {  	[tilespmem:v19+s17+$0x0] =	vst.idx.msk $0xffff, v18  }
0x15a: {  	v19 =	vor.u32 v12, v17;
	v18 =	vld [tilespmem:s24+$0xFFFFFE00];
	_ =	sdelay $0x4  }
0x15b: {  	[tilespmem:v19+s17+$0x0] =	vst.idx.msk $0xffff, v18  }
0x15c: {  	v19 =	vor.u32 v13, v17;
	v18 =	vld [tilespmem:s24+$0xFFFFFE80];
	_ =	sdelay $0x4  }
0x15d: {  	[tilespmem:v19+s17+$0x0] =	vst.idx.msk $0xffff, v18  }
0x15e: {  	v19 =	vor.u32 v14, v17;
	v18 =	vld [tilespmem:s24+$0xFFFFFF00];
	_ =	sdelay $0x4  }
0x15f: {  	[tilespmem:v19+s17+$0x0] =	vst.idx.msk $0xffff, v18  }
0x160: {  	v19 =	vor.u32 v15, v17;
	v18 =	vld [tilespmem:s24+$0xFFFFFF80];
	_ =	sdelay $0x4  }
0x161: {  	[tilespmem:v19+s17+$0x0] =	vst.idx.msk $0xffff, v18  }
0x162: {  	v19 =	vor.u32 v16, v17;
	v18 =	vld [tilespmem:s24+$0x0]  }
0x163: {  	s31 =	simm.s32 $0x10  }
0x164: {  	s0 =	simm.s32 $0x20;
	v17 =	vmov s31  }
.LBB2_13:
0x165: {  	p1 =	seq.s32 s0, $0x70;
	v17 =	vshll.u32 v17, $0x4  }
0x166: {  	v17 =	vor.u32 v1, v17  }
0x167: {  	s24 =	sadd.s32 $0x10, s24;
	v17 =	vand.u32 $0x780, v17;
	[tilespmem:v19+s17+$0x0] =	vst.idx.msk $0xffff, v18  }
0x168: {  	v18 =	vld [tilespmem:s24+$0xFFFFC080];
	v19 =	vor.u32 v0, v17;
	_ =	sdelay $0x4  }
0x169: {  	[tilespmem:v19+s17+$0x0] =	vst.idx.msk $0xffff, v18  }
0x16a: {  	v19 =	vor.u32 v2, v17;
	v18 =	vld [tilespmem:s24+$0xFFFFC100];
	_ =	sdelay $0x4  }
0x16b: {  	[tilespmem:v19+s17+$0x0] =	vst.idx.msk $0xffff, v18  }
0x16c: {  	v19 =	vor.u32 v3, v17;
	v18 =	vld [tilespmem:s24+$0xFFFFC180];
	_ =	sdelay $0x4  }
0x16d: {  	[tilespmem:v19+s17+$0x0] =	vst.idx.msk $0xffff, v18  }
0x16e: {  	v19 =	vor.u32 v4, v17;
	v18 =	vld [tilespmem:s24+$0xFFFFC200];
	_ =	sdelay $0x4  }
0x16f: {  	[tilespmem:v19+s17+$0x0] =	vst.idx.msk $0xffff, v18  }
0x170: {  	v19 =	vor.u32 v5, v17;
	v18 =	vld [tilespmem:s24+$0xFFFFC280];
	_ =	sdelay $0x4  }
0x171: {  	[tilespmem:v19+s17+$0x0] =	vst.idx.msk $0xffff, v18  }
0x172: {  	v19 =	vor.u32 v6, v17;
	v18 =	vld [tilespmem:s24+$0xFFFFC300];
	_ =	sdelay $0x4  }
0x173: {  	[tilespmem:v19+s17+$0x0] =	vst.idx.msk $0xffff, v18  }
0x174: {  	v19 =	vor.u32 v7, v17;
	v18 =	vld [tilespmem:s24+$0xFFFFC380];
	_ =	sdelay $0x4  }
0x175: {  	[tilespmem:v19+s17+$0x0] =	vst.idx.msk $0xffff, v18  }
0x176: {  	v19 =	vor.u32 v8, v17;
	v18 =	vld [tilespmem:s24+$0xFFFFC400];
	_ =	sdelay $0x4  }
0x177: {  	[tilespmem:v19+s17+$0x0] =	vst.idx.msk $0xffff, v18  }
0x178: {  	v19 =	vor.u32 v9, v17;
	v18 =	vld [tilespmem:s24+$0xFFFFFC80];
	_ =	sdelay $0x4  }
0x179: {  	[tilespmem:v19+s17+$0x0] =	vst.idx.msk $0xffff, v18  }
0x17a: {  	v19 =	vor.u32 v10, v17;
	v18 =	vld [tilespmem:s24+$0xFFFFFD00];
	_ =	sdelay $0x4  }
0x17b: {  	[tilespmem:v19+s17+$0x0] =	vst.idx.msk $0xffff, v18  }
0x17c: {  	v19 =	vor.u32 v11, v17;
	v18 =	vld [tilespmem:s24+$0xFFFFFD80];
	_ =	sdelay $0x4  }
0x17d: {  	[tilespmem:v19+s17+$0x0] =	vst.idx.msk $0xffff, v18  }
0x17e: {  	v19 =	vor.u32 v12, v17;
	v18 =	vld [tilespmem:s24+$0xFFFFFE00];
	_ =	sdelay $0x4  }
0x17f: {  	[tilespmem:v19+s17+$0x0] =	vst.idx.msk $0xffff, v18  }
0x180: {  	v19 =	vor.u32 v13, v17;
	v18 =	vld [tilespmem:s24+$0xFFFFFE80];
	_ =	sdelay $0x4  }
0x181: {  	[tilespmem:v19+s17+$0x0] =	vst.idx.msk $0xffff, v18  }
0x182: {  	v19 =	vor.u32 v14, v17;
	v18 =	vld [tilespmem:s24+$0xFFFFFF00];
	_ =	sdelay $0x4  }
0x183: {  	[tilespmem:v19+s17+$0x0] =	vst.idx.msk $0xffff, v18  }
0x184: {  	v19 =	vor.u32 v15, v17;
	v18 =	vld [tilespmem:s24+$0xFFFFFF80];
	_ =	sdelay $0x3  }
.Ltmp10:
0x185: {  	(pc) =	sbr.rel @!p1 .LBB2_13-.Ltmp10, $3  }
0x186: {  	[tilespmem:v19+s17+$0x0] =	vst.idx.msk $0xffff, v18  }
0x187: {  	v19 =	vor.u32 v16, v17;
	v18 =	vld [tilespmem:s24+$0x0];
	_ =	sdelay $0x1  }
0x188: {  	v17 =	vmov s0;
	s0 =	sadd.s32 $0x10, s0  }
0x189: {  	_ =	sdelay $0x1  }
0x18a: {  	v17 =	vshll.u32 v17, $0x4  }
0x18b: {  	v17 =	vor.u32 v1, v17  }
0x18c: {  	s0 =	sadd.s32 $0x10, s24;
	v17 =	vand.u32 $0x780, v17;
	[tilespmem:v19+s17+$0x0] =	vst.idx.msk $0xffff, v18  }
0x18d: {  	v18 =	vld [tilespmem:s0+$0xFFFFC080];
	v19 =	vor.u32 v0, v17;
	_ =	sdelay $0x4  }
0x18e: {  	[tilespmem:v19+s17+$0x0] =	vst.idx.msk $0xffff, v18  }
0x18f: {  	v19 =	vor.u32 v2, v17;
	v18 =	vld [tilespmem:s0+$0xFFFFC100];
	_ =	sdelay $0x4  }
0x190: {  	[tilespmem:v19+s17+$0x0] =	vst.idx.msk $0xffff, v18  }
0x191: {  	v19 =	vor.u32 v3, v17;
	v18 =	vld [tilespmem:s0+$0xFFFFC180];
	_ =	sdelay $0x4  }
0x192: {  	[tilespmem:v19+s17+$0x0] =	vst.idx.msk $0xffff, v18  }
0x193: {  	v19 =	vor.u32 v4, v17;
	v18 =	vld [tilespmem:s0+$0xFFFFC200];
	_ =	sdelay $0x4  }
0x194: {  	[tilespmem:v19+s17+$0x0] =	vst.idx.msk $0xffff, v18  }
0x195: {  	v19 =	vor.u32 v5, v17;
	v18 =	vld [tilespmem:s0+$0xFFFFC280];
	_ =	sdelay $0x4  }
0x196: {  	[tilespmem:v19+s17+$0x0] =	vst.idx.msk $0xffff, v18  }
0x197: {  	v19 =	vor.u32 v6, v17;
	v18 =	vld [tilespmem:s0+$0xFFFFC300];
	_ =	sdelay $0x4  }
0x198: {  	[tilespmem:v19+s17+$0x0] =	vst.idx.msk $0xffff, v18  }
0x199: {  	v19 =	vor.u32 v7, v17;
	v18 =	vld [tilespmem:s0+$0xFFFFC380];
	_ =	sdelay $0x4  }
0x19a: {  	[tilespmem:v19+s17+$0x0] =	vst.idx.msk $0xffff, v18  }
0x19b: {  	v19 =	vor.u32 v8, v17;
	v18 =	vld [tilespmem:s0+$0xFFFFC400];
	_ =	sdelay $0x4  }
0x19c: {  	[tilespmem:v19+s17+$0x0] =	vst.idx.msk $0xffff, v18  }
0x19d: {  	v19 =	vor.u32 v9, v17;
	v18 =	vld [tilespmem:s0+$0xFFFFFC80];
	_ =	sdelay $0x4  }
0x19e: {  	[tilespmem:v19+s17+$0x0] =	vst.idx.msk $0xffff, v18  }
0x19f: {  	v19 =	vor.u32 v10, v17;
	v18 =	vld [tilespmem:s0+$0xFFFFFD00];
	_ =	sdelay $0x4  }
0x1a0: {  	[tilespmem:v19+s17+$0x0] =	vst.idx.msk $0xffff, v18  }
0x1a1: {  	v19 =	vor.u32 v11, v17;
	v18 =	vld [tilespmem:s0+$0xFFFFFD80];
	_ =	sdelay $0x4  }
0x1a2: {  	[tilespmem:v19+s17+$0x0] =	vst.idx.msk $0xffff, v18  }
0x1a3: {  	v19 =	vor.u32 v12, v17;
	v18 =	vld [tilespmem:s0+$0xFFFFFE00];
	_ =	sdelay $0x4  }
0x1a4: {  	[tilespmem:v19+s17+$0x0] =	vst.idx.msk $0xffff, v18  }
0x1a5: {  	v19 =	vor.u32 v13, v17;
	v18 =	vld [tilespmem:s0+$0xFFFFFE80];
	_ =	sdelay $0x4  }
0x1a6: {  	[tilespmem:v19+s17+$0x0] =	vst.idx.msk $0xffff, v18  }
0x1a7: {  	v19 =	vor.u32 v14, v17;
	v18 =	vld [tilespmem:s0+$0xFFFFFF00];
	_ =	sdelay $0x4  }
0x1a8: {  	[tilespmem:v19+s17+$0x0] =	vst.idx.msk $0xffff, v18  }
0x1a9: {  	v19 =	vor.u32 v15, v17;
	v18 =	vld [tilespmem:s0+$0xFFFFFF80];
	_ =	sdelay $0x4  }
0x1aa: {  	[tilespmem:v19+s17+$0x0] =	vst.idx.msk $0xffff, v18  }
0x1ab: {  	v17 =	vor.u32 v16, v17;
	v18 =	vld [tilespmem:s0+$0x0];
	_ =	sdelay $0x4  }
0x1ac: {  	s30 =	rddreg [dreg:$0x4];
	[tilespmem:v17+s17+$0x0] =	vst.idx.msk $0xffff, v18  }
0x1ad: {  	[hbm4b:s30+s4] =	stream.linear.scatter [tilespmem:s17], [sflag:$0x5], $0x800, $0x38;
	[tilespmem:$0x1E000] =	vst v63  }
0x1ae: {  	s31 =	stileid.u32;
	_ =	swait.ge [sflag:s22], $0x800  }
0x1af: {  	s0 =	sshll.u32 s31, $0x6;
	[sflag:s22] =	ssyncset.done $0x0  }
.Ltmp11:
0x1b0: {  	s0 =	sadd.s32 $0x1C05, s0;
	[sflag:s22] =	ssyncadd.s32 $0xFFFFF800;
	(pc) =	sbr.rel .LBB2_15-.Ltmp11, $4  }
0x1b1: {  	[hbm:s10], [sflag:s0] =	dma.local [hbm:s11], $0x40  }
0x1b2: {  	_ =	swait.ge [sflag:s22], $0x40  }
0x1b3: {  	[sflag:s22] =	ssyncset.done $0x0  }
0x1b4: {  	[sflag:s22] =	ssyncadd.s32 $0xFFFFFFC0  }
.LBB2_16:
0x1b5: {  	_ =	sfence.sel $0x180000  }
0x1b6: {  	[bflag:$0x0] =	sbarrier.arrive $0xFFFF  }
0x1b7: {  	_ =	strace $0x90000047  }
0x1b8: {  	s0 =	stileid.u32;
	[bflag:$0x2] =	sbarrier.arrive $0xFFFF  }
0x1b9: {  	p0 =	sne.s32 s0, $0x0;
	s0 =	rddreg [dreg:$0x3]  }
0x1ba: {  	s0 =	sadd.s32 @!p0 $0x100000, s0  }
0x1bb: {  	[sflag:s0] =	ssyncadd.tile.s32 @!p0 $0x1;
	_ =	shalt  }
.Lfunc_end2:
_tile_overlayer_lowered:
.L_overlay_start_2:
0x1bc: {  	(tag) =	ssettag $0x2  }
0x1bd: {  	s0 =	rddreg [dreg:$0x0];
	s2 =	stileid.u32  }
0x1be: {  	s1 =	rddreg [dreg:$0x1];
	p0 =	sne.s32 s2, $0x0  }
0x1bf: {  	s3 =	rddreg [dreg:$0x2];
	[bflag:$0x3] =	sbarrier.arrive $0xFFFF;
	s2 =	simm.s32 @!p0 $0x1C05  }
0x1c0: {  	[timem:s3], [sflag:s2] =	dma.local @!p0 [hbm:s0], s1  }
0x1c1: {  	s0 =	simm.s32 @!p0 $0x5  }
0x1c2: {  	_ =	swait.ge @!p0 [sflag:s0], s1  }
0x1c3: {  	s1 =	ssub.s32 @!p0 $0x0, s1;
	[sflag:s0] =	ssyncset.done @!p0 $0x0  }
0x1c4: {  	[sflag:s0] =	ssyncadd.s32 @!p0 s1  }
0x1c5: {  	[bflag:$0x3] =	sbarrier.arrive $0xFFFF  }
0x1c6: {  	_ =	shalt  }

</sc_bundles>
